<compile_context>
chip_gen: v7x
topology: tpu7x:2x2x1
jax: 0.10.2.dev20260603
libtpu: 0.0.44.dev20260713+nightly
codegen_flags: <defaults>
</compile_context>

<pallas_src>
import functools

import jax
import jax.numpy as jnp
from jax import lax
from jax.experimental import pallas as pl
from jax.experimental.pallas import tpu as pltpu
from jax.experimental.pallas import tpu_sc as plsc

BATCH = 4096
MAXLEN = 200
EMBED = 32
VOCAB = 100000

NC = 2
NS = 16
NW = NC * NS
T8 = MAXLEN // 8
E8 = EMBED // 8
LANES = 128
NRING = 8
NTILE = 4


def _embed_kernel(x5_hbm, tok_hbm, pos_hbm, out5_hbm,
                  idx_v, rows0_v, rows1_v, rows2_v, rows3_v,
                  rows4_v, rows5_v, rows6_v, rows7_v,
                  tile0_v, tile1_v, tile2_v, tile3_v, pos_v,
                  gsem0, gsem1, gsem2, gsem3, gsem4, gsem5, gsem6, gsem7,
                  osem0, osem1, osem2, osem3):
    wid = lax.axis_index("c") * NS + lax.axis_index("s")
    rows = (rows0_v, rows1_v, rows2_v, rows3_v,
            rows4_v, rows5_v, rows6_v, rows7_v)
    tiles = (tile0_v, tile1_v, tile2_v, tile3_v)
    gsems = (gsem0, gsem1, gsem2, gsem3, gsem4, gsem5, gsem6, gsem7)
    osems = (osem0, osem1, osem2, osem3)

    stage = [
        pltpu.async_copy(x5_hbm.at[t8, wid], idx_v.at[t8], gsem0)
        for t8 in range(T8)
    ]
    pltpu.sync_copy(pos_hbm, pos_v)
    for cp in stage:
        cp.wait()

    lane = lax.iota(jnp.int32, 16)
    ecols = (lane, lane + 16)
    e8rows = tuple(c >> 3 for c in ecols)
    esrows = tuple(c & 7 for c in ecols)

    def start_gather(t, g):
        t8 = t >> 3
        ts = t & 7
        pltpu.async_copy(tok_hbm.at[idx_v.at[t8, ts]], rows[g], gsems[g])

    def wait_gather(g):
        pltpu.make_async_copy(tok_hbm.at[idx_v.at[0, 0]], rows[g],
                              gsems[g]).wait()

    def wait_writeout(t, p):
        pltpu.make_async_copy(tiles[p], out5_hbm.at[t, :, wid],
                              osems[p]).wait()

    def transpose_add(t, g, p):
        rv = rows[g]
        tv = tiles[p]
        pvecs = (pos_v[t, pl.ds(0, 16)], pos_v[t, pl.ds(16, 16)])

        @plsc.parallel_loop(0, LANES, unroll=8)
        def diag_body(i0):
            tok = (lane + i0) & 127
            for h in range(2):
                vals = plsc.load_gather(rv, [tok, ecols[h]])
                plsc.store_scatter(tv, [e8rows[h], esrows[h], tok],
                                   vals + pvecs[h])

    for t in range(NRING - 1):
        start_gather(t, t)

    def quad_body(h, carry):
        for g in range(NRING):
            t = NRING * h + g
            p = g & 3
            wait_gather(g)

            @pl.when(t < MAXLEN - (NRING - 1))
            def _():
                start_gather(t + NRING - 1, (g + NRING - 1) % NRING)

            @pl.when(t >= NTILE)
            def _():
                wait_writeout(t - NTILE, p)

            transpose_add(t, g, p)
            pltpu.async_copy(tiles[p], out5_hbm.at[t, :, wid], osems[p])
        return carry

    lax.fori_loop(0, MAXLEN // NRING, quad_body, 0)

    for k in range(NTILE):
        t_last = MAXLEN - NTILE + k
        wait_writeout(t_last, t_last & 3)


def kernel(x, token_table, pos_table):
    x5 = (x.astype(jnp.int32) * 4).T.reshape(T8, 8, NW, LANES).transpose(0, 2, 1, 3)
    tok4 = jnp.pad(token_table, ((0, 0), (0, 96))).reshape(4 * VOCAB, EMBED)
    mesh = plsc.VectorSubcoreMesh(core_axis_name="c", subcore_axis_name="s")
    run = functools.partial(
        pl.kernel,
        mesh=mesh,
        compiler_params=pltpu.CompilerParams(use_tc_tiling_on_sc=False,
                                             needs_layout_passes=False),
        out_type=jax.ShapeDtypeStruct((MAXLEN, E8, NW, 8, LANES),
                                      jnp.float32),
        scratch_types=(
            [pltpu.VMEM((T8, 8, LANES), jnp.int32)]
            + [pltpu.VMEM((LANES, EMBED), jnp.float32)] * NRING
            + [pltpu.VMEM((E8, 8, LANES), jnp.float32)] * NTILE
            + [pltpu.VMEM((MAXLEN, EMBED), jnp.float32)]
            + [pltpu.SemaphoreType.DMA] * (NRING + NTILE)
        ),
    )(_embed_kernel)
    out5 = run(x5, tok4, pos_table)
    return out5.transpose(2, 4, 0, 1, 3).reshape(BATCH, MAXLEN, EMBED)

# --- scband reference (transcript-rebuilt; emitter-appended) ---
"""Pipeline reference for scband-token-and-position-embedding-59545426592059 (READ-ONLY COPY).

The authoritative reference and input builder live on the scoring server;
editing this copy changes nothing except your own understanding.
"""

import jax, jax.numpy as jnp
import numpy as np

VOCAB = 100000
MAXLEN = 200
EMBED = 32
BATCH = 4096

def setup_inputs(seed: int = 0) -> dict:
    key = jax.random.key(seed)
    k1, k2, k3 = jax.random.split(key, 3)
    x = jax.random.randint(k1, (BATCH, MAXLEN), 0, VOCAB, dtype=jnp.int64 if jax.config.jax_enable_x64 else jnp.int32)
    token_table = jax.random.normal(k2, (VOCAB, EMBED), dtype=jnp.float32) * 0.02
    pos_table = jax.random.normal(k3, (MAXLEN, EMBED), dtype=jnp.float32) * 0.02
    return {"x": x, "token_table": token_table, "pos_table": pos_table}

def reference(x, token_table, pos_table):
    maxlen = x.shape[-1]
    positions = jnp.arange(maxlen)
    pos_embedded = jnp.take(pos_table, positions, axis=0)  # [maxlen, embed]
    tok_embedded = jnp.take(token_table, x, axis=0)        # [B, maxlen, embed]
    return tok_embedded + pos_embedded

if __name__ == "__main__":
    import jax
    _d = setup_inputs()
    print(jax.jit(kernel)(*tuple(_d.values())))

</pallas_src>

<mosaic_0001>
#map = affine_map<(d0, d1) -> (0, 0, 0, 0)>
#map1 = affine_map<(d0, d1) -> (0, 0)>
#map2 = affine_map<(d0, d1) -> (0, 0, 0, 0, 0)>
module attributes {stable_mosaic.version = 14 : i64} {
  func.func @_embed_kernel(%arg0: i32, %arg1: i32, %arg2: memref<25x32x8x128xi32, #tpu.memory_space<hbm>>, %arg3: memref<400000x32xf32, #tpu.memory_space<hbm>>, %arg4: memref<200x32xf32, #tpu.memory_space<hbm>>, %arg5: memref<200x4x32x8x128xf32, #tpu.memory_space<hbm>>, %arg6: memref<25x8x128xi32, #tpu.memory_space<vmem>>, %arg7: memref<128x32xf32, #tpu.memory_space<vmem>>, %arg8: memref<128x32xf32, #tpu.memory_space<vmem>>, %arg9: memref<128x32xf32, #tpu.memory_space<vmem>>, %arg10: memref<128x32xf32, #tpu.memory_space<vmem>>, %arg11: memref<128x32xf32, #tpu.memory_space<vmem>>, %arg12: memref<128x32xf32, #tpu.memory_space<vmem>>, %arg13: memref<128x32xf32, #tpu.memory_space<vmem>>, %arg14: memref<128x32xf32, #tpu.memory_space<vmem>>, %arg15: memref<4x8x128xf32, #tpu.memory_space<vmem>>, %arg16: memref<4x8x128xf32, #tpu.memory_space<vmem>>, %arg17: memref<4x8x128xf32, #tpu.memory_space<vmem>>, %arg18: memref<4x8x128xf32, #tpu.memory_space<vmem>>, %arg19: memref<200x32xf32, #tpu.memory_space<vmem>>, %arg20: memref<!tpu.dma_semaphore, #tpu.memory_space<semaphore_mem>>, %arg21: memref<!tpu.dma_semaphore, #tpu.memory_space<semaphore_mem>>, %arg22: memref<!tpu.dma_semaphore, #tpu.memory_space<semaphore_mem>>, %arg23: memref<!tpu.dma_semaphore, #tpu.memory_space<semaphore_mem>>, %arg24: memref<!tpu.dma_semaphore, #tpu.memory_space<semaphore_mem>>, %arg25: memref<!tpu.dma_semaphore, #tpu.memory_space<semaphore_mem>>, %arg26: memref<!tpu.dma_semaphore, #tpu.memory_space<semaphore_mem>>, %arg27: memref<!tpu.dma_semaphore, #tpu.memory_space<semaphore_mem>>, %arg28: memref<!tpu.dma_semaphore, #tpu.memory_space<semaphore_mem>>, %arg29: memref<!tpu.dma_semaphore, #tpu.memory_space<semaphore_mem>>, %arg30: memref<!tpu.dma_semaphore, #tpu.memory_space<semaphore_mem>>, %arg31: memref<!tpu.dma_semaphore, #tpu.memory_space<semaphore_mem>>) attributes {dimension_semantics = [#tpu.dimension_semantics<core_parallel>, #tpu.dimension_semantics<subcore_parallel>], iteration_bounds = array<i64: 2, 16>, scalar_prefetch = 0 : i64, scratch_operands = 26 : i64, tpu.core_type = #tpu.core_type<sc_vector_subcore>, window_params = [{transform_indices = #map}, {transform_indices = #map1}, {transform_indices = #map1}, {transform_indices = #map2}]} {
    %mul3A = arith.constant 16 : i32
    %mul3A_0 = arith.muli %arg0, %mul3A : i32
    %add3A = arith.addi %mul3A_0, %arg1 : i32
    %dma_start3A = arith.constant 0 : i32
    %dma_start3A_1 = arith.constant 0 : i32
    %dma_start3A_2 = arith.constant 0 : i32
    %dma_start3A_3 = arith.constant 0 : i32
    %dma_start3A_4 = tpu.memref_slice %arg6[%dma_start3A_1, %dma_start3A_2, %dma_start3A_3] : memref<25x8x128xi32, #tpu.memory_space<vmem>> -> memref<1x8x128xi32, #tpu.memory_space<vmem>>
    %dma_start3A_5 = tpu.memref_squeeze %dma_start3A_4 : memref<1x8x128xi32, #tpu.memory_space<vmem>> -> memref<8x128xi32, #tpu.memory_space<vmem>>
    %dma_start3A_6 = arith.constant 0 : i32
    %dma_start3A_7 = arith.constant 0 : i32
    %dma_start3A_8 = tpu.memref_slice %arg2[%dma_start3A, %add3A, %dma_start3A_6, %dma_start3A_7] : memref<25x32x8x128xi32, #tpu.memory_space<hbm>> -> memref<1x1x8x128xi32, #tpu.memory_space<hbm>>
    %dma_start3A_9 = tpu.memref_squeeze %dma_start3A_8 : memref<1x1x8x128xi32, #tpu.memory_space<hbm>> -> memref<8x128xi32, #tpu.memory_space<hbm>>
    %dma_start3A_10 = arith.constant 0 : i32
    %dma_start3A_11 = arith.constant 0 : i32
    %dma_start3A_12 = tpu.memref_slice %arg6[%dma_start3A_1, %dma_start3A_10, %dma_start3A_11] : memref<25x8x128xi32, #tpu.memory_space<vmem>> -> memref<1x8x128xi32, #tpu.memory_space<vmem>>
    %dma_start3A_13 = tpu.memref_squeeze %dma_start3A_12 : memref<1x8x128xi32, #tpu.memory_space<vmem>> -> memref<8x128xi32, #tpu.memory_space<vmem>>
    %dma_start3A_14 = arith.constant 0 : i32
    %dma_start3A_15 = arith.constant 0 : i32
    %dma_start3A_16 = tpu.memref_slice %arg2[%dma_start3A, %add3A, %dma_start3A_14, %dma_start3A_15] : memref<25x32x8x128xi32, #tpu.memory_space<hbm>> -> memref<1x1x8x128xi32, #tpu.memory_space<hbm>>
    %dma_start3A_17 = tpu.memref_squeeze %dma_start3A_16 : memref<1x1x8x128xi32, #tpu.memory_space<hbm>> -> memref<8x128xi32, #tpu.memory_space<hbm>>
    tpu.enqueue_dma source(%dma_start3A_17 : memref<8x128xi32, #tpu.memory_space<hbm>>) target(%dma_start3A_13 : memref<8x128xi32, #tpu.memory_space<vmem>>) target_semaphore(%arg20 : memref<!tpu.dma_semaphore, #tpu.memory_space<semaphore_mem>>)
    %dma_start3A_18 = arith.constant 1 : i32
    %dma_start3A_19 = arith.constant 1 : i32
    %dma_start3A_20 = arith.constant 0 : i32
    %dma_start3A_21 = arith.constant 0 : i32
    %dma_start3A_22 = tpu.memref_slice %arg6[%dma_start3A_19, %dma_start3A_20, %dma_start3A_21] : memref<25x8x128xi32, #tpu.memory_space<vmem>> -> memref<1x8x128xi32, #tpu.memory_space<vmem>>
    %dma_start3A_23 = tpu.memref_squeeze %dma_start3A_22 : memref<1x8x128xi32, #tpu.memory_space<vmem>> -> memref<8x128xi32, #tpu.memory_space<vmem>>
    %dma_start3A_24 = arith.constant 0 : i32
    %dma_start3A_25 = arith.constant 0 : i32
    %dma_start3A_26 = tpu.memref_slice %arg2[%dma_start3A_18, %add3A, %dma_start3A_24, %dma_start3A_25] : memref<25x32x8x128xi32, #tpu.memory_space<hbm>> -> memref<1x1x8x128xi32, #tpu.memory_space<hbm>>
    %dma_start3A_27 = tpu.memref_squeeze %dma_start3A_26 : memref<1x1x8x128xi32, #tpu.memory_space<hbm>> -> memref<8x128xi32, #tpu.memory_space<hbm>>
    %dma_start3A_28 = arith.constant 0 : i32
    %dma_start3A_29 = arith.constant 0 : i32
    %dma_start3A_30 = tpu.memref_slice %arg6[%dma_start3A_19, %dma_start3A_28, %dma_start3A_29] : memref<25x8x128xi32, #tpu.memory_space<vmem>> -> memref<1x8x128xi32, #tpu.memory_space<vmem>>
    %dma_start3A_31 = tpu.memref_squeeze %dma_start3A_30 : memref<1x8x128xi32, #tpu.memory_space<vmem>> -> memref<8x128xi32, #tpu.memory_space<vmem>>
    %dma_start3A_32 = arith.constant 0 : i32
    %dma_start3A_33 = arith.constant 0 : i32
    %dma_start3A_34 = tpu.memref_slice %arg2[%dma_start3A_18, %add3A, %dma_start3A_32, %dma_start3A_33] : memref<25x32x8x128xi32, #tpu.memory_space<hbm>> -> memref<1x1x8x128xi32, #tpu.memory_space<hbm>>
    %dma_start3A_35 = tpu.memref_squeeze %dma_start3A_34 : memref<1x1x8x128xi32, #tpu.memory_space<hbm>> -> memref<8x128xi32, #tpu.memory_space<hbm>>
    tpu.enqueue_dma source(%dma_start3A_35 : memref<8x128xi32, #tpu.memory_space<hbm>>) target(%dma_start3A_31 : memref<8x128xi32, #tpu.memory_space<vmem>>) target_semaphore(%arg20 : memref<!tpu.dma_semaphore, #tpu.memory_space<semaphore_mem>>)
    %dma_start3A_36 = arith.constant 2 : i32
    %dma_start3A_37 = arith.constant 2 : i32
    %dma_start3A_38 = arith.constant 0 : i32
    %dma_start3A_39 = arith.constant 0 : i32
    %dma_start3A_40 = tpu.memref_slice %arg6[%dma_start3A_37, %dma_start3A_38, %dma_start3A_39] : memref<25x8x128xi32, #tpu.memory_space<vmem>> -> memref<1x8x128xi32, #tpu.memory_space<vmem>>
    %dma_start3A_41 = tpu.memref_squeeze %dma_start3A_40 : memref<1x8x128xi32, #tpu.memory_space<vmem>> -> memref<8x128xi32, #tpu.memory_space<vmem>>
    %dma_start3A_42 = arith.constant 0 : i32
    %dma_start3A_43 = arith.constant 0 : i32
    %dma_start3A_44 = tpu.memref_slice %arg2[%dma_start3A_36, %add3A, %dma_start3A_42, %dma_start3A_43] : memref<25x32x8x128xi32, #tpu.memory_space<hbm>> -> memref<1x1x8x128xi32, #tpu.memory_space<hbm>>
    %dma_start3A_45 = tpu.memref_squeeze %dma_start3A_44 : memref<1x1x8x128xi32, #tpu.memory_space<hbm>> -> memref<8x128xi32, #tpu.memory_space<hbm>>
    %dma_start3A_46 = arith.constant 0 : i32
    %dma_start3A_47 = arith.constant 0 : i32
    %dma_start3A_48 = tpu.memref_slice %arg6[%dma_start3A_37, %dma_start3A_46, %dma_start3A_47] : memref<25x8x128xi32, #tpu.memory_space<vmem>> -> memref<1x8x128xi32, #tpu.memory_space<vmem>>
    %dma_start3A_49 = tpu.memref_squeeze %dma_start3A_48 : memref<1x8x128xi32, #tpu.memory_space<vmem>> -> memref<8x128xi32, #tpu.memory_space<vmem>>
    %dma_start3A_50 = arith.constant 0 : i32
    %dma_start3A_51 = arith.constant 0 : i32
    %dma_start3A_52 = tpu.memref_slice %arg2[%dma_start3A_36, %add3A, %dma_start3A_50, %dma_start3A_51] : memref<25x32x8x128xi32, #tpu.memory_space<hbm>> -> memref<1x1x8x128xi32, #tpu.memory_space<hbm>>
    %dma_start3A_53 = tpu.memref_squeeze %dma_start3A_52 : memref<1x1x8x128xi32, #tpu.memory_space<hbm>> -> memref<8x128xi32, #tpu.memory_space<hbm>>
    tpu.enqueue_dma source(%dma_start3A_53 : memref<8x128xi32, #tpu.memory_space<hbm>>) target(%dma_start3A_49 : memref<8x128xi32, #tpu.memory_space<vmem>>) target_semaphore(%arg20 : memref<!tpu.dma_semaphore, #tpu.memory_space<semaphore_mem>>)
    %dma_start3A_54 = arith.constant 3 : i32
    %dma_start3A_55 = arith.constant 3 : i32
    %dma_start3A_56 = arith.constant 0 : i32
    %dma_start3A_57 = arith.constant 0 : i32
    %dma_start3A_58 = tpu.memref_slice %arg6[%dma_start3A_55, %dma_start3A_56, %dma_start3A_57] : memref<25x8x128xi32, #tpu.memory_space<vmem>> -> memref<1x8x128xi32, #tpu.memory_space<vmem>>
    %dma_start3A_59 = tpu.memref_squeeze %dma_start3A_58 : memref<1x8x128xi32, #tpu.memory_space<vmem>> -> memref<8x128xi32, #tpu.memory_space<vmem>>
    %dma_start3A_60 = arith.constant 0 : i32
    %dma_start3A_61 = arith.constant 0 : i32
    %dma_start3A_62 = tpu.memref_slice %arg2[%dma_start3A_54, %add3A, %dma_start3A_60, %dma_start3A_61] : memref<25x32x8x128xi32, #tpu.memory_space<hbm>> -> memref<1x1x8x128xi32, #tpu.memory_space<hbm>>
    %dma_start3A_63 = tpu.memref_squeeze %dma_start3A_62 : memref<1x1x8x128xi32, #tpu.memory_space<hbm>> -> memref<8x128xi32, #tpu.memory_space<hbm>>
    %dma_start3A_64 = arith.constant 0 : i32
    %dma_start3A_65 = arith.constant 0 : i32
    %dma_start3A_66 = tpu.memref_slice %arg6[%dma_start3A_55, %dma_start3A_64, %dma_start3A_65] : memref<25x8x128xi32, #tpu.memory_space<vmem>> -> memref<1x8x128xi32, #tpu.memory_space<vmem>>
    %dma_start3A_67 = tpu.memref_squeeze %dma_start3A_66 : memref<1x8x128xi32, #tpu.memory_space<vmem>> -> memref<8x128xi32, #tpu.memory_space<vmem>>
    %dma_start3A_68 = arith.constant 0 : i32
    %dma_start3A_69 = arith.constant 0 : i32
    %dma_start3A_70 = tpu.memref_slice %arg2[%dma_start3A_54, %add3A, %dma_start3A_68, %dma_start3A_69] : memref<25x32x8x128xi32, #tpu.memory_space<hbm>> -> memref<1x1x8x128xi32, #tpu.memory_space<hbm>>
    %dma_start3A_71 = tpu.memref_squeeze %dma_start3A_70 : memref<1x1x8x128xi32, #tpu.memory_space<hbm>> -> memref<8x128xi32, #tpu.memory_space<hbm>>
    tpu.enqueue_dma source(%dma_start3A_71 : memref<8x128xi32, #tpu.memory_space<hbm>>) target(%dma_start3A_67 : memref<8x128xi32, #tpu.memory_space<vmem>>) target_semaphore(%arg20 : memref<!tpu.dma_semaphore, #tpu.memory_space<semaphore_mem>>)
    %dma_start3A_72 = arith.constant 4 : i32
    %dma_start3A_73 = arith.constant 4 : i32
    %dma_start3A_74 = arith.constant 0 : i32
    %dma_start3A_75 = arith.constant 0 : i32
    %dma_start3A_76 = tpu.memref_slice %arg6[%dma_start3A_73, %dma_start3A_74, %dma_start3A_75] : memref<25x8x128xi32, #tpu.memory_space<vmem>> -> memref<1x8x128xi32, #tpu.memory_space<vmem>>
    %dma_start3A_77 = tpu.memref_squeeze %dma_start3A_76 : memref<1x8x128xi32, #tpu.memory_space<vmem>> -> memref<8x128xi32, #tpu.memory_space<vmem>>
    %dma_start3A_78 = arith.constant 0 : i32
    %dma_start3A_79 = arith.constant 0 : i32
    %dma_start3A_80 = tpu.memref_slice %arg2[%dma_start3A_72, %add3A, %dma_start3A_78, %dma_start3A_79] : memref<25x32x8x128xi32, #tpu.memory_space<hbm>> -> memref<1x1x8x128xi32, #tpu.memory_space<hbm>>
    %dma_start3A_81 = tpu.memref_squeeze %dma_start3A_80 : memref<1x1x8x128xi32, #tpu.memory_space<hbm>> -> memref<8x128xi32, #tpu.memory_space<hbm>>
    %dma_start3A_82 = arith.constant 0 : i32
    %dma_start3A_83 = arith.constant 0 : i32
    %dma_start3A_84 = tpu.memref_slice %arg6[%dma_start3A_73, %dma_start3A_82, %dma_start3A_83] : memref<25x8x128xi32, #tpu.memory_space<vmem>> -> memref<1x8x128xi32, #tpu.memory_space<vmem>>
    %dma_start3A_85 = tpu.memref_squeeze %dma_start3A_84 : memref<1x8x128xi32, #tpu.memory_space<vmem>> -> memref<8x128xi32, #tpu.memory_space<vmem>>
    %dma_start3A_86 = arith.constant 0 : i32
    %dma_start3A_87 = arith.constant 0 : i32
    %dma_start3A_88 = tpu.memref_slice %arg2[%dma_start3A_72, %add3A, %dma_start3A_86, %dma_start3A_87] : memref<25x32x8x128xi32, #tpu.memory_space<hbm>> -> memref<1x1x8x128xi32, #tpu.memory_space<hbm>>
    %dma_start3A_89 = tpu.memref_squeeze %dma_start3A_88 : memref<1x1x8x128xi32, #tpu.memory_space<hbm>> -> memref<8x128xi32, #tpu.memory_space<hbm>>
    tpu.enqueue_dma source(%dma_start3A_89 : memref<8x128xi32, #tpu.memory_space<hbm>>) target(%dma_start3A_85 : memref<8x128xi32, #tpu.memory_space<vmem>>) target_semaphore(%arg20 : memref<!tpu.dma_semaphore, #tpu.memory_space<semaphore_mem>>)
    %dma_start3A_90 = arith.constant 5 : i32
    %dma_start3A_91 = arith.constant 5 : i32
    %dma_start3A_92 = arith.constant 0 : i32
    %dma_start3A_93 = arith.constant 0 : i32
    %dma_start3A_94 = tpu.memref_slice %arg6[%dma_start3A_91, %dma_start3A_92, %dma_start3A_93] : memref<25x8x128xi32, #tpu.memory_space<vmem>> -> memref<1x8x128xi32, #tpu.memory_space<vmem>>
    %dma_start3A_95 = tpu.memref_squeeze %dma_start3A_94 : memref<1x8x128xi32, #tpu.memory_space<vmem>> -> memref<8x128xi32, #tpu.memory_space<vmem>>
    %dma_start3A_96 = arith.constant 0 : i32
    %dma_start3A_97 = arith.constant 0 : i32
    %dma_start3A_98 = tpu.memref_slice %arg2[%dma_start3A_90, %add3A, %dma_start3A_96, %dma_start3A_97] : memref<25x32x8x128xi32, #tpu.memory_space<hbm>> -> memref<1x1x8x128xi32, #tpu.memory_space<hbm>>
    %dma_start3A_99 = tpu.memref_squeeze %dma_start3A_98 : memref<1x1x8x128xi32, #tpu.memory_space<hbm>> -> memref<8x128xi32, #tpu.memory_space<hbm>>
    %dma_start3A_100 = arith.constant 0 : i32
    %dma_start3A_101 = arith.constant 0 : i32
    %dma_start3A_102 = tpu.memref_slice %arg6[%dma_start3A_91, %dma_start3A_100, %dma_start3A_101] : memref<25x8x128xi32, #tpu.memory_space<vmem>> -> memref<1x8x128xi32, #tpu.memory_space<vmem>>
    %dma_start3A_103 = tpu.memref_squeeze %dma_start3A_102 : memref<1x8x128xi32, #tpu.memory_space<vmem>> -> memref<8x128xi32, #tpu.memory_space<vmem>>
    %dma_start3A_104 = arith.constant 0 : i32
    %dma_start3A_105 = arith.constant 0 : i32
    %dma_start3A_106 = tpu.memref_slice %arg2[%dma_start3A_90, %add3A, %dma_start3A_104, %dma_start3A_105] : memref<25x32x8x128xi32, #tpu.memory_space<hbm>> -> memref<1x1x8x128xi32, #tpu.memory_space<hbm>>
    %dma_start3A_107 = tpu.memref_squeeze %dma_start3A_106 : memref<1x1x8x128xi32, #tpu.memory_space<hbm>> -> memref<8x128xi32, #tpu.memory_space<hbm>>
    tpu.enqueue_dma source(%dma_start3A_107 : memref<8x128xi32, #tpu.memory_space<hbm>>) target(%dma_start3A_103 : memref<8x128xi32, #tpu.memory_space<vmem>>) target_semaphore(%arg20 : memref<!tpu.dma_semaphore, #tpu.memory_space<semaphore_mem>>)
    %dma_start3A_108 = arith.constant 6 : i32
    %dma_start3A_109 = arith.constant 6 : i32
    %dma_start3A_110 = arith.constant 0 : i32
    %dma_start3A_111 = arith.constant 0 : i32
    %dma_start3A_112 = tpu.memref_slice %arg6[%dma_start3A_109, %dma_start3A_110, %dma_start3A_111] : memref<25x8x128xi32, #tpu.memory_space<vmem>> -> memref<1x8x128xi32, #tpu.memory_space<vmem>>
    %dma_start3A_113 = tpu.memref_squeeze %dma_start3A_112 : memref<1x8x128xi32, #tpu.memory_space<vmem>> -> memref<8x128xi32, #tpu.memory_space<vmem>>
    %dma_start3A_114 = arith.constant 0 : i32
    %dma_start3A_115 = arith.constant 0 : i32
    %dma_start3A_116 = tpu.memref_slice %arg2[%dma_start3A_108, %add3A, %dma_start3A_114, %dma_start3A_115] : memref<25x32x8x128xi32, #tpu.memory_space<hbm>> -> memref<1x1x8x128xi32, #tpu.memory_space<hbm>>
    %dma_start3A_117 = tpu.memref_squeeze %dma_start3A_116 : memref<1x1x8x128xi32, #tpu.memory_space<hbm>> -> memref<8x128xi32, #tpu.memory_space<hbm>>
    %dma_start3A_118 = arith.constant 0 : i32
    %dma_start3A_119 = arith.constant 0 : i32
    %dma_start3A_120 = tpu.memref_slice %arg6[%dma_start3A_109, %dma_start3A_118, %dma_start3A_119] : memref<25x8x128xi32, #tpu.memory_space<vmem>> -> memref<1x8x128xi32, #tpu.memory_space<vmem>>
    %dma_start3A_121 = tpu.memref_squeeze %dma_start3A_120 : memref<1x8x128xi32, #tpu.memory_space<vmem>> -> memref<8x128xi32, #tpu.memory_space<vmem>>
    %dma_start3A_122 = arith.constant 0 : i32
    %dma_start3A_123 = arith.constant 0 : i32
    %dma_start3A_124 = tpu.memref_slice %arg2[%dma_start3A_108, %add3A, %dma_start3A_122, %dma_start3A_123] : memref<25x32x8x128xi32, #tpu.memory_space<hbm>> -> memref<1x1x8x128xi32, #tpu.memory_space<hbm>>
    %dma_start3A_125 = tpu.memref_squeeze %dma_start3A_124 : memref<1x1x8x128xi32, #tpu.memory_space<hbm>> -> memref<8x128xi32, #tpu.memory_space<hbm>>
    tpu.enqueue_dma source(%dma_start3A_125 : memref<8x128xi32, #tpu.memory_space<hbm>>) target(%dma_start3A_121 : memref<8x128xi32, #tpu.memory_space<vmem>>) target_semaphore(%arg20 : memref<!tpu.dma_semaphore, #tpu.memory_space<semaphore_mem>>)
    %dma_start3A_126 = arith.constant 7 : i32
    %dma_start3A_127 = arith.constant 7 : i32
    %dma_start3A_128 = arith.constant 0 : i32
    %dma_start3A_129 = arith.constant 0 : i32
    %dma_start3A_130 = tpu.memref_slice %arg6[%dma_start3A_127, %dma_start3A_128, %dma_start3A_129] : memref<25x8x128xi32, #tpu.memory_space<vmem>> -> memref<1x8x128xi32, #tpu.memory_space<vmem>>
    %dma_start3A_131 = tpu.memref_squeeze %dma_start3A_130 : memref<1x8x128xi32, #tpu.memory_space<vmem>> -> memref<8x128xi32, #tpu.memory_space<vmem>>
    %dma_start3A_132 = arith.constant 0 : i32
    %dma_start3A_133 = arith.constant 0 : i32
    %dma_start3A_134 = tpu.memref_slice %arg2[%dma_start3A_126, %add3A, %dma_start3A_132, %dma_start3A_133] : memref<25x32x8x128xi32, #tpu.memory_space<hbm>> -> memref<1x1x8x128xi32, #tpu.memory_space<hbm>>
    %dma_start3A_135 = tpu.memref_squeeze %dma_start3A_134 : memref<1x1x8x128xi32, #tpu.memory_space<hbm>> -> memref<8x128xi32, #tpu.memory_space<hbm>>
    %dma_start3A_136 = arith.constant 0 : i32
    %dma_start3A_137 = arith.constant 0 : i32
    %dma_start3A_138 = tpu.memref_slice %arg6[%dma_start3A_127, %dma_start3A_136, %dma_start3A_137] : memref<25x8x128xi32, #tpu.memory_space<vmem>> -> memref<1x8x128xi32, #tpu.memory_space<vmem>>
    %dma_start3A_139 = tpu.memref_squeeze %dma_start3A_138 : memref<1x8x128xi32, #tpu.memory_space<vmem>> -> memref<8x128xi32, #tpu.memory_space<vmem>>
    %dma_start3A_140 = arith.constant 0 : i32
    %dma_start3A_141 = arith.constant 0 : i32
    %dma_start3A_142 = tpu.memref_slice %arg2[%dma_start3A_126, %add3A, %dma_start3A_140, %dma_start3A_141] : memref<25x32x8x128xi32, #tpu.memory_space<hbm>> -> memref<1x1x8x128xi32, #tpu.memory_space<hbm>>
    %dma_start3A_143 = tpu.memref_squeeze %dma_start3A_142 : memref<1x1x8x128xi32, #tpu.memory_space<hbm>> -> memref<8x128xi32, #tpu.memory_space<hbm>>
    tpu.enqueue_dma source(%dma_start3A_143 : memref<8x128xi32, #tpu.memory_space<hbm>>) target(%dma_start3A_139 : memref<8x128xi32, #tpu.memory_space<vmem>>) target_semaphore(%arg20 : memref<!tpu.dma_semaphore, #tpu.memory_space<semaphore_mem>>)
    %dma_start3A_144 = arith.constant 8 : i32
    %dma_start3A_145 = arith.constant 8 : i32
    %dma_start3A_146 = arith.constant 0 : i32
    %dma_start3A_147 = arith.constant 0 : i32
    %dma_start3A_148 = tpu.memref_slice %arg6[%dma_start3A_145, %dma_start3A_146, %dma_start3A_147] : memref<25x8x128xi32, #tpu.memory_space<vmem>> -> memref<1x8x128xi32, #tpu.memory_space<vmem>>
    %dma_start3A_149 = tpu.memref_squeeze %dma_start3A_148 : memref<1x8x128xi32, #tpu.memory_space<vmem>> -> memref<8x128xi32, #tpu.memory_space<vmem>>
    %dma_start3A_150 = arith.constant 0 : i32
    %dma_start3A_151 = arith.constant 0 : i32
    %dma_start3A_152 = tpu.memref_slice %arg2[%dma_start3A_144, %add3A, %dma_start3A_150, %dma_start3A_151] : memref<25x32x8x128xi32, #tpu.memory_space<hbm>> -> memref<1x1x8x128xi32, #tpu.memory_space<hbm>>
    %dma_start3A_153 = tpu.memref_squeeze %dma_start3A_152 : memref<1x1x8x128xi32, #tpu.memory_space<hbm>> -> memref<8x128xi32, #tpu.memory_space<hbm>>
    %dma_start3A_154 = arith.constant 0 : i32
    %dma_start3A_155 = arith.constant 0 : i32
    %dma_start3A_156 = tpu.memref_slice %arg6[%dma_start3A_145, %dma_start3A_154, %dma_start3A_155] : memref<25x8x128xi32, #tpu.memory_space<vmem>> -> memref<1x8x128xi32, #tpu.memory_space<vmem>>
    %dma_start3A_157 = tpu.memref_squeeze %dma_start3A_156 : memref<1x8x128xi32, #tpu.memory_space<vmem>> -> memref<8x128xi32, #tpu.memory_space<vmem>>
    %dma_start3A_158 = arith.constant 0 : i32
    %dma_start3A_159 = arith.constant 0 : i32
    %dma_start3A_160 = tpu.memref_slice %arg2[%dma_start3A_144, %add3A, %dma_start3A_158, %dma_start3A_159] : memref<25x32x8x128xi32, #tpu.memory_space<hbm>> -> memref<1x1x8x128xi32, #tpu.memory_space<hbm>>
    %dma_start3A_161 = tpu.memref_squeeze %dma_start3A_160 : memref<1x1x8x128xi32, #tpu.memory_space<hbm>> -> memref<8x128xi32, #tpu.memory_space<hbm>>
    tpu.enqueue_dma source(%dma_start3A_161 : memref<8x128xi32, #tpu.memory_space<hbm>>) target(%dma_start3A_157 : memref<8x128xi32, #tpu.memory_space<vmem>>) target_semaphore(%arg20 : memref<!tpu.dma_semaphore, #tpu.memory_space<semaphore_mem>>)
    %dma_start3A_162 = arith.constant 9 : i32
    %dma_start3A_163 = arith.constant 9 : i32
    %dma_start3A_164 = arith.constant 0 : i32
    %dma_start3A_165 = arith.constant 0 : i32
    %dma_start3A_166 = tpu.memref_slice %arg6[%dma_start3A_163, %dma_start3A_164, %dma_start3A_165] : memref<25x8x128xi32, #tpu.memory_space<vmem>> -> memref<1x8x128xi32, #tpu.memory_space<vmem>>
    %dma_start3A_167 = tpu.memref_squeeze %dma_start3A_166 : memref<1x8x128xi32, #tpu.memory_space<vmem>> -> memref<8x128xi32, #tpu.memory_space<vmem>>
    %dma_start3A_168 = arith.constant 0 : i32
    %dma_start3A_169 = arith.constant 0 : i32
    %dma_start3A_170 = tpu.memref_slice %arg2[%dma_start3A_162, %add3A, %dma_start3A_168, %dma_start3A_169] : memref<25x32x8x128xi32, #tpu.memory_space<hbm>> -> memref<1x1x8x128xi32, #tpu.memory_space<hbm>>
    %dma_start3A_171 = tpu.memref_squeeze %dma_start3A_170 : memref<1x1x8x128xi32, #tpu.memory_space<hbm>> -> memref<8x128xi32, #tpu.memory_space<hbm>>
    %dma_start3A_172 = arith.constant 0 : i32
    %dma_start3A_173 = arith.constant 0 : i32
    %dma_start3A_174 = tpu.memref_slice %arg6[%dma_start3A_163, %dma_start3A_172, %dma_start3A_173] : memref<25x8x128xi32, #tpu.memory_space<vmem>> -> memref<1x8x128xi32, #tpu.memory_space<vmem>>
    %dma_start3A_175 = tpu.memref_squeeze %dma_start3A_174 : memref<1x8x128xi32, #tpu.memory_space<vmem>> -> memref<8x128xi32, #tpu.memory_space<vmem>>
    %dma_start3A_176 = arith.constant 0 : i32
    %dma_start3A_177 = arith.constant 0 : i32
    %dma_start3A_178 = tpu.memref_slice %arg2[%dma_start3A_162, %add3A, %dma_start3A_176, %dma_start3A_177] : memref<25x32x8x128xi32, #tpu.memory_space<hbm>> -> memref<1x1x8x128xi32, #tpu.memory_space<hbm>>
    %dma_start3A_179 = tpu.memref_squeeze %dma_start3A_178 : memref<1x1x8x128xi32, #tpu.memory_space<hbm>> -> memref<8x128xi32, #tpu.memory_space<hbm>>
    tpu.enqueue_dma source(%dma_start3A_179 : memref<8x128xi32, #tpu.memory_space<hbm>>) target(%dma_start3A_175 : memref<8x128xi32, #tpu.memory_space<vmem>>) target_semaphore(%arg20 : memref<!tpu.dma_semaphore, #tpu.memory_space<semaphore_mem>>)
    %dma_start3A_180 = arith.constant 10 : i32
    %dma_start3A_181 = arith.constant 10 : i32
    %dma_start3A_182 = arith.constant 0 : i32
    %dma_start3A_183 = arith.constant 0 : i32
    %dma_start3A_184 = tpu.memref_slice %arg6[%dma_start3A_181, %dma_start3A_182, %dma_start3A_183] : memref<25x8x128xi32, #tpu.memory_space<vmem>> -> memref<1x8x128xi32, #tpu.memory_space<vmem>>
    %dma_start3A_185 = tpu.memref_squeeze %dma_start3A_184 : memref<1x8x128xi32, #tpu.memory_space<vmem>> -> memref<8x128xi32, #tpu.memory_space<vmem>>
    %dma_start3A_186 = arith.constant 0 : i32
    %dma_start3A_187 = arith.constant 0 : i32
    %dma_start3A_188 = tpu.memref_slice %arg2[%dma_start3A_180, %add3A, %dma_start3A_186, %dma_start3A_187] : memref<25x32x8x128xi32, #tpu.memory_space<hbm>> -> memref<1x1x8x128xi32, #tpu.memory_space<hbm>>
    %dma_start3A_189 = tpu.memref_squeeze %dma_start3A_188 : memref<1x1x8x128xi32, #tpu.memory_space<hbm>> -> memref<8x128xi32, #tpu.memory_space<hbm>>
    %dma_start3A_190 = arith.constant 0 : i32
    %dma_start3A_191 = arith.constant 0 : i32
    %dma_start3A_192 = tpu.memref_slice %arg6[%dma_start3A_181, %dma_start3A_190, %dma_start3A_191] : memref<25x8x128xi32, #tpu.memory_space<vmem>> -> memref<1x8x128xi32, #tpu.memory_space<vmem>>
    %dma_start3A_193 = tpu.memref_squeeze %dma_start3A_192 : memref<1x8x128xi32, #tpu.memory_space<vmem>> -> memref<8x128xi32, #tpu.memory_space<vmem>>
    %dma_start3A_194 = arith.constant 0 : i32
    %dma_start3A_195 = arith.constant 0 : i32
    %dma_start3A_196 = tpu.memref_slice %arg2[%dma_start3A_180, %add3A, %dma_start3A_194, %dma_start3A_195] : memref<25x32x8x128xi32, #tpu.memory_space<hbm>> -> memref<1x1x8x128xi32, #tpu.memory_space<hbm>>
    %dma_start3A_197 = tpu.memref_squeeze %dma_start3A_196 : memref<1x1x8x128xi32, #tpu.memory_space<hbm>> -> memref<8x128xi32, #tpu.memory_space<hbm>>
    tpu.enqueue_dma source(%dma_start3A_197 : memref<8x128xi32, #tpu.memory_space<hbm>>) target(%dma_start3A_193 : memref<8x128xi32, #tpu.memory_space<vmem>>) target_semaphore(%arg20 : memref<!tpu.dma_semaphore, #tpu.memory_space<semaphore_mem>>)
    %dma_start3A_198 = arith.constant 11 : i32
    %dma_start3A_199 = arith.constant 11 : i32
    %dma_start3A_200 = arith.constant 0 : i32
    %dma_start3A_201 = arith.constant 0 : i32
    %dma_start3A_202 = tpu.memref_slice %arg6[%dma_start3A_199, %dma_start3A_200, %dma_start3A_201] : memref<25x8x128xi32, #tpu.memory_space<vmem>> -> memref<1x8x128xi32, #tpu.memory_space<vmem>>
    %dma_start3A_203 = tpu.memref_squeeze %dma_start3A_202 : memref<1x8x128xi32, #tpu.memory_space<vmem>> -> memref<8x128xi32, #tpu.memory_space<vmem>>
    %dma_start3A_204 = arith.constant 0 : i32
    %dma_start3A_205 = arith.constant 0 : i32
    %dma_start3A_206 = tpu.memref_slice %arg2[%dma_start3A_198, %add3A, %dma_start3A_204, %dma_start3A_205] : memref<25x32x8x128xi32, #tpu.memory_space<hbm>> -> memref<1x1x8x128xi32, #tpu.memory_space<hbm>>
    %dma_start3A_207 = tpu.memref_squeeze %dma_start3A_206 : memref<1x1x8x128xi32, #tpu.memory_space<hbm>> -> memref<8x128xi32, #tpu.memory_space<hbm>>
    %dma_start3A_208 = arith.constant 0 : i32
    %dma_start3A_209 = arith.constant 0 : i32
    %dma_start3A_210 = tpu.memref_slice %arg6[%dma_start3A_199, %dma_start3A_208, %dma_start3A_209] : memref<25x8x128xi32, #tpu.memory_space<vmem>> -> memref<1x8x128xi32, #tpu.memory_space<vmem>>
    %dma_start3A_211 = tpu.memref_squeeze %dma_start3A_210 : memref<1x8x128xi32, #tpu.memory_space<vmem>> -> memref<8x128xi32, #tpu.memory_space<vmem>>
    %dma_start3A_212 = arith.constant 0 : i32
    %dma_start3A_213 = arith.constant 0 : i32
    %dma_start3A_214 = tpu.memref_slice %arg2[%dma_start3A_198, %add3A, %dma_start3A_212, %dma_start3A_213] : memref<25x32x8x128xi32, #tpu.memory_space<hbm>> -> memref<1x1x8x128xi32, #tpu.memory_space<hbm>>
    %dma_start3A_215 = tpu.memref_squeeze %dma_start3A_214 : memref<1x1x8x128xi32, #tpu.memory_space<hbm>> -> memref<8x128xi32, #tpu.memory_space<hbm>>
    tpu.enqueue_dma source(%dma_start3A_215 : memref<8x128xi32, #tpu.memory_space<hbm>>) target(%dma_start3A_211 : memref<8x128xi32, #tpu.memory_space<vmem>>) target_semaphore(%arg20 : memref<!tpu.dma_semaphore, #tpu.memory_space<semaphore_mem>>)
    %dma_start3A_216 = arith.constant 12 : i32
    %dma_start3A_217 = arith.constant 12 : i32
    %dma_start3A_218 = arith.constant 0 : i32
    %dma_start3A_219 = arith.constant 0 : i32
    %dma_start3A_220 = tpu.memref_slice %arg6[%dma_start3A_217, %dma_start3A_218, %dma_start3A_219] : memref<25x8x128xi32, #tpu.memory_space<vmem>> -> memref<1x8x128xi32, #tpu.memory_space<vmem>>
    %dma_start3A_221 = tpu.memref_squeeze %dma_start3A_220 : memref<1x8x128xi32, #tpu.memory_space<vmem>> -> memref<8x128xi32, #tpu.memory_space<vmem>>
    %dma_start3A_222 = arith.constant 0 : i32
    %dma_start3A_223 = arith.constant 0 : i32
    %dma_start3A_224 = tpu.memref_slice %arg2[%dma_start3A_216, %add3A, %dma_start3A_222, %dma_start3A_223] : memref<25x32x8x128xi32, #tpu.memory_space<hbm>> -> memref<1x1x8x128xi32, #tpu.memory_space<hbm>>
    %dma_start3A_225 = tpu.memref_squeeze %dma_start3A_224 : memref<1x1x8x128xi32, #tpu.memory_space<hbm>> -> memref<8x128xi32, #tpu.memory_space<hbm>>
    %dma_start3A_226 = arith.constant 0 : i32
    %dma_start3A_227 = arith.constant 0 : i32
    %dma_start3A_228 = tpu.memref_slice %arg6[%dma_start3A_217, %dma_start3A_226, %dma_start3A_227] : memref<25x8x128xi32, #tpu.memory_space<vmem>> -> memref<1x8x128xi32, #tpu.memory_space<vmem>>
    %dma_start3A_229 = tpu.memref_squeeze %dma_start3A_228 : memref<1x8x128xi32, #tpu.memory_space<vmem>> -> memref<8x128xi32, #tpu.memory_space<vmem>>
    %dma_start3A_230 = arith.constant 0 : i32
    %dma_start3A_231 = arith.constant 0 : i32
    %dma_start3A_232 = tpu.memref_slice %arg2[%dma_start3A_216, %add3A, %dma_start3A_230, %dma_start3A_231] : memref<25x32x8x128xi32, #tpu.memory_space<hbm>> -> memref<1x1x8x128xi32, #tpu.memory_space<hbm>>
    %dma_start3A_233 = tpu.memref_squeeze %dma_start3A_232 : memref<1x1x8x128xi32, #tpu.memory_space<hbm>> -> memref<8x128xi32, #tpu.memory_space<hbm>>
    tpu.enqueue_dma source(%dma_start3A_233 : memref<8x128xi32, #tpu.memory_space<hbm>>) target(%dma_start3A_229 : memref<8x128xi32, #tpu.memory_space<vmem>>) target_semaphore(%arg20 : memref<!tpu.dma_semaphore, #tpu.memory_space<semaphore_mem>>)
    %dma_start3A_234 = arith.constant 13 : i32
    %dma_start3A_235 = arith.constant 13 : i32
    %dma_start3A_236 = arith.constant 0 : i32
    %dma_start3A_237 = arith.constant 0 : i32
    %dma_start3A_238 = tpu.memref_slice %arg6[%dma_start3A_235, %dma_start3A_236, %dma_start3A_237] : memref<25x8x128xi32, #tpu.memory_space<vmem>> -> memref<1x8x128xi32, #tpu.memory_space<vmem>>
    %dma_start3A_239 = tpu.memref_squeeze %dma_start3A_238 : memref<1x8x128xi32, #tpu.memory_space<vmem>> -> memref<8x128xi32, #tpu.memory_space<vmem>>
    %dma_start3A_240 = arith.constant 0 : i32
    %dma_start3A_241 = arith.constant 0 : i32
    %dma_start3A_242 = tpu.memref_slice %arg2[%dma_start3A_234, %add3A, %dma_start3A_240, %dma_start3A_241] : memref<25x32x8x128xi32, #tpu.memory_space<hbm>> -> memref<1x1x8x128xi32, #tpu.memory_space<hbm>>
    %dma_start3A_243 = tpu.memref_squeeze %dma_start3A_242 : memref<1x1x8x128xi32, #tpu.memory_space<hbm>> -> memref<8x128xi32, #tpu.memory_space<hbm>>
    %dma_start3A_244 = arith.constant 0 : i32
    %dma_start3A_245 = arith.constant 0 : i32
    %dma_start3A_246 = tpu.memref_slice %arg6[%dma_start3A_235, %dma_start3A_244, %dma_start3A_245] : memref<25x8x128xi32, #tpu.memory_space<vmem>> -> memref<1x8x128xi32, #tpu.memory_space<vmem>>
    %dma_start3A_247 = tpu.memref_squeeze %dma_start3A_246 : memref<1x8x128xi32, #tpu.memory_space<vmem>> -> memref<8x128xi32, #tpu.memory_space<vmem>>
    %dma_start3A_248 = arith.constant 0 : i32
    %dma_start3A_249 = arith.constant 0 : i32
    %dma_start3A_250 = tpu.memref_slice %arg2[%dma_start3A_234, %add3A, %dma_start3A_248, %dma_start3A_249] : memref<25x32x8x128xi32, #tpu.memory_space<hbm>> -> memref<1x1x8x128xi32, #tpu.memory_space<hbm>>
    %dma_start3A_251 = tpu.memref_squeeze %dma_start3A_250 : memref<1x1x8x128xi32, #tpu.memory_space<hbm>> -> memref<8x128xi32, #tpu.memory_space<hbm>>
    tpu.enqueue_dma source(%dma_start3A_251 : memref<8x128xi32, #tpu.memory_space<hbm>>) target(%dma_start3A_247 : memref<8x128xi32, #tpu.memory_space<vmem>>) target_semaphore(%arg20 : memref<!tpu.dma_semaphore, #tpu.memory_space<semaphore_mem>>)
    %dma_start3A_252 = arith.constant 14 : i32
    %dma_start3A_253 = arith.constant 14 : i32
    %dma_start3A_254 = arith.constant 0 : i32
    %dma_start3A_255 = arith.constant 0 : i32
    %dma_start3A_256 = tpu.memref_slice %arg6[%dma_start3A_253, %dma_start3A_254, %dma_start3A_255] : memref<25x8x128xi32, #tpu.memory_space<vmem>> -> memref<1x8x128xi32, #tpu.memory_space<vmem>>
    %dma_start3A_257 = tpu.memref_squeeze %dma_start3A_256 : memref<1x8x128xi32, #tpu.memory_space<vmem>> -> memref<8x128xi32, #tpu.memory_space<vmem>>
    %dma_start3A_258 = arith.constant 0 : i32
    %dma_start3A_259 = arith.constant 0 : i32
    %dma_start3A_260 = tpu.memref_slice %arg2[%dma_start3A_252, %add3A, %dma_start3A_258, %dma_start3A_259] : memref<25x32x8x128xi32, #tpu.memory_space<hbm>> -> memref<1x1x8x128xi32, #tpu.memory_space<hbm>>
    %dma_start3A_261 = tpu.memref_squeeze %dma_start3A_260 : memref<1x1x8x128xi32, #tpu.memory_space<hbm>> -> memref<8x128xi32, #tpu.memory_space<hbm>>
    %dma_start3A_262 = arith.constant 0 : i32
    %dma_start3A_263 = arith.constant 0 : i32
    %dma_start3A_264 = tpu.memref_slice %arg6[%dma_start3A_253, %dma_start3A_262, %dma_start3A_263] : memref<25x8x128xi32, #tpu.memory_space<vmem>> -> memref<1x8x128xi32, #tpu.memory_space<vmem>>
    %dma_start3A_265 = tpu.memref_squeeze %dma_start3A_264 : memref<1x8x128xi32, #tpu.memory_space<vmem>> -> memref<8x128xi32, #tpu.memory_space<vmem>>
    %dma_start3A_266 = arith.constant 0 : i32
    %dma_start3A_267 = arith.constant 0 : i32
    %dma_start3A_268 = tpu.memref_slice %arg2[%dma_start3A_252, %add3A, %dma_start3A_266, %dma_start3A_267] : memref<25x32x8x128xi32, #tpu.memory_space<hbm>> -> memref<1x1x8x128xi32, #tpu.memory_space<hbm>>
    %dma_start3A_269 = tpu.memref_squeeze %dma_start3A_268 : memref<1x1x8x128xi32, #tpu.memory_space<hbm>> -> memref<8x128xi32, #tpu.memory_space<hbm>>
    tpu.enqueue_dma source(%dma_start3A_269 : memref<8x128xi32, #tpu.memory_space<hbm>>) target(%dma_start3A_265 : memref<8x128xi32, #tpu.memory_space<vmem>>) target_semaphore(%arg20 : memref<!tpu.dma_semaphore, #tpu.memory_space<semaphore_mem>>)
    %dma_start3A_270 = arith.constant 15 : i32
    %dma_start3A_271 = arith.constant 15 : i32
    %dma_start3A_272 = arith.constant 0 : i32
    %dma_start3A_273 = arith.constant 0 : i32
    %dma_start3A_274 = tpu.memref_slice %arg6[%dma_start3A_271, %dma_start3A_272, %dma_start3A_273] : memref<25x8x128xi32, #tpu.memory_space<vmem>> -> memref<1x8x128xi32, #tpu.memory_space<vmem>>
    %dma_start3A_275 = tpu.memref_squeeze %dma_start3A_274 : memref<1x8x128xi32, #tpu.memory_space<vmem>> -> memref<8x128xi32, #tpu.memory_space<vmem>>
    %dma_start3A_276 = arith.constant 0 : i32
    %dma_start3A_277 = arith.constant 0 : i32
    %dma_start3A_278 = tpu.memref_slice %arg2[%dma_start3A_270, %add3A, %dma_start3A_276, %dma_start3A_277] : memref<25x32x8x128xi32, #tpu.memory_space<hbm>> -> memref<1x1x8x128xi32, #tpu.memory_space<hbm>>
    %dma_start3A_279 = tpu.memref_squeeze %dma_start3A_278 : memref<1x1x8x128xi32, #tpu.memory_space<hbm>> -> memref<8x128xi32, #tpu.memory_space<hbm>>
    %dma_start3A_280 = arith.constant 0 : i32
    %dma_start3A_281 = arith.constant 0 : i32
    %dma_start3A_282 = tpu.memref_slice %arg6[%dma_start3A_271, %dma_start3A_280, %dma_start3A_281] : memref<25x8x128xi32, #tpu.memory_space<vmem>> -> memref<1x8x128xi32, #tpu.memory_space<vmem>>
    %dma_start3A_283 = tpu.memref_squeeze %dma_start3A_282 : memref<1x8x128xi32, #tpu.memory_space<vmem>> -> memref<8x128xi32, #tpu.memory_space<vmem>>
    %dma_start3A_284 = arith.constant 0 : i32
    %dma_start3A_285 = arith.constant 0 : i32
    %dma_start3A_286 = tpu.memref_slice %arg2[%dma_start3A_270, %add3A, %dma_start3A_284, %dma_start3A_285] : memref<25x32x8x128xi32, #tpu.memory_space<hbm>> -> memref<1x1x8x128xi32, #tpu.memory_space<hbm>>
    %dma_start3A_287 = tpu.memref_squeeze %dma_start3A_286 : memref<1x1x8x128xi32, #tpu.memory_space<hbm>> -> memref<8x128xi32, #tpu.memory_space<hbm>>
    tpu.enqueue_dma source(%dma_start3A_287 : memref<8x128xi32, #tpu.memory_space<hbm>>) target(%dma_start3A_283 : memref<8x128xi32, #tpu.memory_space<vmem>>) target_semaphore(%arg20 : memref<!tpu.dma_semaphore, #tpu.memory_space<semaphore_mem>>)
    %dma_start3A_288 = arith.constant 16 : i32
    %dma_start3A_289 = arith.constant 16 : i32
    %dma_start3A_290 = arith.constant 0 : i32
    %dma_start3A_291 = arith.constant 0 : i32
    %dma_start3A_292 = tpu.memref_slice %arg6[%dma_start3A_289, %dma_start3A_290, %dma_start3A_291] : memref<25x8x128xi32, #tpu.memory_space<vmem>> -> memref<1x8x128xi32, #tpu.memory_space<vmem>>
    %dma_start3A_293 = tpu.memref_squeeze %dma_start3A_292 : memref<1x8x128xi32, #tpu.memory_space<vmem>> -> memref<8x128xi32, #tpu.memory_space<vmem>>
    %dma_start3A_294 = arith.constant 0 : i32
    %dma_start3A_295 = arith.constant 0 : i32
    %dma_start3A_296 = tpu.memref_slice %arg2[%dma_start3A_288, %add3A, %dma_start3A_294, %dma_start3A_295] : memref<25x32x8x128xi32, #tpu.memory_space<hbm>> -> memref<1x1x8x128xi32, #tpu.memory_space<hbm>>
    %dma_start3A_297 = tpu.memref_squeeze %dma_start3A_296 : memref<1x1x8x128xi32, #tpu.memory_space<hbm>> -> memref<8x128xi32, #tpu.memory_space<hbm>>
    %dma_start3A_298 = arith.constant 0 : i32
    %dma_start3A_299 = arith.constant 0 : i32
    %dma_start3A_300 = tpu.memref_slice %arg6[%dma_start3A_289, %dma_start3A_298, %dma_start3A_299] : memref<25x8x128xi32, #tpu.memory_space<vmem>> -> memref<1x8x128xi32, #tpu.memory_space<vmem>>
    %dma_start3A_301 = tpu.memref_squeeze %dma_start3A_300 : memref<1x8x128xi32, #tpu.memory_space<vmem>> -> memref<8x128xi32, #tpu.memory_space<vmem>>
    %dma_start3A_302 = arith.constant 0 : i32
    %dma_start3A_303 = arith.constant 0 : i32
    %dma_start3A_304 = tpu.memref_slice %arg2[%dma_start3A_288, %add3A, %dma_start3A_302, %dma_start3A_303] : memref<25x32x8x128xi32, #tpu.memory_space<hbm>> -> memref<1x1x8x128xi32, #tpu.memory_space<hbm>>
    %dma_start3A_305 = tpu.memref_squeeze %dma_start3A_304 : memref<1x1x8x128xi32, #tpu.memory_space<hbm>> -> memref<8x128xi32, #tpu.memory_space<hbm>>
    tpu.enqueue_dma source(%dma_start3A_305 : memref<8x128xi32, #tpu.memory_space<hbm>>) target(%dma_start3A_301 : memref<8x128xi32, #tpu.memory_space<vmem>>) target_semaphore(%arg20 : memref<!tpu.dma_semaphore, #tpu.memory_space<semaphore_mem>>)
    %dma_start3A_306 = arith.constant 17 : i32
    %dma_start3A_307 = arith.constant 17 : i32
    %dma_start3A_308 = arith.constant 0 : i32
    %dma_start3A_309 = arith.constant 0 : i32
    %dma_start3A_310 = tpu.memref_slice %arg6[%dma_start3A_307, %dma_start3A_308, %dma_start3A_309] : memref<25x8x128xi32, #tpu.memory_space<vmem>> -> memref<1x8x128xi32, #tpu.memory_space<vmem>>
    %dma_start3A_311 = tpu.memref_squeeze %dma_start3A_310 : memref<1x8x128xi32, #tpu.memory_space<vmem>> -> memref<8x128xi32, #tpu.memory_space<vmem>>
    %dma_start3A_312 = arith.constant 0 : i32
    %dma_start3A_313 = arith.constant 0 : i32
    %dma_start3A_314 = tpu.memref_slice %arg2[%dma_start3A_306, %add3A, %dma_start3A_312, %dma_start3A_313] : memref<25x32x8x128xi32, #tpu.memory_space<hbm>> -> memref<1x1x8x128xi32, #tpu.memory_space<hbm>>
    %dma_start3A_315 = tpu.memref_squeeze %dma_start3A_314 : memref<1x1x8x128xi32, #tpu.memory_space<hbm>> -> memref<8x128xi32, #tpu.memory_space<hbm>>
    %dma_start3A_316 = arith.constant 0 : i32
    %dma_start3A_317 = arith.constant 0 : i32
    %dma_start3A_318 = tpu.memref_slice %arg6[%dma_start3A_307, %dma_start3A_316, %dma_start3A_317] : memref<25x8x128xi32, #tpu.memory_space<vmem>> -> memref<1x8x128xi32, #tpu.memory_space<vmem>>
    %dma_start3A_319 = tpu.memref_squeeze %dma_start3A_318 : memref<1x8x128xi32, #tpu.memory_space<vmem>> -> memref<8x128xi32, #tpu.memory_space<vmem>>
    %dma_start3A_320 = arith.constant 0 : i32
    %dma_start3A_321 = arith.constant 0 : i32
    %dma_start3A_322 = tpu.memref_slice %arg2[%dma_start3A_306, %add3A, %dma_start3A_320, %dma_start3A_321] : memref<25x32x8x128xi32, #tpu.memory_space<hbm>> -> memref<1x1x8x128xi32, #tpu.memory_space<hbm>>
    %dma_start3A_323 = tpu.memref_squeeze %dma_start3A_322 : memref<1x1x8x128xi32, #tpu.memory_space<hbm>> -> memref<8x128xi32, #tpu.memory_space<hbm>>
    tpu.enqueue_dma source(%dma_start3A_323 : memref<8x128xi32, #tpu.memory_space<hbm>>) target(%dma_start3A_319 : memref<8x128xi32, #tpu.memory_space<vmem>>) target_semaphore(%arg20 : memref<!tpu.dma_semaphore, #tpu.memory_space<semaphore_mem>>)
    %dma_start3A_324 = arith.constant 18 : i32
    %dma_start3A_325 = arith.constant 18 : i32
    %dma_start3A_326 = arith.constant 0 : i32
    %dma_start3A_327 = arith.constant 0 : i32
    %dma_start3A_328 = tpu.memref_slice %arg6[%dma_start3A_325, %dma_start3A_326, %dma_start3A_327] : memref<25x8x128xi32, #tpu.memory_space<vmem>> -> memref<1x8x128xi32, #tpu.memory_space<vmem>>
    %dma_start3A_329 = tpu.memref_squeeze %dma_start3A_328 : memref<1x8x128xi32, #tpu.memory_space<vmem>> -> memref<8x128xi32, #tpu.memory_space<vmem>>
    %dma_start3A_330 = arith.constant 0 : i32
    %dma_start3A_331 = arith.constant 0 : i32
    %dma_start3A_332 = tpu.memref_slice %arg2[%dma_start3A_324, %add3A, %dma_start3A_330, %dma_start3A_331] : memref<25x32x8x128xi32, #tpu.memory_space<hbm>> -> memref<1x1x8x128xi32, #tpu.memory_space<hbm>>
    %dma_start3A_333 = tpu.memref_squeeze %dma_start3A_332 : memref<1x1x8x128xi32, #tpu.memory_space<hbm>> -> memref<8x128xi32, #tpu.memory_space<hbm>>
    %dma_start3A_334 = arith.constant 0 : i32
    %dma_start3A_335 = arith.constant 0 : i32
    %dma_start3A_336 = tpu.memref_slice %arg6[%dma_start3A_325, %dma_start3A_334, %dma_start3A_335] : memref<25x8x128xi32, #tpu.memory_space<vmem>> -> memref<1x8x128xi32, #tpu.memory_space<vmem>>
    %dma_start3A_337 = tpu.memref_squeeze %dma_start3A_336 : memref<1x8x128xi32, #tpu.memory_space<vmem>> -> memref<8x128xi32, #tpu.memory_space<vmem>>
    %dma_start3A_338 = arith.constant 0 : i32
    %dma_start3A_339 = arith.constant 0 : i32
    %dma_start3A_340 = tpu.memref_slice %arg2[%dma_start3A_324, %add3A, %dma_start3A_338, %dma_start3A_339] : memref<25x32x8x128xi32, #tpu.memory_space<hbm>> -> memref<1x1x8x128xi32, #tpu.memory_space<hbm>>
    %dma_start3A_341 = tpu.memref_squeeze %dma_start3A_340 : memref<1x1x8x128xi32, #tpu.memory_space<hbm>> -> memref<8x128xi32, #tpu.memory_space<hbm>>
    tpu.enqueue_dma source(%dma_start3A_341 : memref<8x128xi32, #tpu.memory_space<hbm>>) target(%dma_start3A_337 : memref<8x128xi32, #tpu.memory_space<vmem>>) target_semaphore(%arg20 : memref<!tpu.dma_semaphore, #tpu.memory_space<semaphore_mem>>)
    %dma_start3A_342 = arith.constant 19 : i32
    %dma_start3A_343 = arith.constant 19 : i32
    %dma_start3A_344 = arith.constant 0 : i32
    %dma_start3A_345 = arith.constant 0 : i32
    %dma_start3A_346 = tpu.memref_slice %arg6[%dma_start3A_343, %dma_start3A_344, %dma_start3A_345] : memref<25x8x128xi32, #tpu.memory_space<vmem>> -> memref<1x8x128xi32, #tpu.memory_space<vmem>>
    %dma_start3A_347 = tpu.memref_squeeze %dma_start3A_346 : memref<1x8x128xi32, #tpu.memory_space<vmem>> -> memref<8x128xi32, #tpu.memory_space<vmem>>
    %dma_start3A_348 = arith.constant 0 : i32
    %dma_start3A_349 = arith.constant 0 : i32
    %dma_start3A_350 = tpu.memref_slice %arg2[%dma_start3A_342, %add3A, %dma_start3A_348, %dma_start3A_349] : memref<25x32x8x128xi32, #tpu.memory_space<hbm>> -> memref<1x1x8x128xi32, #tpu.memory_space<hbm>>
    %dma_start3A_351 = tpu.memref_squeeze %dma_start3A_350 : memref<1x1x8x128xi32, #tpu.memory_space<hbm>> -> memref<8x128xi32, #tpu.memory_space<hbm>>
    %dma_start3A_352 = arith.constant 0 : i32
    %dma_start3A_353 = arith.constant 0 : i32
    %dma_start3A_354 = tpu.memref_slice %arg6[%dma_start3A_343, %dma_start3A_352, %dma_start3A_353] : memref<25x8x128xi32, #tpu.memory_space<vmem>> -> memref<1x8x128xi32, #tpu.memory_space<vmem>>
    %dma_start3A_355 = tpu.memref_squeeze %dma_start3A_354 : memref<1x8x128xi32, #tpu.memory_space<vmem>> -> memref<8x128xi32, #tpu.memory_space<vmem>>
    %dma_start3A_356 = arith.constant 0 : i32
    %dma_start3A_357 = arith.constant 0 : i32
    %dma_start3A_358 = tpu.memref_slice %arg2[%dma_start3A_342, %add3A, %dma_start3A_356, %dma_start3A_357] : memref<25x32x8x128xi32, #tpu.memory_space<hbm>> -> memref<1x1x8x128xi32, #tpu.memory_space<hbm>>
    %dma_start3A_359 = tpu.memref_squeeze %dma_start3A_358 : memref<1x1x8x128xi32, #tpu.memory_space<hbm>> -> memref<8x128xi32, #tpu.memory_space<hbm>>
    tpu.enqueue_dma source(%dma_start3A_359 : memref<8x128xi32, #tpu.memory_space<hbm>>) target(%dma_start3A_355 : memref<8x128xi32, #tpu.memory_space<vmem>>) target_semaphore(%arg20 : memref<!tpu.dma_semaphore, #tpu.memory_space<semaphore_mem>>)
    %dma_start3A_360 = arith.constant 20 : i32
    %dma_start3A_361 = arith.constant 20 : i32
    %dma_start3A_362 = arith.constant 0 : i32
    %dma_start3A_363 = arith.constant 0 : i32
    %dma_start3A_364 = tpu.memref_slice %arg6[%dma_start3A_361, %dma_start3A_362, %dma_start3A_363] : memref<25x8x128xi32, #tpu.memory_space<vmem>> -> memref<1x8x128xi32, #tpu.memory_space<vmem>>
    %dma_start3A_365 = tpu.memref_squeeze %dma_start3A_364 : memref<1x8x128xi32, #tpu.memory_space<vmem>> -> memref<8x128xi32, #tpu.memory_space<vmem>>
    %dma_start3A_366 = arith.constant 0 : i32
    %dma_start3A_367 = arith.constant 0 : i32
    %dma_start3A_368 = tpu.memref_slice %arg2[%dma_start3A_360, %add3A, %dma_start3A_366, %dma_start3A_367] : memref<25x32x8x128xi32, #tpu.memory_space<hbm>> -> memref<1x1x8x128xi32, #tpu.memory_space<hbm>>
    %dma_start3A_369 = tpu.memref_squeeze %dma_start3A_368 : memref<1x1x8x128xi32, #tpu.memory_space<hbm>> -> memref<8x128xi32, #tpu.memory_space<hbm>>
    %dma_start3A_370 = arith.constant 0 : i32
    %dma_start3A_371 = arith.constant 0 : i32
    %dma_start3A_372 = tpu.memref_slice %arg6[%dma_start3A_361, %dma_start3A_370, %dma_start3A_371] : memref<25x8x128xi32, #tpu.memory_space<vmem>> -> memref<1x8x128xi32, #tpu.memory_space<vmem>>
    %dma_start3A_373 = tpu.memref_squeeze %dma_start3A_372 : memref<1x8x128xi32, #tpu.memory_space<vmem>> -> memref<8x128xi32, #tpu.memory_space<vmem>>
    %dma_start3A_374 = arith.constant 0 : i32
    %dma_start3A_375 = arith.constant 0 : i32
    %dma_start3A_376 = tpu.memref_slice %arg2[%dma_start3A_360, %add3A, %dma_start3A_374, %dma_start3A_375] : memref<25x32x8x128xi32, #tpu.memory_space<hbm>> -> memref<1x1x8x128xi32, #tpu.memory_space<hbm>>
    %dma_start3A_377 = tpu.memref_squeeze %dma_start3A_376 : memref<1x1x8x128xi32, #tpu.memory_space<hbm>> -> memref<8x128xi32, #tpu.memory_space<hbm>>
    tpu.enqueue_dma source(%dma_start3A_377 : memref<8x128xi32, #tpu.memory_space<hbm>>) target(%dma_start3A_373 : memref<8x128xi32, #tpu.memory_space<vmem>>) target_semaphore(%arg20 : memref<!tpu.dma_semaphore, #tpu.memory_space<semaphore_mem>>)
    %dma_start3A_378 = arith.constant 21 : i32
    %dma_start3A_379 = arith.constant 21 : i32
    %dma_start3A_380 = arith.constant 0 : i32
    %dma_start3A_381 = arith.constant 0 : i32
    %dma_start3A_382 = tpu.memref_slice %arg6[%dma_start3A_379, %dma_start3A_380, %dma_start3A_381] : memref<25x8x128xi32, #tpu.memory_space<vmem>> -> memref<1x8x128xi32, #tpu.memory_space<vmem>>
    %dma_start3A_383 = tpu.memref_squeeze %dma_start3A_382 : memref<1x8x128xi32, #tpu.memory_space<vmem>> -> memref<8x128xi32, #tpu.memory_space<vmem>>
    %dma_start3A_384 = arith.constant 0 : i32
    %dma_start3A_385 = arith.constant 0 : i32
    %dma_start3A_386 = tpu.memref_slice %arg2[%dma_start3A_378, %add3A, %dma_start3A_384, %dma_start3A_385] : memref<25x32x8x128xi32, #tpu.memory_space<hbm>> -> memref<1x1x8x128xi32, #tpu.memory_space<hbm>>
    %dma_start3A_387 = tpu.memref_squeeze %dma_start3A_386 : memref<1x1x8x128xi32, #tpu.memory_space<hbm>> -> memref<8x128xi32, #tpu.memory_space<hbm>>
    %dma_start3A_388 = arith.constant 0 : i32
    %dma_start3A_389 = arith.constant 0 : i32
    %dma_start3A_390 = tpu.memref_slice %arg6[%dma_start3A_379, %dma_start3A_388, %dma_start3A_389] : memref<25x8x128xi32, #tpu.memory_space<vmem>> -> memref<1x8x128xi32, #tpu.memory_space<vmem>>
    %dma_start3A_391 = tpu.memref_squeeze %dma_start3A_390 : memref<1x8x128xi32, #tpu.memory_space<vmem>> -> memref<8x128xi32, #tpu.memory_space<vmem>>
    %dma_start3A_392 = arith.constant 0 : i32
    %dma_start3A_393 = arith.constant 0 : i32
    %dma_start3A_394 = tpu.memref_slice %arg2[%dma_start3A_378, %add3A, %dma_start3A_392, %dma_start3A_393] : memref<25x32x8x128xi32, #tpu.memory_space<hbm>> -> memref<1x1x8x128xi32, #tpu.memory_space<hbm>>
    %dma_start3A_395 = tpu.memref_squeeze %dma_start3A_394 : memref<1x1x8x128xi32, #tpu.memory_space<hbm>> -> memref<8x128xi32, #tpu.memory_space<hbm>>
    tpu.enqueue_dma source(%dma_start3A_395 : memref<8x128xi32, #tpu.memory_space<hbm>>) target(%dma_start3A_391 : memref<8x128xi32, #tpu.memory_space<vmem>>) target_semaphore(%arg20 : memref<!tpu.dma_semaphore, #tpu.memory_space<semaphore_mem>>)
    %dma_start3A_396 = arith.constant 22 : i32
    %dma_start3A_397 = arith.constant 22 : i32
    %dma_start3A_398 = arith.constant 0 : i32
    %dma_start3A_399 = arith.constant 0 : i32
    %dma_start3A_400 = tpu.memref_slice %arg6[%dma_start3A_397, %dma_start3A_398, %dma_start3A_399] : memref<25x8x128xi32, #tpu.memory_space<vmem>> -> memref<1x8x128xi32, #tpu.memory_space<vmem>>
    %dma_start3A_401 = tpu.memref_squeeze %dma_start3A_400 : memref<1x8x128xi32, #tpu.memory_space<vmem>> -> memref<8x128xi32, #tpu.memory_space<vmem>>
    %dma_start3A_402 = arith.constant 0 : i32
    %dma_start3A_403 = arith.constant 0 : i32
    %dma_start3A_404 = tpu.memref_slice %arg2[%dma_start3A_396, %add3A, %dma_start3A_402, %dma_start3A_403] : memref<25x32x8x128xi32, #tpu.memory_space<hbm>> -> memref<1x1x8x128xi32, #tpu.memory_space<hbm>>
    %dma_start3A_405 = tpu.memref_squeeze %dma_start3A_404 : memref<1x1x8x128xi32, #tpu.memory_space<hbm>> -> memref<8x128xi32, #tpu.memory_space<hbm>>
    %dma_start3A_406 = arith.constant 0 : i32
    %dma_start3A_407 = arith.constant 0 : i32
    %dma_start3A_408 = tpu.memref_slice %arg6[%dma_start3A_397, %dma_start3A_406, %dma_start3A_407] : memref<25x8x128xi32, #tpu.memory_space<vmem>> -> memref<1x8x128xi32, #tpu.memory_space<vmem>>
    %dma_start3A_409 = tpu.memref_squeeze %dma_start3A_408 : memref<1x8x128xi32, #tpu.memory_space<vmem>> -> memref<8x128xi32, #tpu.memory_space<vmem>>
    %dma_start3A_410 = arith.constant 0 : i32
    %dma_start3A_411 = arith.constant 0 : i32
    %dma_start3A_412 = tpu.memref_slice %arg2[%dma_start3A_396, %add3A, %dma_start3A_410, %dma_start3A_411] : memref<25x32x8x128xi32, #tpu.memory_space<hbm>> -> memref<1x1x8x128xi32, #tpu.memory_space<hbm>>
    %dma_start3A_413 = tpu.memref_squeeze %dma_start3A_412 : memref<1x1x8x128xi32, #tpu.memory_space<hbm>> -> memref<8x128xi32, #tpu.memory_space<hbm>>
    tpu.enqueue_dma source(%dma_start3A_413 : memref<8x128xi32, #tpu.memory_space<hbm>>) target(%dma_start3A_409 : memref<8x128xi32, #tpu.memory_space<vmem>>) target_semaphore(%arg20 : memref<!tpu.dma_semaphore, #tpu.memory_space<semaphore_mem>>)
    %dma_start3A_414 = arith.constant 23 : i32
    %dma_start3A_415 = arith.constant 23 : i32
    %dma_start3A_416 = arith.constant 0 : i32
    %dma_start3A_417 = arith.constant 0 : i32
    %dma_start3A_418 = tpu.memref_slice %arg6[%dma_start3A_415, %dma_start3A_416, %dma_start3A_417] : memref<25x8x128xi32, #tpu.memory_space<vmem>> -> memref<1x8x128xi32, #tpu.memory_space<vmem>>
    %dma_start3A_419 = tpu.memref_squeeze %dma_start3A_418 : memref<1x8x128xi32, #tpu.memory_space<vmem>> -> memref<8x128xi32, #tpu.memory_space<vmem>>
    %dma_start3A_420 = arith.constant 0 : i32
    %dma_start3A_421 = arith.constant 0 : i32
    %dma_start3A_422 = tpu.memref_slice %arg2[%dma_start3A_414, %add3A, %dma_start3A_420, %dma_start3A_421] : memref<25x32x8x128xi32, #tpu.memory_space<hbm>> -> memref<1x1x8x128xi32, #tpu.memory_space<hbm>>
    %dma_start3A_423 = tpu.memref_squeeze %dma_start3A_422 : memref<1x1x8x128xi32, #tpu.memory_space<hbm>> -> memref<8x128xi32, #tpu.memory_space<hbm>>
    %dma_start3A_424 = arith.constant 0 : i32
    %dma_start3A_425 = arith.constant 0 : i32
    %dma_start3A_426 = tpu.memref_slice %arg6[%dma_start3A_415, %dma_start3A_424, %dma_start3A_425] : memref<25x8x128xi32, #tpu.memory_space<vmem>> -> memref<1x8x128xi32, #tpu.memory_space<vmem>>
    %dma_start3A_427 = tpu.memref_squeeze %dma_start3A_426 : memref<1x8x128xi32, #tpu.memory_space<vmem>> -> memref<8x128xi32, #tpu.memory_space<vmem>>
    %dma_start3A_428 = arith.constant 0 : i32
    %dma_start3A_429 = arith.constant 0 : i32
    %dma_start3A_430 = tpu.memref_slice %arg2[%dma_start3A_414, %add3A, %dma_start3A_428, %dma_start3A_429] : memref<25x32x8x128xi32, #tpu.memory_space<hbm>> -> memref<1x1x8x128xi32, #tpu.memory_space<hbm>>
    %dma_start3A_431 = tpu.memref_squeeze %dma_start3A_430 : memref<1x1x8x128xi32, #tpu.memory_space<hbm>> -> memref<8x128xi32, #tpu.memory_space<hbm>>
    tpu.enqueue_dma source(%dma_start3A_431 : memref<8x128xi32, #tpu.memory_space<hbm>>) target(%dma_start3A_427 : memref<8x128xi32, #tpu.memory_space<vmem>>) target_semaphore(%arg20 : memref<!tpu.dma_semaphore, #tpu.memory_space<semaphore_mem>>)
    %dma_start3A_432 = arith.constant 24 : i32
    %dma_start3A_433 = arith.constant 24 : i32
    %dma_start3A_434 = arith.constant 0 : i32
    %dma_start3A_435 = arith.constant 0 : i32
    %dma_start3A_436 = tpu.memref_slice %arg6[%dma_start3A_433, %dma_start3A_434, %dma_start3A_435] : memref<25x8x128xi32, #tpu.memory_space<vmem>> -> memref<1x8x128xi32, #tpu.memory_space<vmem>>
    %dma_start3A_437 = tpu.memref_squeeze %dma_start3A_436 : memref<1x8x128xi32, #tpu.memory_space<vmem>> -> memref<8x128xi32, #tpu.memory_space<vmem>>
    %dma_start3A_438 = arith.constant 0 : i32
    %dma_start3A_439 = arith.constant 0 : i32
    %dma_start3A_440 = tpu.memref_slice %arg2[%dma_start3A_432, %add3A, %dma_start3A_438, %dma_start3A_439] : memref<25x32x8x128xi32, #tpu.memory_space<hbm>> -> memref<1x1x8x128xi32, #tpu.memory_space<hbm>>
    %dma_start3A_441 = tpu.memref_squeeze %dma_start3A_440 : memref<1x1x8x128xi32, #tpu.memory_space<hbm>> -> memref<8x128xi32, #tpu.memory_space<hbm>>
    %dma_start3A_442 = arith.constant 0 : i32
    %dma_start3A_443 = arith.constant 0 : i32
    %dma_start3A_444 = tpu.memref_slice %arg6[%dma_start3A_433, %dma_start3A_442, %dma_start3A_443] : memref<25x8x128xi32, #tpu.memory_space<vmem>> -> memref<1x8x128xi32, #tpu.memory_space<vmem>>
    %dma_start3A_445 = tpu.memref_squeeze %dma_start3A_444 : memref<1x8x128xi32, #tpu.memory_space<vmem>> -> memref<8x128xi32, #tpu.memory_space<vmem>>
    %dma_start3A_446 = arith.constant 0 : i32
    %dma_start3A_447 = arith.constant 0 : i32
    %dma_start3A_448 = tpu.memref_slice %arg2[%dma_start3A_432, %add3A, %dma_start3A_446, %dma_start3A_447] : memref<25x32x8x128xi32, #tpu.memory_space<hbm>> -> memref<1x1x8x128xi32, #tpu.memory_space<hbm>>
    %dma_start3A_449 = tpu.memref_squeeze %dma_start3A_448 : memref<1x1x8x128xi32, #tpu.memory_space<hbm>> -> memref<8x128xi32, #tpu.memory_space<hbm>>
    tpu.enqueue_dma source(%dma_start3A_449 : memref<8x128xi32, #tpu.memory_space<hbm>>) target(%dma_start3A_445 : memref<8x128xi32, #tpu.memory_space<vmem>>) target_semaphore(%arg20 : memref<!tpu.dma_semaphore, #tpu.memory_space<semaphore_mem>>)
    "tpu.region"() ({
      %run_scoped3A = tpu.sem_alloc : memref<!tpu.dma_semaphore, #tpu.memory_space<semaphore_mem>>
      tpu.enqueue_dma source(%arg4 : memref<200x32xf32, #tpu.memory_space<hbm>>) target(%arg19 : memref<200x32xf32, #tpu.memory_space<vmem>>) target_semaphore(%run_scoped3A : memref<!tpu.dma_semaphore, #tpu.memory_space<semaphore_mem>>)
      tpu.wait_dma2 semaphore(%run_scoped3A : memref<!tpu.dma_semaphore, #tpu.memory_space<semaphore_mem>>) src(%arg4 : memref<200x32xf32, #tpu.memory_space<hbm>>) dst(%arg19 : memref<200x32xf32, #tpu.memory_space<vmem>>)
      tpu.yield
    }) : () -> ()
    %dma_wait3A = arith.constant 0 : i32
    %dma_wait3A_450 = arith.constant 0 : i32
    %dma_wait3A_451 = arith.constant 0 : i32
    %dma_wait3A_452 = arith.constant 0 : i32
    %dma_wait3A_453 = tpu.memref_slice %arg6[%dma_wait3A_450, %dma_wait3A_451, %dma_wait3A_452] : memref<25x8x128xi32, #tpu.memory_space<vmem>> -> memref<1x8x128xi32, #tpu.memory_space<vmem>>
    %dma_wait3A_454 = tpu.memref_squeeze %dma_wait3A_453 : memref<1x8x128xi32, #tpu.memory_space<vmem>> -> memref<8x128xi32, #tpu.memory_space<vmem>>
    %dma_wait3A_455 = arith.constant 0 : i32
    %dma_wait3A_456 = arith.constant 0 : i32
    %dma_wait3A_457 = tpu.memref_slice %arg2[%dma_wait3A, %add3A, %dma_wait3A_455, %dma_wait3A_456] : memref<25x32x8x128xi32, #tpu.memory_space<hbm>> -> memref<1x1x8x128xi32, #tpu.memory_space<hbm>>
    %dma_wait3A_458 = tpu.memref_squeeze %dma_wait3A_457 : memref<1x1x8x128xi32, #tpu.memory_space<hbm>> -> memref<8x128xi32, #tpu.memory_space<hbm>>
    %dma_wait3A_459 = arith.constant 0 : i32
    %dma_wait3A_460 = arith.constant 0 : i32
    %dma_wait3A_461 = tpu.memref_slice %arg6[%dma_wait3A_450, %dma_wait3A_459, %dma_wait3A_460] : memref<25x8x128xi32, #tpu.memory_space<vmem>> -> memref<1x8x128xi32, #tpu.memory_space<vmem>>
    %dma_wait3A_462 = tpu.memref_squeeze %dma_wait3A_461 : memref<1x8x128xi32, #tpu.memory_space<vmem>> -> memref<8x128xi32, #tpu.memory_space<vmem>>
    %dma_wait3A_463 = arith.constant 0 : i32
    %dma_wait3A_464 = arith.constant 0 : i32
    %dma_wait3A_465 = tpu.memref_slice %arg2[%dma_wait3A, %add3A, %dma_wait3A_463, %dma_wait3A_464] : memref<25x32x8x128xi32, #tpu.memory_space<hbm>> -> memref<1x1x8x128xi32, #tpu.memory_space<hbm>>
    %dma_wait3A_466 = tpu.memref_squeeze %dma_wait3A_465 : memref<1x1x8x128xi32, #tpu.memory_space<hbm>> -> memref<8x128xi32, #tpu.memory_space<hbm>>
    tpu.wait_dma2 semaphore(%arg20 : memref<!tpu.dma_semaphore, #tpu.memory_space<semaphore_mem>>) src(%dma_wait3A_466 : memref<8x128xi32, #tpu.memory_space<hbm>>) dst(%dma_wait3A_462 : memref<8x128xi32, #tpu.memory_space<vmem>>)
    %dma_wait3A_467 = arith.constant 1 : i32
    %dma_wait3A_468 = arith.constant 1 : i32
    %dma_wait3A_469 = arith.constant 0 : i32
    %dma_wait3A_470 = arith.constant 0 : i32
    %dma_wait3A_471 = tpu.memref_slice %arg6[%dma_wait3A_468, %dma_wait3A_469, %dma_wait3A_470] : memref<25x8x128xi32, #tpu.memory_space<vmem>> -> memref<1x8x128xi32, #tpu.memory_space<vmem>>
    %dma_wait3A_472 = tpu.memref_squeeze %dma_wait3A_471 : memref<1x8x128xi32, #tpu.memory_space<vmem>> -> memref<8x128xi32, #tpu.memory_space<vmem>>
    %dma_wait3A_473 = arith.constant 0 : i32
    %dma_wait3A_474 = arith.constant 0 : i32
    %dma_wait3A_475 = tpu.memref_slice %arg2[%dma_wait3A_467, %add3A, %dma_wait3A_473, %dma_wait3A_474] : memref<25x32x8x128xi32, #tpu.memory_space<hbm>> -> memref<1x1x8x128xi32, #tpu.memory_space<hbm>>
    %dma_wait3A_476 = tpu.memref_squeeze %dma_wait3A_475 : memref<1x1x8x128xi32, #tpu.memory_space<hbm>> -> memref<8x128xi32, #tpu.memory_space<hbm>>
    %dma_wait3A_477 = arith.constant 0 : i32
    %dma_wait3A_478 = arith.constant 0 : i32
    %dma_wait3A_479 = tpu.memref_slice %arg6[%dma_wait3A_468, %dma_wait3A_477, %dma_wait3A_478] : memref<25x8x128xi32, #tpu.memory_space<vmem>> -> memref<1x8x128xi32, #tpu.memory_space<vmem>>
    %dma_wait3A_480 = tpu.memref_squeeze %dma_wait3A_479 : memref<1x8x128xi32, #tpu.memory_space<vmem>> -> memref<8x128xi32, #tpu.memory_space<vmem>>
    %dma_wait3A_481 = arith.constant 0 : i32
    %dma_wait3A_482 = arith.constant 0 : i32
    %dma_wait3A_483 = tpu.memref_slice %arg2[%dma_wait3A_467, %add3A, %dma_wait3A_481, %dma_wait3A_482] : memref<25x32x8x128xi32, #tpu.memory_space<hbm>> -> memref<1x1x8x128xi32, #tpu.memory_space<hbm>>
    %dma_wait3A_484 = tpu.memref_squeeze %dma_wait3A_483 : memref<1x1x8x128xi32, #tpu.memory_space<hbm>> -> memref<8x128xi32, #tpu.memory_space<hbm>>
    tpu.wait_dma2 semaphore(%arg20 : memref<!tpu.dma_semaphore, #tpu.memory_space<semaphore_mem>>) src(%dma_wait3A_484 : memref<8x128xi32, #tpu.memory_space<hbm>>) dst(%dma_wait3A_480 : memref<8x128xi32, #tpu.memory_space<vmem>>)
    %dma_wait3A_485 = arith.constant 2 : i32
    %dma_wait3A_486 = arith.constant 2 : i32
    %dma_wait3A_487 = arith.constant 0 : i32
    %dma_wait3A_488 = arith.constant 0 : i32
    %dma_wait3A_489 = tpu.memref_slice %arg6[%dma_wait3A_486, %dma_wait3A_487, %dma_wait3A_488] : memref<25x8x128xi32, #tpu.memory_space<vmem>> -> memref<1x8x128xi32, #tpu.memory_space<vmem>>
    %dma_wait3A_490 = tpu.memref_squeeze %dma_wait3A_489 : memref<1x8x128xi32, #tpu.memory_space<vmem>> -> memref<8x128xi32, #tpu.memory_space<vmem>>
    %dma_wait3A_491 = arith.constant 0 : i32
    %dma_wait3A_492 = arith.constant 0 : i32
    %dma_wait3A_493 = tpu.memref_slice %arg2[%dma_wait3A_485, %add3A, %dma_wait3A_491, %dma_wait3A_492] : memref<25x32x8x128xi32, #tpu.memory_space<hbm>> -> memref<1x1x8x128xi32, #tpu.memory_space<hbm>>
    %dma_wait3A_494 = tpu.memref_squeeze %dma_wait3A_493 : memref<1x1x8x128xi32, #tpu.memory_space<hbm>> -> memref<8x128xi32, #tpu.memory_space<hbm>>
    %dma_wait3A_495 = arith.constant 0 : i32
    %dma_wait3A_496 = arith.constant 0 : i32
    %dma_wait3A_497 = tpu.memref_slice %arg6[%dma_wait3A_486, %dma_wait3A_495, %dma_wait3A_496] : memref<25x8x128xi32, #tpu.memory_space<vmem>> -> memref<1x8x128xi32, #tpu.memory_space<vmem>>
    %dma_wait3A_498 = tpu.memref_squeeze %dma_wait3A_497 : memref<1x8x128xi32, #tpu.memory_space<vmem>> -> memref<8x128xi32, #tpu.memory_space<vmem>>
    %dma_wait3A_499 = arith.constant 0 : i32
    %dma_wait3A_500 = arith.constant 0 : i32
    %dma_wait3A_501 = tpu.memref_slice %arg2[%dma_wait3A_485, %add3A, %dma_wait3A_499, %dma_wait3A_500] : memref<25x32x8x128xi32, #tpu.memory_space<hbm>> -> memref<1x1x8x128xi32, #tpu.memory_space<hbm>>
    %dma_wait3A_502 = tpu.memref_squeeze %dma_wait3A_501 : memref<1x1x8x128xi32, #tpu.memory_space<hbm>> -> memref<8x128xi32, #tpu.memory_space<hbm>>
    tpu.wait_dma2 semaphore(%arg20 : memref<!tpu.dma_semaphore, #tpu.memory_space<semaphore_mem>>) src(%dma_wait3A_502 : memref<8x128xi32, #tpu.memory_space<hbm>>) dst(%dma_wait3A_498 : memref<8x128xi32, #tpu.memory_space<vmem>>)
    %dma_wait3A_503 = arith.constant 3 : i32
    %dma_wait3A_504 = arith.constant 3 : i32
    %dma_wait3A_505 = arith.constant 0 : i32
    %dma_wait3A_506 = arith.constant 0 : i32
    %dma_wait3A_507 = tpu.memref_slice %arg6[%dma_wait3A_504, %dma_wait3A_505, %dma_wait3A_506] : memref<25x8x128xi32, #tpu.memory_space<vmem>> -> memref<1x8x128xi32, #tpu.memory_space<vmem>>
    %dma_wait3A_508 = tpu.memref_squeeze %dma_wait3A_507 : memref<1x8x128xi32, #tpu.memory_space<vmem>> -> memref<8x128xi32, #tpu.memory_space<vmem>>
    %dma_wait3A_509 = arith.constant 0 : i32
    %dma_wait3A_510 = arith.constant 0 : i32
    %dma_wait3A_511 = tpu.memref_slice %arg2[%dma_wait3A_503, %add3A, %dma_wait3A_509, %dma_wait3A_510] : memref<25x32x8x128xi32, #tpu.memory_space<hbm>> -> memref<1x1x8x128xi32, #tpu.memory_space<hbm>>
    %dma_wait3A_512 = tpu.memref_squeeze %dma_wait3A_511 : memref<1x1x8x128xi32, #tpu.memory_space<hbm>> -> memref<8x128xi32, #tpu.memory_space<hbm>>
    %dma_wait3A_513 = arith.constant 0 : i32
    %dma_wait3A_514 = arith.constant 0 : i32
    %dma_wait3A_515 = tpu.memref_slice %arg6[%dma_wait3A_504, %dma_wait3A_513, %dma_wait3A_514] : memref<25x8x128xi32, #tpu.memory_space<vmem>> -> memref<1x8x128xi32, #tpu.memory_space<vmem>>
    %dma_wait3A_516 = tpu.memref_squeeze %dma_wait3A_515 : memref<1x8x128xi32, #tpu.memory_space<vmem>> -> memref<8x128xi32, #tpu.memory_space<vmem>>
    %dma_wait3A_517 = arith.constant 0 : i32
    %dma_wait3A_518 = arith.constant 0 : i32
    %dma_wait3A_519 = tpu.memref_slice %arg2[%dma_wait3A_503, %add3A, %dma_wait3A_517, %dma_wait3A_518] : memref<25x32x8x128xi32, #tpu.memory_space<hbm>> -> memref<1x1x8x128xi32, #tpu.memory_space<hbm>>
    %dma_wait3A_520 = tpu.memref_squeeze %dma_wait3A_519 : memref<1x1x8x128xi32, #tpu.memory_space<hbm>> -> memref<8x128xi32, #tpu.memory_space<hbm>>
    tpu.wait_dma2 semaphore(%arg20 : memref<!tpu.dma_semaphore, #tpu.memory_space<semaphore_mem>>) src(%dma_wait3A_520 : memref<8x128xi32, #tpu.memory_space<hbm>>) dst(%dma_wait3A_516 : memref<8x128xi32, #tpu.memory_space<vmem>>)
    %dma_wait3A_521 = arith.constant 4 : i32
    %dma_wait3A_522 = arith.constant 4 : i32
    %dma_wait3A_523 = arith.constant 0 : i32
    %dma_wait3A_524 = arith.constant 0 : i32
    %dma_wait3A_525 = tpu.memref_slice %arg6[%dma_wait3A_522, %dma_wait3A_523, %dma_wait3A_524] : memref<25x8x128xi32, #tpu.memory_space<vmem>> -> memref<1x8x128xi32, #tpu.memory_space<vmem>>
    %dma_wait3A_526 = tpu.memref_squeeze %dma_wait3A_525 : memref<1x8x128xi32, #tpu.memory_space<vmem>> -> memref<8x128xi32, #tpu.memory_space<vmem>>
    %dma_wait3A_527 = arith.constant 0 : i32
    %dma_wait3A_528 = arith.constant 0 : i32
    %dma_wait3A_529 = tpu.memref_slice %arg2[%dma_wait3A_521, %add3A, %dma_wait3A_527, %dma_wait3A_528] : memref<25x32x8x128xi32, #tpu.memory_space<hbm>> -> memref<1x1x8x128xi32, #tpu.memory_space<hbm>>
    %dma_wait3A_530 = tpu.memref_squeeze %dma_wait3A_529 : memref<1x1x8x128xi32, #tpu.memory_space<hbm>> -> memref<8x128xi32, #tpu.memory_space<hbm>>
    %dma_wait3A_531 = arith.constant 0 : i32
    %dma_wait3A_532 = arith.constant 0 : i32
    %dma_wait3A_533 = tpu.memref_slice %arg6[%dma_wait3A_522, %dma_wait3A_531, %dma_wait3A_532] : memref<25x8x128xi32, #tpu.memory_space<vmem>> -> memref<1x8x128xi32, #tpu.memory_space<vmem>>
    %dma_wait3A_534 = tpu.memref_squeeze %dma_wait3A_533 : memref<1x8x128xi32, #tpu.memory_space<vmem>> -> memref<8x128xi32, #tpu.memory_space<vmem>>
    %dma_wait3A_535 = arith.constant 0 : i32
    %dma_wait3A_536 = arith.constant 0 : i32
    %dma_wait3A_537 = tpu.memref_slice %arg2[%dma_wait3A_521, %add3A, %dma_wait3A_535, %dma_wait3A_536] : memref<25x32x8x128xi32, #tpu.memory_space<hbm>> -> memref<1x1x8x128xi32, #tpu.memory_space<hbm>>
    %dma_wait3A_538 = tpu.memref_squeeze %dma_wait3A_537 : memref<1x1x8x128xi32, #tpu.memory_space<hbm>> -> memref<8x128xi32, #tpu.memory_space<hbm>>
    tpu.wait_dma2 semaphore(%arg20 : memref<!tpu.dma_semaphore, #tpu.memory_space<semaphore_mem>>) src(%dma_wait3A_538 : memref<8x128xi32, #tpu.memory_space<hbm>>) dst(%dma_wait3A_534 : memref<8x128xi32, #tpu.memory_space<vmem>>)
    %dma_wait3A_539 = arith.constant 5 : i32
    %dma_wait3A_540 = arith.constant 5 : i32
    %dma_wait3A_541 = arith.constant 0 : i32
    %dma_wait3A_542 = arith.constant 0 : i32
    %dma_wait3A_543 = tpu.memref_slice %arg6[%dma_wait3A_540, %dma_wait3A_541, %dma_wait3A_542] : memref<25x8x128xi32, #tpu.memory_space<vmem>> -> memref<1x8x128xi32, #tpu.memory_space<vmem>>
    %dma_wait3A_544 = tpu.memref_squeeze %dma_wait3A_543 : memref<1x8x128xi32, #tpu.memory_space<vmem>> -> memref<8x128xi32, #tpu.memory_space<vmem>>
    %dma_wait3A_545 = arith.constant 0 : i32
    %dma_wait3A_546 = arith.constant 0 : i32
    %dma_wait3A_547 = tpu.memref_slice %arg2[%dma_wait3A_539, %add3A, %dma_wait3A_545, %dma_wait3A_546] : memref<25x32x8x128xi32, #tpu.memory_space<hbm>> -> memref<1x1x8x128xi32, #tpu.memory_space<hbm>>
    %dma_wait3A_548 = tpu.memref_squeeze %dma_wait3A_547 : memref<1x1x8x128xi32, #tpu.memory_space<hbm>> -> memref<8x128xi32, #tpu.memory_space<hbm>>
    %dma_wait3A_549 = arith.constant 0 : i32
    %dma_wait3A_550 = arith.constant 0 : i32
    %dma_wait3A_551 = tpu.memref_slice %arg6[%dma_wait3A_540, %dma_wait3A_549, %dma_wait3A_550] : memref<25x8x128xi32, #tpu.memory_space<vmem>> -> memref<1x8x128xi32, #tpu.memory_space<vmem>>
    %dma_wait3A_552 = tpu.memref_squeeze %dma_wait3A_551 : memref<1x8x128xi32, #tpu.memory_space<vmem>> -> memref<8x128xi32, #tpu.memory_space<vmem>>
    %dma_wait3A_553 = arith.constant 0 : i32
    %dma_wait3A_554 = arith.constant 0 : i32
    %dma_wait3A_555 = tpu.memref_slice %arg2[%dma_wait3A_539, %add3A, %dma_wait3A_553, %dma_wait3A_554] : memref<25x32x8x128xi32, #tpu.memory_space<hbm>> -> memref<1x1x8x128xi32, #tpu.memory_space<hbm>>
    %dma_wait3A_556 = tpu.memref_squeeze %dma_wait3A_555 : memref<1x1x8x128xi32, #tpu.memory_space<hbm>> -> memref<8x128xi32, #tpu.memory_space<hbm>>
    tpu.wait_dma2 semaphore(%arg20 : memref<!tpu.dma_semaphore, #tpu.memory_space<semaphore_mem>>) src(%dma_wait3A_556 : memref<8x128xi32, #tpu.memory_space<hbm>>) dst(%dma_wait3A_552 : memref<8x128xi32, #tpu.memory_space<vmem>>)
    %dma_wait3A_557 = arith.constant 6 : i32
    %dma_wait3A_558 = arith.constant 6 : i32
    %dma_wait3A_559 = arith.constant 0 : i32
    %dma_wait3A_560 = arith.constant 0 : i32
    %dma_wait3A_561 = tpu.memref_slice %arg6[%dma_wait3A_558, %dma_wait3A_559, %dma_wait3A_560] : memref<25x8x128xi32, #tpu.memory_space<vmem>> -> memref<1x8x128xi32, #tpu.memory_space<vmem>>
    %dma_wait3A_562 = tpu.memref_squeeze %dma_wait3A_561 : memref<1x8x128xi32, #tpu.memory_space<vmem>> -> memref<8x128xi32, #tpu.memory_space<vmem>>
    %dma_wait3A_563 = arith.constant 0 : i32
    %dma_wait3A_564 = arith.constant 0 : i32
    %dma_wait3A_565 = tpu.memref_slice %arg2[%dma_wait3A_557, %add3A, %dma_wait3A_563, %dma_wait3A_564] : memref<25x32x8x128xi32, #tpu.memory_space<hbm>> -> memref<1x1x8x128xi32, #tpu.memory_space<hbm>>
    %dma_wait3A_566 = tpu.memref_squeeze %dma_wait3A_565 : memref<1x1x8x128xi32, #tpu.memory_space<hbm>> -> memref<8x128xi32, #tpu.memory_space<hbm>>
    %dma_wait3A_567 = arith.constant 0 : i32
    %dma_wait3A_568 = arith.constant 0 : i32
    %dma_wait3A_569 = tpu.memref_slice %arg6[%dma_wait3A_558, %dma_wait3A_567, %dma_wait3A_568] : memref<25x8x128xi32, #tpu.memory_space<vmem>> -> memref<1x8x128xi32, #tpu.memory_space<vmem>>
    %dma_wait3A_570 = tpu.memref_squeeze %dma_wait3A_569 : memref<1x8x128xi32, #tpu.memory_space<vmem>> -> memref<8x128xi32, #tpu.memory_space<vmem>>
    %dma_wait3A_571 = arith.constant 0 : i32
    %dma_wait3A_572 = arith.constant 0 : i32
    %dma_wait3A_573 = tpu.memref_slice %arg2[%dma_wait3A_557, %add3A, %dma_wait3A_571, %dma_wait3A_572] : memref<25x32x8x128xi32, #tpu.memory_space<hbm>> -> memref<1x1x8x128xi32, #tpu.memory_space<hbm>>
    %dma_wait3A_574 = tpu.memref_squeeze %dma_wait3A_573 : memref<1x1x8x128xi32, #tpu.memory_space<hbm>> -> memref<8x128xi32, #tpu.memory_space<hbm>>
    tpu.wait_dma2 semaphore(%arg20 : memref<!tpu.dma_semaphore, #tpu.memory_space<semaphore_mem>>) src(%dma_wait3A_574 : memref<8x128xi32, #tpu.memory_space<hbm>>) dst(%dma_wait3A_570 : memref<8x128xi32, #tpu.memory_space<vmem>>)
    %dma_wait3A_575 = arith.constant 7 : i32
    %dma_wait3A_576 = arith.constant 7 : i32
    %dma_wait3A_577 = arith.constant 0 : i32
    %dma_wait3A_578 = arith.constant 0 : i32
    %dma_wait3A_579 = tpu.memref_slice %arg6[%dma_wait3A_576, %dma_wait3A_577, %dma_wait3A_578] : memref<25x8x128xi32, #tpu.memory_space<vmem>> -> memref<1x8x128xi32, #tpu.memory_space<vmem>>
    %dma_wait3A_580 = tpu.memref_squeeze %dma_wait3A_579 : memref<1x8x128xi32, #tpu.memory_space<vmem>> -> memref<8x128xi32, #tpu.memory_space<vmem>>
    %dma_wait3A_581 = arith.constant 0 : i32
    %dma_wait3A_582 = arith.constant 0 : i32
    %dma_wait3A_583 = tpu.memref_slice %arg2[%dma_wait3A_575, %add3A, %dma_wait3A_581, %dma_wait3A_582] : memref<25x32x8x128xi32, #tpu.memory_space<hbm>> -> memref<1x1x8x128xi32, #tpu.memory_space<hbm>>
    %dma_wait3A_584 = tpu.memref_squeeze %dma_wait3A_583 : memref<1x1x8x128xi32, #tpu.memory_space<hbm>> -> memref<8x128xi32, #tpu.memory_space<hbm>>
    %dma_wait3A_585 = arith.constant 0 : i32
    %dma_wait3A_586 = arith.constant 0 : i32
    %dma_wait3A_587 = tpu.memref_slice %arg6[%dma_wait3A_576, %dma_wait3A_585, %dma_wait3A_586] : memref<25x8x128xi32, #tpu.memory_space<vmem>> -> memref<1x8x128xi32, #tpu.memory_space<vmem>>
    %dma_wait3A_588 = tpu.memref_squeeze %dma_wait3A_587 : memref<1x8x128xi32, #tpu.memory_space<vmem>> -> memref<8x128xi32, #tpu.memory_space<vmem>>
    %dma_wait3A_589 = arith.constant 0 : i32
    %dma_wait3A_590 = arith.constant 0 : i32
    %dma_wait3A_591 = tpu.memref_slice %arg2[%dma_wait3A_575, %add3A, %dma_wait3A_589, %dma_wait3A_590] : memref<25x32x8x128xi32, #tpu.memory_space<hbm>> -> memref<1x1x8x128xi32, #tpu.memory_space<hbm>>
    %dma_wait3A_592 = tpu.memref_squeeze %dma_wait3A_591 : memref<1x1x8x128xi32, #tpu.memory_space<hbm>> -> memref<8x128xi32, #tpu.memory_space<hbm>>
    tpu.wait_dma2 semaphore(%arg20 : memref<!tpu.dma_semaphore, #tpu.memory_space<semaphore_mem>>) src(%dma_wait3A_592 : memref<8x128xi32, #tpu.memory_space<hbm>>) dst(%dma_wait3A_588 : memref<8x128xi32, #tpu.memory_space<vmem>>)
    %dma_wait3A_593 = arith.constant 8 : i32
    %dma_wait3A_594 = arith.constant 8 : i32
    %dma_wait3A_595 = arith.constant 0 : i32
    %dma_wait3A_596 = arith.constant 0 : i32
    %dma_wait3A_597 = tpu.memref_slice %arg6[%dma_wait3A_594, %dma_wait3A_595, %dma_wait3A_596] : memref<25x8x128xi32, #tpu.memory_space<vmem>> -> memref<1x8x128xi32, #tpu.memory_space<vmem>>
    %dma_wait3A_598 = tpu.memref_squeeze %dma_wait3A_597 : memref<1x8x128xi32, #tpu.memory_space<vmem>> -> memref<8x128xi32, #tpu.memory_space<vmem>>
    %dma_wait3A_599 = arith.constant 0 : i32
    %dma_wait3A_600 = arith.constant 0 : i32
    %dma_wait3A_601 = tpu.memref_slice %arg2[%dma_wait3A_593, %add3A, %dma_wait3A_599, %dma_wait3A_600] : memref<25x32x8x128xi32, #tpu.memory_space<hbm>> -> memref<1x1x8x128xi32, #tpu.memory_space<hbm>>
    %dma_wait3A_602 = tpu.memref_squeeze %dma_wait3A_601 : memref<1x1x8x128xi32, #tpu.memory_space<hbm>> -> memref<8x128xi32, #tpu.memory_space<hbm>>
    %dma_wait3A_603 = arith.constant 0 : i32
    %dma_wait3A_604 = arith.constant 0 : i32
    %dma_wait3A_605 = tpu.memref_slice %arg6[%dma_wait3A_594, %dma_wait3A_603, %dma_wait3A_604] : memref<25x8x128xi32, #tpu.memory_space<vmem>> -> memref<1x8x128xi32, #tpu.memory_space<vmem>>
    %dma_wait3A_606 = tpu.memref_squeeze %dma_wait3A_605 : memref<1x8x128xi32, #tpu.memory_space<vmem>> -> memref<8x128xi32, #tpu.memory_space<vmem>>
    %dma_wait3A_607 = arith.constant 0 : i32
    %dma_wait3A_608 = arith.constant 0 : i32
    %dma_wait3A_609 = tpu.memref_slice %arg2[%dma_wait3A_593, %add3A, %dma_wait3A_607, %dma_wait3A_608] : memref<25x32x8x128xi32, #tpu.memory_space<hbm>> -> memref<1x1x8x128xi32, #tpu.memory_space<hbm>>
    %dma_wait3A_610 = tpu.memref_squeeze %dma_wait3A_609 : memref<1x1x8x128xi32, #tpu.memory_space<hbm>> -> memref<8x128xi32, #tpu.memory_space<hbm>>
    tpu.wait_dma2 semaphore(%arg20 : memref<!tpu.dma_semaphore, #tpu.memory_space<semaphore_mem>>) src(%dma_wait3A_610 : memref<8x128xi32, #tpu.memory_space<hbm>>) dst(%dma_wait3A_606 : memref<8x128xi32, #tpu.memory_space<vmem>>)
    %dma_wait3A_611 = arith.constant 9 : i32
    %dma_wait3A_612 = arith.constant 9 : i32
    %dma_wait3A_613 = arith.constant 0 : i32
    %dma_wait3A_614 = arith.constant 0 : i32
    %dma_wait3A_615 = tpu.memref_slice %arg6[%dma_wait3A_612, %dma_wait3A_613, %dma_wait3A_614] : memref<25x8x128xi32, #tpu.memory_space<vmem>> -> memref<1x8x128xi32, #tpu.memory_space<vmem>>
    %dma_wait3A_616 = tpu.memref_squeeze %dma_wait3A_615 : memref<1x8x128xi32, #tpu.memory_space<vmem>> -> memref<8x128xi32, #tpu.memory_space<vmem>>
    %dma_wait3A_617 = arith.constant 0 : i32
    %dma_wait3A_618 = arith.constant 0 : i32
    %dma_wait3A_619 = tpu.memref_slice %arg2[%dma_wait3A_611, %add3A, %dma_wait3A_617, %dma_wait3A_618] : memref<25x32x8x128xi32, #tpu.memory_space<hbm>> -> memref<1x1x8x128xi32, #tpu.memory_space<hbm>>
    %dma_wait3A_620 = tpu.memref_squeeze %dma_wait3A_619 : memref<1x1x8x128xi32, #tpu.memory_space<hbm>> -> memref<8x128xi32, #tpu.memory_space<hbm>>
    %dma_wait3A_621 = arith.constant 0 : i32
    %dma_wait3A_622 = arith.constant 0 : i32
    %dma_wait3A_623 = tpu.memref_slice %arg6[%dma_wait3A_612, %dma_wait3A_621, %dma_wait3A_622] : memref<25x8x128xi32, #tpu.memory_space<vmem>> -> memref<1x8x128xi32, #tpu.memory_space<vmem>>
    %dma_wait3A_624 = tpu.memref_squeeze %dma_wait3A_623 : memref<1x8x128xi32, #tpu.memory_space<vmem>> -> memref<8x128xi32, #tpu.memory_space<vmem>>
    %dma_wait3A_625 = arith.constant 0 : i32
    %dma_wait3A_626 = arith.constant 0 : i32
    %dma_wait3A_627 = tpu.memref_slice %arg2[%dma_wait3A_611, %add3A, %dma_wait3A_625, %dma_wait3A_626] : memref<25x32x8x128xi32, #tpu.memory_space<hbm>> -> memref<1x1x8x128xi32, #tpu.memory_space<hbm>>
    %dma_wait3A_628 = tpu.memref_squeeze %dma_wait3A_627 : memref<1x1x8x128xi32, #tpu.memory_space<hbm>> -> memref<8x128xi32, #tpu.memory_space<hbm>>
    tpu.wait_dma2 semaphore(%arg20 : memref<!tpu.dma_semaphore, #tpu.memory_space<semaphore_mem>>) src(%dma_wait3A_628 : memref<8x128xi32, #tpu.memory_space<hbm>>) dst(%dma_wait3A_624 : memref<8x128xi32, #tpu.memory_space<vmem>>)
    %dma_wait3A_629 = arith.constant 10 : i32
    %dma_wait3A_630 = arith.constant 10 : i32
    %dma_wait3A_631 = arith.constant 0 : i32
    %dma_wait3A_632 = arith.constant 0 : i32
    %dma_wait3A_633 = tpu.memref_slice %arg6[%dma_wait3A_630, %dma_wait3A_631, %dma_wait3A_632] : memref<25x8x128xi32, #tpu.memory_space<vmem>> -> memref<1x8x128xi32, #tpu.memory_space<vmem>>
    %dma_wait3A_634 = tpu.memref_squeeze %dma_wait3A_633 : memref<1x8x128xi32, #tpu.memory_space<vmem>> -> memref<8x128xi32, #tpu.memory_space<vmem>>
    %dma_wait3A_635 = arith.constant 0 : i32
    %dma_wait3A_636 = arith.constant 0 : i32
    %dma_wait3A_637 = tpu.memref_slice %arg2[%dma_wait3A_629, %add3A, %dma_wait3A_635, %dma_wait3A_636] : memref<25x32x8x128xi32, #tpu.memory_space<hbm>> -> memref<1x1x8x128xi32, #tpu.memory_space<hbm>>
    %dma_wait3A_638 = tpu.memref_squeeze %dma_wait3A_637 : memref<1x1x8x128xi32, #tpu.memory_space<hbm>> -> memref<8x128xi32, #tpu.memory_space<hbm>>
    %dma_wait3A_639 = arith.constant 0 : i32
    %dma_wait3A_640 = arith.constant 0 : i32
    %dma_wait3A_641 = tpu.memref_slice %arg6[%dma_wait3A_630, %dma_wait3A_639, %dma_wait3A_640] : memref<25x8x128xi32, #tpu.memory_space<vmem>> -> memref<1x8x128xi32, #tpu.memory_space<vmem>>
    %dma_wait3A_642 = tpu.memref_squeeze %dma_wait3A_641 : memref<1x8x128xi32, #tpu.memory_space<vmem>> -> memref<8x128xi32, #tpu.memory_space<vmem>>
    %dma_wait3A_643 = arith.constant 0 : i32
    %dma_wait3A_644 = arith.constant 0 : i32
    %dma_wait3A_645 = tpu.memref_slice %arg2[%dma_wait3A_629, %add3A, %dma_wait3A_643, %dma_wait3A_644] : memref<25x32x8x128xi32, #tpu.memory_space<hbm>> -> memref<1x1x8x128xi32, #tpu.memory_space<hbm>>
    %dma_wait3A_646 = tpu.memref_squeeze %dma_wait3A_645 : memref<1x1x8x128xi32, #tpu.memory_space<hbm>> -> memref<8x128xi32, #tpu.memory_space<hbm>>
    tpu.wait_dma2 semaphore(%arg20 : memref<!tpu.dma_semaphore, #tpu.memory_space<semaphore_mem>>) src(%dma_wait3A_646 : memref<8x128xi32, #tpu.memory_space<hbm>>) dst(%dma_wait3A_642 : memref<8x128xi32, #tpu.memory_space<vmem>>)
    %dma_wait3A_647 = arith.constant 11 : i32
    %dma_wait3A_648 = arith.constant 11 : i32
    %dma_wait3A_649 = arith.constant 0 : i32
    %dma_wait3A_650 = arith.constant 0 : i32
    %dma_wait3A_651 = tpu.memref_slice %arg6[%dma_wait3A_648, %dma_wait3A_649, %dma_wait3A_650] : memref<25x8x128xi32, #tpu.memory_space<vmem>> -> memref<1x8x128xi32, #tpu.memory_space<vmem>>
    %dma_wait3A_652 = tpu.memref_squeeze %dma_wait3A_651 : memref<1x8x128xi32, #tpu.memory_space<vmem>> -> memref<8x128xi32, #tpu.memory_space<vmem>>
    %dma_wait3A_653 = arith.constant 0 : i32
    %dma_wait3A_654 = arith.constant 0 : i32
    %dma_wait3A_655 = tpu.memref_slice %arg2[%dma_wait3A_647, %add3A, %dma_wait3A_653, %dma_wait3A_654] : memref<25x32x8x128xi32, #tpu.memory_space<hbm>> -> memref<1x1x8x128xi32, #tpu.memory_space<hbm>>
    %dma_wait3A_656 = tpu.memref_squeeze %dma_wait3A_655 : memref<1x1x8x128xi32, #tpu.memory_space<hbm>> -> memref<8x128xi32, #tpu.memory_space<hbm>>
    %dma_wait3A_657 = arith.constant 0 : i32
    %dma_wait3A_658 = arith.constant 0 : i32
    %dma_wait3A_659 = tpu.memref_slice %arg6[%dma_wait3A_648, %dma_wait3A_657, %dma_wait3A_658] : memref<25x8x128xi32, #tpu.memory_space<vmem>> -> memref<1x8x128xi32, #tpu.memory_space<vmem>>
    %dma_wait3A_660 = tpu.memref_squeeze %dma_wait3A_659 : memref<1x8x128xi32, #tpu.memory_space<vmem>> -> memref<8x128xi32, #tpu.memory_space<vmem>>
    %dma_wait3A_661 = arith.constant 0 : i32
    %dma_wait3A_662 = arith.constant 0 : i32
    %dma_wait3A_663 = tpu.memref_slice %arg2[%dma_wait3A_647, %add3A, %dma_wait3A_661, %dma_wait3A_662] : memref<25x32x8x128xi32, #tpu.memory_space<hbm>> -> memref<1x1x8x128xi32, #tpu.memory_space<hbm>>
    %dma_wait3A_664 = tpu.memref_squeeze %dma_wait3A_663 : memref<1x1x8x128xi32, #tpu.memory_space<hbm>> -> memref<8x128xi32, #tpu.memory_space<hbm>>
    tpu.wait_dma2 semaphore(%arg20 : memref<!tpu.dma_semaphore, #tpu.memory_space<semaphore_mem>>) src(%dma_wait3A_664 : memref<8x128xi32, #tpu.memory_space<hbm>>) dst(%dma_wait3A_660 : memref<8x128xi32, #tpu.memory_space<vmem>>)
    %dma_wait3A_665 = arith.constant 12 : i32
    %dma_wait3A_666 = arith.constant 12 : i32
    %dma_wait3A_667 = arith.constant 0 : i32
    %dma_wait3A_668 = arith.constant 0 : i32
    %dma_wait3A_669 = tpu.memref_slice %arg6[%dma_wait3A_666, %dma_wait3A_667, %dma_wait3A_668] : memref<25x8x128xi32, #tpu.memory_space<vmem>> -> memref<1x8x128xi32, #tpu.memory_space<vmem>>
    %dma_wait3A_670 = tpu.memref_squeeze %dma_wait3A_669 : memref<1x8x128xi32, #tpu.memory_space<vmem>> -> memref<8x128xi32, #tpu.memory_space<vmem>>
    %dma_wait3A_671 = arith.constant 0 : i32
    %dma_wait3A_672 = arith.constant 0 : i32
    %dma_wait3A_673 = tpu.memref_slice %arg2[%dma_wait3A_665, %add3A, %dma_wait3A_671, %dma_wait3A_672] : memref<25x32x8x128xi32, #tpu.memory_space<hbm>> -> memref<1x1x8x128xi32, #tpu.memory_space<hbm>>
    %dma_wait3A_674 = tpu.memref_squeeze %dma_wait3A_673 : memref<1x1x8x128xi32, #tpu.memory_space<hbm>> -> memref<8x128xi32, #tpu.memory_space<hbm>>
    %dma_wait3A_675 = arith.constant 0 : i32
    %dma_wait3A_676 = arith.constant 0 : i32
    %dma_wait3A_677 = tpu.memref_slice %arg6[%dma_wait3A_666, %dma_wait3A_675, %dma_wait3A_676] : memref<25x8x128xi32, #tpu.memory_space<vmem>> -> memref<1x8x128xi32, #tpu.memory_space<vmem>>
    %dma_wait3A_678 = tpu.memref_squeeze %dma_wait3A_677 : memref<1x8x128xi32, #tpu.memory_space<vmem>> -> memref<8x128xi32, #tpu.memory_space<vmem>>
    %dma_wait3A_679 = arith.constant 0 : i32
    %dma_wait3A_680 = arith.constant 0 : i32
    %dma_wait3A_681 = tpu.memref_slice %arg2[%dma_wait3A_665, %add3A, %dma_wait3A_679, %dma_wait3A_680] : memref<25x32x8x128xi32, #tpu.memory_space<hbm>> -> memref<1x1x8x128xi32, #tpu.memory_space<hbm>>
    %dma_wait3A_682 = tpu.memref_squeeze %dma_wait3A_681 : memref<1x1x8x128xi32, #tpu.memory_space<hbm>> -> memref<8x128xi32, #tpu.memory_space<hbm>>
    tpu.wait_dma2 semaphore(%arg20 : memref<!tpu.dma_semaphore, #tpu.memory_space<semaphore_mem>>) src(%dma_wait3A_682 : memref<8x128xi32, #tpu.memory_space<hbm>>) dst(%dma_wait3A_678 : memref<8x128xi32, #tpu.memory_space<vmem>>)
    %dma_wait3A_683 = arith.constant 13 : i32
    %dma_wait3A_684 = arith.constant 13 : i32
    %dma_wait3A_685 = arith.constant 0 : i32
    %dma_wait3A_686 = arith.constant 0 : i32
    %dma_wait3A_687 = tpu.memref_slice %arg6[%dma_wait3A_684, %dma_wait3A_685, %dma_wait3A_686] : memref<25x8x128xi32, #tpu.memory_space<vmem>> -> memref<1x8x128xi32, #tpu.memory_space<vmem>>
    %dma_wait3A_688 = tpu.memref_squeeze %dma_wait3A_687 : memref<1x8x128xi32, #tpu.memory_space<vmem>> -> memref<8x128xi32, #tpu.memory_space<vmem>>
    %dma_wait3A_689 = arith.constant 0 : i32
    %dma_wait3A_690 = arith.constant 0 : i32
    %dma_wait3A_691 = tpu.memref_slice %arg2[%dma_wait3A_683, %add3A, %dma_wait3A_689, %dma_wait3A_690] : memref<25x32x8x128xi32, #tpu.memory_space<hbm>> -> memref<1x1x8x128xi32, #tpu.memory_space<hbm>>
    %dma_wait3A_692 = tpu.memref_squeeze %dma_wait3A_691 : memref<1x1x8x128xi32, #tpu.memory_space<hbm>> -> memref<8x128xi32, #tpu.memory_space<hbm>>
    %dma_wait3A_693 = arith.constant 0 : i32
    %dma_wait3A_694 = arith.constant 0 : i32
    %dma_wait3A_695 = tpu.memref_slice %arg6[%dma_wait3A_684, %dma_wait3A_693, %dma_wait3A_694] : memref<25x8x128xi32, #tpu.memory_space<vmem>> -> memref<1x8x128xi32, #tpu.memory_space<vmem>>
    %dma_wait3A_696 = tpu.memref_squeeze %dma_wait3A_695 : memref<1x8x128xi32, #tpu.memory_space<vmem>> -> memref<8x128xi32, #tpu.memory_space<vmem>>
    %dma_wait3A_697 = arith.constant 0 : i32
    %dma_wait3A_698 = arith.constant 0 : i32
    %dma_wait3A_699 = tpu.memref_slice %arg2[%dma_wait3A_683, %add3A, %dma_wait3A_697, %dma_wait3A_698] : memref<25x32x8x128xi32, #tpu.memory_space<hbm>> -> memref<1x1x8x128xi32, #tpu.memory_space<hbm>>
    %dma_wait3A_700 = tpu.memref_squeeze %dma_wait3A_699 : memref<1x1x8x128xi32, #tpu.memory_space<hbm>> -> memref<8x128xi32, #tpu.memory_space<hbm>>
    tpu.wait_dma2 semaphore(%arg20 : memref<!tpu.dma_semaphore, #tpu.memory_space<semaphore_mem>>) src(%dma_wait3A_700 : memref<8x128xi32, #tpu.memory_space<hbm>>) dst(%dma_wait3A_696 : memref<8x128xi32, #tpu.memory_space<vmem>>)
    %dma_wait3A_701 = arith.constant 14 : i32
    %dma_wait3A_702 = arith.constant 14 : i32
    %dma_wait3A_703 = arith.constant 0 : i32
    %dma_wait3A_704 = arith.constant 0 : i32
    %dma_wait3A_705 = tpu.memref_slice %arg6[%dma_wait3A_702, %dma_wait3A_703, %dma_wait3A_704] : memref<25x8x128xi32, #tpu.memory_space<vmem>> -> memref<1x8x128xi32, #tpu.memory_space<vmem>>
    %dma_wait3A_706 = tpu.memref_squeeze %dma_wait3A_705 : memref<1x8x128xi32, #tpu.memory_space<vmem>> -> memref<8x128xi32, #tpu.memory_space<vmem>>
    %dma_wait3A_707 = arith.constant 0 : i32
    %dma_wait3A_708 = arith.constant 0 : i32
    %dma_wait3A_709 = tpu.memref_slice %arg2[%dma_wait3A_701, %add3A, %dma_wait3A_707, %dma_wait3A_708] : memref<25x32x8x128xi32, #tpu.memory_space<hbm>> -> memref<1x1x8x128xi32, #tpu.memory_space<hbm>>
    %dma_wait3A_710 = tpu.memref_squeeze %dma_wait3A_709 : memref<1x1x8x128xi32, #tpu.memory_space<hbm>> -> memref<8x128xi32, #tpu.memory_space<hbm>>
    %dma_wait3A_711 = arith.constant 0 : i32
    %dma_wait3A_712 = arith.constant 0 : i32
    %dma_wait3A_713 = tpu.memref_slice %arg6[%dma_wait3A_702, %dma_wait3A_711, %dma_wait3A_712] : memref<25x8x128xi32, #tpu.memory_space<vmem>> -> memref<1x8x128xi32, #tpu.memory_space<vmem>>
    %dma_wait3A_714 = tpu.memref_squeeze %dma_wait3A_713 : memref<1x8x128xi32, #tpu.memory_space<vmem>> -> memref<8x128xi32, #tpu.memory_space<vmem>>
    %dma_wait3A_715 = arith.constant 0 : i32
    %dma_wait3A_716 = arith.constant 0 : i32
    %dma_wait3A_717 = tpu.memref_slice %arg2[%dma_wait3A_701, %add3A, %dma_wait3A_715, %dma_wait3A_716] : memref<25x32x8x128xi32, #tpu.memory_space<hbm>> -> memref<1x1x8x128xi32, #tpu.memory_space<hbm>>
    %dma_wait3A_718 = tpu.memref_squeeze %dma_wait3A_717 : memref<1x1x8x128xi32, #tpu.memory_space<hbm>> -> memref<8x128xi32, #tpu.memory_space<hbm>>
    tpu.wait_dma2 semaphore(%arg20 : memref<!tpu.dma_semaphore, #tpu.memory_space<semaphore_mem>>) src(%dma_wait3A_718 : memref<8x128xi32, #tpu.memory_space<hbm>>) dst(%dma_wait3A_714 : memref<8x128xi32, #tpu.memory_space<vmem>>)
    %dma_wait3A_719 = arith.constant 15 : i32
    %dma_wait3A_720 = arith.constant 15 : i32
    %dma_wait3A_721 = arith.constant 0 : i32
    %dma_wait3A_722 = arith.constant 0 : i32
    %dma_wait3A_723 = tpu.memref_slice %arg6[%dma_wait3A_720, %dma_wait3A_721, %dma_wait3A_722] : memref<25x8x128xi32, #tpu.memory_space<vmem>> -> memref<1x8x128xi32, #tpu.memory_space<vmem>>
    %dma_wait3A_724 = tpu.memref_squeeze %dma_wait3A_723 : memref<1x8x128xi32, #tpu.memory_space<vmem>> -> memref<8x128xi32, #tpu.memory_space<vmem>>
    %dma_wait3A_725 = arith.constant 0 : i32
    %dma_wait3A_726 = arith.constant 0 : i32
    %dma_wait3A_727 = tpu.memref_slice %arg2[%dma_wait3A_719, %add3A, %dma_wait3A_725, %dma_wait3A_726] : memref<25x32x8x128xi32, #tpu.memory_space<hbm>> -> memref<1x1x8x128xi32, #tpu.memory_space<hbm>>
    %dma_wait3A_728 = tpu.memref_squeeze %dma_wait3A_727 : memref<1x1x8x128xi32, #tpu.memory_space<hbm>> -> memref<8x128xi32, #tpu.memory_space<hbm>>
    %dma_wait3A_729 = arith.constant 0 : i32
    %dma_wait3A_730 = arith.constant 0 : i32
    %dma_wait3A_731 = tpu.memref_slice %arg6[%dma_wait3A_720, %dma_wait3A_729, %dma_wait3A_730] : memref<25x8x128xi32, #tpu.memory_space<vmem>> -> memref<1x8x128xi32, #tpu.memory_space<vmem>>
    %dma_wait3A_732 = tpu.memref_squeeze %dma_wait3A_731 : memref<1x8x128xi32, #tpu.memory_space<vmem>> -> memref<8x128xi32, #tpu.memory_space<vmem>>
    %dma_wait3A_733 = arith.constant 0 : i32
    %dma_wait3A_734 = arith.constant 0 : i32
    %dma_wait3A_735 = tpu.memref_slice %arg2[%dma_wait3A_719, %add3A, %dma_wait3A_733, %dma_wait3A_734] : memref<25x32x8x128xi32, #tpu.memory_space<hbm>> -> memref<1x1x8x128xi32, #tpu.memory_space<hbm>>
    %dma_wait3A_736 = tpu.memref_squeeze %dma_wait3A_735 : memref<1x1x8x128xi32, #tpu.memory_space<hbm>> -> memref<8x128xi32, #tpu.memory_space<hbm>>
    tpu.wait_dma2 semaphore(%arg20 : memref<!tpu.dma_semaphore, #tpu.memory_space<semaphore_mem>>) src(%dma_wait3A_736 : memref<8x128xi32, #tpu.memory_space<hbm>>) dst(%dma_wait3A_732 : memref<8x128xi32, #tpu.memory_space<vmem>>)
    %dma_wait3A_737 = arith.constant 16 : i32
    %dma_wait3A_738 = arith.constant 16 : i32
    %dma_wait3A_739 = arith.constant 0 : i32
    %dma_wait3A_740 = arith.constant 0 : i32
    %dma_wait3A_741 = tpu.memref_slice %arg6[%dma_wait3A_738, %dma_wait3A_739, %dma_wait3A_740] : memref<25x8x128xi32, #tpu.memory_space<vmem>> -> memref<1x8x128xi32, #tpu.memory_space<vmem>>
    %dma_wait3A_742 = tpu.memref_squeeze %dma_wait3A_741 : memref<1x8x128xi32, #tpu.memory_space<vmem>> -> memref<8x128xi32, #tpu.memory_space<vmem>>
    %dma_wait3A_743 = arith.constant 0 : i32
    %dma_wait3A_744 = arith.constant 0 : i32
    %dma_wait3A_745 = tpu.memref_slice %arg2[%dma_wait3A_737, %add3A, %dma_wait3A_743, %dma_wait3A_744] : memref<25x32x8x128xi32, #tpu.memory_space<hbm>> -> memref<1x1x8x128xi32, #tpu.memory_space<hbm>>
    %dma_wait3A_746 = tpu.memref_squeeze %dma_wait3A_745 : memref<1x1x8x128xi32, #tpu.memory_space<hbm>> -> memref<8x128xi32, #tpu.memory_space<hbm>>
    %dma_wait3A_747 = arith.constant 0 : i32
    %dma_wait3A_748 = arith.constant 0 : i32
    %dma_wait3A_749 = tpu.memref_slice %arg6[%dma_wait3A_738, %dma_wait3A_747, %dma_wait3A_748] : memref<25x8x128xi32, #tpu.memory_space<vmem>> -> memref<1x8x128xi32, #tpu.memory_space<vmem>>
    %dma_wait3A_750 = tpu.memref_squeeze %dma_wait3A_749 : memref<1x8x128xi32, #tpu.memory_space<vmem>> -> memref<8x128xi32, #tpu.memory_space<vmem>>
    %dma_wait3A_751 = arith.constant 0 : i32
    %dma_wait3A_752 = arith.constant 0 : i32
    %dma_wait3A_753 = tpu.memref_slice %arg2[%dma_wait3A_737, %add3A, %dma_wait3A_751, %dma_wait3A_752] : memref<25x32x8x128xi32, #tpu.memory_space<hbm>> -> memref<1x1x8x128xi32, #tpu.memory_space<hbm>>
    %dma_wait3A_754 = tpu.memref_squeeze %dma_wait3A_753 : memref<1x1x8x128xi32, #tpu.memory_space<hbm>> -> memref<8x128xi32, #tpu.memory_space<hbm>>
    tpu.wait_dma2 semaphore(%arg20 : memref<!tpu.dma_semaphore, #tpu.memory_space<semaphore_mem>>) src(%dma_wait3A_754 : memref<8x128xi32, #tpu.memory_space<hbm>>) dst(%dma_wait3A_750 : memref<8x128xi32, #tpu.memory_space<vmem>>)
    %dma_wait3A_755 = arith.constant 17 : i32
    %dma_wait3A_756 = arith.constant 17 : i32
    %dma_wait3A_757 = arith.constant 0 : i32
    %dma_wait3A_758 = arith.constant 0 : i32
    %dma_wait3A_759 = tpu.memref_slice %arg6[%dma_wait3A_756, %dma_wait3A_757, %dma_wait3A_758] : memref<25x8x128xi32, #tpu.memory_space<vmem>> -> memref<1x8x128xi32, #tpu.memory_space<vmem>>
    %dma_wait3A_760 = tpu.memref_squeeze %dma_wait3A_759 : memref<1x8x128xi32, #tpu.memory_space<vmem>> -> memref<8x128xi32, #tpu.memory_space<vmem>>
    %dma_wait3A_761 = arith.constant 0 : i32
    %dma_wait3A_762 = arith.constant 0 : i32
    %dma_wait3A_763 = tpu.memref_slice %arg2[%dma_wait3A_755, %add3A, %dma_wait3A_761, %dma_wait3A_762] : memref<25x32x8x128xi32, #tpu.memory_space<hbm>> -> memref<1x1x8x128xi32, #tpu.memory_space<hbm>>
    %dma_wait3A_764 = tpu.memref_squeeze %dma_wait3A_763 : memref<1x1x8x128xi32, #tpu.memory_space<hbm>> -> memref<8x128xi32, #tpu.memory_space<hbm>>
    %dma_wait3A_765 = arith.constant 0 : i32
    %dma_wait3A_766 = arith.constant 0 : i32
    %dma_wait3A_767 = tpu.memref_slice %arg6[%dma_wait3A_756, %dma_wait3A_765, %dma_wait3A_766] : memref<25x8x128xi32, #tpu.memory_space<vmem>> -> memref<1x8x128xi32, #tpu.memory_space<vmem>>
    %dma_wait3A_768 = tpu.memref_squeeze %dma_wait3A_767 : memref<1x8x128xi32, #tpu.memory_space<vmem>> -> memref<8x128xi32, #tpu.memory_space<vmem>>
    %dma_wait3A_769 = arith.constant 0 : i32
    %dma_wait3A_770 = arith.constant 0 : i32
    %dma_wait3A_771 = tpu.memref_slice %arg2[%dma_wait3A_755, %add3A, %dma_wait3A_769, %dma_wait3A_770] : memref<25x32x8x128xi32, #tpu.memory_space<hbm>> -> memref<1x1x8x128xi32, #tpu.memory_space<hbm>>
    %dma_wait3A_772 = tpu.memref_squeeze %dma_wait3A_771 : memref<1x1x8x128xi32, #tpu.memory_space<hbm>> -> memref<8x128xi32, #tpu.memory_space<hbm>>
    tpu.wait_dma2 semaphore(%arg20 : memref<!tpu.dma_semaphore, #tpu.memory_space<semaphore_mem>>) src(%dma_wait3A_772 : memref<8x128xi32, #tpu.memory_space<hbm>>) dst(%dma_wait3A_768 : memref<8x128xi32, #tpu.memory_space<vmem>>)
    %dma_wait3A_773 = arith.constant 18 : i32
    %dma_wait3A_774 = arith.constant 18 : i32
    %dma_wait3A_775 = arith.constant 0 : i32
    %dma_wait3A_776 = arith.constant 0 : i32
    %dma_wait3A_777 = tpu.memref_slice %arg6[%dma_wait3A_774, %dma_wait3A_775, %dma_wait3A_776] : memref<25x8x128xi32, #tpu.memory_space<vmem>> -> memref<1x8x128xi32, #tpu.memory_space<vmem>>
    %dma_wait3A_778 = tpu.memref_squeeze %dma_wait3A_777 : memref<1x8x128xi32, #tpu.memory_space<vmem>> -> memref<8x128xi32, #tpu.memory_space<vmem>>
    %dma_wait3A_779 = arith.constant 0 : i32
    %dma_wait3A_780 = arith.constant 0 : i32
    %dma_wait3A_781 = tpu.memref_slice %arg2[%dma_wait3A_773, %add3A, %dma_wait3A_779, %dma_wait3A_780] : memref<25x32x8x128xi32, #tpu.memory_space<hbm>> -> memref<1x1x8x128xi32, #tpu.memory_space<hbm>>
    %dma_wait3A_782 = tpu.memref_squeeze %dma_wait3A_781 : memref<1x1x8x128xi32, #tpu.memory_space<hbm>> -> memref<8x128xi32, #tpu.memory_space<hbm>>
    %dma_wait3A_783 = arith.constant 0 : i32
    %dma_wait3A_784 = arith.constant 0 : i32
    %dma_wait3A_785 = tpu.memref_slice %arg6[%dma_wait3A_774, %dma_wait3A_783, %dma_wait3A_784] : memref<25x8x128xi32, #tpu.memory_space<vmem>> -> memref<1x8x128xi32, #tpu.memory_space<vmem>>
    %dma_wait3A_786 = tpu.memref_squeeze %dma_wait3A_785 : memref<1x8x128xi32, #tpu.memory_space<vmem>> -> memref<8x128xi32, #tpu.memory_space<vmem>>
    %dma_wait3A_787 = arith.constant 0 : i32
    %dma_wait3A_788 = arith.constant 0 : i32
    %dma_wait3A_789 = tpu.memref_slice %arg2[%dma_wait3A_773, %add3A, %dma_wait3A_787, %dma_wait3A_788] : memref<25x32x8x128xi32, #tpu.memory_space<hbm>> -> memref<1x1x8x128xi32, #tpu.memory_space<hbm>>
    %dma_wait3A_790 = tpu.memref_squeeze %dma_wait3A_789 : memref<1x1x8x128xi32, #tpu.memory_space<hbm>> -> memref<8x128xi32, #tpu.memory_space<hbm>>
    tpu.wait_dma2 semaphore(%arg20 : memref<!tpu.dma_semaphore, #tpu.memory_space<semaphore_mem>>) src(%dma_wait3A_790 : memref<8x128xi32, #tpu.memory_space<hbm>>) dst(%dma_wait3A_786 : memref<8x128xi32, #tpu.memory_space<vmem>>)
    %dma_wait3A_791 = arith.constant 19 : i32
    %dma_wait3A_792 = arith.constant 19 : i32
    %dma_wait3A_793 = arith.constant 0 : i32
    %dma_wait3A_794 = arith.constant 0 : i32
    %dma_wait3A_795 = tpu.memref_slice %arg6[%dma_wait3A_792, %dma_wait3A_793, %dma_wait3A_794] : memref<25x8x128xi32, #tpu.memory_space<vmem>> -> memref<1x8x128xi32, #tpu.memory_space<vmem>>
    %dma_wait3A_796 = tpu.memref_squeeze %dma_wait3A_795 : memref<1x8x128xi32, #tpu.memory_space<vmem>> -> memref<8x128xi32, #tpu.memory_space<vmem>>
    %dma_wait3A_797 = arith.constant 0 : i32
    %dma_wait3A_798 = arith.constant 0 : i32
    %dma_wait3A_799 = tpu.memref_slice %arg2[%dma_wait3A_791, %add3A, %dma_wait3A_797, %dma_wait3A_798] : memref<25x32x8x128xi32, #tpu.memory_space<hbm>> -> memref<1x1x8x128xi32, #tpu.memory_space<hbm>>
    %dma_wait3A_800 = tpu.memref_squeeze %dma_wait3A_799 : memref<1x1x8x128xi32, #tpu.memory_space<hbm>> -> memref<8x128xi32, #tpu.memory_space<hbm>>
    %dma_wait3A_801 = arith.constant 0 : i32
    %dma_wait3A_802 = arith.constant 0 : i32
    %dma_wait3A_803 = tpu.memref_slice %arg6[%dma_wait3A_792, %dma_wait3A_801, %dma_wait3A_802] : memref<25x8x128xi32, #tpu.memory_space<vmem>> -> memref<1x8x128xi32, #tpu.memory_space<vmem>>
    %dma_wait3A_804 = tpu.memref_squeeze %dma_wait3A_803 : memref<1x8x128xi32, #tpu.memory_space<vmem>> -> memref<8x128xi32, #tpu.memory_space<vmem>>
    %dma_wait3A_805 = arith.constant 0 : i32
    %dma_wait3A_806 = arith.constant 0 : i32
    %dma_wait3A_807 = tpu.memref_slice %arg2[%dma_wait3A_791, %add3A, %dma_wait3A_805, %dma_wait3A_806] : memref<25x32x8x128xi32, #tpu.memory_space<hbm>> -> memref<1x1x8x128xi32, #tpu.memory_space<hbm>>
    %dma_wait3A_808 = tpu.memref_squeeze %dma_wait3A_807 : memref<1x1x8x128xi32, #tpu.memory_space<hbm>> -> memref<8x128xi32, #tpu.memory_space<hbm>>
    tpu.wait_dma2 semaphore(%arg20 : memref<!tpu.dma_semaphore, #tpu.memory_space<semaphore_mem>>) src(%dma_wait3A_808 : memref<8x128xi32, #tpu.memory_space<hbm>>) dst(%dma_wait3A_804 : memref<8x128xi32, #tpu.memory_space<vmem>>)
    %dma_wait3A_809 = arith.constant 20 : i32
    %dma_wait3A_810 = arith.constant 20 : i32
    %dma_wait3A_811 = arith.constant 0 : i32
    %dma_wait3A_812 = arith.constant 0 : i32
    %dma_wait3A_813 = tpu.memref_slice %arg6[%dma_wait3A_810, %dma_wait3A_811, %dma_wait3A_812] : memref<25x8x128xi32, #tpu.memory_space<vmem>> -> memref<1x8x128xi32, #tpu.memory_space<vmem>>
    %dma_wait3A_814 = tpu.memref_squeeze %dma_wait3A_813 : memref<1x8x128xi32, #tpu.memory_space<vmem>> -> memref<8x128xi32, #tpu.memory_space<vmem>>
    %dma_wait3A_815 = arith.constant 0 : i32
    %dma_wait3A_816 = arith.constant 0 : i32
    %dma_wait3A_817 = tpu.memref_slice %arg2[%dma_wait3A_809, %add3A, %dma_wait3A_815, %dma_wait3A_816] : memref<25x32x8x128xi32, #tpu.memory_space<hbm>> -> memref<1x1x8x128xi32, #tpu.memory_space<hbm>>
    %dma_wait3A_818 = tpu.memref_squeeze %dma_wait3A_817 : memref<1x1x8x128xi32, #tpu.memory_space<hbm>> -> memref<8x128xi32, #tpu.memory_space<hbm>>
    %dma_wait3A_819 = arith.constant 0 : i32
    %dma_wait3A_820 = arith.constant 0 : i32
    %dma_wait3A_821 = tpu.memref_slice %arg6[%dma_wait3A_810, %dma_wait3A_819, %dma_wait3A_820] : memref<25x8x128xi32, #tpu.memory_space<vmem>> -> memref<1x8x128xi32, #tpu.memory_space<vmem>>
    %dma_wait3A_822 = tpu.memref_squeeze %dma_wait3A_821 : memref<1x8x128xi32, #tpu.memory_space<vmem>> -> memref<8x128xi32, #tpu.memory_space<vmem>>
    %dma_wait3A_823 = arith.constant 0 : i32
    %dma_wait3A_824 = arith.constant 0 : i32
    %dma_wait3A_825 = tpu.memref_slice %arg2[%dma_wait3A_809, %add3A, %dma_wait3A_823, %dma_wait3A_824] : memref<25x32x8x128xi32, #tpu.memory_space<hbm>> -> memref<1x1x8x128xi32, #tpu.memory_space<hbm>>
    %dma_wait3A_826 = tpu.memref_squeeze %dma_wait3A_825 : memref<1x1x8x128xi32, #tpu.memory_space<hbm>> -> memref<8x128xi32, #tpu.memory_space<hbm>>
    tpu.wait_dma2 semaphore(%arg20 : memref<!tpu.dma_semaphore, #tpu.memory_space<semaphore_mem>>) src(%dma_wait3A_826 : memref<8x128xi32, #tpu.memory_space<hbm>>) dst(%dma_wait3A_822 : memref<8x128xi32, #tpu.memory_space<vmem>>)
    %dma_wait3A_827 = arith.constant 21 : i32
    %dma_wait3A_828 = arith.constant 21 : i32
    %dma_wait3A_829 = arith.constant 0 : i32
    %dma_wait3A_830 = arith.constant 0 : i32
    %dma_wait3A_831 = tpu.memref_slice %arg6[%dma_wait3A_828, %dma_wait3A_829, %dma_wait3A_830] : memref<25x8x128xi32, #tpu.memory_space<vmem>> -> memref<1x8x128xi32, #tpu.memory_space<vmem>>
    %dma_wait3A_832 = tpu.memref_squeeze %dma_wait3A_831 : memref<1x8x128xi32, #tpu.memory_space<vmem>> -> memref<8x128xi32, #tpu.memory_space<vmem>>
    %dma_wait3A_833 = arith.constant 0 : i32
    %dma_wait3A_834 = arith.constant 0 : i32
    %dma_wait3A_835 = tpu.memref_slice %arg2[%dma_wait3A_827, %add3A, %dma_wait3A_833, %dma_wait3A_834] : memref<25x32x8x128xi32, #tpu.memory_space<hbm>> -> memref<1x1x8x128xi32, #tpu.memory_space<hbm>>
    %dma_wait3A_836 = tpu.memref_squeeze %dma_wait3A_835 : memref<1x1x8x128xi32, #tpu.memory_space<hbm>> -> memref<8x128xi32, #tpu.memory_space<hbm>>
    %dma_wait3A_837 = arith.constant 0 : i32
    %dma_wait3A_838 = arith.constant 0 : i32
    %dma_wait3A_839 = tpu.memref_slice %arg6[%dma_wait3A_828, %dma_wait3A_837, %dma_wait3A_838] : memref<25x8x128xi32, #tpu.memory_space<vmem>> -> memref<1x8x128xi32, #tpu.memory_space<vmem>>
    %dma_wait3A_840 = tpu.memref_squeeze %dma_wait3A_839 : memref<1x8x128xi32, #tpu.memory_space<vmem>> -> memref<8x128xi32, #tpu.memory_space<vmem>>
    %dma_wait3A_841 = arith.constant 0 : i32
    %dma_wait3A_842 = arith.constant 0 : i32
    %dma_wait3A_843 = tpu.memref_slice %arg2[%dma_wait3A_827, %add3A, %dma_wait3A_841, %dma_wait3A_842] : memref<25x32x8x128xi32, #tpu.memory_space<hbm>> -> memref<1x1x8x128xi32, #tpu.memory_space<hbm>>
    %dma_wait3A_844 = tpu.memref_squeeze %dma_wait3A_843 : memref<1x1x8x128xi32, #tpu.memory_space<hbm>> -> memref<8x128xi32, #tpu.memory_space<hbm>>
    tpu.wait_dma2 semaphore(%arg20 : memref<!tpu.dma_semaphore, #tpu.memory_space<semaphore_mem>>) src(%dma_wait3A_844 : memref<8x128xi32, #tpu.memory_space<hbm>>) dst(%dma_wait3A_840 : memref<8x128xi32, #tpu.memory_space<vmem>>)
    %dma_wait3A_845 = arith.constant 22 : i32
    %dma_wait3A_846 = arith.constant 22 : i32
    %dma_wait3A_847 = arith.constant 0 : i32
    %dma_wait3A_848 = arith.constant 0 : i32
    %dma_wait3A_849 = tpu.memref_slice %arg6[%dma_wait3A_846, %dma_wait3A_847, %dma_wait3A_848] : memref<25x8x128xi32, #tpu.memory_space<vmem>> -> memref<1x8x128xi32, #tpu.memory_space<vmem>>
    %dma_wait3A_850 = tpu.memref_squeeze %dma_wait3A_849 : memref<1x8x128xi32, #tpu.memory_space<vmem>> -> memref<8x128xi32, #tpu.memory_space<vmem>>
    %dma_wait3A_851 = arith.constant 0 : i32
    %dma_wait3A_852 = arith.constant 0 : i32
    %dma_wait3A_853 = tpu.memref_slice %arg2[%dma_wait3A_845, %add3A, %dma_wait3A_851, %dma_wait3A_852] : memref<25x32x8x128xi32, #tpu.memory_space<hbm>> -> memref<1x1x8x128xi32, #tpu.memory_space<hbm>>
    %dma_wait3A_854 = tpu.memref_squeeze %dma_wait3A_853 : memref<1x1x8x128xi32, #tpu.memory_space<hbm>> -> memref<8x128xi32, #tpu.memory_space<hbm>>
    %dma_wait3A_855 = arith.constant 0 : i32
    %dma_wait3A_856 = arith.constant 0 : i32
    %dma_wait3A_857 = tpu.memref_slice %arg6[%dma_wait3A_846, %dma_wait3A_855, %dma_wait3A_856] : memref<25x8x128xi32, #tpu.memory_space<vmem>> -> memref<1x8x128xi32, #tpu.memory_space<vmem>>
    %dma_wait3A_858 = tpu.memref_squeeze %dma_wait3A_857 : memref<1x8x128xi32, #tpu.memory_space<vmem>> -> memref<8x128xi32, #tpu.memory_space<vmem>>
    %dma_wait3A_859 = arith.constant 0 : i32
    %dma_wait3A_860 = arith.constant 0 : i32
    %dma_wait3A_861 = tpu.memref_slice %arg2[%dma_wait3A_845, %add3A, %dma_wait3A_859, %dma_wait3A_860] : memref<25x32x8x128xi32, #tpu.memory_space<hbm>> -> memref<1x1x8x128xi32, #tpu.memory_space<hbm>>
    %dma_wait3A_862 = tpu.memref_squeeze %dma_wait3A_861 : memref<1x1x8x128xi32, #tpu.memory_space<hbm>> -> memref<8x128xi32, #tpu.memory_space<hbm>>
    tpu.wait_dma2 semaphore(%arg20 : memref<!tpu.dma_semaphore, #tpu.memory_space<semaphore_mem>>) src(%dma_wait3A_862 : memref<8x128xi32, #tpu.memory_space<hbm>>) dst(%dma_wait3A_858 : memref<8x128xi32, #tpu.memory_space<vmem>>)
    %dma_wait3A_863 = arith.constant 23 : i32
    %dma_wait3A_864 = arith.constant 23 : i32
    %dma_wait3A_865 = arith.constant 0 : i32
    %dma_wait3A_866 = arith.constant 0 : i32
    %dma_wait3A_867 = tpu.memref_slice %arg6[%dma_wait3A_864, %dma_wait3A_865, %dma_wait3A_866] : memref<25x8x128xi32, #tpu.memory_space<vmem>> -> memref<1x8x128xi32, #tpu.memory_space<vmem>>
    %dma_wait3A_868 = tpu.memref_squeeze %dma_wait3A_867 : memref<1x8x128xi32, #tpu.memory_space<vmem>> -> memref<8x128xi32, #tpu.memory_space<vmem>>
    %dma_wait3A_869 = arith.constant 0 : i32
    %dma_wait3A_870 = arith.constant 0 : i32
    %dma_wait3A_871 = tpu.memref_slice %arg2[%dma_wait3A_863, %add3A, %dma_wait3A_869, %dma_wait3A_870] : memref<25x32x8x128xi32, #tpu.memory_space<hbm>> -> memref<1x1x8x128xi32, #tpu.memory_space<hbm>>
    %dma_wait3A_872 = tpu.memref_squeeze %dma_wait3A_871 : memref<1x1x8x128xi32, #tpu.memory_space<hbm>> -> memref<8x128xi32, #tpu.memory_space<hbm>>
    %dma_wait3A_873 = arith.constant 0 : i32
    %dma_wait3A_874 = arith.constant 0 : i32
    %dma_wait3A_875 = tpu.memref_slice %arg6[%dma_wait3A_864, %dma_wait3A_873, %dma_wait3A_874] : memref<25x8x128xi32, #tpu.memory_space<vmem>> -> memref<1x8x128xi32, #tpu.memory_space<vmem>>
    %dma_wait3A_876 = tpu.memref_squeeze %dma_wait3A_875 : memref<1x8x128xi32, #tpu.memory_space<vmem>> -> memref<8x128xi32, #tpu.memory_space<vmem>>
    %dma_wait3A_877 = arith.constant 0 : i32
    %dma_wait3A_878 = arith.constant 0 : i32
    %dma_wait3A_879 = tpu.memref_slice %arg2[%dma_wait3A_863, %add3A, %dma_wait3A_877, %dma_wait3A_878] : memref<25x32x8x128xi32, #tpu.memory_space<hbm>> -> memref<1x1x8x128xi32, #tpu.memory_space<hbm>>
    %dma_wait3A_880 = tpu.memref_squeeze %dma_wait3A_879 : memref<1x1x8x128xi32, #tpu.memory_space<hbm>> -> memref<8x128xi32, #tpu.memory_space<hbm>>
    tpu.wait_dma2 semaphore(%arg20 : memref<!tpu.dma_semaphore, #tpu.memory_space<semaphore_mem>>) src(%dma_wait3A_880 : memref<8x128xi32, #tpu.memory_space<hbm>>) dst(%dma_wait3A_876 : memref<8x128xi32, #tpu.memory_space<vmem>>)
    %dma_wait3A_881 = arith.constant 24 : i32
    %dma_wait3A_882 = arith.constant 24 : i32
    %dma_wait3A_883 = arith.constant 0 : i32
    %dma_wait3A_884 = arith.constant 0 : i32
    %dma_wait3A_885 = tpu.memref_slice %arg6[%dma_wait3A_882, %dma_wait3A_883, %dma_wait3A_884] : memref<25x8x128xi32, #tpu.memory_space<vmem>> -> memref<1x8x128xi32, #tpu.memory_space<vmem>>
    %dma_wait3A_886 = tpu.memref_squeeze %dma_wait3A_885 : memref<1x8x128xi32, #tpu.memory_space<vmem>> -> memref<8x128xi32, #tpu.memory_space<vmem>>
    %dma_wait3A_887 = arith.constant 0 : i32
    %dma_wait3A_888 = arith.constant 0 : i32
    %dma_wait3A_889 = tpu.memref_slice %arg2[%dma_wait3A_881, %add3A, %dma_wait3A_887, %dma_wait3A_888] : memref<25x32x8x128xi32, #tpu.memory_space<hbm>> -> memref<1x1x8x128xi32, #tpu.memory_space<hbm>>
    %dma_wait3A_890 = tpu.memref_squeeze %dma_wait3A_889 : memref<1x1x8x128xi32, #tpu.memory_space<hbm>> -> memref<8x128xi32, #tpu.memory_space<hbm>>
    %dma_wait3A_891 = arith.constant 0 : i32
    %dma_wait3A_892 = arith.constant 0 : i32
    %dma_wait3A_893 = tpu.memref_slice %arg6[%dma_wait3A_882, %dma_wait3A_891, %dma_wait3A_892] : memref<25x8x128xi32, #tpu.memory_space<vmem>> -> memref<1x8x128xi32, #tpu.memory_space<vmem>>
    %dma_wait3A_894 = tpu.memref_squeeze %dma_wait3A_893 : memref<1x8x128xi32, #tpu.memory_space<vmem>> -> memref<8x128xi32, #tpu.memory_space<vmem>>
    %dma_wait3A_895 = arith.constant 0 : i32
    %dma_wait3A_896 = arith.constant 0 : i32
    %dma_wait3A_897 = tpu.memref_slice %arg2[%dma_wait3A_881, %add3A, %dma_wait3A_895, %dma_wait3A_896] : memref<25x32x8x128xi32, #tpu.memory_space<hbm>> -> memref<1x1x8x128xi32, #tpu.memory_space<hbm>>
    %dma_wait3A_898 = tpu.memref_squeeze %dma_wait3A_897 : memref<1x1x8x128xi32, #tpu.memory_space<hbm>> -> memref<8x128xi32, #tpu.memory_space<hbm>>
    tpu.wait_dma2 semaphore(%arg20 : memref<!tpu.dma_semaphore, #tpu.memory_space<semaphore_mem>>) src(%dma_wait3A_898 : memref<8x128xi32, #tpu.memory_space<hbm>>) dst(%dma_wait3A_894 : memref<8x128xi32, #tpu.memory_space<vmem>>)
    %iota3A = tpu.iota {dimensions = array<i32: 0>} : vector<16xi32>
    %add3A_899 = arith.constant 16 : i32
    %add3A_900 = vector.broadcast %add3A_899 : i32 to vector<16xi32>
    %add3A_901 = arith.addi %iota3A, %add3A_900 : vector<16xi32>
    %shift_right_arithmetic3A = arith.constant 3 : i32
    %shift_right_arithmetic3A_902 = vector.broadcast %shift_right_arithmetic3A : i32 to vector<16xi32>
    %shift_right_arithmetic3A_903 = arith.shrsi %iota3A, %shift_right_arithmetic3A_902 : vector<16xi32>
    %shift_right_arithmetic3A_904 = arith.constant 3 : i32
    %shift_right_arithmetic3A_905 = vector.broadcast %shift_right_arithmetic3A_904 : i32 to vector<16xi32>
    %shift_right_arithmetic3A_906 = arith.shrsi %add3A_901, %shift_right_arithmetic3A_905 : vector<16xi32>
    %and3A = arith.constant 7 : i32
    %and3A_907 = vector.broadcast %and3A : i32 to vector<16xi32>
    %and3A_908 = arith.andi %iota3A, %and3A_907 : vector<16xi32>
    %and3A_909 = arith.constant 7 : i32
    %and3A_910 = vector.broadcast %and3A_909 : i32 to vector<16xi32>
    %and3A_911 = arith.andi %add3A_901, %and3A_910 : vector<16xi32>
    %dma_start3A_912 = arith.constant 0 : i32
    %dma_start3A_913 = arith.constant 0 : i32
    %dma_start3A_914 = arith.constant 0 : i32
    %dma_start3A_915 = tpu.memref_slice %arg6[%dma_start3A_912, %dma_start3A_913, %dma_start3A_914] : memref<25x8x128xi32, #tpu.memory_space<vmem>> -> memref<1x1x128xi32, #tpu.memory_space<vmem>>
    %dma_start3A_916 = tpu.memref_squeeze %dma_start3A_915 : memref<1x1x128xi32, #tpu.memory_space<vmem>> -> memref<128xi32, #tpu.memory_space<vmem>>
    %dma_start3A_917 = arith.constant 0 : i32
    %dma_start3A_918 = arith.constant 0 : i32
    %dma_start3A_919 = tpu.memref_slice %arg3[%dma_start3A_917, %dma_start3A_918] : memref<400000x32xf32, #tpu.memory_space<hbm>> -> memref<400000x32xf32, #tpu.memory_space<hbm>>
    tpu.enqueue_indirect_dma source(%dma_start3A_919 : memref<400000x32xf32, #tpu.memory_space<hbm>>) target(%arg7 : memref<128x32xf32, #tpu.memory_space<vmem>>) offsets(%dma_start3A_916 : memref<128xi32, #tpu.memory_space<vmem>>) semaphore(%arg20 : memref<!tpu.dma_semaphore, #tpu.memory_space<semaphore_mem>>)
    %dma_start3A_920 = arith.constant 0 : i32
    %dma_start3A_921 = arith.constant 1 : i32
    %dma_start3A_922 = arith.constant 0 : i32
    %dma_start3A_923 = tpu.memref_slice %arg6[%dma_start3A_920, %dma_start3A_921, %dma_start3A_922] : memref<25x8x128xi32, #tpu.memory_space<vmem>> -> memref<1x1x128xi32, #tpu.memory_space<vmem>>
    %dma_start3A_924 = tpu.memref_squeeze %dma_start3A_923 : memref<1x1x128xi32, #tpu.memory_space<vmem>> -> memref<128xi32, #tpu.memory_space<vmem>>
    %dma_start3A_925 = arith.constant 0 : i32
    %dma_start3A_926 = arith.constant 0 : i32
    %dma_start3A_927 = tpu.memref_slice %arg3[%dma_start3A_925, %dma_start3A_926] : memref<400000x32xf32, #tpu.memory_space<hbm>> -> memref<400000x32xf32, #tpu.memory_space<hbm>>
    tpu.enqueue_indirect_dma source(%dma_start3A_927 : memref<400000x32xf32, #tpu.memory_space<hbm>>) target(%arg8 : memref<128x32xf32, #tpu.memory_space<vmem>>) offsets(%dma_start3A_924 : memref<128xi32, #tpu.memory_space<vmem>>) semaphore(%arg21 : memref<!tpu.dma_semaphore, #tpu.memory_space<semaphore_mem>>)
    %dma_start3A_928 = arith.constant 0 : i32
    %dma_start3A_929 = arith.constant 2 : i32
    %dma_start3A_930 = arith.constant 0 : i32
    %dma_start3A_931 = tpu.memref_slice %arg6[%dma_start3A_928, %dma_start3A_929, %dma_start3A_930] : memref<25x8x128xi32, #tpu.memory_space<vmem>> -> memref<1x1x128xi32, #tpu.memory_space<vmem>>
    %dma_start3A_932 = tpu.memref_squeeze %dma_start3A_931 : memref<1x1x128xi32, #tpu.memory_space<vmem>> -> memref<128xi32, #tpu.memory_space<vmem>>
    %dma_start3A_933 = arith.constant 0 : i32
    %dma_start3A_934 = arith.constant 0 : i32
    %dma_start3A_935 = tpu.memref_slice %arg3[%dma_start3A_933, %dma_start3A_934] : memref<400000x32xf32, #tpu.memory_space<hbm>> -> memref<400000x32xf32, #tpu.memory_space<hbm>>
    tpu.enqueue_indirect_dma source(%dma_start3A_935 : memref<400000x32xf32, #tpu.memory_space<hbm>>) target(%arg9 : memref<128x32xf32, #tpu.memory_space<vmem>>) offsets(%dma_start3A_932 : memref<128xi32, #tpu.memory_space<vmem>>) semaphore(%arg22 : memref<!tpu.dma_semaphore, #tpu.memory_space<semaphore_mem>>)
    %dma_start3A_936 = arith.constant 0 : i32
    %dma_start3A_937 = arith.constant 3 : i32
    %dma_start3A_938 = arith.constant 0 : i32
    %dma_start3A_939 = tpu.memref_slice %arg6[%dma_start3A_936, %dma_start3A_937, %dma_start3A_938] : memref<25x8x128xi32, #tpu.memory_space<vmem>> -> memref<1x1x128xi32, #tpu.memory_space<vmem>>
    %dma_start3A_940 = tpu.memref_squeeze %dma_start3A_939 : memref<1x1x128xi32, #tpu.memory_space<vmem>> -> memref<128xi32, #tpu.memory_space<vmem>>
    %dma_start3A_941 = arith.constant 0 : i32
    %dma_start3A_942 = arith.constant 0 : i32
    %dma_start3A_943 = tpu.memref_slice %arg3[%dma_start3A_941, %dma_start3A_942] : memref<400000x32xf32, #tpu.memory_space<hbm>> -> memref<400000x32xf32, #tpu.memory_space<hbm>>
    tpu.enqueue_indirect_dma source(%dma_start3A_943 : memref<400000x32xf32, #tpu.memory_space<hbm>>) target(%arg10 : memref<128x32xf32, #tpu.memory_space<vmem>>) offsets(%dma_start3A_940 : memref<128xi32, #tpu.memory_space<vmem>>) semaphore(%arg23 : memref<!tpu.dma_semaphore, #tpu.memory_space<semaphore_mem>>)
    %dma_start3A_944 = arith.constant 0 : i32
    %dma_start3A_945 = arith.constant 4 : i32
    %dma_start3A_946 = arith.constant 0 : i32
    %dma_start3A_947 = tpu.memref_slice %arg6[%dma_start3A_944, %dma_start3A_945, %dma_start3A_946] : memref<25x8x128xi32, #tpu.memory_space<vmem>> -> memref<1x1x128xi32, #tpu.memory_space<vmem>>
    %dma_start3A_948 = tpu.memref_squeeze %dma_start3A_947 : memref<1x1x128xi32, #tpu.memory_space<vmem>> -> memref<128xi32, #tpu.memory_space<vmem>>
    %dma_start3A_949 = arith.constant 0 : i32
    %dma_start3A_950 = arith.constant 0 : i32
    %dma_start3A_951 = tpu.memref_slice %arg3[%dma_start3A_949, %dma_start3A_950] : memref<400000x32xf32, #tpu.memory_space<hbm>> -> memref<400000x32xf32, #tpu.memory_space<hbm>>
    tpu.enqueue_indirect_dma source(%dma_start3A_951 : memref<400000x32xf32, #tpu.memory_space<hbm>>) target(%arg11 : memref<128x32xf32, #tpu.memory_space<vmem>>) offsets(%dma_start3A_948 : memref<128xi32, #tpu.memory_space<vmem>>) semaphore(%arg24 : memref<!tpu.dma_semaphore, #tpu.memory_space<semaphore_mem>>)
    %dma_start3A_952 = arith.constant 0 : i32
    %dma_start3A_953 = arith.constant 5 : i32
    %dma_start3A_954 = arith.constant 0 : i32
    %dma_start3A_955 = tpu.memref_slice %arg6[%dma_start3A_952, %dma_start3A_953, %dma_start3A_954] : memref<25x8x128xi32, #tpu.memory_space<vmem>> -> memref<1x1x128xi32, #tpu.memory_space<vmem>>
    %dma_start3A_956 = tpu.memref_squeeze %dma_start3A_955 : memref<1x1x128xi32, #tpu.memory_space<vmem>> -> memref<128xi32, #tpu.memory_space<vmem>>
    %dma_start3A_957 = arith.constant 0 : i32
    %dma_start3A_958 = arith.constant 0 : i32
    %dma_start3A_959 = tpu.memref_slice %arg3[%dma_start3A_957, %dma_start3A_958] : memref<400000x32xf32, #tpu.memory_space<hbm>> -> memref<400000x32xf32, #tpu.memory_space<hbm>>
    tpu.enqueue_indirect_dma source(%dma_start3A_959 : memref<400000x32xf32, #tpu.memory_space<hbm>>) target(%arg12 : memref<128x32xf32, #tpu.memory_space<vmem>>) offsets(%dma_start3A_956 : memref<128xi32, #tpu.memory_space<vmem>>) semaphore(%arg25 : memref<!tpu.dma_semaphore, #tpu.memory_space<semaphore_mem>>)
    %dma_start3A_960 = arith.constant 0 : i32
    %dma_start3A_961 = arith.constant 6 : i32
    %dma_start3A_962 = arith.constant 0 : i32
    %dma_start3A_963 = tpu.memref_slice %arg6[%dma_start3A_960, %dma_start3A_961, %dma_start3A_962] : memref<25x8x128xi32, #tpu.memory_space<vmem>> -> memref<1x1x128xi32, #tpu.memory_space<vmem>>
    %dma_start3A_964 = tpu.memref_squeeze %dma_start3A_963 : memref<1x1x128xi32, #tpu.memory_space<vmem>> -> memref<128xi32, #tpu.memory_space<vmem>>
    %dma_start3A_965 = arith.constant 0 : i32
    %dma_start3A_966 = arith.constant 0 : i32
    %dma_start3A_967 = tpu.memref_slice %arg3[%dma_start3A_965, %dma_start3A_966] : memref<400000x32xf32, #tpu.memory_space<hbm>> -> memref<400000x32xf32, #tpu.memory_space<hbm>>
    tpu.enqueue_indirect_dma source(%dma_start3A_967 : memref<400000x32xf32, #tpu.memory_space<hbm>>) target(%arg13 : memref<128x32xf32, #tpu.memory_space<vmem>>) offsets(%dma_start3A_964 : memref<128xi32, #tpu.memory_space<vmem>>) semaphore(%arg26 : memref<!tpu.dma_semaphore, #tpu.memory_space<semaphore_mem>>)
    %scan3A = arith.constant 0 : i32
    %scan3A_968 = arith.constant 0 : i32
    %scan3A_969 = arith.constant 25 : i32
    %scan3A_970 = arith.addi %scan3A_968, %scan3A_969 : i32
    %scan3A_971 = arith.constant 1 : i32
    scf.for %scan3A_1017 = %scan3A_968 to %scan3A_970 step %scan3A_971  : i32 {
      %mul3A_1018 = arith.constant 8 : i32
      %mul3A_1019 = arith.muli %mul3A_1018, %scan3A_1017 : i32
      %add3A_1020 = arith.constant 0 : i32
      %add3A_1021 = arith.addi %mul3A_1019, %add3A_1020 : i32
      %dma_wait3A_1022 = arith.constant 0 : i32
      %dma_wait3A_1023 = arith.constant 0 : i32
      %dma_wait3A_1024 = arith.constant 0 : i32
      %dma_wait3A_1025 = tpu.memref_slice %arg6[%dma_wait3A_1022, %dma_wait3A_1023, %dma_wait3A_1024] : memref<25x8x128xi32, #tpu.memory_space<vmem>> -> memref<1x1x128xi32, #tpu.memory_space<vmem>>
      %dma_wait3A_1026 = tpu.memref_squeeze %dma_wait3A_1025 : memref<1x1x128xi32, #tpu.memory_space<vmem>> -> memref<128xi32, #tpu.memory_space<vmem>>
      %dma_wait3A_1027 = arith.constant 0 : i32
      %dma_wait3A_1028 = arith.constant 0 : i32
      %dma_wait3A_1029 = tpu.memref_slice %arg3[%dma_wait3A_1027, %dma_wait3A_1028] : memref<400000x32xf32, #tpu.memory_space<hbm>> -> memref<400000x32xf32, #tpu.memory_space<hbm>>
      tpu.wait_indirect_dma semaphore(%arg20 : memref<!tpu.dma_semaphore, #tpu.memory_space<semaphore_mem>>) src(%dma_wait3A_1029 : memref<400000x32xf32, #tpu.memory_space<hbm>>) dst(%arg7 : memref<128x32xf32, #tpu.memory_space<vmem>>)
      %lt3A = arith.constant 193 : i32
      %lt3A_1030 = arith.cmpi slt, %add3A_1021, %lt3A : i32
      %convert_element_type3A = arith.extui %lt3A_1030 : i1 to i32
      %cond3A = arith.constant 0 : i32
      %cond3A_1031 = arith.cmpi ne, %convert_element_type3A, %cond3A : i32
      scf.if %cond3A_1031 {
        %add3A_1340 = arith.constant 8 : i32
        %add3A_1341 = arith.addi %add3A_1021, %add3A_1340 : i32
        %sub3A = arith.constant 1 : i32
        %sub3A_1342 = arith.subi %add3A_1341, %sub3A : i32
        %shift_right_arithmetic3A_1343 = arith.constant 3 : i32
        %shift_right_arithmetic3A_1344 = arith.shrsi %sub3A_1342, %shift_right_arithmetic3A_1343 : i32
        %and3A_1345 = arith.constant 7 : i32
        %and3A_1346 = arith.andi %sub3A_1342, %and3A_1345 : i32
        %dma_start3A_1347 = arith.constant 0 : i32
        %dma_start3A_1348 = tpu.memref_slice %arg6[%shift_right_arithmetic3A_1344, %and3A_1346, %dma_start3A_1347] : memref<25x8x128xi32, #tpu.memory_space<vmem>> -> memref<1x1x128xi32, #tpu.memory_space<vmem>>
        %dma_start3A_1349 = tpu.memref_squeeze %dma_start3A_1348 : memref<1x1x128xi32, #tpu.memory_space<vmem>> -> memref<128xi32, #tpu.memory_space<vmem>>
        %dma_start3A_1350 = arith.constant 0 : i32
        %dma_start3A_1351 = arith.constant 0 : i32
        %dma_start3A_1352 = tpu.memref_slice %arg3[%dma_start3A_1350, %dma_start3A_1351] : memref<400000x32xf32, #tpu.memory_space<hbm>> -> memref<400000x32xf32, #tpu.memory_space<hbm>>
        tpu.enqueue_indirect_dma source(%dma_start3A_1352 : memref<400000x32xf32, #tpu.memory_space<hbm>>) target(%arg14 : memref<128x32xf32, #tpu.memory_space<vmem>>) offsets(%dma_start3A_1349 : memref<128xi32, #tpu.memory_space<vmem>>) semaphore(%arg27 : memref<!tpu.dma_semaphore, #tpu.memory_space<semaphore_mem>>)
      } else {
      }
      %ge3A = arith.constant 4 : i32
      %ge3A_1032 = arith.cmpi sge, %add3A_1021, %ge3A : i32
      %convert_element_type3A_1033 = arith.extui %ge3A_1032 : i1 to i32
      %cond3A_1034 = arith.constant 0 : i32
      %cond3A_1035 = arith.cmpi ne, %convert_element_type3A_1033, %cond3A_1034 : i32
      scf.if %cond3A_1035 {
        %sub3A = arith.constant 4 : i32
        %sub3A_1340 = arith.subi %add3A_1021, %sub3A : i32
        %dma_wait3A_1341 = arith.constant 0 : i32
        %dma_wait3A_1342 = arith.constant 0 : i32
        %dma_wait3A_1343 = arith.constant 0 : i32
        %dma_wait3A_1344 = tpu.memref_slice %arg5[%sub3A_1340, %dma_wait3A_1341, %add3A, %dma_wait3A_1342, %dma_wait3A_1343] : memref<200x4x32x8x128xf32, #tpu.memory_space<hbm>> -> memref<1x4x1x8x128xf32, #tpu.memory_space<hbm>>
        %dma_wait3A_1345 = tpu.memref_squeeze %dma_wait3A_1344 : memref<1x4x1x8x128xf32, #tpu.memory_space<hbm>> -> memref<4x8x128xf32, #tpu.memory_space<hbm>>
        %dma_wait3A_1346 = arith.constant 0 : i32
        %dma_wait3A_1347 = arith.constant 0 : i32
        %dma_wait3A_1348 = arith.constant 0 : i32
        %dma_wait3A_1349 = tpu.memref_slice %arg5[%sub3A_1340, %dma_wait3A_1346, %add3A, %dma_wait3A_1347, %dma_wait3A_1348] : memref<200x4x32x8x128xf32, #tpu.memory_space<hbm>> -> memref<1x4x1x8x128xf32, #tpu.memory_space<hbm>>
        %dma_wait3A_1350 = tpu.memref_squeeze %dma_wait3A_1349 : memref<1x4x1x8x128xf32, #tpu.memory_space<hbm>> -> memref<4x8x128xf32, #tpu.memory_space<hbm>>
        tpu.wait_dma2 semaphore(%arg28 : memref<!tpu.dma_semaphore, #tpu.memory_space<semaphore_mem>>) src(%arg15 : memref<4x8x128xf32, #tpu.memory_space<vmem>>) dst(%dma_wait3A_1350 : memref<4x8x128xf32, #tpu.memory_space<hbm>>)
      } else {
      }
      %get3A = arith.index_cast %add3A_1021 : i32 to index
      %get3A_1036 = arith.constant 0 : index
      %get3A_1037 = tpu.vector_load %arg19[%get3A, %get3A_1036] {strides = array<i32>} : memref<200x32xf32, #tpu.memory_space<vmem>>, vector<16xf32>,
      %get3A_1038 = arith.index_cast %add3A_1021 : i32 to index
      %get3A_1039 = arith.constant 16 : index
      %get3A_1040 = tpu.vector_load %arg19[%get3A_1038, %get3A_1039] {strides = array<i32>} : memref<200x32xf32, #tpu.memory_space<vmem>>, vector<16xf32>,
      %parallel_loop3A = arith.constant 0 : i32
      %parallel_loop3A_1041 = arith.constant 128 : i32
      %parallel_loop3A_1042 = arith.constant 1 : i32
      scf.for %parallel_loop3A_1340 = %parallel_loop3A to %parallel_loop3A_1041 step %parallel_loop3A_1042  : i32 {
        %parallel_loop3A_1341 = vector.broadcast %parallel_loop3A_1340 : i32 to vector<16xi32>
        %parallel_loop3A_1342 = arith.addi %iota3A, %parallel_loop3A_1341 : vector<16xi32>
        %parallel_loop3A_1343 = arith.constant 127 : i32
        %parallel_loop3A_1344 = vector.broadcast %parallel_loop3A_1343 : i32 to vector<16xi32>
        %parallel_loop3A_1345 = arith.andi %parallel_loop3A_1342, %parallel_loop3A_1344 : vector<16xi32>
        %parallel_loop3A_1346 = tpu.vector_load_idx %arg7[%parallel_loop3A_1345, %iota3A] : memref<128x32xf32, #tpu.memory_space<vmem>>[vector<16xi32>, vector<16xi32>], vector<16xf32>,
        %parallel_loop3A_1347 = arith.addf %parallel_loop3A_1346, %get3A_1037 : vector<16xf32>
        tpu.vector_store_idx %arg15[%shift_right_arithmetic3A_903, %and3A_908, %parallel_loop3A_1345], %parallel_loop3A_1347 : memref<4x8x128xf32, #tpu.memory_space<vmem>>[vector<16xi32>, vector<16xi32>, vector<16xi32>], vector<16xf32>,
        %parallel_loop3A_1348 = tpu.vector_load_idx %arg7[%parallel_loop3A_1345, %add3A_901] : memref<128x32xf32, #tpu.memory_space<vmem>>[vector<16xi32>, vector<16xi32>], vector<16xf32>,
        %parallel_loop3A_1349 = arith.addf %parallel_loop3A_1348, %get3A_1040 : vector<16xf32>
        tpu.vector_store_idx %arg15[%shift_right_arithmetic3A_906, %and3A_911, %parallel_loop3A_1345], %parallel_loop3A_1349 : memref<4x8x128xf32, #tpu.memory_space<vmem>>[vector<16xi32>, vector<16xi32>, vector<16xi32>], vector<16xf32>,
      } {sc.loop_unroll_factor = 8 : i64, sc.parallel_access}
      %dma_start3A_1043 = arith.constant 0 : i32
      %dma_start3A_1044 = arith.constant 0 : i32
      %dma_start3A_1045 = arith.constant 0 : i32
      %dma_start3A_1046 = tpu.memref_slice %arg5[%add3A_1021, %dma_start3A_1043, %add3A, %dma_start3A_1044, %dma_start3A_1045] : memref<200x4x32x8x128xf32, #tpu.memory_space<hbm>> -> memref<1x4x1x8x128xf32, #tpu.memory_space<hbm>>
      %dma_start3A_1047 = tpu.memref_squeeze %dma_start3A_1046 : memref<1x4x1x8x128xf32, #tpu.memory_space<hbm>> -> memref<4x8x128xf32, #tpu.memory_space<hbm>>
      %dma_start3A_1048 = arith.constant 0 : i32
      %dma_start3A_1049 = arith.constant 0 : i32
      %dma_start3A_1050 = arith.constant 0 : i32
      %dma_start3A_1051 = tpu.memref_slice %arg5[%add3A_1021, %dma_start3A_1048, %add3A, %dma_start3A_1049, %dma_start3A_1050] : memref<200x4x32x8x128xf32, #tpu.memory_space<hbm>> -> memref<1x4x1x8x128xf32, #tpu.memory_space<hbm>>
      %dma_start3A_1052 = tpu.memref_squeeze %dma_start3A_1051 : memref<1x4x1x8x128xf32, #tpu.memory_space<hbm>> -> memref<4x8x128xf32, #tpu.memory_space<hbm>>
      tpu.enqueue_dma source(%arg15 : memref<4x8x128xf32, #tpu.memory_space<vmem>>) target(%dma_start3A_1052 : memref<4x8x128xf32, #tpu.memory_space<hbm>>) target_semaphore(%arg28 : memref<!tpu.dma_semaphore, #tpu.memory_space<semaphore_mem>>)
      %mul3A_1053 = arith.constant 8 : i32
      %mul3A_1054 = arith.muli %mul3A_1053, %scan3A_1017 : i32
      %add3A_1055 = arith.constant 1 : i32
      %add3A_1056 = arith.addi %mul3A_1054, %add3A_1055 : i32
      %dma_wait3A_1057 = arith.constant 0 : i32
      %dma_wait3A_1058 = arith.constant 0 : i32
      %dma_wait3A_1059 = arith.constant 0 : i32
      %dma_wait3A_1060 = tpu.memref_slice %arg6[%dma_wait3A_1057, %dma_wait3A_1058, %dma_wait3A_1059] : memref<25x8x128xi32, #tpu.memory_space<vmem>> -> memref<1x1x128xi32, #tpu.memory_space<vmem>>
      %dma_wait3A_1061 = tpu.memref_squeeze %dma_wait3A_1060 : memref<1x1x128xi32, #tpu.memory_space<vmem>> -> memref<128xi32, #tpu.memory_space<vmem>>
      %dma_wait3A_1062 = arith.constant 0 : i32
      %dma_wait3A_1063 = arith.constant 0 : i32
      %dma_wait3A_1064 = tpu.memref_slice %arg3[%dma_wait3A_1062, %dma_wait3A_1063] : memref<400000x32xf32, #tpu.memory_space<hbm>> -> memref<400000x32xf32, #tpu.memory_space<hbm>>
      tpu.wait_indirect_dma semaphore(%arg21 : memref<!tpu.dma_semaphore, #tpu.memory_space<semaphore_mem>>) src(%dma_wait3A_1064 : memref<400000x32xf32, #tpu.memory_space<hbm>>) dst(%arg8 : memref<128x32xf32, #tpu.memory_space<vmem>>)
      %lt3A_1065 = arith.constant 193 : i32
      %lt3A_1066 = arith.cmpi slt, %add3A_1056, %lt3A_1065 : i32
      %convert_element_type3A_1067 = arith.extui %lt3A_1066 : i1 to i32
      %cond3A_1068 = arith.constant 0 : i32
      %cond3A_1069 = arith.cmpi ne, %convert_element_type3A_1067, %cond3A_1068 : i32
      scf.if %cond3A_1069 {
        %add3A_1340 = arith.constant 8 : i32
        %add3A_1341 = arith.addi %add3A_1056, %add3A_1340 : i32
        %sub3A = arith.constant 1 : i32
        %sub3A_1342 = arith.subi %add3A_1341, %sub3A : i32
        %shift_right_arithmetic3A_1343 = arith.constant 3 : i32
        %shift_right_arithmetic3A_1344 = arith.shrsi %sub3A_1342, %shift_right_arithmetic3A_1343 : i32
        %and3A_1345 = arith.constant 7 : i32
        %and3A_1346 = arith.andi %sub3A_1342, %and3A_1345 : i32
        %dma_start3A_1347 = arith.constant 0 : i32
        %dma_start3A_1348 = tpu.memref_slice %arg6[%shift_right_arithmetic3A_1344, %and3A_1346, %dma_start3A_1347] : memref<25x8x128xi32, #tpu.memory_space<vmem>> -> memref<1x1x128xi32, #tpu.memory_space<vmem>>
        %dma_start3A_1349 = tpu.memref_squeeze %dma_start3A_1348 : memref<1x1x128xi32, #tpu.memory_space<vmem>> -> memref<128xi32, #tpu.memory_space<vmem>>
        %dma_start3A_1350 = arith.constant 0 : i32
        %dma_start3A_1351 = arith.constant 0 : i32
        %dma_start3A_1352 = tpu.memref_slice %arg3[%dma_start3A_1350, %dma_start3A_1351] : memref<400000x32xf32, #tpu.memory_space<hbm>> -> memref<400000x32xf32, #tpu.memory_space<hbm>>
        tpu.enqueue_indirect_dma source(%dma_start3A_1352 : memref<400000x32xf32, #tpu.memory_space<hbm>>) target(%arg7 : memref<128x32xf32, #tpu.memory_space<vmem>>) offsets(%dma_start3A_1349 : memref<128xi32, #tpu.memory_space<vmem>>) semaphore(%arg20 : memref<!tpu.dma_semaphore, #tpu.memory_space<semaphore_mem>>)
      } else {
      }
      %ge3A_1070 = arith.constant 4 : i32
      %ge3A_1071 = arith.cmpi sge, %add3A_1056, %ge3A_1070 : i32
      %convert_element_type3A_1072 = arith.extui %ge3A_1071 : i1 to i32
      %cond3A_1073 = arith.constant 0 : i32
      %cond3A_1074 = arith.cmpi ne, %convert_element_type3A_1072, %cond3A_1073 : i32
      scf.if %cond3A_1074 {
        %sub3A = arith.constant 4 : i32
        %sub3A_1340 = arith.subi %add3A_1056, %sub3A : i32
        %dma_wait3A_1341 = arith.constant 0 : i32
        %dma_wait3A_1342 = arith.constant 0 : i32
        %dma_wait3A_1343 = arith.constant 0 : i32
        %dma_wait3A_1344 = tpu.memref_slice %arg5[%sub3A_1340, %dma_wait3A_1341, %add3A, %dma_wait3A_1342, %dma_wait3A_1343] : memref<200x4x32x8x128xf32, #tpu.memory_space<hbm>> -> memref<1x4x1x8x128xf32, #tpu.memory_space<hbm>>
        %dma_wait3A_1345 = tpu.memref_squeeze %dma_wait3A_1344 : memref<1x4x1x8x128xf32, #tpu.memory_space<hbm>> -> memref<4x8x128xf32, #tpu.memory_space<hbm>>
        %dma_wait3A_1346 = arith.constant 0 : i32
        %dma_wait3A_1347 = arith.constant 0 : i32
        %dma_wait3A_1348 = arith.constant 0 : i32
        %dma_wait3A_1349 = tpu.memref_slice %arg5[%sub3A_1340, %dma_wait3A_1346, %add3A, %dma_wait3A_1347, %dma_wait3A_1348] : memref<200x4x32x8x128xf32, #tpu.memory_space<hbm>> -> memref<1x4x1x8x128xf32, #tpu.memory_space<hbm>>
        %dma_wait3A_1350 = tpu.memref_squeeze %dma_wait3A_1349 : memref<1x4x1x8x128xf32, #tpu.memory_space<hbm>> -> memref<4x8x128xf32, #tpu.memory_space<hbm>>
        tpu.wait_dma2 semaphore(%arg29 : memref<!tpu.dma_semaphore, #tpu.memory_space<semaphore_mem>>) src(%arg16 : memref<4x8x128xf32, #tpu.memory_space<vmem>>) dst(%dma_wait3A_1350 : memref<4x8x128xf32, #tpu.memory_space<hbm>>)
      } else {
      }
      %get3A_1075 = arith.index_cast %add3A_1056 : i32 to index
      %get3A_1076 = arith.constant 0 : index
      %get3A_1077 = tpu.vector_load %arg19[%get3A_1075, %get3A_1076] {strides = array<i32>} : memref<200x32xf32, #tpu.memory_space<vmem>>, vector<16xf32>,
      %get3A_1078 = arith.index_cast %add3A_1056 : i32 to index
      %get3A_1079 = arith.constant 16 : index
      %get3A_1080 = tpu.vector_load %arg19[%get3A_1078, %get3A_1079] {strides = array<i32>} : memref<200x32xf32, #tpu.memory_space<vmem>>, vector<16xf32>,
      %parallel_loop3A_1081 = arith.constant 0 : i32
      %parallel_loop3A_1082 = arith.constant 128 : i32
      %parallel_loop3A_1083 = arith.constant 1 : i32
      scf.for %parallel_loop3A_1340 = %parallel_loop3A_1081 to %parallel_loop3A_1082 step %parallel_loop3A_1083  : i32 {
        %parallel_loop3A_1341 = vector.broadcast %parallel_loop3A_1340 : i32 to vector<16xi32>
        %parallel_loop3A_1342 = arith.addi %iota3A, %parallel_loop3A_1341 : vector<16xi32>
        %parallel_loop3A_1343 = arith.constant 127 : i32
        %parallel_loop3A_1344 = vector.broadcast %parallel_loop3A_1343 : i32 to vector<16xi32>
        %parallel_loop3A_1345 = arith.andi %parallel_loop3A_1342, %parallel_loop3A_1344 : vector<16xi32>
        %parallel_loop3A_1346 = tpu.vector_load_idx %arg8[%parallel_loop3A_1345, %iota3A] : memref<128x32xf32, #tpu.memory_space<vmem>>[vector<16xi32>, vector<16xi32>], vector<16xf32>,
        %parallel_loop3A_1347 = arith.addf %parallel_loop3A_1346, %get3A_1077 : vector<16xf32>
        tpu.vector_store_idx %arg16[%shift_right_arithmetic3A_903, %and3A_908, %parallel_loop3A_1345], %parallel_loop3A_1347 : memref<4x8x128xf32, #tpu.memory_space<vmem>>[vector<16xi32>, vector<16xi32>, vector<16xi32>], vector<16xf32>,
        %parallel_loop3A_1348 = tpu.vector_load_idx %arg8[%parallel_loop3A_1345, %add3A_901] : memref<128x32xf32, #tpu.memory_space<vmem>>[vector<16xi32>, vector<16xi32>], vector<16xf32>,
        %parallel_loop3A_1349 = arith.addf %parallel_loop3A_1348, %get3A_1080 : vector<16xf32>
        tpu.vector_store_idx %arg16[%shift_right_arithmetic3A_906, %and3A_911, %parallel_loop3A_1345], %parallel_loop3A_1349 : memref<4x8x128xf32, #tpu.memory_space<vmem>>[vector<16xi32>, vector<16xi32>, vector<16xi32>], vector<16xf32>,
      } {sc.loop_unroll_factor = 8 : i64, sc.parallel_access}
      %dma_start3A_1084 = arith.constant 0 : i32
      %dma_start3A_1085 = arith.constant 0 : i32
      %dma_start3A_1086 = arith.constant 0 : i32
      %dma_start3A_1087 = tpu.memref_slice %arg5[%add3A_1056, %dma_start3A_1084, %add3A, %dma_start3A_1085, %dma_start3A_1086] : memref<200x4x32x8x128xf32, #tpu.memory_space<hbm>> -> memref<1x4x1x8x128xf32, #tpu.memory_space<hbm>>
      %dma_start3A_1088 = tpu.memref_squeeze %dma_start3A_1087 : memref<1x4x1x8x128xf32, #tpu.memory_space<hbm>> -> memref<4x8x128xf32, #tpu.memory_space<hbm>>
      %dma_start3A_1089 = arith.constant 0 : i32
      %dma_start3A_1090 = arith.constant 0 : i32
      %dma_start3A_1091 = arith.constant 0 : i32
      %dma_start3A_1092 = tpu.memref_slice %arg5[%add3A_1056, %dma_start3A_1089, %add3A, %dma_start3A_1090, %dma_start3A_1091] : memref<200x4x32x8x128xf32, #tpu.memory_space<hbm>> -> memref<1x4x1x8x128xf32, #tpu.memory_space<hbm>>
      %dma_start3A_1093 = tpu.memref_squeeze %dma_start3A_1092 : memref<1x4x1x8x128xf32, #tpu.memory_space<hbm>> -> memref<4x8x128xf32, #tpu.memory_space<hbm>>
      tpu.enqueue_dma source(%arg16 : memref<4x8x128xf32, #tpu.memory_space<vmem>>) target(%dma_start3A_1093 : memref<4x8x128xf32, #tpu.memory_space<hbm>>) target_semaphore(%arg29 : memref<!tpu.dma_semaphore, #tpu.memory_space<semaphore_mem>>)
      %mul3A_1094 = arith.constant 8 : i32
      %mul3A_1095 = arith.muli %mul3A_1094, %scan3A_1017 : i32
      %add3A_1096 = arith.constant 2 : i32
      %add3A_1097 = arith.addi %mul3A_1095, %add3A_1096 : i32
      %dma_wait3A_1098 = arith.constant 0 : i32
      %dma_wait3A_1099 = arith.constant 0 : i32
      %dma_wait3A_1100 = arith.constant 0 : i32
      %dma_wait3A_1101 = tpu.memref_slice %arg6[%dma_wait3A_1098, %dma_wait3A_1099, %dma_wait3A_1100] : memref<25x8x128xi32, #tpu.memory_space<vmem>> -> memref<1x1x128xi32, #tpu.memory_space<vmem>>
      %dma_wait3A_1102 = tpu.memref_squeeze %dma_wait3A_1101 : memref<1x1x128xi32, #tpu.memory_space<vmem>> -> memref<128xi32, #tpu.memory_space<vmem>>
      %dma_wait3A_1103 = arith.constant 0 : i32
      %dma_wait3A_1104 = arith.constant 0 : i32
      %dma_wait3A_1105 = tpu.memref_slice %arg3[%dma_wait3A_1103, %dma_wait3A_1104] : memref<400000x32xf32, #tpu.memory_space<hbm>> -> memref<400000x32xf32, #tpu.memory_space<hbm>>
      tpu.wait_indirect_dma semaphore(%arg22 : memref<!tpu.dma_semaphore, #tpu.memory_space<semaphore_mem>>) src(%dma_wait3A_1105 : memref<400000x32xf32, #tpu.memory_space<hbm>>) dst(%arg9 : memref<128x32xf32, #tpu.memory_space<vmem>>)
      %lt3A_1106 = arith.constant 193 : i32
      %lt3A_1107 = arith.cmpi slt, %add3A_1097, %lt3A_1106 : i32
      %convert_element_type3A_1108 = arith.extui %lt3A_1107 : i1 to i32
      %cond3A_1109 = arith.constant 0 : i32
      %cond3A_1110 = arith.cmpi ne, %convert_element_type3A_1108, %cond3A_1109 : i32
      scf.if %cond3A_1110 {
        %add3A_1340 = arith.constant 8 : i32
        %add3A_1341 = arith.addi %add3A_1097, %add3A_1340 : i32
        %sub3A = arith.constant 1 : i32
        %sub3A_1342 = arith.subi %add3A_1341, %sub3A : i32
        %shift_right_arithmetic3A_1343 = arith.constant 3 : i32
        %shift_right_arithmetic3A_1344 = arith.shrsi %sub3A_1342, %shift_right_arithmetic3A_1343 : i32
        %and3A_1345 = arith.constant 7 : i32
        %and3A_1346 = arith.andi %sub3A_1342, %and3A_1345 : i32
        %dma_start3A_1347 = arith.constant 0 : i32
        %dma_start3A_1348 = tpu.memref_slice %arg6[%shift_right_arithmetic3A_1344, %and3A_1346, %dma_start3A_1347] : memref<25x8x128xi32, #tpu.memory_space<vmem>> -> memref<1x1x128xi32, #tpu.memory_space<vmem>>
        %dma_start3A_1349 = tpu.memref_squeeze %dma_start3A_1348 : memref<1x1x128xi32, #tpu.memory_space<vmem>> -> memref<128xi32, #tpu.memory_space<vmem>>
        %dma_start3A_1350 = arith.constant 0 : i32
        %dma_start3A_1351 = arith.constant 0 : i32
        %dma_start3A_1352 = tpu.memref_slice %arg3[%dma_start3A_1350, %dma_start3A_1351] : memref<400000x32xf32, #tpu.memory_space<hbm>> -> memref<400000x32xf32, #tpu.memory_space<hbm>>
        tpu.enqueue_indirect_dma source(%dma_start3A_1352 : memref<400000x32xf32, #tpu.memory_space<hbm>>) target(%arg8 : memref<128x32xf32, #tpu.memory_space<vmem>>) offsets(%dma_start3A_1349 : memref<128xi32, #tpu.memory_space<vmem>>) semaphore(%arg21 : memref<!tpu.dma_semaphore, #tpu.memory_space<semaphore_mem>>)
      } else {
      }
      %ge3A_1111 = arith.constant 4 : i32
      %ge3A_1112 = arith.cmpi sge, %add3A_1097, %ge3A_1111 : i32
      %convert_element_type3A_1113 = arith.extui %ge3A_1112 : i1 to i32
      %cond3A_1114 = arith.constant 0 : i32
      %cond3A_1115 = arith.cmpi ne, %convert_element_type3A_1113, %cond3A_1114 : i32
      scf.if %cond3A_1115 {
        %sub3A = arith.constant 4 : i32
        %sub3A_1340 = arith.subi %add3A_1097, %sub3A : i32
        %dma_wait3A_1341 = arith.constant 0 : i32
        %dma_wait3A_1342 = arith.constant 0 : i32
        %dma_wait3A_1343 = arith.constant 0 : i32
        %dma_wait3A_1344 = tpu.memref_slice %arg5[%sub3A_1340, %dma_wait3A_1341, %add3A, %dma_wait3A_1342, %dma_wait3A_1343] : memref<200x4x32x8x128xf32, #tpu.memory_space<hbm>> -> memref<1x4x1x8x128xf32, #tpu.memory_space<hbm>>
        %dma_wait3A_1345 = tpu.memref_squeeze %dma_wait3A_1344 : memref<1x4x1x8x128xf32, #tpu.memory_space<hbm>> -> memref<4x8x128xf32, #tpu.memory_space<hbm>>
        %dma_wait3A_1346 = arith.constant 0 : i32
        %dma_wait3A_1347 = arith.constant 0 : i32
        %dma_wait3A_1348 = arith.constant 0 : i32
        %dma_wait3A_1349 = tpu.memref_slice %arg5[%sub3A_1340, %dma_wait3A_1346, %add3A, %dma_wait3A_1347, %dma_wait3A_1348] : memref<200x4x32x8x128xf32, #tpu.memory_space<hbm>> -> memref<1x4x1x8x128xf32, #tpu.memory_space<hbm>>
        %dma_wait3A_1350 = tpu.memref_squeeze %dma_wait3A_1349 : memref<1x4x1x8x128xf32, #tpu.memory_space<hbm>> -> memref<4x8x128xf32, #tpu.memory_space<hbm>>
        tpu.wait_dma2 semaphore(%arg30 : memref<!tpu.dma_semaphore, #tpu.memory_space<semaphore_mem>>) src(%arg17 : memref<4x8x128xf32, #tpu.memory_space<vmem>>) dst(%dma_wait3A_1350 : memref<4x8x128xf32, #tpu.memory_space<hbm>>)
      } else {
      }
      %get3A_1116 = arith.index_cast %add3A_1097 : i32 to index
      %get3A_1117 = arith.constant 0 : index
      %get3A_1118 = tpu.vector_load %arg19[%get3A_1116, %get3A_1117] {strides = array<i32>} : memref<200x32xf32, #tpu.memory_space<vmem>>, vector<16xf32>,
      %get3A_1119 = arith.index_cast %add3A_1097 : i32 to index
      %get3A_1120 = arith.constant 16 : index
      %get3A_1121 = tpu.vector_load %arg19[%get3A_1119, %get3A_1120] {strides = array<i32>} : memref<200x32xf32, #tpu.memory_space<vmem>>, vector<16xf32>,
      %parallel_loop3A_1122 = arith.constant 0 : i32
      %parallel_loop3A_1123 = arith.constant 128 : i32
      %parallel_loop3A_1124 = arith.constant 1 : i32
      scf.for %parallel_loop3A_1340 = %parallel_loop3A_1122 to %parallel_loop3A_1123 step %parallel_loop3A_1124  : i32 {
        %parallel_loop3A_1341 = vector.broadcast %parallel_loop3A_1340 : i32 to vector<16xi32>
        %parallel_loop3A_1342 = arith.addi %iota3A, %parallel_loop3A_1341 : vector<16xi32>
        %parallel_loop3A_1343 = arith.constant 127 : i32
        %parallel_loop3A_1344 = vector.broadcast %parallel_loop3A_1343 : i32 to vector<16xi32>
        %parallel_loop3A_1345 = arith.andi %parallel_loop3A_1342, %parallel_loop3A_1344 : vector<16xi32>
        %parallel_loop3A_1346 = tpu.vector_load_idx %arg9[%parallel_loop3A_1345, %iota3A] : memref<128x32xf32, #tpu.memory_space<vmem>>[vector<16xi32>, vector<16xi32>], vector<16xf32>,
        %parallel_loop3A_1347 = arith.addf %parallel_loop3A_1346, %get3A_1118 : vector<16xf32>
        tpu.vector_store_idx %arg17[%shift_right_arithmetic3A_903, %and3A_908, %parallel_loop3A_1345], %parallel_loop3A_1347 : memref<4x8x128xf32, #tpu.memory_space<vmem>>[vector<16xi32>, vector<16xi32>, vector<16xi32>], vector<16xf32>,
        %parallel_loop3A_1348 = tpu.vector_load_idx %arg9[%parallel_loop3A_1345, %add3A_901] : memref<128x32xf32, #tpu.memory_space<vmem>>[vector<16xi32>, vector<16xi32>], vector<16xf32>,
        %parallel_loop3A_1349 = arith.addf %parallel_loop3A_1348, %get3A_1121 : vector<16xf32>
        tpu.vector_store_idx %arg17[%shift_right_arithmetic3A_906, %and3A_911, %parallel_loop3A_1345], %parallel_loop3A_1349 : memref<4x8x128xf32, #tpu.memory_space<vmem>>[vector<16xi32>, vector<16xi32>, vector<16xi32>], vector<16xf32>,
      } {sc.loop_unroll_factor = 8 : i64, sc.parallel_access}
      %dma_start3A_1125 = arith.constant 0 : i32
      %dma_start3A_1126 = arith.constant 0 : i32
      %dma_start3A_1127 = arith.constant 0 : i32
      %dma_start3A_1128 = tpu.memref_slice %arg5[%add3A_1097, %dma_start3A_1125, %add3A, %dma_start3A_1126, %dma_start3A_1127] : memref<200x4x32x8x128xf32, #tpu.memory_space<hbm>> -> memref<1x4x1x8x128xf32, #tpu.memory_space<hbm>>
      %dma_start3A_1129 = tpu.memref_squeeze %dma_start3A_1128 : memref<1x4x1x8x128xf32, #tpu.memory_space<hbm>> -> memref<4x8x128xf32, #tpu.memory_space<hbm>>
      %dma_start3A_1130 = arith.constant 0 : i32
      %dma_start3A_1131 = arith.constant 0 : i32
      %dma_start3A_1132 = arith.constant 0 : i32
      %dma_start3A_1133 = tpu.memref_slice %arg5[%add3A_1097, %dma_start3A_1130, %add3A, %dma_start3A_1131, %dma_start3A_1132] : memref<200x4x32x8x128xf32, #tpu.memory_space<hbm>> -> memref<1x4x1x8x128xf32, #tpu.memory_space<hbm>>
      %dma_start3A_1134 = tpu.memref_squeeze %dma_start3A_1133 : memref<1x4x1x8x128xf32, #tpu.memory_space<hbm>> -> memref<4x8x128xf32, #tpu.memory_space<hbm>>
      tpu.enqueue_dma source(%arg17 : memref<4x8x128xf32, #tpu.memory_space<vmem>>) target(%dma_start3A_1134 : memref<4x8x128xf32, #tpu.memory_space<hbm>>) target_semaphore(%arg30 : memref<!tpu.dma_semaphore, #tpu.memory_space<semaphore_mem>>)
      %mul3A_1135 = arith.constant 8 : i32
      %mul3A_1136 = arith.muli %mul3A_1135, %scan3A_1017 : i32
      %add3A_1137 = arith.constant 3 : i32
      %add3A_1138 = arith.addi %mul3A_1136, %add3A_1137 : i32
      %dma_wait3A_1139 = arith.constant 0 : i32
      %dma_wait3A_1140 = arith.constant 0 : i32
      %dma_wait3A_1141 = arith.constant 0 : i32
      %dma_wait3A_1142 = tpu.memref_slice %arg6[%dma_wait3A_1139, %dma_wait3A_1140, %dma_wait3A_1141] : memref<25x8x128xi32, #tpu.memory_space<vmem>> -> memref<1x1x128xi32, #tpu.memory_space<vmem>>
      %dma_wait3A_1143 = tpu.memref_squeeze %dma_wait3A_1142 : memref<1x1x128xi32, #tpu.memory_space<vmem>> -> memref<128xi32, #tpu.memory_space<vmem>>
      %dma_wait3A_1144 = arith.constant 0 : i32
      %dma_wait3A_1145 = arith.constant 0 : i32
      %dma_wait3A_1146 = tpu.memref_slice %arg3[%dma_wait3A_1144, %dma_wait3A_1145] : memref<400000x32xf32, #tpu.memory_space<hbm>> -> memref<400000x32xf32, #tpu.memory_space<hbm>>
      tpu.wait_indirect_dma semaphore(%arg23 : memref<!tpu.dma_semaphore, #tpu.memory_space<semaphore_mem>>) src(%dma_wait3A_1146 : memref<400000x32xf32, #tpu.memory_space<hbm>>) dst(%arg10 : memref<128x32xf32, #tpu.memory_space<vmem>>)
      %lt3A_1147 = arith.constant 193 : i32
      %lt3A_1148 = arith.cmpi slt, %add3A_1138, %lt3A_1147 : i32
      %convert_element_type3A_1149 = arith.extui %lt3A_1148 : i1 to i32
      %cond3A_1150 = arith.constant 0 : i32
      %cond3A_1151 = arith.cmpi ne, %convert_element_type3A_1149, %cond3A_1150 : i32
      scf.if %cond3A_1151 {
        %add3A_1340 = arith.constant 8 : i32
        %add3A_1341 = arith.addi %add3A_1138, %add3A_1340 : i32
        %sub3A = arith.constant 1 : i32
        %sub3A_1342 = arith.subi %add3A_1341, %sub3A : i32
        %shift_right_arithmetic3A_1343 = arith.constant 3 : i32
        %shift_right_arithmetic3A_1344 = arith.shrsi %sub3A_1342, %shift_right_arithmetic3A_1343 : i32
        %and3A_1345 = arith.constant 7 : i32
        %and3A_1346 = arith.andi %sub3A_1342, %and3A_1345 : i32
        %dma_start3A_1347 = arith.constant 0 : i32
        %dma_start3A_1348 = tpu.memref_slice %arg6[%shift_right_arithmetic3A_1344, %and3A_1346, %dma_start3A_1347] : memref<25x8x128xi32, #tpu.memory_space<vmem>> -> memref<1x1x128xi32, #tpu.memory_space<vmem>>
        %dma_start3A_1349 = tpu.memref_squeeze %dma_start3A_1348 : memref<1x1x128xi32, #tpu.memory_space<vmem>> -> memref<128xi32, #tpu.memory_space<vmem>>
        %dma_start3A_1350 = arith.constant 0 : i32
        %dma_start3A_1351 = arith.constant 0 : i32
        %dma_start3A_1352 = tpu.memref_slice %arg3[%dma_start3A_1350, %dma_start3A_1351] : memref<400000x32xf32, #tpu.memory_space<hbm>> -> memref<400000x32xf32, #tpu.memory_space<hbm>>
        tpu.enqueue_indirect_dma source(%dma_start3A_1352 : memref<400000x32xf32, #tpu.memory_space<hbm>>) target(%arg9 : memref<128x32xf32, #tpu.memory_space<vmem>>) offsets(%dma_start3A_1349 : memref<128xi32, #tpu.memory_space<vmem>>) semaphore(%arg22 : memref<!tpu.dma_semaphore, #tpu.memory_space<semaphore_mem>>)
      } else {
      }
      %ge3A_1152 = arith.constant 4 : i32
      %ge3A_1153 = arith.cmpi sge, %add3A_1138, %ge3A_1152 : i32
      %convert_element_type3A_1154 = arith.extui %ge3A_1153 : i1 to i32
      %cond3A_1155 = arith.constant 0 : i32
      %cond3A_1156 = arith.cmpi ne, %convert_element_type3A_1154, %cond3A_1155 : i32
      scf.if %cond3A_1156 {
        %sub3A = arith.constant 4 : i32
        %sub3A_1340 = arith.subi %add3A_1138, %sub3A : i32
        %dma_wait3A_1341 = arith.constant 0 : i32
        %dma_wait3A_1342 = arith.constant 0 : i32
        %dma_wait3A_1343 = arith.constant 0 : i32
        %dma_wait3A_1344 = tpu.memref_slice %arg5[%sub3A_1340, %dma_wait3A_1341, %add3A, %dma_wait3A_1342, %dma_wait3A_1343] : memref<200x4x32x8x128xf32, #tpu.memory_space<hbm>> -> memref<1x4x1x8x128xf32, #tpu.memory_space<hbm>>
        %dma_wait3A_1345 = tpu.memref_squeeze %dma_wait3A_1344 : memref<1x4x1x8x128xf32, #tpu.memory_space<hbm>> -> memref<4x8x128xf32, #tpu.memory_space<hbm>>
        %dma_wait3A_1346 = arith.constant 0 : i32
        %dma_wait3A_1347 = arith.constant 0 : i32
        %dma_wait3A_1348 = arith.constant 0 : i32
        %dma_wait3A_1349 = tpu.memref_slice %arg5[%sub3A_1340, %dma_wait3A_1346, %add3A, %dma_wait3A_1347, %dma_wait3A_1348] : memref<200x4x32x8x128xf32, #tpu.memory_space<hbm>> -> memref<1x4x1x8x128xf32, #tpu.memory_space<hbm>>
        %dma_wait3A_1350 = tpu.memref_squeeze %dma_wait3A_1349 : memref<1x4x1x8x128xf32, #tpu.memory_space<hbm>> -> memref<4x8x128xf32, #tpu.memory_space<hbm>>
        tpu.wait_dma2 semaphore(%arg31 : memref<!tpu.dma_semaphore, #tpu.memory_space<semaphore_mem>>) src(%arg18 : memref<4x8x128xf32, #tpu.memory_space<vmem>>) dst(%dma_wait3A_1350 : memref<4x8x128xf32, #tpu.memory_space<hbm>>)
      } else {
      }
      %get3A_1157 = arith.index_cast %add3A_1138 : i32 to index
      %get3A_1158 = arith.constant 0 : index
      %get3A_1159 = tpu.vector_load %arg19[%get3A_1157, %get3A_1158] {strides = array<i32>} : memref<200x32xf32, #tpu.memory_space<vmem>>, vector<16xf32>,
      %get3A_1160 = arith.index_cast %add3A_1138 : i32 to index
      %get3A_1161 = arith.constant 16 : index
      %get3A_1162 = tpu.vector_load %arg19[%get3A_1160, %get3A_1161] {strides = array<i32>} : memref<200x32xf32, #tpu.memory_space<vmem>>, vector<16xf32>,
      %parallel_loop3A_1163 = arith.constant 0 : i32
      %parallel_loop3A_1164 = arith.constant 128 : i32
      %parallel_loop3A_1165 = arith.constant 1 : i32
      scf.for %parallel_loop3A_1340 = %parallel_loop3A_1163 to %parallel_loop3A_1164 step %parallel_loop3A_1165  : i32 {
        %parallel_loop3A_1341 = vector.broadcast %parallel_loop3A_1340 : i32 to vector<16xi32>
        %parallel_loop3A_1342 = arith.addi %iota3A, %parallel_loop3A_1341 : vector<16xi32>
        %parallel_loop3A_1343 = arith.constant 127 : i32
        %parallel_loop3A_1344 = vector.broadcast %parallel_loop3A_1343 : i32 to vector<16xi32>
        %parallel_loop3A_1345 = arith.andi %parallel_loop3A_1342, %parallel_loop3A_1344 : vector<16xi32>
        %parallel_loop3A_1346 = tpu.vector_load_idx %arg10[%parallel_loop3A_1345, %iota3A] : memref<128x32xf32, #tpu.memory_space<vmem>>[vector<16xi32>, vector<16xi32>], vector<16xf32>,
        %parallel_loop3A_1347 = arith.addf %parallel_loop3A_1346, %get3A_1159 : vector<16xf32>
        tpu.vector_store_idx %arg18[%shift_right_arithmetic3A_903, %and3A_908, %parallel_loop3A_1345], %parallel_loop3A_1347 : memref<4x8x128xf32, #tpu.memory_space<vmem>>[vector<16xi32>, vector<16xi32>, vector<16xi32>], vector<16xf32>,
        %parallel_loop3A_1348 = tpu.vector_load_idx %arg10[%parallel_loop3A_1345, %add3A_901] : memref<128x32xf32, #tpu.memory_space<vmem>>[vector<16xi32>, vector<16xi32>], vector<16xf32>,
        %parallel_loop3A_1349 = arith.addf %parallel_loop3A_1348, %get3A_1162 : vector<16xf32>
        tpu.vector_store_idx %arg18[%shift_right_arithmetic3A_906, %and3A_911, %parallel_loop3A_1345], %parallel_loop3A_1349 : memref<4x8x128xf32, #tpu.memory_space<vmem>>[vector<16xi32>, vector<16xi32>, vector<16xi32>], vector<16xf32>,
      } {sc.loop_unroll_factor = 8 : i64, sc.parallel_access}
      %dma_start3A_1166 = arith.constant 0 : i32
      %dma_start3A_1167 = arith.constant 0 : i32
      %dma_start3A_1168 = arith.constant 0 : i32
      %dma_start3A_1169 = tpu.memref_slice %arg5[%add3A_1138, %dma_start3A_1166, %add3A, %dma_start3A_1167, %dma_start3A_1168] : memref<200x4x32x8x128xf32, #tpu.memory_space<hbm>> -> memref<1x4x1x8x128xf32, #tpu.memory_space<hbm>>
      %dma_start3A_1170 = tpu.memref_squeeze %dma_start3A_1169 : memref<1x4x1x8x128xf32, #tpu.memory_space<hbm>> -> memref<4x8x128xf32, #tpu.memory_space<hbm>>
      %dma_start3A_1171 = arith.constant 0 : i32
      %dma_start3A_1172 = arith.constant 0 : i32
      %dma_start3A_1173 = arith.constant 0 : i32
      %dma_start3A_1174 = tpu.memref_slice %arg5[%add3A_1138, %dma_start3A_1171, %add3A, %dma_start3A_1172, %dma_start3A_1173] : memref<200x4x32x8x128xf32, #tpu.memory_space<hbm>> -> memref<1x4x1x8x128xf32, #tpu.memory_space<hbm>>
      %dma_start3A_1175 = tpu.memref_squeeze %dma_start3A_1174 : memref<1x4x1x8x128xf32, #tpu.memory_space<hbm>> -> memref<4x8x128xf32, #tpu.memory_space<hbm>>
      tpu.enqueue_dma source(%arg18 : memref<4x8x128xf32, #tpu.memory_space<vmem>>) target(%dma_start3A_1175 : memref<4x8x128xf32, #tpu.memory_space<hbm>>) target_semaphore(%arg31 : memref<!tpu.dma_semaphore, #tpu.memory_space<semaphore_mem>>)
      %mul3A_1176 = arith.constant 8 : i32
      %mul3A_1177 = arith.muli %mul3A_1176, %scan3A_1017 : i32
      %add3A_1178 = arith.constant 4 : i32
      %add3A_1179 = arith.addi %mul3A_1177, %add3A_1178 : i32
      %dma_wait3A_1180 = arith.constant 0 : i32
      %dma_wait3A_1181 = arith.constant 0 : i32
      %dma_wait3A_1182 = arith.constant 0 : i32
      %dma_wait3A_1183 = tpu.memref_slice %arg6[%dma_wait3A_1180, %dma_wait3A_1181, %dma_wait3A_1182] : memref<25x8x128xi32, #tpu.memory_space<vmem>> -> memref<1x1x128xi32, #tpu.memory_space<vmem>>
      %dma_wait3A_1184 = tpu.memref_squeeze %dma_wait3A_1183 : memref<1x1x128xi32, #tpu.memory_space<vmem>> -> memref<128xi32, #tpu.memory_space<vmem>>
      %dma_wait3A_1185 = arith.constant 0 : i32
      %dma_wait3A_1186 = arith.constant 0 : i32
      %dma_wait3A_1187 = tpu.memref_slice %arg3[%dma_wait3A_1185, %dma_wait3A_1186] : memref<400000x32xf32, #tpu.memory_space<hbm>> -> memref<400000x32xf32, #tpu.memory_space<hbm>>
      tpu.wait_indirect_dma semaphore(%arg24 : memref<!tpu.dma_semaphore, #tpu.memory_space<semaphore_mem>>) src(%dma_wait3A_1187 : memref<400000x32xf32, #tpu.memory_space<hbm>>) dst(%arg11 : memref<128x32xf32, #tpu.memory_space<vmem>>)
      %lt3A_1188 = arith.constant 193 : i32
      %lt3A_1189 = arith.cmpi slt, %add3A_1179, %lt3A_1188 : i32
      %convert_element_type3A_1190 = arith.extui %lt3A_1189 : i1 to i32
      %cond3A_1191 = arith.constant 0 : i32
      %cond3A_1192 = arith.cmpi ne, %convert_element_type3A_1190, %cond3A_1191 : i32
      scf.if %cond3A_1192 {
        %add3A_1340 = arith.constant 8 : i32
        %add3A_1341 = arith.addi %add3A_1179, %add3A_1340 : i32
        %sub3A = arith.constant 1 : i32
        %sub3A_1342 = arith.subi %add3A_1341, %sub3A : i32
        %shift_right_arithmetic3A_1343 = arith.constant 3 : i32
        %shift_right_arithmetic3A_1344 = arith.shrsi %sub3A_1342, %shift_right_arithmetic3A_1343 : i32
        %and3A_1345 = arith.constant 7 : i32
        %and3A_1346 = arith.andi %sub3A_1342, %and3A_1345 : i32
        %dma_start3A_1347 = arith.constant 0 : i32
        %dma_start3A_1348 = tpu.memref_slice %arg6[%shift_right_arithmetic3A_1344, %and3A_1346, %dma_start3A_1347] : memref<25x8x128xi32, #tpu.memory_space<vmem>> -> memref<1x1x128xi32, #tpu.memory_space<vmem>>
        %dma_start3A_1349 = tpu.memref_squeeze %dma_start3A_1348 : memref<1x1x128xi32, #tpu.memory_space<vmem>> -> memref<128xi32, #tpu.memory_space<vmem>>
        %dma_start3A_1350 = arith.constant 0 : i32
        %dma_start3A_1351 = arith.constant 0 : i32
        %dma_start3A_1352 = tpu.memref_slice %arg3[%dma_start3A_1350, %dma_start3A_1351] : memref<400000x32xf32, #tpu.memory_space<hbm>> -> memref<400000x32xf32, #tpu.memory_space<hbm>>
        tpu.enqueue_indirect_dma source(%dma_start3A_1352 : memref<400000x32xf32, #tpu.memory_space<hbm>>) target(%arg10 : memref<128x32xf32, #tpu.memory_space<vmem>>) offsets(%dma_start3A_1349 : memref<128xi32, #tpu.memory_space<vmem>>) semaphore(%arg23 : memref<!tpu.dma_semaphore, #tpu.memory_space<semaphore_mem>>)
      } else {
      }
      %ge3A_1193 = arith.constant 4 : i32
      %ge3A_1194 = arith.cmpi sge, %add3A_1179, %ge3A_1193 : i32
      %convert_element_type3A_1195 = arith.extui %ge3A_1194 : i1 to i32
      %cond3A_1196 = arith.constant 0 : i32
      %cond3A_1197 = arith.cmpi ne, %convert_element_type3A_1195, %cond3A_1196 : i32
      scf.if %cond3A_1197 {
        %sub3A = arith.constant 4 : i32
        %sub3A_1340 = arith.subi %add3A_1179, %sub3A : i32
        %dma_wait3A_1341 = arith.constant 0 : i32
        %dma_wait3A_1342 = arith.constant 0 : i32
        %dma_wait3A_1343 = arith.constant 0 : i32
        %dma_wait3A_1344 = tpu.memref_slice %arg5[%sub3A_1340, %dma_wait3A_1341, %add3A, %dma_wait3A_1342, %dma_wait3A_1343] : memref<200x4x32x8x128xf32, #tpu.memory_space<hbm>> -> memref<1x4x1x8x128xf32, #tpu.memory_space<hbm>>
        %dma_wait3A_1345 = tpu.memref_squeeze %dma_wait3A_1344 : memref<1x4x1x8x128xf32, #tpu.memory_space<hbm>> -> memref<4x8x128xf32, #tpu.memory_space<hbm>>
        %dma_wait3A_1346 = arith.constant 0 : i32
        %dma_wait3A_1347 = arith.constant 0 : i32
        %dma_wait3A_1348 = arith.constant 0 : i32
        %dma_wait3A_1349 = tpu.memref_slice %arg5[%sub3A_1340, %dma_wait3A_1346, %add3A, %dma_wait3A_1347, %dma_wait3A_1348] : memref<200x4x32x8x128xf32, #tpu.memory_space<hbm>> -> memref<1x4x1x8x128xf32, #tpu.memory_space<hbm>>
        %dma_wait3A_1350 = tpu.memref_squeeze %dma_wait3A_1349 : memref<1x4x1x8x128xf32, #tpu.memory_space<hbm>> -> memref<4x8x128xf32, #tpu.memory_space<hbm>>
        tpu.wait_dma2 semaphore(%arg28 : memref<!tpu.dma_semaphore, #tpu.memory_space<semaphore_mem>>) src(%arg15 : memref<4x8x128xf32, #tpu.memory_space<vmem>>) dst(%dma_wait3A_1350 : memref<4x8x128xf32, #tpu.memory_space<hbm>>)
      } else {
      }
      %get3A_1198 = arith.index_cast %add3A_1179 : i32 to index
      %get3A_1199 = arith.constant 0 : index
      %get3A_1200 = tpu.vector_load %arg19[%get3A_1198, %get3A_1199] {strides = array<i32>} : memref<200x32xf32, #tpu.memory_space<vmem>>, vector<16xf32>,
      %get3A_1201 = arith.index_cast %add3A_1179 : i32 to index
      %get3A_1202 = arith.constant 16 : index
      %get3A_1203 = tpu.vector_load %arg19[%get3A_1201, %get3A_1202] {strides = array<i32>} : memref<200x32xf32, #tpu.memory_space<vmem>>, vector<16xf32>,
      %parallel_loop3A_1204 = arith.constant 0 : i32
      %parallel_loop3A_1205 = arith.constant 128 : i32
      %parallel_loop3A_1206 = arith.constant 1 : i32
      scf.for %parallel_loop3A_1340 = %parallel_loop3A_1204 to %parallel_loop3A_1205 step %parallel_loop3A_1206  : i32 {
        %parallel_loop3A_1341 = vector.broadcast %parallel_loop3A_1340 : i32 to vector<16xi32>
        %parallel_loop3A_1342 = arith.addi %iota3A, %parallel_loop3A_1341 : vector<16xi32>
        %parallel_loop3A_1343 = arith.constant 127 : i32
        %parallel_loop3A_1344 = vector.broadcast %parallel_loop3A_1343 : i32 to vector<16xi32>
        %parallel_loop3A_1345 = arith.andi %parallel_loop3A_1342, %parallel_loop3A_1344 : vector<16xi32>
        %parallel_loop3A_1346 = tpu.vector_load_idx %arg11[%parallel_loop3A_1345, %iota3A] : memref<128x32xf32, #tpu.memory_space<vmem>>[vector<16xi32>, vector<16xi32>], vector<16xf32>,
        %parallel_loop3A_1347 = arith.addf %parallel_loop3A_1346, %get3A_1200 : vector<16xf32>
        tpu.vector_store_idx %arg15[%shift_right_arithmetic3A_903, %and3A_908, %parallel_loop3A_1345], %parallel_loop3A_1347 : memref<4x8x128xf32, #tpu.memory_space<vmem>>[vector<16xi32>, vector<16xi32>, vector<16xi32>], vector<16xf32>,
        %parallel_loop3A_1348 = tpu.vector_load_idx %arg11[%parallel_loop3A_1345, %add3A_901] : memref<128x32xf32, #tpu.memory_space<vmem>>[vector<16xi32>, vector<16xi32>], vector<16xf32>,
        %parallel_loop3A_1349 = arith.addf %parallel_loop3A_1348, %get3A_1203 : vector<16xf32>
        tpu.vector_store_idx %arg15[%shift_right_arithmetic3A_906, %and3A_911, %parallel_loop3A_1345], %parallel_loop3A_1349 : memref<4x8x128xf32, #tpu.memory_space<vmem>>[vector<16xi32>, vector<16xi32>, vector<16xi32>], vector<16xf32>,
      } {sc.loop_unroll_factor = 8 : i64, sc.parallel_access}
      %dma_start3A_1207 = arith.constant 0 : i32
      %dma_start3A_1208 = arith.constant 0 : i32
      %dma_start3A_1209 = arith.constant 0 : i32
      %dma_start3A_1210 = tpu.memref_slice %arg5[%add3A_1179, %dma_start3A_1207, %add3A, %dma_start3A_1208, %dma_start3A_1209] : memref<200x4x32x8x128xf32, #tpu.memory_space<hbm>> -> memref<1x4x1x8x128xf32, #tpu.memory_space<hbm>>
      %dma_start3A_1211 = tpu.memref_squeeze %dma_start3A_1210 : memref<1x4x1x8x128xf32, #tpu.memory_space<hbm>> -> memref<4x8x128xf32, #tpu.memory_space<hbm>>
      %dma_start3A_1212 = arith.constant 0 : i32
      %dma_start3A_1213 = arith.constant 0 : i32
      %dma_start3A_1214 = arith.constant 0 : i32
      %dma_start3A_1215 = tpu.memref_slice %arg5[%add3A_1179, %dma_start3A_1212, %add3A, %dma_start3A_1213, %dma_start3A_1214] : memref<200x4x32x8x128xf32, #tpu.memory_space<hbm>> -> memref<1x4x1x8x128xf32, #tpu.memory_space<hbm>>
      %dma_start3A_1216 = tpu.memref_squeeze %dma_start3A_1215 : memref<1x4x1x8x128xf32, #tpu.memory_space<hbm>> -> memref<4x8x128xf32, #tpu.memory_space<hbm>>
      tpu.enqueue_dma source(%arg15 : memref<4x8x128xf32, #tpu.memory_space<vmem>>) target(%dma_start3A_1216 : memref<4x8x128xf32, #tpu.memory_space<hbm>>) target_semaphore(%arg28 : memref<!tpu.dma_semaphore, #tpu.memory_space<semaphore_mem>>)
      %mul3A_1217 = arith.constant 8 : i32
      %mul3A_1218 = arith.muli %mul3A_1217, %scan3A_1017 : i32
      %add3A_1219 = arith.constant 5 : i32
      %add3A_1220 = arith.addi %mul3A_1218, %add3A_1219 : i32
      %dma_wait3A_1221 = arith.constant 0 : i32
      %dma_wait3A_1222 = arith.constant 0 : i32
      %dma_wait3A_1223 = arith.constant 0 : i32
      %dma_wait3A_1224 = tpu.memref_slice %arg6[%dma_wait3A_1221, %dma_wait3A_1222, %dma_wait3A_1223] : memref<25x8x128xi32, #tpu.memory_space<vmem>> -> memref<1x1x128xi32, #tpu.memory_space<vmem>>
      %dma_wait3A_1225 = tpu.memref_squeeze %dma_wait3A_1224 : memref<1x1x128xi32, #tpu.memory_space<vmem>> -> memref<128xi32, #tpu.memory_space<vmem>>
      %dma_wait3A_1226 = arith.constant 0 : i32
      %dma_wait3A_1227 = arith.constant 0 : i32
      %dma_wait3A_1228 = tpu.memref_slice %arg3[%dma_wait3A_1226, %dma_wait3A_1227] : memref<400000x32xf32, #tpu.memory_space<hbm>> -> memref<400000x32xf32, #tpu.memory_space<hbm>>
      tpu.wait_indirect_dma semaphore(%arg25 : memref<!tpu.dma_semaphore, #tpu.memory_space<semaphore_mem>>) src(%dma_wait3A_1228 : memref<400000x32xf32, #tpu.memory_space<hbm>>) dst(%arg12 : memref<128x32xf32, #tpu.memory_space<vmem>>)
      %lt3A_1229 = arith.constant 193 : i32
      %lt3A_1230 = arith.cmpi slt, %add3A_1220, %lt3A_1229 : i32
      %convert_element_type3A_1231 = arith.extui %lt3A_1230 : i1 to i32
      %cond3A_1232 = arith.constant 0 : i32
      %cond3A_1233 = arith.cmpi ne, %convert_element_type3A_1231, %cond3A_1232 : i32
      scf.if %cond3A_1233 {
        %add3A_1340 = arith.constant 8 : i32
        %add3A_1341 = arith.addi %add3A_1220, %add3A_1340 : i32
        %sub3A = arith.constant 1 : i32
        %sub3A_1342 = arith.subi %add3A_1341, %sub3A : i32
        %shift_right_arithmetic3A_1343 = arith.constant 3 : i32
        %shift_right_arithmetic3A_1344 = arith.shrsi %sub3A_1342, %shift_right_arithmetic3A_1343 : i32
        %and3A_1345 = arith.constant 7 : i32
        %and3A_1346 = arith.andi %sub3A_1342, %and3A_1345 : i32
        %dma_start3A_1347 = arith.constant 0 : i32
        %dma_start3A_1348 = tpu.memref_slice %arg6[%shift_right_arithmetic3A_1344, %and3A_1346, %dma_start3A_1347] : memref<25x8x128xi32, #tpu.memory_space<vmem>> -> memref<1x1x128xi32, #tpu.memory_space<vmem>>
        %dma_start3A_1349 = tpu.memref_squeeze %dma_start3A_1348 : memref<1x1x128xi32, #tpu.memory_space<vmem>> -> memref<128xi32, #tpu.memory_space<vmem>>
        %dma_start3A_1350 = arith.constant 0 : i32
        %dma_start3A_1351 = arith.constant 0 : i32
        %dma_start3A_1352 = tpu.memref_slice %arg3[%dma_start3A_1350, %dma_start3A_1351] : memref<400000x32xf32, #tpu.memory_space<hbm>> -> memref<400000x32xf32, #tpu.memory_space<hbm>>
        tpu.enqueue_indirect_dma source(%dma_start3A_1352 : memref<400000x32xf32, #tpu.memory_space<hbm>>) target(%arg11 : memref<128x32xf32, #tpu.memory_space<vmem>>) offsets(%dma_start3A_1349 : memref<128xi32, #tpu.memory_space<vmem>>) semaphore(%arg24 : memref<!tpu.dma_semaphore, #tpu.memory_space<semaphore_mem>>)
      } else {
      }
      %ge3A_1234 = arith.constant 4 : i32
      %ge3A_1235 = arith.cmpi sge, %add3A_1220, %ge3A_1234 : i32
      %convert_element_type3A_1236 = arith.extui %ge3A_1235 : i1 to i32
      %cond3A_1237 = arith.constant 0 : i32
      %cond3A_1238 = arith.cmpi ne, %convert_element_type3A_1236, %cond3A_1237 : i32
      scf.if %cond3A_1238 {
        %sub3A = arith.constant 4 : i32
        %sub3A_1340 = arith.subi %add3A_1220, %sub3A : i32
        %dma_wait3A_1341 = arith.constant 0 : i32
        %dma_wait3A_1342 = arith.constant 0 : i32
        %dma_wait3A_1343 = arith.constant 0 : i32
        %dma_wait3A_1344 = tpu.memref_slice %arg5[%sub3A_1340, %dma_wait3A_1341, %add3A, %dma_wait3A_1342, %dma_wait3A_1343] : memref<200x4x32x8x128xf32, #tpu.memory_space<hbm>> -> memref<1x4x1x8x128xf32, #tpu.memory_space<hbm>>
        %dma_wait3A_1345 = tpu.memref_squeeze %dma_wait3A_1344 : memref<1x4x1x8x128xf32, #tpu.memory_space<hbm>> -> memref<4x8x128xf32, #tpu.memory_space<hbm>>
        %dma_wait3A_1346 = arith.constant 0 : i32
        %dma_wait3A_1347 = arith.constant 0 : i32
        %dma_wait3A_1348 = arith.constant 0 : i32
        %dma_wait3A_1349 = tpu.memref_slice %arg5[%sub3A_1340, %dma_wait3A_1346, %add3A, %dma_wait3A_1347, %dma_wait3A_1348] : memref<200x4x32x8x128xf32, #tpu.memory_space<hbm>> -> memref<1x4x1x8x128xf32, #tpu.memory_space<hbm>>
        %dma_wait3A_1350 = tpu.memref_squeeze %dma_wait3A_1349 : memref<1x4x1x8x128xf32, #tpu.memory_space<hbm>> -> memref<4x8x128xf32, #tpu.memory_space<hbm>>
        tpu.wait_dma2 semaphore(%arg29 : memref<!tpu.dma_semaphore, #tpu.memory_space<semaphore_mem>>) src(%arg16 : memref<4x8x128xf32, #tpu.memory_space<vmem>>) dst(%dma_wait3A_1350 : memref<4x8x128xf32, #tpu.memory_space<hbm>>)
      } else {
      }
      %get3A_1239 = arith.index_cast %add3A_1220 : i32 to index
      %get3A_1240 = arith.constant 0 : index
      %get3A_1241 = tpu.vector_load %arg19[%get3A_1239, %get3A_1240] {strides = array<i32>} : memref<200x32xf32, #tpu.memory_space<vmem>>, vector<16xf32>,
      %get3A_1242 = arith.index_cast %add3A_1220 : i32 to index
      %get3A_1243 = arith.constant 16 : index
      %get3A_1244 = tpu.vector_load %arg19[%get3A_1242, %get3A_1243] {strides = array<i32>} : memref<200x32xf32, #tpu.memory_space<vmem>>, vector<16xf32>,
      %parallel_loop3A_1245 = arith.constant 0 : i32
      %parallel_loop3A_1246 = arith.constant 128 : i32
      %parallel_loop3A_1247 = arith.constant 1 : i32
      scf.for %parallel_loop3A_1340 = %parallel_loop3A_1245 to %parallel_loop3A_1246 step %parallel_loop3A_1247  : i32 {
        %parallel_loop3A_1341 = vector.broadcast %parallel_loop3A_1340 : i32 to vector<16xi32>
        %parallel_loop3A_1342 = arith.addi %iota3A, %parallel_loop3A_1341 : vector<16xi32>
        %parallel_loop3A_1343 = arith.constant 127 : i32
        %parallel_loop3A_1344 = vector.broadcast %parallel_loop3A_1343 : i32 to vector<16xi32>
        %parallel_loop3A_1345 = arith.andi %parallel_loop3A_1342, %parallel_loop3A_1344 : vector<16xi32>
        %parallel_loop3A_1346 = tpu.vector_load_idx %arg12[%parallel_loop3A_1345, %iota3A] : memref<128x32xf32, #tpu.memory_space<vmem>>[vector<16xi32>, vector<16xi32>], vector<16xf32>,
        %parallel_loop3A_1347 = arith.addf %parallel_loop3A_1346, %get3A_1241 : vector<16xf32>
        tpu.vector_store_idx %arg16[%shift_right_arithmetic3A_903, %and3A_908, %parallel_loop3A_1345], %parallel_loop3A_1347 : memref<4x8x128xf32, #tpu.memory_space<vmem>>[vector<16xi32>, vector<16xi32>, vector<16xi32>], vector<16xf32>,
        %parallel_loop3A_1348 = tpu.vector_load_idx %arg12[%parallel_loop3A_1345, %add3A_901] : memref<128x32xf32, #tpu.memory_space<vmem>>[vector<16xi32>, vector<16xi32>], vector<16xf32>,
        %parallel_loop3A_1349 = arith.addf %parallel_loop3A_1348, %get3A_1244 : vector<16xf32>
        tpu.vector_store_idx %arg16[%shift_right_arithmetic3A_906, %and3A_911, %parallel_loop3A_1345], %parallel_loop3A_1349 : memref<4x8x128xf32, #tpu.memory_space<vmem>>[vector<16xi32>, vector<16xi32>, vector<16xi32>], vector<16xf32>,
      } {sc.loop_unroll_factor = 8 : i64, sc.parallel_access}
      %dma_start3A_1248 = arith.constant 0 : i32
      %dma_start3A_1249 = arith.constant 0 : i32
      %dma_start3A_1250 = arith.constant 0 : i32
      %dma_start3A_1251 = tpu.memref_slice %arg5[%add3A_1220, %dma_start3A_1248, %add3A, %dma_start3A_1249, %dma_start3A_1250] : memref<200x4x32x8x128xf32, #tpu.memory_space<hbm>> -> memref<1x4x1x8x128xf32, #tpu.memory_space<hbm>>
      %dma_start3A_1252 = tpu.memref_squeeze %dma_start3A_1251 : memref<1x4x1x8x128xf32, #tpu.memory_space<hbm>> -> memref<4x8x128xf32, #tpu.memory_space<hbm>>
      %dma_start3A_1253 = arith.constant 0 : i32
      %dma_start3A_1254 = arith.constant 0 : i32
      %dma_start3A_1255 = arith.constant 0 : i32
      %dma_start3A_1256 = tpu.memref_slice %arg5[%add3A_1220, %dma_start3A_1253, %add3A, %dma_start3A_1254, %dma_start3A_1255] : memref<200x4x32x8x128xf32, #tpu.memory_space<hbm>> -> memref<1x4x1x8x128xf32, #tpu.memory_space<hbm>>
      %dma_start3A_1257 = tpu.memref_squeeze %dma_start3A_1256 : memref<1x4x1x8x128xf32, #tpu.memory_space<hbm>> -> memref<4x8x128xf32, #tpu.memory_space<hbm>>
      tpu.enqueue_dma source(%arg16 : memref<4x8x128xf32, #tpu.memory_space<vmem>>) target(%dma_start3A_1257 : memref<4x8x128xf32, #tpu.memory_space<hbm>>) target_semaphore(%arg29 : memref<!tpu.dma_semaphore, #tpu.memory_space<semaphore_mem>>)
      %mul3A_1258 = arith.constant 8 : i32
      %mul3A_1259 = arith.muli %mul3A_1258, %scan3A_1017 : i32
      %add3A_1260 = arith.constant 6 : i32
      %add3A_1261 = arith.addi %mul3A_1259, %add3A_1260 : i32
      %dma_wait3A_1262 = arith.constant 0 : i32
      %dma_wait3A_1263 = arith.constant 0 : i32
      %dma_wait3A_1264 = arith.constant 0 : i32
      %dma_wait3A_1265 = tpu.memref_slice %arg6[%dma_wait3A_1262, %dma_wait3A_1263, %dma_wait3A_1264] : memref<25x8x128xi32, #tpu.memory_space<vmem>> -> memref<1x1x128xi32, #tpu.memory_space<vmem>>
      %dma_wait3A_1266 = tpu.memref_squeeze %dma_wait3A_1265 : memref<1x1x128xi32, #tpu.memory_space<vmem>> -> memref<128xi32, #tpu.memory_space<vmem>>
      %dma_wait3A_1267 = arith.constant 0 : i32
      %dma_wait3A_1268 = arith.constant 0 : i32
      %dma_wait3A_1269 = tpu.memref_slice %arg3[%dma_wait3A_1267, %dma_wait3A_1268] : memref<400000x32xf32, #tpu.memory_space<hbm>> -> memref<400000x32xf32, #tpu.memory_space<hbm>>
      tpu.wait_indirect_dma semaphore(%arg26 : memref<!tpu.dma_semaphore, #tpu.memory_space<semaphore_mem>>) src(%dma_wait3A_1269 : memref<400000x32xf32, #tpu.memory_space<hbm>>) dst(%arg13 : memref<128x32xf32, #tpu.memory_space<vmem>>)
      %lt3A_1270 = arith.constant 193 : i32
      %lt3A_1271 = arith.cmpi slt, %add3A_1261, %lt3A_1270 : i32
      %convert_element_type3A_1272 = arith.extui %lt3A_1271 : i1 to i32
      %cond3A_1273 = arith.constant 0 : i32
      %cond3A_1274 = arith.cmpi ne, %convert_element_type3A_1272, %cond3A_1273 : i32
      scf.if %cond3A_1274 {
        %add3A_1340 = arith.constant 8 : i32
        %add3A_1341 = arith.addi %add3A_1261, %add3A_1340 : i32
        %sub3A = arith.constant 1 : i32
        %sub3A_1342 = arith.subi %add3A_1341, %sub3A : i32
        %shift_right_arithmetic3A_1343 = arith.constant 3 : i32
        %shift_right_arithmetic3A_1344 = arith.shrsi %sub3A_1342, %shift_right_arithmetic3A_1343 : i32
        %and3A_1345 = arith.constant 7 : i32
        %and3A_1346 = arith.andi %sub3A_1342, %and3A_1345 : i32
        %dma_start3A_1347 = arith.constant 0 : i32
        %dma_start3A_1348 = tpu.memref_slice %arg6[%shift_right_arithmetic3A_1344, %and3A_1346, %dma_start3A_1347] : memref<25x8x128xi32, #tpu.memory_space<vmem>> -> memref<1x1x128xi32, #tpu.memory_space<vmem>>
        %dma_start3A_1349 = tpu.memref_squeeze %dma_start3A_1348 : memref<1x1x128xi32, #tpu.memory_space<vmem>> -> memref<128xi32, #tpu.memory_space<vmem>>
        %dma_start3A_1350 = arith.constant 0 : i32
        %dma_start3A_1351 = arith.constant 0 : i32
        %dma_start3A_1352 = tpu.memref_slice %arg3[%dma_start3A_1350, %dma_start3A_1351] : memref<400000x32xf32, #tpu.memory_space<hbm>> -> memref<400000x32xf32, #tpu.memory_space<hbm>>
        tpu.enqueue_indirect_dma source(%dma_start3A_1352 : memref<400000x32xf32, #tpu.memory_space<hbm>>) target(%arg12 : memref<128x32xf32, #tpu.memory_space<vmem>>) offsets(%dma_start3A_1349 : memref<128xi32, #tpu.memory_space<vmem>>) semaphore(%arg25 : memref<!tpu.dma_semaphore, #tpu.memory_space<semaphore_mem>>)
      } else {
      }
      %ge3A_1275 = arith.constant 4 : i32
      %ge3A_1276 = arith.cmpi sge, %add3A_1261, %ge3A_1275 : i32
      %convert_element_type3A_1277 = arith.extui %ge3A_1276 : i1 to i32
      %cond3A_1278 = arith.constant 0 : i32
      %cond3A_1279 = arith.cmpi ne, %convert_element_type3A_1277, %cond3A_1278 : i32
      scf.if %cond3A_1279 {
        %sub3A = arith.constant 4 : i32
        %sub3A_1340 = arith.subi %add3A_1261, %sub3A : i32
        %dma_wait3A_1341 = arith.constant 0 : i32
        %dma_wait3A_1342 = arith.constant 0 : i32
        %dma_wait3A_1343 = arith.constant 0 : i32
        %dma_wait3A_1344 = tpu.memref_slice %arg5[%sub3A_1340, %dma_wait3A_1341, %add3A, %dma_wait3A_1342, %dma_wait3A_1343] : memref<200x4x32x8x128xf32, #tpu.memory_space<hbm>> -> memref<1x4x1x8x128xf32, #tpu.memory_space<hbm>>
        %dma_wait3A_1345 = tpu.memref_squeeze %dma_wait3A_1344 : memref<1x4x1x8x128xf32, #tpu.memory_space<hbm>> -> memref<4x8x128xf32, #tpu.memory_space<hbm>>
        %dma_wait3A_1346 = arith.constant 0 : i32
        %dma_wait3A_1347 = arith.constant 0 : i32
        %dma_wait3A_1348 = arith.constant 0 : i32
        %dma_wait3A_1349 = tpu.memref_slice %arg5[%sub3A_1340, %dma_wait3A_1346, %add3A, %dma_wait3A_1347, %dma_wait3A_1348] : memref<200x4x32x8x128xf32, #tpu.memory_space<hbm>> -> memref<1x4x1x8x128xf32, #tpu.memory_space<hbm>>
        %dma_wait3A_1350 = tpu.memref_squeeze %dma_wait3A_1349 : memref<1x4x1x8x128xf32, #tpu.memory_space<hbm>> -> memref<4x8x128xf32, #tpu.memory_space<hbm>>
        tpu.wait_dma2 semaphore(%arg30 : memref<!tpu.dma_semaphore, #tpu.memory_space<semaphore_mem>>) src(%arg17 : memref<4x8x128xf32, #tpu.memory_space<vmem>>) dst(%dma_wait3A_1350 : memref<4x8x128xf32, #tpu.memory_space<hbm>>)
      } else {
      }
      %get3A_1280 = arith.index_cast %add3A_1261 : i32 to index
      %get3A_1281 = arith.constant 0 : index
      %get3A_1282 = tpu.vector_load %arg19[%get3A_1280, %get3A_1281] {strides = array<i32>} : memref<200x32xf32, #tpu.memory_space<vmem>>, vector<16xf32>,
      %get3A_1283 = arith.index_cast %add3A_1261 : i32 to index
      %get3A_1284 = arith.constant 16 : index
      %get3A_1285 = tpu.vector_load %arg19[%get3A_1283, %get3A_1284] {strides = array<i32>} : memref<200x32xf32, #tpu.memory_space<vmem>>, vector<16xf32>,
      %parallel_loop3A_1286 = arith.constant 0 : i32
      %parallel_loop3A_1287 = arith.constant 128 : i32
      %parallel_loop3A_1288 = arith.constant 1 : i32
      scf.for %parallel_loop3A_1340 = %parallel_loop3A_1286 to %parallel_loop3A_1287 step %parallel_loop3A_1288  : i32 {
        %parallel_loop3A_1341 = vector.broadcast %parallel_loop3A_1340 : i32 to vector<16xi32>
        %parallel_loop3A_1342 = arith.addi %iota3A, %parallel_loop3A_1341 : vector<16xi32>
        %parallel_loop3A_1343 = arith.constant 127 : i32
        %parallel_loop3A_1344 = vector.broadcast %parallel_loop3A_1343 : i32 to vector<16xi32>
        %parallel_loop3A_1345 = arith.andi %parallel_loop3A_1342, %parallel_loop3A_1344 : vector<16xi32>
        %parallel_loop3A_1346 = tpu.vector_load_idx %arg13[%parallel_loop3A_1345, %iota3A] : memref<128x32xf32, #tpu.memory_space<vmem>>[vector<16xi32>, vector<16xi32>], vector<16xf32>,
        %parallel_loop3A_1347 = arith.addf %parallel_loop3A_1346, %get3A_1282 : vector<16xf32>
        tpu.vector_store_idx %arg17[%shift_right_arithmetic3A_903, %and3A_908, %parallel_loop3A_1345], %parallel_loop3A_1347 : memref<4x8x128xf32, #tpu.memory_space<vmem>>[vector<16xi32>, vector<16xi32>, vector<16xi32>], vector<16xf32>,
        %parallel_loop3A_1348 = tpu.vector_load_idx %arg13[%parallel_loop3A_1345, %add3A_901] : memref<128x32xf32, #tpu.memory_space<vmem>>[vector<16xi32>, vector<16xi32>], vector<16xf32>,
        %parallel_loop3A_1349 = arith.addf %parallel_loop3A_1348, %get3A_1285 : vector<16xf32>
        tpu.vector_store_idx %arg17[%shift_right_arithmetic3A_906, %and3A_911, %parallel_loop3A_1345], %parallel_loop3A_1349 : memref<4x8x128xf32, #tpu.memory_space<vmem>>[vector<16xi32>, vector<16xi32>, vector<16xi32>], vector<16xf32>,
      } {sc.loop_unroll_factor = 8 : i64, sc.parallel_access}
      %dma_start3A_1289 = arith.constant 0 : i32
      %dma_start3A_1290 = arith.constant 0 : i32
      %dma_start3A_1291 = arith.constant 0 : i32
      %dma_start3A_1292 = tpu.memref_slice %arg5[%add3A_1261, %dma_start3A_1289, %add3A, %dma_start3A_1290, %dma_start3A_1291] : memref<200x4x32x8x128xf32, #tpu.memory_space<hbm>> -> memref<1x4x1x8x128xf32, #tpu.memory_space<hbm>>
      %dma_start3A_1293 = tpu.memref_squeeze %dma_start3A_1292 : memref<1x4x1x8x128xf32, #tpu.memory_space<hbm>> -> memref<4x8x128xf32, #tpu.memory_space<hbm>>
      %dma_start3A_1294 = arith.constant 0 : i32
      %dma_start3A_1295 = arith.constant 0 : i32
      %dma_start3A_1296 = arith.constant 0 : i32
      %dma_start3A_1297 = tpu.memref_slice %arg5[%add3A_1261, %dma_start3A_1294, %add3A, %dma_start3A_1295, %dma_start3A_1296] : memref<200x4x32x8x128xf32, #tpu.memory_space<hbm>> -> memref<1x4x1x8x128xf32, #tpu.memory_space<hbm>>
      %dma_start3A_1298 = tpu.memref_squeeze %dma_start3A_1297 : memref<1x4x1x8x128xf32, #tpu.memory_space<hbm>> -> memref<4x8x128xf32, #tpu.memory_space<hbm>>
      tpu.enqueue_dma source(%arg17 : memref<4x8x128xf32, #tpu.memory_space<vmem>>) target(%dma_start3A_1298 : memref<4x8x128xf32, #tpu.memory_space<hbm>>) target_semaphore(%arg30 : memref<!tpu.dma_semaphore, #tpu.memory_space<semaphore_mem>>)
      %mul3A_1299 = arith.constant 8 : i32
      %mul3A_1300 = arith.muli %mul3A_1299, %scan3A_1017 : i32
      %add3A_1301 = arith.constant 7 : i32
      %add3A_1302 = arith.addi %mul3A_1300, %add3A_1301 : i32
      %dma_wait3A_1303 = arith.constant 0 : i32
      %dma_wait3A_1304 = arith.constant 0 : i32
      %dma_wait3A_1305 = arith.constant 0 : i32
      %dma_wait3A_1306 = tpu.memref_slice %arg6[%dma_wait3A_1303, %dma_wait3A_1304, %dma_wait3A_1305] : memref<25x8x128xi32, #tpu.memory_space<vmem>> -> memref<1x1x128xi32, #tpu.memory_space<vmem>>
      %dma_wait3A_1307 = tpu.memref_squeeze %dma_wait3A_1306 : memref<1x1x128xi32, #tpu.memory_space<vmem>> -> memref<128xi32, #tpu.memory_space<vmem>>
      %dma_wait3A_1308 = arith.constant 0 : i32
      %dma_wait3A_1309 = arith.constant 0 : i32
      %dma_wait3A_1310 = tpu.memref_slice %arg3[%dma_wait3A_1308, %dma_wait3A_1309] : memref<400000x32xf32, #tpu.memory_space<hbm>> -> memref<400000x32xf32, #tpu.memory_space<hbm>>
      tpu.wait_indirect_dma semaphore(%arg27 : memref<!tpu.dma_semaphore, #tpu.memory_space<semaphore_mem>>) src(%dma_wait3A_1310 : memref<400000x32xf32, #tpu.memory_space<hbm>>) dst(%arg14 : memref<128x32xf32, #tpu.memory_space<vmem>>)
      %lt3A_1311 = arith.constant 193 : i32
      %lt3A_1312 = arith.cmpi slt, %add3A_1302, %lt3A_1311 : i32
      %convert_element_type3A_1313 = arith.extui %lt3A_1312 : i1 to i32
      %cond3A_1314 = arith.constant 0 : i32
      %cond3A_1315 = arith.cmpi ne, %convert_element_type3A_1313, %cond3A_1314 : i32
      scf.if %cond3A_1315 {
        %add3A_1340 = arith.constant 8 : i32
        %add3A_1341 = arith.addi %add3A_1302, %add3A_1340 : i32
        %sub3A = arith.constant 1 : i32
        %sub3A_1342 = arith.subi %add3A_1341, %sub3A : i32
        %shift_right_arithmetic3A_1343 = arith.constant 3 : i32
        %shift_right_arithmetic3A_1344 = arith.shrsi %sub3A_1342, %shift_right_arithmetic3A_1343 : i32
        %and3A_1345 = arith.constant 7 : i32
        %and3A_1346 = arith.andi %sub3A_1342, %and3A_1345 : i32
        %dma_start3A_1347 = arith.constant 0 : i32
        %dma_start3A_1348 = tpu.memref_slice %arg6[%shift_right_arithmetic3A_1344, %and3A_1346, %dma_start3A_1347] : memref<25x8x128xi32, #tpu.memory_space<vmem>> -> memref<1x1x128xi32, #tpu.memory_space<vmem>>
        %dma_start3A_1349 = tpu.memref_squeeze %dma_start3A_1348 : memref<1x1x128xi32, #tpu.memory_space<vmem>> -> memref<128xi32, #tpu.memory_space<vmem>>
        %dma_start3A_1350 = arith.constant 0 : i32
        %dma_start3A_1351 = arith.constant 0 : i32
        %dma_start3A_1352 = tpu.memref_slice %arg3[%dma_start3A_1350, %dma_start3A_1351] : memref<400000x32xf32, #tpu.memory_space<hbm>> -> memref<400000x32xf32, #tpu.memory_space<hbm>>
        tpu.enqueue_indirect_dma source(%dma_start3A_1352 : memref<400000x32xf32, #tpu.memory_space<hbm>>) target(%arg13 : memref<128x32xf32, #tpu.memory_space<vmem>>) offsets(%dma_start3A_1349 : memref<128xi32, #tpu.memory_space<vmem>>) semaphore(%arg26 : memref<!tpu.dma_semaphore, #tpu.memory_space<semaphore_mem>>)
      } else {
      }
      %ge3A_1316 = arith.constant 4 : i32
      %ge3A_1317 = arith.cmpi sge, %add3A_1302, %ge3A_1316 : i32
      %convert_element_type3A_1318 = arith.extui %ge3A_1317 : i1 to i32
      %cond3A_1319 = arith.constant 0 : i32
      %cond3A_1320 = arith.cmpi ne, %convert_element_type3A_1318, %cond3A_1319 : i32
      scf.if %cond3A_1320 {
        %sub3A = arith.constant 4 : i32
        %sub3A_1340 = arith.subi %add3A_1302, %sub3A : i32
        %dma_wait3A_1341 = arith.constant 0 : i32
        %dma_wait3A_1342 = arith.constant 0 : i32
        %dma_wait3A_1343 = arith.constant 0 : i32
        %dma_wait3A_1344 = tpu.memref_slice %arg5[%sub3A_1340, %dma_wait3A_1341, %add3A, %dma_wait3A_1342, %dma_wait3A_1343] : memref<200x4x32x8x128xf32, #tpu.memory_space<hbm>> -> memref<1x4x1x8x128xf32, #tpu.memory_space<hbm>>
        %dma_wait3A_1345 = tpu.memref_squeeze %dma_wait3A_1344 : memref<1x4x1x8x128xf32, #tpu.memory_space<hbm>> -> memref<4x8x128xf32, #tpu.memory_space<hbm>>
        %dma_wait3A_1346 = arith.constant 0 : i32
        %dma_wait3A_1347 = arith.constant 0 : i32
        %dma_wait3A_1348 = arith.constant 0 : i32
        %dma_wait3A_1349 = tpu.memref_slice %arg5[%sub3A_1340, %dma_wait3A_1346, %add3A, %dma_wait3A_1347, %dma_wait3A_1348] : memref<200x4x32x8x128xf32, #tpu.memory_space<hbm>> -> memref<1x4x1x8x128xf32, #tpu.memory_space<hbm>>
        %dma_wait3A_1350 = tpu.memref_squeeze %dma_wait3A_1349 : memref<1x4x1x8x128xf32, #tpu.memory_space<hbm>> -> memref<4x8x128xf32, #tpu.memory_space<hbm>>
        tpu.wait_dma2 semaphore(%arg31 : memref<!tpu.dma_semaphore, #tpu.memory_space<semaphore_mem>>) src(%arg18 : memref<4x8x128xf32, #tpu.memory_space<vmem>>) dst(%dma_wait3A_1350 : memref<4x8x128xf32, #tpu.memory_space<hbm>>)
      } else {
      }
      %get3A_1321 = arith.index_cast %add3A_1302 : i32 to index
      %get3A_1322 = arith.constant 0 : index
      %get3A_1323 = tpu.vector_load %arg19[%get3A_1321, %get3A_1322] {strides = array<i32>} : memref<200x32xf32, #tpu.memory_space<vmem>>, vector<16xf32>,
      %get3A_1324 = arith.index_cast %add3A_1302 : i32 to index
      %get3A_1325 = arith.constant 16 : index
      %get3A_1326 = tpu.vector_load %arg19[%get3A_1324, %get3A_1325] {strides = array<i32>} : memref<200x32xf32, #tpu.memory_space<vmem>>, vector<16xf32>,
      %parallel_loop3A_1327 = arith.constant 0 : i32
      %parallel_loop3A_1328 = arith.constant 128 : i32
      %parallel_loop3A_1329 = arith.constant 1 : i32
      scf.for %parallel_loop3A_1340 = %parallel_loop3A_1327 to %parallel_loop3A_1328 step %parallel_loop3A_1329  : i32 {
        %parallel_loop3A_1341 = vector.broadcast %parallel_loop3A_1340 : i32 to vector<16xi32>
        %parallel_loop3A_1342 = arith.addi %iota3A, %parallel_loop3A_1341 : vector<16xi32>
        %parallel_loop3A_1343 = arith.constant 127 : i32
        %parallel_loop3A_1344 = vector.broadcast %parallel_loop3A_1343 : i32 to vector<16xi32>
        %parallel_loop3A_1345 = arith.andi %parallel_loop3A_1342, %parallel_loop3A_1344 : vector<16xi32>
        %parallel_loop3A_1346 = tpu.vector_load_idx %arg14[%parallel_loop3A_1345, %iota3A] : memref<128x32xf32, #tpu.memory_space<vmem>>[vector<16xi32>, vector<16xi32>], vector<16xf32>,
        %parallel_loop3A_1347 = arith.addf %parallel_loop3A_1346, %get3A_1323 : vector<16xf32>
        tpu.vector_store_idx %arg18[%shift_right_arithmetic3A_903, %and3A_908, %parallel_loop3A_1345], %parallel_loop3A_1347 : memref<4x8x128xf32, #tpu.memory_space<vmem>>[vector<16xi32>, vector<16xi32>, vector<16xi32>], vector<16xf32>,
        %parallel_loop3A_1348 = tpu.vector_load_idx %arg14[%parallel_loop3A_1345, %add3A_901] : memref<128x32xf32, #tpu.memory_space<vmem>>[vector<16xi32>, vector<16xi32>], vector<16xf32>,
        %parallel_loop3A_1349 = arith.addf %parallel_loop3A_1348, %get3A_1326 : vector<16xf32>
        tpu.vector_store_idx %arg18[%shift_right_arithmetic3A_906, %and3A_911, %parallel_loop3A_1345], %parallel_loop3A_1349 : memref<4x8x128xf32, #tpu.memory_space<vmem>>[vector<16xi32>, vector<16xi32>, vector<16xi32>], vector<16xf32>,
      } {sc.loop_unroll_factor = 8 : i64, sc.parallel_access}
      %dma_start3A_1330 = arith.constant 0 : i32
      %dma_start3A_1331 = arith.constant 0 : i32
      %dma_start3A_1332 = arith.constant 0 : i32
      %dma_start3A_1333 = tpu.memref_slice %arg5[%add3A_1302, %dma_start3A_1330, %add3A, %dma_start3A_1331, %dma_start3A_1332] : memref<200x4x32x8x128xf32, #tpu.memory_space<hbm>> -> memref<1x4x1x8x128xf32, #tpu.memory_space<hbm>>
      %dma_start3A_1334 = tpu.memref_squeeze %dma_start3A_1333 : memref<1x4x1x8x128xf32, #tpu.memory_space<hbm>> -> memref<4x8x128xf32, #tpu.memory_space<hbm>>
      %dma_start3A_1335 = arith.constant 0 : i32
      %dma_start3A_1336 = arith.constant 0 : i32
      %dma_start3A_1337 = arith.constant 0 : i32
      %dma_start3A_1338 = tpu.memref_slice %arg5[%add3A_1302, %dma_start3A_1335, %add3A, %dma_start3A_1336, %dma_start3A_1337] : memref<200x4x32x8x128xf32, #tpu.memory_space<hbm>> -> memref<1x4x1x8x128xf32, #tpu.memory_space<hbm>>
      %dma_start3A_1339 = tpu.memref_squeeze %dma_start3A_1338 : memref<1x4x1x8x128xf32, #tpu.memory_space<hbm>> -> memref<4x8x128xf32, #tpu.memory_space<hbm>>
      tpu.enqueue_dma source(%arg18 : memref<4x8x128xf32, #tpu.memory_space<vmem>>) target(%dma_start3A_1339 : memref<4x8x128xf32, #tpu.memory_space<hbm>>) target_semaphore(%arg31 : memref<!tpu.dma_semaphore, #tpu.memory_space<semaphore_mem>>)
    }
    %scan3A_972 = arith.constant 25 : i32
    %dma_wait3A_973 = arith.constant 196 : i32
    %dma_wait3A_974 = arith.constant 0 : i32
    %dma_wait3A_975 = arith.constant 0 : i32
    %dma_wait3A_976 = arith.constant 0 : i32
    %dma_wait3A_977 = tpu.memref_slice %arg5[%dma_wait3A_973, %dma_wait3A_974, %add3A, %dma_wait3A_975, %dma_wait3A_976] : memref<200x4x32x8x128xf32, #tpu.memory_space<hbm>> -> memref<1x4x1x8x128xf32, #tpu.memory_space<hbm>>
    %dma_wait3A_978 = tpu.memref_squeeze %dma_wait3A_977 : memref<1x4x1x8x128xf32, #tpu.memory_space<hbm>> -> memref<4x8x128xf32, #tpu.memory_space<hbm>>
    %dma_wait3A_979 = arith.constant 0 : i32
    %dma_wait3A_980 = arith.constant 0 : i32
    %dma_wait3A_981 = arith.constant 0 : i32
    %dma_wait3A_982 = tpu.memref_slice %arg5[%dma_wait3A_973, %dma_wait3A_979, %add3A, %dma_wait3A_980, %dma_wait3A_981] : memref<200x4x32x8x128xf32, #tpu.memory_space<hbm>> -> memref<1x4x1x8x128xf32, #tpu.memory_space<hbm>>
    %dma_wait3A_983 = tpu.memref_squeeze %dma_wait3A_982 : memref<1x4x1x8x128xf32, #tpu.memory_space<hbm>> -> memref<4x8x128xf32, #tpu.memory_space<hbm>>
    tpu.wait_dma2 semaphore(%arg28 : memref<!tpu.dma_semaphore, #tpu.memory_space<semaphore_mem>>) src(%arg15 : memref<4x8x128xf32, #tpu.memory_space<vmem>>) dst(%dma_wait3A_983 : memref<4x8x128xf32, #tpu.memory_space<hbm>>)
    %dma_wait3A_984 = arith.constant 197 : i32
    %dma_wait3A_985 = arith.constant 0 : i32
    %dma_wait3A_986 = arith.constant 0 : i32
    %dma_wait3A_987 = arith.constant 0 : i32
    %dma_wait3A_988 = tpu.memref_slice %arg5[%dma_wait3A_984, %dma_wait3A_985, %add3A, %dma_wait3A_986, %dma_wait3A_987] : memref<200x4x32x8x128xf32, #tpu.memory_space<hbm>> -> memref<1x4x1x8x128xf32, #tpu.memory_space<hbm>>
    %dma_wait3A_989 = tpu.memref_squeeze %dma_wait3A_988 : memref<1x4x1x8x128xf32, #tpu.memory_space<hbm>> -> memref<4x8x128xf32, #tpu.memory_space<hbm>>
    %dma_wait3A_990 = arith.constant 0 : i32
    %dma_wait3A_991 = arith.constant 0 : i32
    %dma_wait3A_992 = arith.constant 0 : i32
    %dma_wait3A_993 = tpu.memref_slice %arg5[%dma_wait3A_984, %dma_wait3A_990, %add3A, %dma_wait3A_991, %dma_wait3A_992] : memref<200x4x32x8x128xf32, #tpu.memory_space<hbm>> -> memref<1x4x1x8x128xf32, #tpu.memory_space<hbm>>
    %dma_wait3A_994 = tpu.memref_squeeze %dma_wait3A_993 : memref<1x4x1x8x128xf32, #tpu.memory_space<hbm>> -> memref<4x8x128xf32, #tpu.memory_space<hbm>>
    tpu.wait_dma2 semaphore(%arg29 : memref<!tpu.dma_semaphore, #tpu.memory_space<semaphore_mem>>) src(%arg16 : memref<4x8x128xf32, #tpu.memory_space<vmem>>) dst(%dma_wait3A_994 : memref<4x8x128xf32, #tpu.memory_space<hbm>>)
    %dma_wait3A_995 = arith.constant 198 : i32
    %dma_wait3A_996 = arith.constant 0 : i32
    %dma_wait3A_997 = arith.constant 0 : i32
    %dma_wait3A_998 = arith.constant 0 : i32
    %dma_wait3A_999 = tpu.memref_slice %arg5[%dma_wait3A_995, %dma_wait3A_996, %add3A, %dma_wait3A_997, %dma_wait3A_998] : memref<200x4x32x8x128xf32, #tpu.memory_space<hbm>> -> memref<1x4x1x8x128xf32, #tpu.memory_space<hbm>>
    %dma_wait3A_1000 = tpu.memref_squeeze %dma_wait3A_999 : memref<1x4x1x8x128xf32, #tpu.memory_space<hbm>> -> memref<4x8x128xf32, #tpu.memory_space<hbm>>
    %dma_wait3A_1001 = arith.constant 0 : i32
    %dma_wait3A_1002 = arith.constant 0 : i32
    %dma_wait3A_1003 = arith.constant 0 : i32
    %dma_wait3A_1004 = tpu.memref_slice %arg5[%dma_wait3A_995, %dma_wait3A_1001, %add3A, %dma_wait3A_1002, %dma_wait3A_1003] : memref<200x4x32x8x128xf32, #tpu.memory_space<hbm>> -> memref<1x4x1x8x128xf32, #tpu.memory_space<hbm>>
    %dma_wait3A_1005 = tpu.memref_squeeze %dma_wait3A_1004 : memref<1x4x1x8x128xf32, #tpu.memory_space<hbm>> -> memref<4x8x128xf32, #tpu.memory_space<hbm>>
    tpu.wait_dma2 semaphore(%arg30 : memref<!tpu.dma_semaphore, #tpu.memory_space<semaphore_mem>>) src(%arg17 : memref<4x8x128xf32, #tpu.memory_space<vmem>>) dst(%dma_wait3A_1005 : memref<4x8x128xf32, #tpu.memory_space<hbm>>)
    %dma_wait3A_1006 = arith.constant 199 : i32
    %dma_wait3A_1007 = arith.constant 0 : i32
    %dma_wait3A_1008 = arith.constant 0 : i32
    %dma_wait3A_1009 = arith.constant 0 : i32
    %dma_wait3A_1010 = tpu.memref_slice %arg5[%dma_wait3A_1006, %dma_wait3A_1007, %add3A, %dma_wait3A_1008, %dma_wait3A_1009] : memref<200x4x32x8x128xf32, #tpu.memory_space<hbm>> -> memref<1x4x1x8x128xf32, #tpu.memory_space<hbm>>
    %dma_wait3A_1011 = tpu.memref_squeeze %dma_wait3A_1010 : memref<1x4x1x8x128xf32, #tpu.memory_space<hbm>> -> memref<4x8x128xf32, #tpu.memory_space<hbm>>
    %dma_wait3A_1012 = arith.constant 0 : i32
    %dma_wait3A_1013 = arith.constant 0 : i32
    %dma_wait3A_1014 = arith.constant 0 : i32
    %dma_wait3A_1015 = tpu.memref_slice %arg5[%dma_wait3A_1006, %dma_wait3A_1012, %add3A, %dma_wait3A_1013, %dma_wait3A_1014] : memref<200x4x32x8x128xf32, #tpu.memory_space<hbm>> -> memref<1x4x1x8x128xf32, #tpu.memory_space<hbm>>
    %dma_wait3A_1016 = tpu.memref_squeeze %dma_wait3A_1015 : memref<1x4x1x8x128xf32, #tpu.memory_space<hbm>> -> memref<4x8x128xf32, #tpu.memory_space<hbm>>
    tpu.wait_dma2 semaphore(%arg31 : memref<!tpu.dma_semaphore, #tpu.memory_space<semaphore_mem>>) src(%arg18 : memref<4x8x128xf32, #tpu.memory_space<vmem>>) dst(%dma_wait3A_1016 : memref<4x8x128xf32, #tpu.memory_space<hbm>>)
    return
  }
}

</mosaic_0001>

<sc_bundles>
// kernel: kernel.3.cloned.1.call-start
scs
__scs_entry_jumppad:
0x0: {  	(pc) =	sbr.rel $0x88, $3  }
0x1: {  	(tag) =	ssettag $0x0;
	lr =	simm.s32 $0x1  }
0x2: {  	[smem:$0x3F9E] =	sst lr;
	_ =	strace $0xD0000000  }
0x3: {  	_ = 	snop  }
0x4: {  	_ = 	snop  }
0x5: {  	_ = 	snop  }
0x6: {  	_ = 	snop  }
0x7: {  	_ = 	snop  }
__scs_overlays_trampoline_lowered:
0x8: {  	[smem:$0x3FAD] =	sst s0  }
0x9: {  	[smem:$0x3FAE] =	sst s1  }
0xa: {  	[smem:$0x3FAF] =	sst s2  }
0xb: {  	[smem:$0x3FB0] =	sst s3  }
0xc: {  	[smem:$0x3FB1] =	sst s4  }
0xd: {  	[smem:$0x3FB2] =	sst s5  }
0xe: {  	[smem:$0x3FB3] =	sst s6  }
0xf: {  	[smem:$0x3FB4] =	sst s7  }
0x10: {  	[smem:$0x3FB5] =	sst s8  }
0x11: {  	[smem:$0x3FB6] =	sst s9;
	s0 =	simm.s32 @!p0 $0x0  }
0x12: {  	s1 =	sld [smem:$0x3F9C];
	s0 =	simm.s32 @p0 $0x1  }
0x13: {  	[smem:$0x3FB7] =	sst s0;
	s0 =	simm.s32 @!p1 $0x0  }
0x14: {  	s2 =	sld [smem:$0x3F9B];
	s0 =	simm.s32 @p1 $0x1  }
0x15: {  	[smem:$0x3FB8] =	sst s0;
	s0 =	simm.s32 @!p2 $0x0  }
0x16: {  	s3 =	sld [smem:$0x3FDB];
	s0 =	simm.s32 @p2 $0x1  }
0x17: {  	s4 =	simm.s32 $0x1BF5;
	[smem:$0x3FBA] =	sst s0  }
0x18: {  	s0 =	sld [smem:$0x3F9D];
	_ =	swait.ge [sflag:s4], $0x0  }
0x19: {  	s7 =	sld [smem:$0x3F9E]  }
0x1a: {  	s8 =	sadd.s32 $0xFFFFE003, lr  }
0x1b: {  	s9 =	sadd.s32 $0xFFFFFEF7, lr;
	s5 =	simm.s32 $0xFFFFFFFF;
	p2 =	slt.u32 s8, $0xFFFFF086  }
0x1c: {  	p1 =	slt.u32 s9, $0xF7A;
	s5 =	simm.s32 @!p2 $0x0  }
0x1d: {  	s5 =	simm.s32 @p1 $0x1;
	p0 =	seq.s32 s7, s2  }
0x1e: {  	s7 =	smul.u32 @!p0 $0xF7A, s2;
	p2 =	seq.s32 @!p0 s5, $0x0  }
0x1f: {  	s9 =	smul.u32 $0xF7A, s1;
	s8 =	simm.s32 @!p0 $0x1BF5;
	p2 =	por !p2, p0  }
0x20: {  	[sflag:s8] =	ssyncset.s32 @!p0 $0xFFFFF086;
	s6 =	sadd.s32 @!p0 s3, s7;
	s7 =	simm.s32 @!p0 $0x108  }
0x21: {  	s3 =	sadd.s32 s3, s9;
	s6 =	sadd.s32 @!p0 $0x88, s6;
	s7 =	simm.s32 @p2 $0x1082  }
0x22: {  	[simem:s7], [sflag:s8] =	dma.local @!p0 [hbm:s6], $0xF7A  }
0x23: {  	s9 =	sor.u32 $0xD0000000, s2;
	s6 =	simm.s32 $0x108;
	_ =	swait.ge @!p0 [sflag:s8], $0x0  }
0x24: {  	s3 =	sadd.s32 $0x88, s3;
	s6 =	simm.s32 @!p1 $0x1082;
	[sflag:s4] =	ssyncset.s32 $0xFFFFF086  }
0x25: {  	[simem:s6], [sflag:s4] =	dma.local [hbm:s3], $0xF7A  }
0x26: {  	[smem:$0x3F9E] =	sst s1;
	(tag) =	ssettag s2;
	_ =	strace s9  }
0x27: {  	s1 =	sld [smem:$0x3FAE]  }
0x28: {  	s2 =	sld [smem:$0x3FAF]  }
0x29: {  	s4 =	sld [smem:$0x3FB1]  }
0x2a: {  	p0 =	seq.s32 s5, $0x0;
	s5 =	sld [smem:$0x3FB2]  }
0x2b: {  	s6 =	sld [smem:$0x3FB3]  }
0x2c: {  	s7 =	sld [smem:$0x3FB4]  }
0x2d: {  	s3 =	simm.s32 $0x108;
	s8 =	sld [smem:$0x3FB5]  }
0x2e: {  	s3 =	simm.s32 @!p0 $0x1082;
	s9 =	sld [smem:$0x3FB6]  }
0x2f: {  	lr =	sadd.s32 s0, s3;
	s0 =	sld [smem:$0x3FAD]  }
0x30: {  	s3 =	sld [smem:$0x3FB0]  }
0x31: {  	[smem:$0x3FB9] =	sst s10  }
0x32: {  	s10 =	sld [smem:$0x3FB7];
	_ =	sdelay $0x3  }
0x33: {  	p0 =	seq.s32 s10, $0x1;
	s10 =	sld [smem:$0x3FB9];
	_ =	sdelay $0x3  }
0x34: {  	[smem:$0x3FB9] =	sst s10  }
0x35: {  	s10 =	sld [smem:$0x3FB8];
	_ =	sdelay $0x3  }
0x36: {  	p1 =	seq.s32 s10, $0x1;
	s10 =	sld [smem:$0x3FB9];
	_ =	sdelay $0x3  }
0x37: {  	[smem:$0x3FB9] =	sst s10  }
0x38: {  	s10 =	sld [smem:$0x3FBA]  }
0x39: {  	_ = 	snop;
	(pc) =	sbr.ind lr, $3  }
0x3a: {  	_ = 	snop  }
0x3b: {  	_ = 	snop  }
0x3c: {  	p2 =	seq.s32 s10, $0x1;
	s10 =	sld [smem:$0x3FB9]  }
0x3d: {  	_ =	shalt  }
0x3e: {  	_ =	shalt  }
0x3f: {  	_ =	shalt  }
0x40: {  	_ =	shalt  }
0x41: {  	_ =	shalt  }
0x42: {  	_ =	shalt  }
0x43: {  	_ =	shalt  }
0x44: {  	_ =	shalt  }
0x45: {  	_ =	shalt  }
0x46: {  	_ =	shalt  }
0x47: {  	_ =	shalt  }
0x48: {  	_ =	shalt  }
0x49: {  	_ =	shalt  }
0x4a: {  	_ =	shalt  }
0x4b: {  	_ =	shalt  }
0x4c: {  	_ =	shalt  }
0x4d: {  	_ =	shalt  }
0x4e: {  	_ =	shalt  }
0x4f: {  	_ =	shalt  }
0x50: {  	_ =	shalt  }
0x51: {  	_ =	shalt  }
0x52: {  	_ =	shalt  }
0x53: {  	_ =	shalt  }
0x54: {  	_ =	shalt  }
0x55: {  	_ =	shalt  }
0x56: {  	_ =	shalt  }
0x57: {  	_ =	shalt  }
0x58: {  	_ =	shalt  }
0x59: {  	_ =	shalt  }
0x5a: {  	_ =	shalt  }
0x5b: {  	_ =	shalt  }
0x5c: {  	_ =	shalt  }
0x5d: {  	_ =	shalt  }
0x5e: {  	_ =	shalt  }
0x5f: {  	_ =	shalt  }
0x60: {  	_ =	shalt  }
0x61: {  	_ =	shalt  }
0x62: {  	_ =	shalt  }
0x63: {  	_ =	shalt  }
0x64: {  	_ =	shalt  }
0x65: {  	_ =	shalt  }
0x66: {  	_ =	shalt  }
0x67: {  	_ =	shalt  }
0x68: {  	_ =	shalt  }
0x69: {  	_ =	shalt  }
0x6a: {  	_ =	shalt  }
0x6b: {  	_ =	shalt  }
0x6c: {  	_ =	shalt  }
0x6d: {  	_ =	shalt  }
0x6e: {  	_ =	shalt  }
0x6f: {  	_ =	shalt  }
0x70: {  	_ =	shalt  }
0x71: {  	_ =	shalt  }
0x72: {  	_ =	shalt  }
0x73: {  	_ =	shalt  }
0x74: {  	_ =	shalt  }
0x75: {  	_ =	shalt  }
0x76: {  	_ =	shalt  }
0x77: {  	_ =	shalt  }
0x78: {  	_ =	shalt  }
0x79: {  	_ =	shalt  }
0x7a: {  	_ =	shalt  }
0x7b: {  	_ =	shalt  }
0x7c: {  	_ =	shalt  }
0x7d: {  	_ =	shalt  }
0x7e: {  	_ =	shalt  }
0x7f: {  	_ =	shalt  }
0x80: {  	_ =	shalt  }
0x81: {  	_ =	shalt  }
0x82: {  	_ =	shalt  }
0x83: {  	_ =	shalt  }
0x84: {  	_ =	shalt  }
0x85: {  	_ =	shalt  }
0x86: {  	_ =	shalt  }
0x87: {  	_ =	shalt  }
.Lfunc_end0:
.L_simem_size_0:
called_computation_lowered:
.L_overlay_start_0:
0x88: {  	s2 =	sld [smem:$0x3FD9]  }
0x89: {  	s3 =	sld [smem:$0x3FFE];
	_ =	sdelay $0x1  }
0x8a: {  	s1 =	srdreg.scid  }
0x8b: {  	s0 =	sand.u32 $0x1, s1  }
0x8c: {  	s17 =	sshll.u32 s0, $0xA;
	s2 =	sadd.s32 s3, s2  }
0x8d: {  	s2 =	sadd.s32 s2, s17  }
0x8e: {  	[smem:$0x3FC5] =	sst s2  }
0x8f: {  	_ = 	snop  }
0x90: {  	s2 =	sld [smem:$0x3FD0];
	(tm) =	ssettm $0x1  }
0x91: {  	s18 =	sld [smem:$0x3FFB];
	_ =	sdelay $0x3  }
0x92: {  	_ =	strace s18  }
0x93: {  	s3 =	sld [smem:$0x3FFC];
	_ =	sdelay $0x3  }
0x94: {  	_ =	strace s3  }
0x95: {  	s3 =	sld [smem:$0x3FFD];
	_ =	sdelay $0x3  }
0x96: {  	_ =	strace s3  }
0x97: {  	_ =	strace $0x8FFFFFFF  }
0x98: {  	s19 =	sld [smem:$0x3FDB];
	_ =	sdelay $0x1  }
0x99: {  	s4 =	simm.s32 $_scs_section_size  }
0x9a: {  	s5 =	simm.s32 $_size__tile_overlayer_lowered;
	s6 =	simm.s32 $_tile_overlayer_lowered  }
0x9b: {  	s22 =	simm.s32 $0x1BFF;
	s21 =	sshll.u32 s6, $0x1;
	s3 =	sadd.s32 s4, s19  }
0x9c: {  	s7 =	simm.s32 $0x0;
	s20 =	sshll.u32 s5, $0x1;
	s5 =	sadd.s32 s21, s3  }
0x9d: {  	[timem:s7], [sflag:s22] =	dma.local [hbm:s5], s20  }
0x9e: {  	_ =	swait.ge [sflag:s22], s20  }
0x9f: {  	s4 =	ssub.s32 $0x0, s20;
	[sflag:s22] =	ssyncset.done $0x0  }
0xa0: {  	[sflag:s22] =	ssyncadd.s32 s4;
	_ =	sdelay $0x1  }
0xa1: {  	s23 =	simm.s32 $0x1B8B  }
0xa2: {  	_ =	swait.ge [sflag:s23], $0x1  }
0xa3: {  	[sflag:s23] =	ssyncset.done $0x0  }
0xa4: {  	s25 =	simm.s32 $0x1B8E;
	s24 =	sld [smem:$0x3FFE];
	[sflag:s23] =	ssyncadd.s32 $0xFFFFFFFF  }
0xa5: {  	s26 =	simm.s32 $execute0_lowered;
	[smem:$0x3FD2] =	sst s25  }
0xa6: {  	s5 =	sshll.u32 s26, $0x1;
	_ =	strace $0x80000046;
	[dreg:$0x1] =	wrdreg $0xFFFFFFFF  }
0xa7: {  	s28 =	simm.s32 $_size_execute0_lowered;
	s3 =	sadd.s32 s3, s5;
	[dreg:$0x0] =	wrdreg $0x0  }
0xa8: {  	s5 =	sshll.u32 s28, $0x1;
	[dreg:$0x2] =	wrdreg s3  }
0xa9: {  	[dreg:$0x3] =	wrdreg s5  }
0xaa: {  	[dreg:$0x4] =	wrdreg $0xC0  }
0xab: {  	_ =	task [dreg:s7], $0x5FFFF  }
0xac: {  	[dreg:$0x1] =	wrdreg $0xFFFFFFFF  }
0xad: {  	[dreg:$0x0] =	wrdreg $0x60  }
0xae: {  	[dreg:$0x2] =	wrdreg s24  }
0xaf: {  	[dreg:$0x3] =	wrdreg s2  }
0xb0: {  	[dreg:$0x4] =	wrdreg $0x9  }
0xb1: {  	_ =	task.clear_ibuf [dreg:s7], $0x5FFFF;
	_ =	strace $0x90000046  }
0xb2: {  	s29 =	simm.s32 $0x9;
	_ =	strace $0x80000048  }
0xb3: {  	_ =	swait.ge [sflag:s29], $0x1  }
0xb4: {  	[sflag:s29] =	ssyncadd.s32 $0xFFFFFFFF  }
0xb5: {  	_ =	strace $0x90000048  }
0xb6: {  	_ =	sfence  }
0xb7: {  	s30 =	sld [smem:$0x0];
	_ =	sdelay $0x2  }
0xb8: {  	s31 =	sshll.u32 s1, $0xD;
	s1 =	sshrl.u32 s1, $0x2  }
0xb9: {  	s3 =	sand.u32 $0x4000, s31;
	s1 =	sadd.s32 s1, s30  }
0xba: {  	s0 =	sor.u32 s3, s0;
	s1 =	sshll.u32 s1, $0x11  }
0xbb: {  	s0 =	sor.u32 s1, s0  }
0xbc: {  	s0 =	sadd.s32 $0x8F2B, s0  }
0xbd: {  	[sflag:s0] =	ssyncadd.remote.s32 $0x1  }
0xbe: {  	_ =	sfence.sel $0xFFFF  }
0xbf: {  	[dreg:$0x0] =	wrdreg $0xFFFFFFFF;
	(pc) =	sbr.abs _section_cstart, $3  }
0xc0: {  	[dreg:$0x1] =	wrdreg $0xFFFFFFFF  }
0xc1: {  	_ =	task.clear_ibuf [dreg:s7], $0x2FFFF;
	_ =	strace $0x9FFFFFFF  }
0xc2: {  	(tm) =	ssettm $0x7FFFFFFF  }
0xc3: {  	_ =	shalt  }
tec
execute0_lowered:
.L_overlay_start_1:
0x0: {  	(tag) =	ssettag $0x1  }
0x1: {  	s0 =	srdreg.scid;
	s1 =	rddreg [dreg:$0x0]  }
0x2: {  	s4 =	stileid.u32;
	s2 =	rddreg [dreg:$0x1];
	s0 =	sand.u32 $0x1, s0  }
0x3: {  	s5 =	simm.s32 $0x0;
	s4 =	sshll.u32 s4, $0xA;
	s3 =	sshll.u32 s0, $0xE  }
0x4: {  	[smem:$0x7FF] =	sst s5;
	s0 =	ssub.s32 $0x2, s0;
	s4 =	sor.u32 s4, s3  }
0x5: {  	s5 =	sadd.s32 $0x19800, s1;
	s6 =	sshrl.u32 s0, $0x1;
	s3 =	sshrl.u32 s4, $0x3  }
0x6: {  	s0 =	ssub.s32 s0, s6;
	s3 =	sadd.s32 s3, s1;
	s1 =	sadd.s32 $0x400, s1  }
0x7: {  	_ =	strace $0x80000047;
	s0 =	smax.u32 s0, $0x1;
	[dreg:$0x3] =	wrdreg s1  }
0x8: {  	s29 =	sadd.s32 $0x800, s3;
	[dreg:$0x1d] =	wrdreg s0  }
0x9: {  	s31 =	sadd.s32 $0x1800, s3;
	[dreg:$0x4] =	wrdreg s29  }
0xa: {  	s6 =	sadd.s32 $0x2800, s3;
	[dreg:$0x5] =	wrdreg s31  }
0xb: {  	s7 =	sadd.s32 $0x3800, s3;
	[dreg:$0x6] =	wrdreg s6  }
0xc: {  	s8 =	sadd.s32 $0x4800, s3;
	[dreg:$0x7] =	wrdreg s7  }
0xd: {  	s9 =	sadd.s32 $0x5800, s3;
	[dreg:$0x8] =	wrdreg s8  }
0xe: {  	s10 =	sadd.s32 $0x6800, s3;
	[dreg:$0x9] =	wrdreg s9  }
0xf: {  	s11 =	sadd.s32 $0x7800, s3;
	[dreg:$0xa] =	wrdreg s10  }
0x10: {  	s12 =	sadd.s32 $0x8800, s3;
	[dreg:$0xb] =	wrdreg s11  }
0x11: {  	s13 =	sadd.s32 $0x9800, s3;
	[dreg:$0xc] =	wrdreg s12  }
0x12: {  	s14 =	sadd.s32 $0xA800, s3;
	[dreg:$0xd] =	wrdreg s13  }
0x13: {  	s15 =	sadd.s32 $0xB800, s3;
	[dreg:$0xe] =	wrdreg s14  }
0x14: {  	s16 =	sadd.s32 $0xC800, s3;
	[dreg:$0xf] =	wrdreg s15  }
0x15: {  	s17 =	sadd.s32 $0xD800, s3;
	[dreg:$0x10] =	wrdreg s16  }
0x16: {  	v0 =	vimm.s32 $0x787;
	vm0 =	vcmask $0x300;
	vm1 =	vcmask $0x704;
	s18 =	sadd.s32 $0xE800, s3;
	[dreg:$0x11] =	wrdreg s17  }
0x17: {  	vm2 =	vcmask $0xB08;
	v1 =	vimm.s32 $0xF87;
	v0 =	vsel vm0, $0x0, v0;
	s19 =	sadd.s32 $0xF800, s3;
	[dreg:$0x12] =	wrdreg s18  }
0x18: {  	vm3 =	vcmask $0xF0C;
	v1 =	vsel vm0, $0x800, v1;
	v0 =	vsel vm1, $0x81, v0;
	s20 =	sadd.s32 $0x10800, s3;
	[dreg:$0x13] =	wrdreg s19  }
0x19: {  	vm15 =	vcmask $0x1310;
	v1 =	vsel vm1, $0x881, v1;
	v0 =	vsel vm2, $0x102, v0;
	s21 =	sadd.s32 $0x11800, s3;
	[dreg:$0x14] =	wrdreg s20  }
0x1a: {  	vm6 =	vcmask $0x1714;
	v1 =	vsel vm2, $0x902, v1;
	v0 =	vsel vm3, $0x183, v0;
	s22 =	sadd.s32 $0x12800, s3;
	[dreg:$0x15] =	wrdreg s21  }
0x1b: {  	vm7 =	vcmask $0x1B18;
	v1 =	vsel vm3, $0x983, v1;
	v0 =	vsel vm15, $0x204, v0;
	s23 =	sadd.s32 $0x13800, s3;
	[dreg:$0x16] =	wrdreg s22  }
0x1c: {  	vm8 =	vcmask $0x1F1C;
	v1 =	vsel vm15, $0xA04, v1;
	s24 =	sadd.s32 $0x14800, s3;
	v0 =	vsel vm6, $0x285, v0;
	[dreg:$0x17] =	wrdreg s23  }
0x1d: {  	vm9 =	vcmask $0x2320;
	s25 =	sadd.s32 $0x15800, s3;
	v1 =	vsel vm6, $0xA85, v1;
	[dreg:$0x18] =	wrdreg s24;
	v0 =	vsel vm7, $0x306, v0  }
0x1e: {  	vm10 =	vcmask $0x2724;
	s28 =	simm.s32 $0x9;
	s26 =	sadd.s32 $0x16800, s3;
	[dreg:$0x19] =	wrdreg s25;
	v1 =	vsel vm7, $0xB06, v1;
	v0 =	vsel vm8, $0x387, v0  }
0x1f: {  	vm11 =	vcmask $0x2B28;
	s30 =	simm.s32 $0xA;
	s1 =	simm.s32 $0xB;
	[dreg:$0x1a] =	wrdreg s26;
	v1 =	vsel vm8, $0xB87, v1;
	v0 =	vsel vm9, $0x400, v0  }
0x20: {  	vm12 =	vcmask $0x2F2C;
	s29 =	sadd.s32 $0x17800, s3;
	s31 =	sadd.s32 $0x18800, s3;
	s6 =	simm.s32 $0x400;
	v1 =	vsel vm9, $0xC00, v1;
	v0 =	vsel vm10, $0x481, v0  }
0x21: {  	vm13 =	vcmask $0x3330;
	s8 =	simm.s32 $0x1;
	s10 =	simm.s32 $0x6400;
	s11 =	simm.s32 $0x7400;
	v1 =	vsel vm10, $0xC81, v1;
	v0 =	vsel vm11, $0x502, v0  }
0x22: {  	vm14 =	vcmask $0x3734;
	s12 =	simm.s32 $0x8400;
	s13 =	simm.s32 $0x9400;
	s14 =	simm.s32 $0xA400;
	v1 =	vsel vm11, $0xD02, v1;
	v0 =	vsel vm12, $0x583, v0  }
0x23: {  	s15 =	simm.s32 $0xB400;
	s16 =	simm.s32 $0xC400;
	s17 =	simm.s32 $0xD400;
	v1 =	vsel vm12, $0xD83, v1;
	v2 =	vsel vm13, $0x604, v0;
	v0 =	vlaneseq.u32  }
0x24: {  	vm15 =	vcmask $0x3B38;
	s18 =	simm.s32 $0xE400;
	s19 =	simm.s32 $0x8000;
	s21 =	simm.s32 $0xF400;
	v3 =	vsel vm13, $0xE04, v1;
	v1 =	vmul.u32 $0x80, v0  }
0x25: {  	s23 =	simm.s32 $0x10400;
	s25 =	simm.s32 $0x11400;
	[dreg:$0x1b] =	wrdreg s29;
	v2 =	vsel vm14, $0x685, v2;
	v4 =	vsel vm14, $0xE85, v3;
	v3 =	vor.u32 $0x10, v0  }
0x26: {  	s7 =	simm.s32 $0xC;
	s3 =	simm.s32 $0x0;
	[dreg:$0x1c] =	wrdreg s31;
	v2 =	vsel vm15, $0x706, v2;
	v4 =	vsel vm15, $0xF06, v4;
	v5 =	vor.u32 $0x800, v1  }
.LBB2_1:
0x27: {  	[dreg:$0x1e] =	wrdreg s3  }
0x28: {  	s0 =	simm.s32 $0x0;
	s9 =	rddreg [dreg:$0x4]  }
0x29: {  	[tilespmem:s0], [sflag:$0x1] =	stream.linear.gather [hbm4b:s9+s0], $0x400, $0x38;
	[tilespmem:$0x13D00] =	vst v63  }
0x2a: {  	s20 =	rddreg [dreg:$0x5]  }
0x2b: {  	[tilespmem:s6], [sflag:$0x1] =	stream.linear.gather [hbm4b:s20+s0], $0x400, $0x38;
	[tilespmem:$0x13D00] =	vst v63  }
0x2c: {  	s22 =	rddreg [dreg:$0x6];
	s9 =	simm.s32 $0x800  }
0x2d: {  	[tilespmem:s9], [sflag:$0x1] =	stream.linear.gather [hbm4b:s22+s0], $0x400, $0x38;
	[tilespmem:$0x13D00] =	vst v63  }
0x2e: {  	s24 =	rddreg [dreg:$0x7];
	s26 =	simm.s32 $0xC00  }
0x2f: {  	[tilespmem:s26], [sflag:$0x1] =	stream.linear.gather [hbm4b:s24+s0], $0x400, $0x38;
	[tilespmem:$0x13D00] =	vst v63  }
0x30: {  	s29 =	rddreg [dreg:$0x8];
	s31 =	simm.s32 $0x1000  }
0x31: {  	[tilespmem:s31], [sflag:$0x1] =	stream.linear.gather [hbm4b:s29+s0], $0x400, $0x38;
	[tilespmem:$0x13D00] =	vst v63  }
0x32: {  	s20 =	rddreg [dreg:$0x9];
	s22 =	simm.s32 $0x1400  }
0x33: {  	[tilespmem:s22], [sflag:$0x1] =	stream.linear.gather [hbm4b:s20+s0], $0x400, $0x38;
	[tilespmem:$0x13D00] =	vst v63  }
0x34: {  	s24 =	rddreg [dreg:$0xa];
	s26 =	simm.s32 $0x1800  }
0x35: {  	[tilespmem:s26], [sflag:$0x1] =	stream.linear.gather [hbm4b:s24+s0], $0x400, $0x38;
	[tilespmem:$0x13D00] =	vst v63  }
0x36: {  	s29 =	rddreg [dreg:$0xb];
	s31 =	simm.s32 $0x1C00  }
0x37: {  	[tilespmem:s31], [sflag:$0x1] =	stream.linear.gather [hbm4b:s29+s0], $0x400, $0x38;
	[tilespmem:$0x13D00] =	vst v63  }
0x38: {  	s20 =	rddreg [dreg:$0xc];
	s22 =	simm.s32 $0x2000  }
0x39: {  	[tilespmem:s22], [sflag:$0x1] =	stream.linear.gather [hbm4b:s20+s0], $0x400, $0x38;
	[tilespmem:$0x13D00] =	vst v63  }
0x3a: {  	s24 =	rddreg [dreg:$0xd];
	s26 =	simm.s32 $0x2400  }
0x3b: {  	[tilespmem:s26], [sflag:$0x1] =	stream.linear.gather [hbm4b:s24+s0], $0x400, $0x38;
	[tilespmem:$0x13D00] =	vst v63  }
0x3c: {  	s29 =	rddreg [dreg:$0xe];
	s31 =	simm.s32 $0x2800  }
0x3d: {  	[tilespmem:s31], [sflag:$0x1] =	stream.linear.gather [hbm4b:s29+s0], $0x400, $0x38;
	[tilespmem:$0x13D00] =	vst v63  }
0x3e: {  	s20 =	rddreg [dreg:$0xf];
	s22 =	simm.s32 $0x2C00  }
0x3f: {  	[tilespmem:s22], [sflag:$0x1] =	stream.linear.gather [hbm4b:s20+s0], $0x400, $0x38;
	[tilespmem:$0x13D00] =	vst v63  }
0x40: {  	s24 =	rddreg [dreg:$0x10];
	s26 =	simm.s32 $0x3000  }
0x41: {  	[tilespmem:s26], [sflag:$0x1] =	stream.linear.gather [hbm4b:s24+s0], $0x400, $0x38;
	[tilespmem:$0x13D00] =	vst v63  }
0x42: {  	s29 =	rddreg [dreg:$0x11];
	s31 =	simm.s32 $0x3400  }
0x43: {  	[tilespmem:s31], [sflag:$0x1] =	stream.linear.gather [hbm4b:s29+s0], $0x400, $0x38;
	[tilespmem:$0x13D00] =	vst v63  }
0x44: {  	s20 =	rddreg [dreg:$0x12];
	s22 =	simm.s32 $0x3800  }
0x45: {  	[tilespmem:s22], [sflag:$0x1] =	stream.linear.gather [hbm4b:s20+s0], $0x400, $0x38;
	[tilespmem:$0x13D00] =	vst v63  }
0x46: {  	s24 =	rddreg [dreg:$0x13];
	s26 =	simm.s32 $0x3C00  }
0x47: {  	[tilespmem:s26], [sflag:$0x1] =	stream.linear.gather [hbm4b:s24+s0], $0x400, $0x38;
	[tilespmem:$0x13D00] =	vst v63  }
0x48: {  	s29 =	rddreg [dreg:$0x14];
	s31 =	simm.s32 $0x4000  }
0x49: {  	[tilespmem:s31], [sflag:$0x1] =	stream.linear.gather [hbm4b:s29+s0], $0x400, $0x38;
	[tilespmem:$0x13D00] =	vst v63  }
0x4a: {  	s20 =	rddreg [dreg:$0x15];
	s22 =	simm.s32 $0x4400  }
0x4b: {  	[tilespmem:s22], [sflag:$0x1] =	stream.linear.gather [hbm4b:s20+s0], $0x400, $0x38;
	[tilespmem:$0x13D00] =	vst v63  }
0x4c: {  	s24 =	rddreg [dreg:$0x16];
	s26 =	simm.s32 $0x4800  }
0x4d: {  	[tilespmem:s26], [sflag:$0x1] =	stream.linear.gather [hbm4b:s24+s0], $0x400, $0x38;
	[tilespmem:$0x13D00] =	vst v63  }
0x4e: {  	s29 =	rddreg [dreg:$0x17];
	s31 =	simm.s32 $0x4C00  }
0x4f: {  	[tilespmem:s31], [sflag:$0x1] =	stream.linear.gather [hbm4b:s29+s0], $0x400, $0x38;
	[tilespmem:$0x13D00] =	vst v63  }
0x50: {  	s20 =	rddreg [dreg:$0x18];
	s22 =	simm.s32 $0x5000  }
0x51: {  	[tilespmem:s22], [sflag:$0x1] =	stream.linear.gather [hbm4b:s20+s0], $0x400, $0x38;
	[tilespmem:$0x13D00] =	vst v63  }
0x52: {  	s24 =	rddreg [dreg:$0x19];
	s26 =	simm.s32 $0x5400  }
0x53: {  	[tilespmem:s26], [sflag:$0x1] =	stream.linear.gather [hbm4b:s24+s0], $0x400, $0x38;
	[tilespmem:$0x13D00] =	vst v63  }
0x54: {  	s29 =	rddreg [dreg:$0x1a];
	s31 =	simm.s32 $0x5800  }
0x55: {  	[tilespmem:s31], [sflag:$0x1] =	stream.linear.gather [hbm4b:s29+s0], $0x400, $0x38;
	[tilespmem:$0x13D00] =	vst v63  }
0x56: {  	s20 =	rddreg [dreg:$0x1b];
	s22 =	simm.s32 $0x5C00  }
0x57: {  	[tilespmem:s22], [sflag:$0x1] =	stream.linear.gather [hbm4b:s20+s0], $0x400, $0x38;
	[tilespmem:$0x13D00] =	vst v63  }
0x58: {  	s24 =	rddreg [dreg:$0x1c];
	s26 =	simm.s32 $0x6000  }
0x59: {  	[tilespmem:s26], [sflag:$0x1] =	stream.linear.gather [hbm4b:s24+s0], $0x400, $0x38;
	[tilespmem:$0x13D00] =	vst v63  }
0x5a: {  	s9 =	simm.s32 $0xD;
	s29 =	rddreg [dreg:$0x3];
	s31 =	simm.s32 $0x12400  }
0x5b: {  	[tilespmem:s31], [sflag:$0xD] =	stream.linear.gather [hbm4b:s29+s0], $0x1900, $0x38;
	[tilespmem:$0x13D00] =	vst v63  }
0x5c: {  	_ =	swait.ge [sflag:s9], $0x1900  }
0x5d: {  	[sflag:s9] =	ssyncset.done $0x0  }
0x5e: {  	[sflag:s9] =	ssyncadd.s32 $0xFFFFE700  }
0x5f: {  	_ =	swait.ge [sflag:s8], $0x400  }
0x60: {  	[sflag:s8] =	ssyncset.done $0x0  }
0x61: {  	[sflag:s8] =	ssyncadd.s32 $0xFFFFFC00  }
0x62: {  	_ =	swait.ge [sflag:s8], $0x400  }
0x63: {  	[sflag:s8] =	ssyncset.done $0x0  }
0x64: {  	[sflag:s8] =	ssyncadd.s32 $0xFFFFFC00  }
0x65: {  	_ =	swait.ge [sflag:s8], $0x400  }
0x66: {  	[sflag:s8] =	ssyncset.done $0x0  }
0x67: {  	[sflag:s8] =	ssyncadd.s32 $0xFFFFFC00  }
0x68: {  	_ =	swait.ge [sflag:s8], $0x400  }
0x69: {  	[sflag:s8] =	ssyncset.done $0x0  }
0x6a: {  	[sflag:s8] =	ssyncadd.s32 $0xFFFFFC00  }
0x6b: {  	_ =	swait.ge [sflag:s8], $0x400  }
0x6c: {  	[sflag:s8] =	ssyncset.done $0x0  }
0x6d: {  	[sflag:s8] =	ssyncadd.s32 $0xFFFFFC00  }
0x6e: {  	_ =	swait.ge [sflag:s8], $0x400  }
0x6f: {  	[sflag:s8] =	ssyncset.done $0x0  }
0x70: {  	[sflag:s8] =	ssyncadd.s32 $0xFFFFFC00  }
0x71: {  	_ =	swait.ge [sflag:s8], $0x400  }
0x72: {  	[sflag:s8] =	ssyncset.done $0x0  }
0x73: {  	[sflag:s8] =	ssyncadd.s32 $0xFFFFFC00  }
0x74: {  	_ =	swait.ge [sflag:s8], $0x400  }
0x75: {  	[sflag:s8] =	ssyncset.done $0x0  }
0x76: {  	[sflag:s8] =	ssyncadd.s32 $0xFFFFFC00  }
0x77: {  	_ =	swait.ge [sflag:s8], $0x400  }
0x78: {  	[sflag:s8] =	ssyncset.done $0x0  }
0x79: {  	[sflag:s8] =	ssyncadd.s32 $0xFFFFFC00  }
0x7a: {  	_ =	swait.ge [sflag:s8], $0x400  }
0x7b: {  	[sflag:s8] =	ssyncset.done $0x0  }
0x7c: {  	[sflag:s8] =	ssyncadd.s32 $0xFFFFFC00  }
0x7d: {  	_ =	swait.ge [sflag:s8], $0x400  }
0x7e: {  	[sflag:s8] =	ssyncset.done $0x0  }
0x7f: {  	[sflag:s8] =	ssyncadd.s32 $0xFFFFFC00  }
0x80: {  	_ =	swait.ge [sflag:s8], $0x400  }
0x81: {  	[sflag:s8] =	ssyncset.done $0x0  }
0x82: {  	[sflag:s8] =	ssyncadd.s32 $0xFFFFFC00  }
0x83: {  	_ =	swait.ge [sflag:s8], $0x400  }
0x84: {  	[sflag:s8] =	ssyncset.done $0x0  }
0x85: {  	[sflag:s8] =	ssyncadd.s32 $0xFFFFFC00  }
0x86: {  	_ =	swait.ge [sflag:s8], $0x400  }
0x87: {  	[sflag:s8] =	ssyncset.done $0x0  }
0x88: {  	[sflag:s8] =	ssyncadd.s32 $0xFFFFFC00  }
0x89: {  	_ =	swait.ge [sflag:s8], $0x400  }
0x8a: {  	[sflag:s8] =	ssyncset.done $0x0  }
0x8b: {  	[sflag:s8] =	ssyncadd.s32 $0xFFFFFC00  }
0x8c: {  	_ =	swait.ge [sflag:s8], $0x400  }
0x8d: {  	[sflag:s8] =	ssyncset.done $0x0  }
0x8e: {  	[sflag:s8] =	ssyncadd.s32 $0xFFFFFC00  }
0x8f: {  	_ =	swait.ge [sflag:s8], $0x400  }
0x90: {  	[sflag:s8] =	ssyncset.done $0x0  }
0x91: {  	[sflag:s8] =	ssyncadd.s32 $0xFFFFFC00  }
0x92: {  	_ =	swait.ge [sflag:s8], $0x400  }
0x93: {  	[sflag:s8] =	ssyncset.done $0x0  }
0x94: {  	[sflag:s8] =	ssyncadd.s32 $0xFFFFFC00  }
0x95: {  	_ =	swait.ge [sflag:s8], $0x400  }
0x96: {  	[sflag:s8] =	ssyncset.done $0x0  }
0x97: {  	[sflag:s8] =	ssyncadd.s32 $0xFFFFFC00  }
0x98: {  	_ =	swait.ge [sflag:s8], $0x400  }
0x99: {  	[sflag:s8] =	ssyncset.done $0x0  }
0x9a: {  	[sflag:s8] =	ssyncadd.s32 $0xFFFFFC00  }
0x9b: {  	_ =	swait.ge [sflag:s8], $0x400  }
0x9c: {  	[sflag:s8] =	ssyncset.done $0x0  }
0x9d: {  	[sflag:s8] =	ssyncadd.s32 $0xFFFFFC00  }
0x9e: {  	_ =	swait.ge [sflag:s8], $0x400  }
0x9f: {  	[sflag:s8] =	ssyncset.done $0x0  }
0xa0: {  	[sflag:s8] =	ssyncadd.s32 $0xFFFFFC00  }
0xa1: {  	_ =	swait.ge [sflag:s8], $0x400  }
0xa2: {  	[sflag:s8] =	ssyncset.done $0x0  }
0xa3: {  	[sflag:s8] =	ssyncadd.s32 $0xFFFFFC00  }
0xa4: {  	_ =	swait.ge [sflag:s8], $0x400  }
0xa5: {  	[sflag:s8] =	ssyncset.done $0x0  }
0xa6: {  	[sflag:s8] =	ssyncadd.s32 $0xFFFFFC00  }
0xa7: {  	_ =	swait.ge [sflag:s8], $0x400  }
0xa8: {  	[sflag:s8] =	ssyncset.done $0x0  }
0xa9: {  	s20 =	simm.s32 $0x80;
	[sflag:s8] =	ssyncadd.s32 $0xFFFFFC00  }
0xaa: {  	[tilespmem:s10], [sflag:$0x1] =	stream.indirect.gather [hbm4b:s5+s20], $0x20, s0, s20, $0xb8;
	[tilespmem:$0x13D00] =	vst v63  }
0xab: {  	_ = 	snop  }
0xac: {  	[tilespmem:s11], [sflag:$0x2] =	stream.indirect.gather [hbm4b:s5+s20], $0x20, s20, s20, $0xb8;
	[tilespmem:$0x13D00] =	vst v63  }
0xad: {  	s22 =	simm.s32 $0x100  }
0xae: {  	[tilespmem:s12], [sflag:$0x3] =	stream.indirect.gather [hbm4b:s5+s20], $0x20, s22, s20, $0xb8;
	[tilespmem:$0x13D00] =	vst v63  }
0xaf: {  	s24 =	simm.s32 $0x180  }
0xb0: {  	[tilespmem:s13], [sflag:$0x4] =	stream.indirect.gather [hbm4b:s5+s20], $0x20, s24, s20, $0xb8;
	[tilespmem:$0x13D00] =	vst v63  }
0xb1: {  	s26 =	simm.s32 $0x200  }
0xb2: {  	[tilespmem:s14], [sflag:$0x5] =	stream.indirect.gather [hbm4b:s5+s20], $0x20, s26, s20, $0xb8;
	[tilespmem:$0x13D00] =	vst v63  }
0xb3: {  	s29 =	simm.s32 $0x280  }
0xb4: {  	[tilespmem:s15], [sflag:$0x6] =	stream.indirect.gather [hbm4b:s5+s20], $0x20, s29, s20, $0xb8;
	[tilespmem:$0x13D00] =	vst v63  }
0xb5: {  	s3 =	simm.s32 $0x0;
	s31 =	simm.s32 $0x300  }
0xb6: {  	[tilespmem:s16], [sflag:$0x7] =	stream.indirect.gather [hbm4b:s5+s20], $0x20, s31, s20, $0xb8;
	[tilespmem:$0x13D00] =	vst v63  }
.LBB2_2:
0xb7: {  	s31 =	simm.s32 $0x1  }
0xb8: {  	s22 =	simm.s32 $0x2;
	s24 =	simm.s32 $0x0;
	s26 =	simm.s32 $0x4;
	v6 =	vadd.s32 s31, v0  }
0xb9: {  	v7 =	vadd.s32 s22, v0;
	v8 =	vadd.s32 s24, v0;
	v11 =	vadd.s32 s26, v0  }
0xba: {  	s31 =	simm.s32 $0x7;
	v9 =	vshll.u32 v7, $0x5;
	v10 =	vshll.u32 v6, $0x5;
	v14 =	vshll.u32 v11, $0x5  }
0xbb: {  	s26 =	simm.s32 $0x5;
	v11 =	vand.u32 $0x7F, v11;
	v16 =	vand.u32 $0x7F, v6;
	v22 =	vadd.s32 s31, v0  }
0xbc: {  	s22 =	simm.s32 $0xC;
	v24 =	vshll.u32 v8, $0x5;
	v25 =	vadd.s32 s26, v0;
	v30 =	vand.u32 $0x7F, v7  }
0xbd: {  	_ =	swait.ge [sflag:s8], $0x1000;
	s9 =	sshll.u32 s3, $0xA;
	v35 =	vand.u32 $0x78, v8;
	v40 =	vadd.s32 s22, v0;
	v10 =	vand.u32 $0xFE0, v10  }
0xbe: {  	[sflag:s8] =	ssyncset.done $0x0;
	s9 =	sand.u32 $0x3FFFFC00, s9;
	v9 =	vand.u32 $0xFE0, v9;
	v14 =	vand.u32 $0xFE0, v14;
	v20 =	vor.u32 v5, v16  }
0xbf: {  	s0 =	simm.s32 $0x80;
	[sflag:s8] =	ssyncadd.s32 $0xFFFFF000;
	s20 =	sor.u32 $0x380, s9;
	v16 =	vor.u32 v1, v16;
	v26 =	vshll.u32 v22, $0x5;
	v24 =	vand.u32 $0xFE0, v24  }
0xc0: {  	[tilespmem:s17], [sflag:$0x8] =	stream.indirect.gather [hbm4b:s5+s0], $0x20, s20, s0, $0xb8;
	v27 =	vshll.u32 v25, $0x5;
	v31 =	vor.u32 v1, v30;
	v34 =	vor.u32 v1, v11;
	[tilespmem:$0x13D00] =	vst v63  }
0xc1: {  	p0 =	seq.s32 s3, $0x0;
	s0 =	simm.s32 $0x3;
	v25 =	vand.u32 $0x7F, v25;
	v8 =	vor.u32 v4, v35;
	v35 =	vor.u32 v2, v35  }
0xc2: {  	s24 =	simm.s32 @!p0 $0x9;
	v45 =	vand.u32 $0x7F, v40;
	v12 =	vadd.s32 s0, v0;
	v13 =	vor.u32 v0, v10  }
0xc3: {  	_ =	swait.ge @!p0 [sflag:s24], $0x1000;
	v17 =	vor.u32 v0, v14;
	v18 =	vor.u32 v0, v9;
	v26 =	vand.u32 $0xFE0, v26  }
0xc4: {  	s29 =	sshll.u32 s3, $0x8;
	v28 =	vor.u32 v3, v24;
	v27 =	vand.u32 $0xFE0, v27;
	v24 =	vor.u32 v0, v24;
	[sflag:s24] =	ssyncset.done @!p0 $0x0  }
0xc5: {  	s20 =	sand.u32 $0x3FFFFF00, s29;
	v10 =	vor.u32 v3, v10;
	v14 =	vor.u32 v3, v14;
	v15 =	vshll.u32 v12, $0x5;
	[sflag:s24] =	ssyncadd.s32 @!p0 $0xFFFFF000  }
0xc6: {  	s29 =	simm.s32 $0x8;
	v33 =	vor.u32 v3, v9;
	v9 =	vor.u32 v5, v30;
	v15 =	vand.u32 $0xFE0, v15;
	v6 =	vld [tilespmem:s20+$0x12400]  }
0xc7: {  	s0 =	simm.s32 $0x6;
	v37 =	vadd.s32 s29, v0;
	v50 =	vor.u32 v1, v45;
	v19 =	vor.u32 v0, v15;
	v13 =	vld.idx.msk [tilespmem:v13+s10+$0x0], $0xffff  }
0xc8: {  	s31 =	simm.s32 $0x9;
	v21 =	vadd.s32 s0, v0;
	v29 =	vor.u32 v0, v27;
	v12 =	vand.u32 $0x7F, v12;
	v17 =	vld.idx.msk [tilespmem:v17+s10+$0x0], $0xffff  }
0xc9: {  	v36 =	vor.u32 v1, v12;
	v38 =	vor.u32 v5, v12;
	v12 =	vadd.s32 s31, v0;
	v24 =	vld.idx.msk [tilespmem:v24+s10+$0x0], $0xffff  }
0xca: {  	v27 =	vor.u32 v3, v27;
	v32 =	vor.u32 v3, v26;
	v41 =	vshll.u32 v12, $0x5  }
0xcb: {  	v51 =	vand.u32 $0x78, v37;
	v23 =	vshll.u32 v21, $0x5;
	v41 =	vand.u32 $0xFE0, v41;
	v18 =	vld.idx.msk [tilespmem:v18+s10+$0x0], $0xffff  }
0xcc: {  	v23 =	vand.u32 $0xFE0, v23;
	v44 =	vor.u32 v0, v41;
	v19 =	vld.idx.msk [tilespmem:v19+s10+$0x0], $0xffff;
	v13 =	vadd.f32 v13, v6  }
0xcd: {  	s0 =	simm.s32 $0xA;
	v15 =	vor.u32 v3, v15;
	v47 =	vor.u32 v3, v23;
	v17 =	vadd.f32 v17, v6  }
0xce: {  	v39 =	vadd.s32 s0, v0;
	v7 =	vld [tilespmem:s20+$0x12410];
	v24 =	vadd.f32 v24, v6;
	[tilespmem:v16+s18+$0x0] =	vst.idx.msk $0xffff, v13;
	v13 =	vor.u32 v0, v26  }
0xcf: {  	s24 =	simm.s32 $0xB;
	v16 =	vand.u32 $0x7F, v21;
	v21 =	vand.u32 $0x7F, v22;
	v22 =	vld.idx.msk [tilespmem:v29+s10+$0x0], $0xffff;
	v29 =	vor.u32 v1, v25;
	[tilespmem:v34+s18+$0x0] =	vst.idx.msk $0xffff, v17  }
0xd0: {  	v42 =	vadd.s32 s24, v0;
	v17 =	vadd.f32 v18, v6;
	v18 =	vor.u32 v0, v23;
	[tilespmem:v35+s18+$0x0] =	vst.idx.msk $0xffff, v24  }
0xd1: {  	v55 =	vld.idx.msk [tilespmem:v44+s10+$0x0], $0xffff;
	v19 =	vadd.f32 v19, v6;
	v30 =	vor.u32 v1, v16;
	v53 =	vor.u32 v1, v21  }
0xd2: {  	v26 =	vld.idx.msk [tilespmem:v10+s10+$0x0], $0xffff;
	v10 =	vor.u32 v5, v21;
	v21 =	vor.u32 v5, v11;
	v11 =	vor.u32 v5, v16  }
0xd3: {  	v16 =	vshll.u32 v39, $0x5;
	v39 =	vand.u32 $0x7F, v39;
	v60 =	vld.idx.msk [tilespmem:v28+s10+$0x0], $0xffff;
	v28 =	vand.u32 $0x7F, v42  }
0xd4: {  	v43 =	vand.u32 $0xFE0, v16;
	v16 =	vshll.u32 v40, $0x5;
	[tilespmem:v31+s18+$0x0] =	vst.idx.msk $0xffff, v17;
	v31 =	vor.u32 v3, v41  }
0xd5: {  	s29 =	simm.s32 $0xE;
	v14 =	vld.idx.msk [tilespmem:v14+s10+$0x0], $0xffff;
	[tilespmem:v36+s18+$0x0] =	vst.idx.msk $0xffff, v19;
	v19 =	vand.u32 $0x7F, v12;
	v12 =	vshll.u32 v42, $0x5;
	v54 =	vand.u32 $0xFE0, v16  }
0xd6: {  	v23 =	vor.u32 v0, v43;
	v16 =	vor.u32 v5, v25;
	v25 =	vadd.s32 s29, v0  }
0xd7: {  	v59 =	vadd.f32 v55, v6;
	v40 =	vand.u32 $0xFE0, v12;
	v46 =	vor.u32 v0, v54  }
0xd8: {  	v12 =	vor.u32 v5, v19;
	v24 =	vor.u32 v1, v19;
	v19 =	vshll.u32 v25, $0x5;
	v56 =	vld.idx.msk [tilespmem:v15+s10+$0x0], $0xffff  }
0xd9: {  	v49 =	vor.u32 v3, v54;
	v54 =	vand.u32 $0x7F, v25;
	v22 =	vadd.f32 v22, v6;
	v18 =	vld.idx.msk [tilespmem:v18+s10+$0x0], $0xffff  }
0xda: {  	s26 =	simm.s32 $0xF;
	v13 =	vld.idx.msk [tilespmem:v13+s10+$0x0], $0xffff;
	v48 =	vor.u32 v0, v40;
	v19 =	vand.u32 $0xFE0, v19;
	v14 =	vadd.f32 v14, v7  }
0xdb: {  	s31 =	simm.s32 $0xD;
	v26 =	vadd.f32 v26, v7;
	v36 =	vadd.f32 v60, v7;
	[tilespmem:v29+s18+$0x0] =	vst.idx.msk $0xffff, v22;
	v29 =	vadd.s32 s26, v0  }
0xdc: {  	v22 =	vld.idx.msk [tilespmem:v27+s10+$0x0], $0xffff;
	v27 =	vshll.u32 v29, $0x5;
	[tilespmem:v21+s18+$0x0] =	vst.idx.msk $0xffff, v14;
	v14 =	vshll.u32 v37, $0x5;
	v21 =	vadd.s32 s31, v0  }
0xdd: {  	v63 =	vld.idx.msk [tilespmem:v23+s10+$0x0], $0xffff;
	v23 =	vor.u32 v4, v51;
	v29 =	vand.u32 $0x7F, v29;
	v27 =	vand.u32 $0xFE0, v27  }
0xde: {  	[tilespmem:v20+s18+$0x0] =	vst.idx.msk $0xffff, v26;
	v20 =	vand.u32 $0xFE0, v14;
	v14 =	vshll.u32 v21, $0x5;
	v61 =	vadd.f32 v56, v7  }
0xdf: {  	v57 =	vld.idx.msk [tilespmem:v46+s10+$0x0], $0xffff;
	v21 =	vand.u32 $0x7F, v21;
	v26 =	vadd.f32 v18, v6;
	v15 =	vor.u32 v3, v20  }
0xe0: {  	[tilespmem:v24+s18+$0x0] =	vst.idx.msk $0xffff, v59;
	v14 =	vand.u32 $0xFE0, v14;
	v13 =	vadd.f32 v13, v6;
	v18 =	vor.u32 v3, v43  }
0xe1: {  	v58 =	vld.idx.msk [tilespmem:v48+s10+$0x0], $0xffff;
	v52 =	vor.u32 v0, v20;
	v34 =	vor.u32 v1, v21;
	v41 =	vor.u32 v0, v14  }
0xe2: {  	v20 =	vor.u32 v1, v54;
	v17 =	vor.u32 v3, v14;
	[tilespmem:v53+s18+$0x0] =	vst.idx.msk $0xffff, v13;
	v53 =	vld.idx.msk [tilespmem:v33+s10+$0x0], $0xffff  }
0xe3: {  	v14 =	vor.u32 v1, v39;
	[tilespmem:v38+s18+$0x0] =	vst.idx.msk $0xffff, v61;
	v38 =	vor.u32 v0, v19;
	v33 =	vld.idx.msk [tilespmem:v31+s10+$0x0], $0xffff  }
0xe4: {  	v13 =	vor.u32 v3, v27;
	[tilespmem:v30+s18+$0x0] =	vst.idx.msk $0xffff, v26;
	v30 =	vor.u32 v0, v27;
	v62 =	vld.idx.msk [tilespmem:v32+s10+$0x0], $0xffff  }
0xe5: {  	v26 =	vor.u32 v5, v39;
	v27 =	vor.u32 v2, v51;
	v39 =	vor.u32 v5, v29;
	v42 =	vld.idx.msk [tilespmem:v47+s10+$0x0], $0xffff  }
0xe6: {  	v31 =	vor.u32 v5, v54;
	v35 =	vadd.f32 v22, v7;
	v24 =	vadd.f32 v57, v6;
	v43 =	vld.idx.msk [tilespmem:v41+s10+$0x0], $0xffff  }
0xe7: {  	v32 =	vor.u32 v1, v28;
	v22 =	vor.u32 v3, v40;
	v25 =	vadd.f32 v63, v6  }
0xe8: {  	v37 =	vadd.f32 v58, v6;
	[tilespmem:v50+s18+$0x0] =	vst.idx.msk $0xffff, v24;
	v24 =	vor.u32 v1, v29;
	v41 =	vld.idx.msk [tilespmem:v52+s10+$0x0], $0xffff  }
0xe9: {  	s22 =	simm.s32 $0x10;
	s20 =	sshll.u32 s3, $0x3;
	v29 =	vor.u32 v5, v45;
	v40 =	vld.idx.msk [tilespmem:v49+s10+$0x0], $0xffff;
	v45 =	vadd.f32 v53, v7;
	v44 =	vadd.f32 v62, v7  }
.LBB2_3:
0xea: {  	v46 =	vadd.s32 s22, v0;
	s24 =	sadd.s32 $0x1, s22;
	s26 =	sadd.s32 $0x2, s22;
	s29 =	sadd.s32 $0x7, s22;
	v47 =	vor.u32 v5, v28;
	[tilespmem:v16+s18+$0x0] =	vst.idx.msk $0xffff, v35;
	v16 =	vadd.f32 v42, v7  }
0xeb: {  	s31 =	sadd.s32 $0x6, s22;
	v42 =	vadd.f32 v43, v6;
	v28 =	vadd.s32 s24, v0;
	v35 =	vadd.s32 s26, v0;
	s24 =	sadd.s32 $0x3, s22;
	s26 =	sadd.s32 $0x4, s22;
	[tilespmem:v10+s18+$0x0] =	vst.idx.msk $0xffff, v44;
	v10 =	vmovc v39  }
0xec: {  	p1 =	slt.u32 s22, $0x78;
	v33 =	vadd.f32 v33, v7;
	v39 =	vshll.u32 v35, $0x5;
	v43 =	vadd.s32 s26, v0;
	s26 =	sadd.s32 $0x5, s22;
	s22 =	sadd.s32 $0x8, s22;
	[tilespmem:v32+s18+$0x0] =	vst.idx.msk $0xffff, v37  }
0xed: {  	v32 =	vshll.u32 v28, $0x5;
	v37 =	vadd.s32 s24, v0;
	v41 =	vadd.f32 v41, v6;
	[tilespmem:v9+s18+$0x0] =	vst.idx.msk $0xffff, v45;
	v9 =	vmovc v26  }
0xee: {  	v26 =	vand.u32 $0xFE0, v32;
	v32 =	vand.u32 $0xFE0, v39;
	v39 =	vadd.f32 v40, v7;
	[tilespmem:v8+s18+$0x0] =	vst.idx.msk $0xffff, v36;
	v8 =	vmovc v23  }
0xef: {  	v45 =	vand.u32 $0x7F, v43;
	v23 =	vor.u32 v0, v26;
	v36 =	vshll.u32 v43, $0x5;
	v30 =	vld.idx.msk [tilespmem:v30+s10+$0x0], $0xffff;
	[tilespmem:v11+s18+$0x0] =	vst.idx.msk $0xffff, v16  }
0xf0: {  	v28 =	vand.u32 $0x7F, v28;
	v16 =	vshll.u32 v37, $0x5;
	v36 =	vand.u32 $0xFE0, v36;
	v11 =	vmovc v31;
	[tilespmem:v34+s18+$0x0] =	vst.idx.msk $0xffff, v42;
	v34 =	vld.idx.msk [tilespmem:v38+s10+$0x0], $0xffff  }
0xf1: {  	v31 =	vand.u32 $0xFE0, v16;
	v38 =	vor.u32 v0, v36;
	v42 =	vor.u32 v3, v19;
	v40 =	vld.idx.msk [tilespmem:v17+s10+$0x0], $0xffff  }
0xf2: {  	v43 =	vor.u32 v0, v32;
	v16 =	vor.u32 v5, v21;
	v17 =	vor.u32 v0, v31;
	v22 =	vld.idx.msk [tilespmem:v22+s10+$0x0], $0xffff  }
0xf3: {  	v44 =	vadd.s32 s31, v0;
	v48 =	vadd.s32 s29, v0;
	v19 =	vor.u32 v5, v28;
	[tilespmem:v27+s18+$0x0] =	vst.idx.msk $0xffff, v41  }
0xf4: {  	v27 =	vshll.u32 v44, $0x5;
	v21 =	vld.idx.msk [tilespmem:v23+s10+$0x0], $0xffff;
	v23 =	vor.u32 v1, v28;
	v28 =	vshll.u32 v48, $0x5;
	[tilespmem:v29+s18+$0x0] =	vst.idx.msk $0xffff, v39  }
0xf5: {  	v29 =	vshll.u32 v46, $0x5;
	v39 =	vadd.s32 s26, v0;
	v41 =	vand.u32 $0xFE0, v28;
	[tilespmem:v12+s18+$0x0] =	vst.idx.msk $0xffff, v33;
	v12 =	vmovc v19  }
0xf6: {  	v29 =	vand.u32 $0xFE0, v29;
	v19 =	vshll.u32 v39, $0x5;
	v33 =	vld.idx.msk [tilespmem:v38+s10+$0x0], $0xffff;
	[tilespmem:v14+s18+$0x0] =	vst.idx.msk $0xffff, v25;
	v25 =	vadd.f32 v34, v6  }
0xf7: {  	v28 =	vadd.f32 v30, v6;
	v38 =	vor.u32 v3, v29;
	v14 =	vand.u32 $0xFE0, v19;
	v34 =	vld.idx.msk [tilespmem:v17+s10+$0x0], $0xffff  }
0xf8: {  	v26 =	vor.u32 v3, v26;
	v49 =	vor.u32 v3, v36;
	v36 =	vor.u32 v0, v14  }
0xf9: {  	v50 =	vand.u32 $0x7F, v35;
	v19 =	vand.u32 $0xFE0, v27;
	v17 =	vor.u32 v3, v14;
	v15 =	vld.idx.msk [tilespmem:v15+s10+$0x0], $0xffff;
	[tilespmem:v24+s18+$0x0] =	vst.idx.msk $0xffff, v28  }
0xfa: {  	v14 =	vor.u32 v1, v50;
	v21 =	vadd.f32 v21, v6;
	v24 =	vld.idx.msk [tilespmem:v13+s10+$0x0], $0xffff;
	v13 =	vor.u32 v3, v41  }
0xfb: {  	v52 =	vor.u32 v3, v32;
	v53 =	vor.u32 v1, v45;
	v27 =	vadd.f32 v22, v7;
	v51 =	vld.idx.msk [tilespmem:v43+s10+$0x0], $0xffff  }
0xfc: {  	v46 =	vand.u32 $0x78, v46;
	v35 =	vadd.f32 v40, v7;
	v28 =	vand.u32 $0x7F, v37;
	v18 =	vld.idx.msk [tilespmem:v18+s10+$0x0], $0xffff;
	[tilespmem:v20+s18+$0x0] =	vst.idx.msk $0xffff, v25  }
0xfd: {  	v32 =	vor.u32 v1, v28;
	v25 =	vor.u32 v0, v29;
	[tilespmem:v23+s18+$0x0] =	vst.idx.msk $0xffff, v21;
	v21 =	vand.u32 $0x7F, v39  }
0xfe: {  	v30 =	vor.u32 v0, v41;
	v22 =	vor.u32 v3, v31;
	v29 =	vadd.f32 v33, v6;
	v42 =	vld.idx.msk [tilespmem:v42+s10+$0x0], $0xffff  }
0xff: {  	v31 =	vand.u32 $0x7F, v44;
	v23 =	vor.u32 v4, v46;
	v39 =	vand.u32 $0x7F, v48;
	v33 =	vld.idx.msk [tilespmem:v26+s10+$0x0], $0xffff;
	[tilespmem:v47+s18+$0x0] =	vst.idx.msk $0xffff, v27  }
.Ltmp0:
0x100: {  	v37 =	vadd.f32 v34, v6;
	v26 =	vor.u32 v5, v50;
	v43 =	vld.idx.msk [tilespmem:v36+s10+$0x0], $0xffff;
	v36 =	vadd.f32 v15, v7;
	(pc) =	sbr.rel @p1 .LBB2_3-.Ltmp0, $4  }
0x101: {  	v20 =	vor.u32 v1, v31;
	v34 =	vor.u32 v1, v21;
	v44 =	vadd.f32 v24, v7;
	v15 =	vmovc v38  }
0x102: {  	v27 =	vor.u32 v2, v46;
	v24 =	vor.u32 v1, v39;
	v41 =	vld.idx.msk [tilespmem:v25+s10+$0x0], $0xffff;
	[tilespmem:v53+s18+$0x0] =	vst.idx.msk $0xffff, v29  }
0x103: {  	v39 =	vor.u32 v5, v39;
	v38 =	vor.u32 v0, v19;
	v25 =	vadd.f32 v51, v6;
	v40 =	vld.idx.msk [tilespmem:v49+s10+$0x0], $0xffff  }
0x104: {  	v31 =	vor.u32 v5, v31;
	v29 =	vor.u32 v5, v45;
	v45 =	vadd.f32 v18, v7;
	v18 =	vmovc v52  }
0x105: {  	_ =	sdelay $0x3  }
0x106: {  	[tilespmem:v16+s18+$0x0] =	vst.idx.msk $0xffff, v35  }
0x107: {  	v16 =	vld.idx.msk [tilespmem:v30+s10+$0x0], $0xffff;
	[tilespmem:v10+s18+$0x0] =	vst.idx.msk $0xffff, v44  }
0x108: {  	[tilespmem:v32+s18+$0x0] =	vst.idx.msk $0xffff, v37  }
0x109: {  	[tilespmem:v8+s18+$0x0] =	vst.idx.msk $0xffff, v36  }
0x10a: {  	v10 =	vadd.f32 v42, v7;
	[tilespmem:v9+s18+$0x0] =	vst.idx.msk $0xffff, v45;
	v9 =	vld.idx.msk [tilespmem:v38+s10+$0x0], $0xffff  }
0x10b: {  	v30 =	vadd.f32 v43, v6;
	[tilespmem:v14+s18+$0x0] =	vst.idx.msk $0xffff, v25  }
0x10c: {  	[tilespmem:v11+s18+$0x0] =	vst.idx.msk $0xffff, v10;
	v8 =	vadd.f32 v16, v6  }
0x10d: {  	[tilespmem:v34+s18+$0x0] =	vst.idx.msk $0xffff, v30;
	v10 =	vor.u32 v3, v19;
	v11 =	vld.idx.msk [tilespmem:v22+s10+$0x0], $0xffff;
	v16 =	vadd.f32 v41, v6  }
0x10e: {  	v17 =	vld.idx.msk [tilespmem:v17+s10+$0x0], $0xffff;
	[tilespmem:v24+s18+$0x0] =	vst.idx.msk $0xffff, v8  }
0x10f: {  	v6 =	vadd.f32 v9, v6;
	v8 =	vor.u32 v5, v28;
	[tilespmem:v27+s18+$0x0] =	vst.idx.msk $0xffff, v16;
	v16 =	vld.idx.msk [tilespmem:v18+s10+$0x0], $0xffff  }
0x110: {  	v14 =	vor.u32 v5, v21;
	v18 =	vadd.f32 v33, v7;
	v9 =	vld.idx.msk [tilespmem:v13+s10+$0x0], $0xffff  }
0x111: {  	v13 =	vadd.f32 v40, v7;
	v15 =	vld.idx.msk [tilespmem:v15+s10+$0x0], $0xffff;
	[tilespmem:v20+s18+$0x0] =	vst.idx.msk $0xffff, v6  }
0x112: {  	v6 =	vadd.f32 v11, v7;
	v10 =	vld.idx.msk [tilespmem:v10+s10+$0x0], $0xffff;
	[tilespmem:v12+s18+$0x0] =	vst.idx.msk $0xffff, v18  }
0x113: {  	v11 =	vadd.f32 v17, v7;
	[tilespmem:v29+s18+$0x0] =	vst.idx.msk $0xffff, v13  }
0x114: {  	[tilespmem:v8+s18+$0x0] =	vst.idx.msk $0xffff, v6;
	v8 =	vadd.f32 v16, v7  }
0x115: {  	[tilespmem:v14+s18+$0x0] =	vst.idx.msk $0xffff, v11;
	v6 =	vadd.f32 v9, v7  }
0x116: {  	s22 =	sshll.u32 s3, $0x14;
	v9 =	vadd.f32 v15, v7;
	[tilespmem:v26+s18+$0x0] =	vst.idx.msk $0xffff, v8  }
0x117: {  	s22 =	sor.u32 s4, s22;
	[tilespmem:v39+s18+$0x0] =	vst.idx.msk $0xffff, v6;
	v6 =	vadd.f32 v10, v7  }
0x118: {  	s22 =	sshrl.u32 s22, $0x3;
	[tilespmem:v23+s18+$0x0] =	vst.idx.msk $0xffff, v9  }
0x119: {  	s31 =	simm.s32 $0x2;
	s22 =	sadd.s32 s2, s22;
	[tilespmem:v31+s18+$0x0] =	vst.idx.msk $0xffff, v6  }
0x11a: {  	v7 =	vadd.s32 s31, v0;
	[hbm4b:s22+s6] =	stream.strided.scatter [tilespmem:s18], [sflag:$0x9], $0x1000, s19, s6, $0x38;
	[tilespmem:$0x13D00] =	vst v63  }
0x11b: {  	s0 =	simm.s32 $0x2;
	s31 =	simm.s32 $0x3;
	v9 =	vshll.u32 v7, $0x5;
	s22 =	sor.u32 $0x1, s20  }
0x11c: {  	v12 =	vadd.s32 s31, v0;
	v30 =	vand.u32 $0x7F, v7;
	v9 =	vand.u32 $0xFE0, v9;
	_ =	swait.ge [sflag:s0], $0x1000;
	p1 =	sgt.u32 s22, $0xC0  }
0x11d: {  	v15 =	vshll.u32 v12, $0x5;
	v31 =	vor.u32 v1, v30;
	v12 =	vand.u32 $0x7F, v12;
	[sflag:s0] =	ssyncset.done $0x0;
	s24 =	sadd.s32 @!p1 $0x400, s9;
	s26 =	simm.s32 @!p1 $0x80  }
0x11e: {  	v15 =	vand.u32 $0xFE0, v15;
	v18 =	vor.u32 v0, v9;
	v33 =	vor.u32 v3, v9;
	s29 =	simm.s32 @!p1 $0x6400;
	[sflag:s0] =	ssyncadd.s32 $0xFFFFF000;
	s0 =	simm.s32 $0x0  }
0x11f: {  	v58 =	vor.u32 v1, v12;
	v9 =	vor.u32 v5, v30;
	v38 =	vor.u32 v5, v12;
	[tilespmem:s29], [sflag:$0x1] =	stream.indirect.gather @!p1 [hbm4b:s5+s26], $0x20, s24, s26, $0xb8;
	[tilespmem:$0x13D00] =	vst v63  }
0x120: {  	s31 =	sshll.u32 s22, $0x5;
	v19 =	vor.u32 v0, v15;
	v15 =	vor.u32 v3, v15;
	s26 =	simm.s32 $0x1;
	v8 =	vadd.s32 s0, v0;
	s0 =	simm.s32 $0x4  }
0x121: {  	s24 =	sand.u32 $0x3FFFFFE0, s31;
	s31 =	simm.s32 $0x5;
	v6 =	vadd.s32 s26, v0;
	v11 =	vadd.s32 s0, v0;
	v24 =	vshll.u32 v8, $0x5  }
0x122: {  	v25 =	vadd.s32 s31, v0;
	v57 =	vand.u32 $0x78, v8;
	v10 =	vshll.u32 v6, $0x5  }
0x123: {  	s26 =	simm.s32 $0x7;
	s0 =	simm.s32 $0x6;
	v14 =	vshll.u32 v11, $0x5;
	v11 =	vand.u32 $0x7F, v11;
	v16 =	vand.u32 $0x7F, v6  }
0x124: {  	s29 =	simm.s32 @!p0 $0xA;
	v21 =	vadd.s32 s0, v0;
	v22 =	vadd.s32 s26, v0;
	v24 =	vand.u32 $0xFE0, v24  }
0x125: {  	_ =	swait.ge @!p0 [sflag:s29], $0x1000;
	s31 =	simm.s32 $0x9;
	v27 =	vshll.u32 v25, $0x5;
	v25 =	vand.u32 $0x7F, v25;
	v8 =	vor.u32 v4, v57  }
0x126: {  	[sflag:s29] =	ssyncset.done @!p0 $0x0;
	v35 =	vor.u32 v2, v57;
	v12 =	vadd.s32 s31, v0;
	v10 =	vand.u32 $0xFE0, v10  }
0x127: {  	v14 =	vand.u32 $0xFE0, v14;
	[sflag:s29] =	ssyncadd.s32 @!p0 $0xFFFFF000;
	v28 =	vor.u32 v3, v24;
	v24 =	vor.u32 v0, v24  }
0x128: {  	v20 =	vor.u32 v5, v16;
	v16 =	vor.u32 v1, v16;
	v13 =	vor.u32 v0, v10;
	v6 =	vld [tilespmem:s24+$0x12400]  }
0x129: {  	s0 =	simm.s32 $0xA;
	v23 =	vshll.u32 v21, $0x5;
	v26 =	vshll.u32 v22, $0x5;
	v17 =	vor.u32 v0, v14;
	v19 =	vld.idx.msk [tilespmem:v19+s11+$0x0], $0xffff  }
0x12a: {  	s31 =	simm.s32 $0xB;
	v27 =	vand.u32 $0xFE0, v27;
	v56 =	vor.u32 v1, v11;
	v52 =	vadd.s32 s0, v0  }
0x12b: {  	v54 =	vshll.u32 v12, $0x5;
	v55 =	vadd.s32 s31, v0;
	v26 =	vand.u32 $0xFE0, v26  }
0x12c: {  	s29 =	simm.s32 $0x8;
	v10 =	vor.u32 v3, v10;
	v14 =	vor.u32 v3, v14;
	v29 =	vor.u32 v0, v27;
	v24 =	vld.idx.msk [tilespmem:v24+s11+$0x0], $0xffff  }
0x12d: {  	s0 =	simm.s32 $0xF;
	v27 =	vor.u32 v3, v27;
	v23 =	vand.u32 $0xFE0, v23;
	v37 =	vadd.s32 s29, v0;
	v13 =	vld.idx.msk [tilespmem:v13+s11+$0x0], $0xffff  }
0x12e: {  	s29 =	simm.s32 $0xC;
	v41 =	vand.u32 $0xFE0, v54;
	v49 =	vadd.s32 s0, v0;
	v17 =	vld.idx.msk [tilespmem:v17+s11+$0x0], $0xffff;
	v19 =	vadd.f32 v19, v6  }
0x12f: {  	v18 =	vld.idx.msk [tilespmem:v18+s11+$0x0], $0xffff;
	v39 =	vand.u32 $0x7F, v52;
	v32 =	vor.u32 v3, v26;
	v53 =	vadd.s32 s29, v0  }
0x130: {  	v7 =	vld [tilespmem:s24+$0x12410];
	v61 =	vor.u32 v0, v41;
	[tilespmem:v58+s21+$0x0] =	vst.idx.msk $0xffff, v19;
	v19 =	vand.u32 $0x7F, v12;
	v12 =	vshll.u32 v55, $0x5  }
0x131: {  	v47 =	vor.u32 v3, v23;
	v63 =	vand.u32 $0xFE0, v12;
	v24 =	vadd.f32 v24, v6  }
0x132: {  	v12 =	vor.u32 v5, v19;
	v48 =	vor.u32 v0, v63;
	v13 =	vadd.f32 v13, v6  }
0x133: {  	v51 =	vand.u32 $0x78, v37;
	v17 =	vadd.f32 v17, v6;
	[tilespmem:v35+s21+$0x0] =	vst.idx.msk $0xffff, v24;
	v24 =	vor.u32 v1, v19  }
0x134: {  	[tilespmem:v16+s21+$0x0] =	vst.idx.msk $0xffff, v13;
	v13 =	vor.u32 v0, v26;
	v16 =	vand.u32 $0x7F, v21;
	v21 =	vand.u32 $0x7F, v22  }
0x135: {  	v22 =	vld.idx.msk [tilespmem:v29+s11+$0x0], $0xffff;
	[tilespmem:v56+s21+$0x0] =	vst.idx.msk $0xffff, v17;
	v17 =	vadd.f32 v18, v6;
	v18 =	vor.u32 v0, v23  }
0x136: {  	v26 =	vld.idx.msk [tilespmem:v10+s11+$0x0], $0xffff;
	v30 =	vor.u32 v1, v16;
	v59 =	vor.u32 v1, v21;
	v10 =	vor.u32 v5, v21  }
0x137: {  	v28 =	vld.idx.msk [tilespmem:v28+s11+$0x0], $0xffff;
	v21 =	vor.u32 v5, v11;
	v11 =	vor.u32 v5, v16;
	v16 =	vshll.u32 v52, $0x5  }
0x138: {  	v29 =	vor.u32 v1, v25;
	v14 =	vld.idx.msk [tilespmem:v14+s11+$0x0], $0xffff;
	v60 =	vand.u32 $0xFE0, v16;
	v16 =	vshll.u32 v53, $0x5  }
0x139: {  	s29 =	simm.s32 $0xE;
	v45 =	vand.u32 $0x7F, v53;
	v56 =	vld.idx.msk [tilespmem:v15+s11+$0x0], $0xffff;
	[tilespmem:v31+s21+$0x0] =	vst.idx.msk $0xffff, v17;
	v31 =	vor.u32 v3, v41;
	v62 =	vand.u32 $0xFE0, v16  }
0x13a: {  	v23 =	vor.u32 v0, v60;
	v16 =	vor.u32 v5, v25;
	v25 =	vadd.s32 s29, v0;
	v54 =	vld.idx.msk [tilespmem:v33+s11+$0x0], $0xffff  }
0x13b: {  	v46 =	vor.u32 v0, v62;
	v19 =	vshll.u32 v25, $0x5;
	v22 =	vadd.f32 v22, v6;
	v18 =	vld.idx.msk [tilespmem:v18+s11+$0x0], $0xffff  }
0x13c: {  	v50 =	vor.u32 v3, v62;
	v13 =	vld.idx.msk [tilespmem:v13+s11+$0x0], $0xffff;
	v19 =	vand.u32 $0xFE0, v19;
	v36 =	vadd.f32 v28, v7  }
0x13d: {  	v28 =	vor.u32 v5, v45;
	v14 =	vadd.f32 v14, v7;
	[tilespmem:v29+s21+$0x0] =	vst.idx.msk $0xffff, v22;
	v29 =	vld.idx.msk [tilespmem:v61+s11+$0x0], $0xffff  }
0x13e: {  	s31 =	simm.s32 $0xD;
	v26 =	vadd.f32 v26, v7;
	v61 =	vadd.f32 v56, v7;
	v22 =	vld.idx.msk [tilespmem:v27+s11+$0x0], $0xffff;
	v27 =	vshll.u32 v49, $0x5  }
0x13f: {  	[tilespmem:v21+s21+$0x0] =	vst.idx.msk $0xffff, v14;
	v14 =	vshll.u32 v37, $0x5;
	v21 =	vadd.s32 s31, v0;
	v53 =	vld.idx.msk [tilespmem:v23+s11+$0x0], $0xffff;
	v23 =	vor.u32 v4, v51  }
0x140: {  	[tilespmem:v20+s21+$0x0] =	vst.idx.msk $0xffff, v26;
	v27 =	vand.u32 $0xFE0, v27;
	v20 =	vand.u32 $0xFE0, v14;
	v14 =	vshll.u32 v21, $0x5  }
0x141: {  	v21 =	vand.u32 $0x7F, v21;
	[tilespmem:v38+s21+$0x0] =	vst.idx.msk $0xffff, v61;
	v38 =	vor.u32 v0, v19;
	v26 =	vadd.f32 v18, v6  }
0x142: {  	v15 =	vor.u32 v3, v20;
	v14 =	vand.u32 $0xFE0, v14;
	v13 =	vadd.f32 v13, v6  }
0x143: {  	v18 =	vor.u32 v3, v60;
	v60 =	vor.u32 v1, v45;
	v52 =	vor.u32 v0, v20  }
0x144: {  	v58 =	vld.idx.msk [tilespmem:v46+s11+$0x0], $0xffff;
	v34 =	vor.u32 v1, v21;
	v45 =	vadd.f32 v54, v7;
	v57 =	vor.u32 v0, v14  }
0x145: {  	v17 =	vor.u32 v3, v14;
	v14 =	vor.u32 v1, v39;
	[tilespmem:v59+s21+$0x0] =	vst.idx.msk $0xffff, v13;
	v59 =	vld.idx.msk [tilespmem:v48+s11+$0x0], $0xffff  }
0x146: {  	v44 =	vadd.f32 v29, v6;
	v13 =	vor.u32 v3, v27;
	v29 =	vand.u32 $0x7F, v55;
	[tilespmem:v30+s21+$0x0] =	vst.idx.msk $0xffff, v26  }
0x147: {  	v30 =	vor.u32 v0, v27;
	v55 =	vand.u32 $0x7F, v25;
	v26 =	vor.u32 v5, v39;
	v62 =	vld.idx.msk [tilespmem:v32+s11+$0x0], $0xffff  }
0x148: {  	v27 =	vor.u32 v2, v51;
	v35 =	vadd.f32 v22, v7;
	v32 =	vor.u32 v1, v29;
	v42 =	vld.idx.msk [tilespmem:v47+s11+$0x0], $0xffff  }
0x149: {  	v22 =	vor.u32 v3, v63;
	[tilespmem:v24+s21+$0x0] =	vst.idx.msk $0xffff, v44;
	v24 =	vadd.f32 v58, v6;
	v43 =	vld.idx.msk [tilespmem:v57+s11+$0x0], $0xffff  }
0x14a: {  	v63 =	vand.u32 $0x7F, v49;
	v20 =	vor.u32 v1, v55;
	v25 =	vadd.f32 v53, v6;
	v33 =	vld.idx.msk [tilespmem:v31+s11+$0x0], $0xffff  }
0x14b: {  	v40 =	vor.u32 v5, v63;
	v41 =	vld.idx.msk [tilespmem:v52+s11+$0x0], $0xffff;
	v31 =	vor.u32 v5, v55;
	[tilespmem:v60+s21+$0x0] =	vst.idx.msk $0xffff, v24  }
0x14c: {  	s24 =	simm.s32 $0x10;
	v24 =	vor.u32 v1, v63;
	v37 =	vadd.f32 v59, v6;
	v39 =	vld.idx.msk [tilespmem:v50+s11+$0x0], $0xffff;
	v44 =	vadd.f32 v62, v7  }
.LBB2_5:
0x14d: {  	v46 =	vadd.s32 s24, v0;
	s26 =	sadd.s32 $0x1, s24;
	s29 =	sadd.s32 $0x2, s24;
	s31 =	sadd.s32 $0x7, s24;
	v47 =	vor.u32 v5, v29;
	[tilespmem:v16+s21+$0x0] =	vst.idx.msk $0xffff, v35;
	v16 =	vadd.f32 v42, v7  }
0x14e: {  	s0 =	sadd.s32 $0x6, s24;
	v42 =	vadd.f32 v43, v6;
	v29 =	vadd.s32 s26, v0;
	v35 =	vadd.s32 s29, v0;
	s26 =	sadd.s32 $0x3, s24;
	s29 =	sadd.s32 $0x4, s24;
	[tilespmem:v10+s21+$0x0] =	vst.idx.msk $0xffff, v44;
	v10 =	vmovc v40  }
0x14f: {  	p1 =	slt.u32 s24, $0x78;
	v33 =	vadd.f32 v33, v7;
	v40 =	vshll.u32 v35, $0x5;
	v43 =	vadd.s32 s29, v0;
	s29 =	sadd.s32 $0x5, s24;
	s24 =	sadd.s32 $0x8, s24;
	[tilespmem:v32+s21+$0x0] =	vst.idx.msk $0xffff, v37  }
0x150: {  	v32 =	vshll.u32 v29, $0x5;
	v37 =	vadd.s32 s26, v0;
	v41 =	vadd.f32 v41, v6;
	[tilespmem:v9+s21+$0x0] =	vst.idx.msk $0xffff, v45;
	v9 =	vmovc v26  }
0x151: {  	v26 =	vand.u32 $0xFE0, v32;
	v32 =	vand.u32 $0xFE0, v40;
	v39 =	vadd.f32 v39, v7;
	[tilespmem:v8+s21+$0x0] =	vst.idx.msk $0xffff, v36;
	v8 =	vmovc v23  }
0x152: {  	v45 =	vand.u32 $0x7F, v43;
	v23 =	vor.u32 v0, v26;
	v36 =	vshll.u32 v43, $0x5;
	v30 =	vld.idx.msk [tilespmem:v30+s11+$0x0], $0xffff;
	[tilespmem:v11+s21+$0x0] =	vst.idx.msk $0xffff, v16  }
0x153: {  	v29 =	vand.u32 $0x7F, v29;
	v16 =	vshll.u32 v37, $0x5;
	v36 =	vand.u32 $0xFE0, v36;
	v11 =	vmovc v31;
	[tilespmem:v34+s21+$0x0] =	vst.idx.msk $0xffff, v42;
	v34 =	vld.idx.msk [tilespmem:v38+s11+$0x0], $0xffff  }
0x154: {  	v31 =	vand.u32 $0xFE0, v16;
	v38 =	vor.u32 v0, v36;
	v42 =	vor.u32 v3, v19;
	v40 =	vld.idx.msk [tilespmem:v17+s11+$0x0], $0xffff  }
0x155: {  	v43 =	vor.u32 v0, v32;
	v16 =	vor.u32 v5, v21;
	v17 =	vor.u32 v0, v31;
	v22 =	vld.idx.msk [tilespmem:v22+s11+$0x0], $0xffff  }
0x156: {  	v44 =	vadd.s32 s0, v0;
	v48 =	vadd.s32 s31, v0;
	v19 =	vor.u32 v5, v29;
	[tilespmem:v27+s21+$0x0] =	vst.idx.msk $0xffff, v41  }
0x157: {  	v27 =	vshll.u32 v44, $0x5;
	v21 =	vld.idx.msk [tilespmem:v23+s11+$0x0], $0xffff;
	v23 =	vor.u32 v1, v29;
	v29 =	vshll.u32 v48, $0x5;
	[tilespmem:v28+s21+$0x0] =	vst.idx.msk $0xffff, v39  }
0x158: {  	v28 =	vshll.u32 v46, $0x5;
	v39 =	vadd.s32 s29, v0;
	v41 =	vand.u32 $0xFE0, v29;
	[tilespmem:v12+s21+$0x0] =	vst.idx.msk $0xffff, v33;
	v12 =	vmovc v19  }
0x159: {  	v28 =	vand.u32 $0xFE0, v28;
	v19 =	vshll.u32 v39, $0x5;
	v33 =	vld.idx.msk [tilespmem:v38+s11+$0x0], $0xffff;
	[tilespmem:v14+s21+$0x0] =	vst.idx.msk $0xffff, v25;
	v25 =	vadd.f32 v34, v6  }
0x15a: {  	v29 =	vadd.f32 v30, v6;
	v38 =	vor.u32 v3, v28;
	v14 =	vand.u32 $0xFE0, v19;
	v34 =	vld.idx.msk [tilespmem:v17+s11+$0x0], $0xffff  }
0x15b: {  	v26 =	vor.u32 v3, v26;
	v49 =	vor.u32 v3, v36;
	v36 =	vor.u32 v0, v14  }
0x15c: {  	v50 =	vand.u32 $0x7F, v35;
	v19 =	vand.u32 $0xFE0, v27;
	v17 =	vor.u32 v3, v14;
	v15 =	vld.idx.msk [tilespmem:v15+s11+$0x0], $0xffff;
	[tilespmem:v24+s21+$0x0] =	vst.idx.msk $0xffff, v29  }
0x15d: {  	v14 =	vor.u32 v1, v50;
	v21 =	vadd.f32 v21, v6;
	v24 =	vld.idx.msk [tilespmem:v13+s11+$0x0], $0xffff;
	v13 =	vor.u32 v3, v41  }
0x15e: {  	v52 =	vor.u32 v3, v32;
	v53 =	vor.u32 v1, v45;
	v27 =	vadd.f32 v22, v7;
	v51 =	vld.idx.msk [tilespmem:v43+s11+$0x0], $0xffff  }
0x15f: {  	v46 =	vand.u32 $0x78, v46;
	v35 =	vadd.f32 v40, v7;
	v29 =	vand.u32 $0x7F, v37;
	v18 =	vld.idx.msk [tilespmem:v18+s11+$0x0], $0xffff;
	[tilespmem:v20+s21+$0x0] =	vst.idx.msk $0xffff, v25  }
0x160: {  	v32 =	vor.u32 v1, v29;
	v25 =	vor.u32 v0, v28;
	[tilespmem:v23+s21+$0x0] =	vst.idx.msk $0xffff, v21;
	v21 =	vand.u32 $0x7F, v39  }
0x161: {  	v30 =	vor.u32 v0, v41;
	v22 =	vor.u32 v3, v31;
	v28 =	vadd.f32 v33, v6;
	v42 =	vld.idx.msk [tilespmem:v42+s11+$0x0], $0xffff  }
0x162: {  	v40 =	vand.u32 $0x7F, v48;
	v31 =	vand.u32 $0x7F, v44;
	v23 =	vor.u32 v4, v46;
	v33 =	vld.idx.msk [tilespmem:v26+s11+$0x0], $0xffff;
	[tilespmem:v47+s21+$0x0] =	vst.idx.msk $0xffff, v27  }
.Ltmp1:
0x163: {  	v37 =	vadd.f32 v34, v6;
	v26 =	vor.u32 v5, v50;
	v43 =	vld.idx.msk [tilespmem:v36+s11+$0x0], $0xffff;
	v36 =	vadd.f32 v15, v7;
	(pc) =	sbr.rel @p1 .LBB2_5-.Ltmp1, $4  }
0x164: {  	v20 =	vor.u32 v1, v31;
	v34 =	vor.u32 v1, v21;
	v44 =	vadd.f32 v24, v7;
	v15 =	vmovc v38  }
0x165: {  	v27 =	vor.u32 v2, v46;
	v24 =	vor.u32 v1, v40;
	v41 =	vld.idx.msk [tilespmem:v25+s11+$0x0], $0xffff;
	[tilespmem:v53+s21+$0x0] =	vst.idx.msk $0xffff, v28  }
0x166: {  	v40 =	vor.u32 v5, v40;
	v38 =	vor.u32 v0, v19;
	v25 =	vadd.f32 v51, v6;
	v39 =	vld.idx.msk [tilespmem:v49+s11+$0x0], $0xffff  }
0x167: {  	v31 =	vor.u32 v5, v31;
	v28 =	vor.u32 v5, v45;
	v45 =	vadd.f32 v18, v7;
	v18 =	vmovc v52  }
0x168: {  	_ =	sdelay $0x3  }
0x169: {  	[tilespmem:v16+s21+$0x0] =	vst.idx.msk $0xffff, v35  }
0x16a: {  	v16 =	vld.idx.msk [tilespmem:v30+s11+$0x0], $0xffff;
	[tilespmem:v10+s21+$0x0] =	vst.idx.msk $0xffff, v44  }
0x16b: {  	[tilespmem:v32+s21+$0x0] =	vst.idx.msk $0xffff, v37  }
0x16c: {  	[tilespmem:v8+s21+$0x0] =	vst.idx.msk $0xffff, v36  }
0x16d: {  	v10 =	vadd.f32 v42, v7;
	[tilespmem:v9+s21+$0x0] =	vst.idx.msk $0xffff, v45;
	v9 =	vld.idx.msk [tilespmem:v38+s11+$0x0], $0xffff  }
0x16e: {  	v30 =	vadd.f32 v43, v6;
	[tilespmem:v14+s21+$0x0] =	vst.idx.msk $0xffff, v25  }
0x16f: {  	[tilespmem:v11+s21+$0x0] =	vst.idx.msk $0xffff, v10;
	v8 =	vadd.f32 v16, v6  }
0x170: {  	[tilespmem:v34+s21+$0x0] =	vst.idx.msk $0xffff, v30;
	v10 =	vor.u32 v3, v19;
	v11 =	vld.idx.msk [tilespmem:v22+s11+$0x0], $0xffff;
	v16 =	vadd.f32 v41, v6  }
0x171: {  	v17 =	vld.idx.msk [tilespmem:v17+s11+$0x0], $0xffff;
	[tilespmem:v24+s21+$0x0] =	vst.idx.msk $0xffff, v8  }
0x172: {  	v6 =	vadd.f32 v9, v6;
	v8 =	vor.u32 v5, v29;
	[tilespmem:v27+s21+$0x0] =	vst.idx.msk $0xffff, v16;
	v16 =	vld.idx.msk [tilespmem:v18+s11+$0x0], $0xffff  }
0x173: {  	v14 =	vor.u32 v5, v21;
	v18 =	vadd.f32 v33, v7;
	v9 =	vld.idx.msk [tilespmem:v13+s11+$0x0], $0xffff  }
0x174: {  	v13 =	vadd.f32 v39, v7;
	v15 =	vld.idx.msk [tilespmem:v15+s11+$0x0], $0xffff;
	[tilespmem:v20+s21+$0x0] =	vst.idx.msk $0xffff, v6  }
0x175: {  	v6 =	vadd.f32 v11, v7;
	v10 =	vld.idx.msk [tilespmem:v10+s11+$0x0], $0xffff;
	[tilespmem:v12+s21+$0x0] =	vst.idx.msk $0xffff, v18  }
0x176: {  	v11 =	vadd.f32 v17, v7;
	[tilespmem:v28+s21+$0x0] =	vst.idx.msk $0xffff, v13  }
0x177: {  	[tilespmem:v8+s21+$0x0] =	vst.idx.msk $0xffff, v6;
	v8 =	vadd.f32 v16, v7  }
0x178: {  	[tilespmem:v14+s21+$0x0] =	vst.idx.msk $0xffff, v11;
	v6 =	vadd.f32 v9, v7  }
0x179: {  	s0 =	sshll.u32 s22, $0x11;
	s31 =	simm.s32 $0x0;
	v9 =	vadd.f32 v15, v7;
	[tilespmem:v26+s21+$0x0] =	vst.idx.msk $0xffff, v8  }
0x17a: {  	s29 =	simm.s32 $0x2;
	s0 =	sor.u32 s4, s0;
	v8 =	vadd.s32 s31, v0;
	s31 =	simm.s32 $0x4;
	[tilespmem:v40+s21+$0x0] =	vst.idx.msk $0xffff, v6;
	v6 =	vadd.f32 v10, v7  }
0x17b: {  	s24 =	simm.s32 $0x3;
	s0 =	sshrl.u32 s0, $0x3;
	[tilespmem:v23+s21+$0x0] =	vst.idx.msk $0xffff, v9;
	v7 =	vadd.s32 s29, v0;
	s29 =	simm.s32 $0x3;
	v11 =	vadd.s32 s31, v0;
	v24 =	vshll.u32 v8, $0x5  }
0x17c: {  	s22 =	sor.u32 $0x2, s20;
	s0 =	sadd.s32 s2, s0;
	s31 =	simm.s32 $0x6;
	v57 =	vand.u32 $0x78, v8;
	v9 =	vshll.u32 v7, $0x5;
	v12 =	vadd.s32 s29, v0;
	[tilespmem:v31+s21+$0x0] =	vst.idx.msk $0xffff, v6  }
0x17d: {  	v14 =	vshll.u32 v11, $0x5;
	v11 =	vand.u32 $0x7F, v11;
	v21 =	vadd.s32 s31, v0;
	[hbm4b:s0+s6] =	stream.strided.scatter [tilespmem:s21], [sflag:$0xA], $0x1000, s19, s6, $0x38;
	[tilespmem:$0x13D00] =	vst v63  }
0x17e: {  	p1 =	sgt.u32 s22, $0xC0;
	v24 =	vand.u32 $0xFE0, v24;
	v30 =	vand.u32 $0x7F, v7;
	v8 =	vor.u32 v4, v57;
	_ =	swait.ge [sflag:s24], $0x1000  }
0x17f: {  	s26 =	simm.s32 @!p1 $0x7400;
	v35 =	vor.u32 v2, v57;
	s31 =	simm.s32 $0x8;
	v9 =	vand.u32 $0xFE0, v9;
	v15 =	vshll.u32 v12, $0x5;
	[sflag:s24] =	ssyncset.done $0x0  }
0x180: {  	v14 =	vand.u32 $0xFE0, v14;
	v23 =	vshll.u32 v21, $0x5;
	v28 =	vor.u32 v3, v24;
	s0 =	sadd.s32 @!p1 $0x480, s9;
	[sflag:s24] =	ssyncadd.s32 $0xFFFFF000;
	s24 =	simm.s32 @!p1 $0x80  }
0x181: {  	v31 =	vor.u32 v1, v30;
	v56 =	vor.u32 v1, v11;
	v12 =	vand.u32 $0x7F, v12;
	[tilespmem:s26], [sflag:$0x2] =	stream.indirect.gather @!p1 [hbm4b:s5+s24], $0x20, s0, s24, $0xb8;
	[tilespmem:$0x13D00] =	vst v63  }
0x182: {  	v24 =	vor.u32 v0, v24;
	v37 =	vadd.s32 s31, v0;
	v15 =	vand.u32 $0xFE0, v15;
	s26 =	simm.s32 $0x1  }
0x183: {  	v17 =	vor.u32 v0, v14;
	v18 =	vor.u32 v0, v9;
	v6 =	vadd.s32 s26, v0;
	s26 =	simm.s32 @!p0 $0xB  }
0x184: {  	v14 =	vor.u32 v3, v14;
	v23 =	vand.u32 $0xFE0, v23;
	v19 =	vor.u32 v0, v15;
	_ =	swait.ge @!p0 [sflag:s26], $0x1000  }
0x185: {  	s29 =	sshll.u32 s22, $0x5;
	s31 =	simm.s32 $0xB;
	v33 =	vor.u32 v3, v9;
	v58 =	vor.u32 v1, v12;
	v9 =	vor.u32 v5, v30;
	[sflag:s26] =	ssyncset.done @!p0 $0x0  }
0x186: {  	v38 =	vor.u32 v5, v12;
	v55 =	vadd.s32 s31, v0;
	s0 =	sand.u32 $0x3FFFFFE0, s29;
	v10 =	vshll.u32 v6, $0x5;
	[sflag:s26] =	ssyncadd.s32 @!p0 $0xFFFFF000  }
0x187: {  	v51 =	vand.u32 $0x78, v37;
	s24 =	simm.s32 $0x7;
	v16 =	vand.u32 $0x7F, v6;
	v10 =	vand.u32 $0xFE0, v10;
	v6 =	vld [tilespmem:s0+$0x12400]  }
0x188: {  	v15 =	vor.u32 v3, v15;
	s29 =	simm.s32 $0x5;
	v22 =	vadd.s32 s24, v0;
	v13 =	vor.u32 v0, v10;
	v17 =	vld.idx.msk [tilespmem:v17+s12+$0x0], $0xffff  }
0x189: {  	v47 =	vor.u32 v3, v23;
	v25 =	vadd.s32 s29, v0;
	s24 =	simm.s32 $0x9;
	v26 =	vshll.u32 v22, $0x5;
	v19 =	vld.idx.msk [tilespmem:v19+s12+$0x0], $0xffff  }
0x18a: {  	s29 =	simm.s32 $0xC;
	v27 =	vshll.u32 v25, $0x5;
	v25 =	vand.u32 $0x7F, v25;
	v12 =	vadd.s32 s24, v0;
	v18 =	vld.idx.msk [tilespmem:v18+s12+$0x0], $0xffff  }
0x18b: {  	v53 =	vadd.s32 s29, v0;
	v20 =	vor.u32 v5, v16;
	v16 =	vor.u32 v1, v16;
	v24 =	vld.idx.msk [tilespmem:v24+s12+$0x0], $0xffff  }
0x18c: {  	v26 =	vand.u32 $0xFE0, v26;
	v27 =	vand.u32 $0xFE0, v27;
	v54 =	vshll.u32 v12, $0x5  }
0x18d: {  	v45 =	vand.u32 $0x7F, v53;
	v10 =	vor.u32 v3, v10;
	v29 =	vor.u32 v0, v27;
	v13 =	vld.idx.msk [tilespmem:v13+s12+$0x0], $0xffff  }
0x18e: {  	v27 =	vor.u32 v3, v27;
	v41 =	vand.u32 $0xFE0, v54;
	v17 =	vadd.f32 v17, v6  }
0x18f: {  	v32 =	vor.u32 v3, v26;
	s26 =	simm.s32 $0xA;
	v61 =	vor.u32 v0, v41;
	v19 =	vadd.f32 v19, v6  }
0x190: {  	v7 =	vld [tilespmem:s0+$0x12410];
	v52 =	vadd.s32 s26, v0;
	v24 =	vadd.f32 v24, v6;
	[tilespmem:v56+s23+$0x0] =	vst.idx.msk $0xffff, v17;
	v17 =	vadd.f32 v18, v6  }
0x191: {  	s26 =	simm.s32 $0xF;
	v18 =	vor.u32 v0, v23;
	[tilespmem:v58+s23+$0x0] =	vst.idx.msk $0xffff, v19;
	v19 =	vand.u32 $0x7F, v12;
	v12 =	vshll.u32 v55, $0x5  }
0x192: {  	v49 =	vadd.s32 s26, v0;
	[tilespmem:v35+s23+$0x0] =	vst.idx.msk $0xffff, v24;
	v14 =	vld.idx.msk [tilespmem:v14+s12+$0x0], $0xffff;
	v63 =	vand.u32 $0xFE0, v12;
	v13 =	vadd.f32 v13, v6  }
0x193: {  	v12 =	vor.u32 v5, v19;
	v24 =	vor.u32 v1, v19;
	v28 =	vld.idx.msk [tilespmem:v28+s12+$0x0], $0xffff;
	v48 =	vor.u32 v0, v63  }
0x194: {  	[tilespmem:v16+s23+$0x0] =	vst.idx.msk $0xffff, v13;
	v13 =	vor.u32 v0, v26;
	v16 =	vand.u32 $0x7F, v21;
	v21 =	vand.u32 $0x7F, v22  }
0x195: {  	v26 =	vld.idx.msk [tilespmem:v10+s12+$0x0], $0xffff;
	v30 =	vor.u32 v1, v16;
	v59 =	vor.u32 v1, v21;
	v10 =	vor.u32 v5, v21  }
0x196: {  	v22 =	vld.idx.msk [tilespmem:v29+s12+$0x0], $0xffff;
	v21 =	vor.u32 v5, v11;
	v11 =	vor.u32 v5, v16;
	v16 =	vshll.u32 v52, $0x5  }
0x197: {  	[tilespmem:v31+s23+$0x0] =	vst.idx.msk $0xffff, v17;
	v31 =	vor.u32 v3, v41;
	v29 =	vor.u32 v1, v25;
	v60 =	vand.u32 $0xFE0, v16  }
0x198: {  	v56 =	vld.idx.msk [tilespmem:v15+s12+$0x0], $0xffff;
	v14 =	vadd.f32 v14, v7;
	v16 =	vshll.u32 v53, $0x5;
	v36 =	vadd.f32 v28, v7  }
0x199: {  	s29 =	simm.s32 $0xE;
	v28 =	vor.u32 v5, v45;
	v62 =	vand.u32 $0xFE0, v16;
	v23 =	vor.u32 v0, v60  }
0x19a: {  	v18 =	vld.idx.msk [tilespmem:v18+s12+$0x0], $0xffff;
	v16 =	vor.u32 v5, v25;
	v25 =	vadd.s32 s29, v0;
	v46 =	vor.u32 v0, v62  }
0x19b: {  	v54 =	vld.idx.msk [tilespmem:v33+s12+$0x0], $0xffff;
	v19 =	vshll.u32 v25, $0x5;
	v50 =	vor.u32 v3, v62;
	v22 =	vadd.f32 v22, v6  }
0x19c: {  	s31 =	simm.s32 $0xD;
	v39 =	vand.u32 $0x7F, v52;
	v13 =	vld.idx.msk [tilespmem:v13+s12+$0x0], $0xffff;
	v19 =	vand.u32 $0xFE0, v19;
	v26 =	vadd.f32 v26, v7;
	[tilespmem:v21+s23+$0x0] =	vst.idx.msk $0xffff, v14  }
0x19d: {  	v14 =	vshll.u32 v37, $0x5;
	v21 =	vadd.s32 s31, v0;
	[tilespmem:v29+s23+$0x0] =	vst.idx.msk $0xffff, v22;
	v29 =	vld.idx.msk [tilespmem:v61+s12+$0x0], $0xffff;
	v61 =	vadd.f32 v56, v7  }
0x19e: {  	v22 =	vld.idx.msk [tilespmem:v27+s12+$0x0], $0xffff;
	v27 =	vshll.u32 v49, $0x5;
	[tilespmem:v20+s23+$0x0] =	vst.idx.msk $0xffff, v26;
	v20 =	vand.u32 $0xFE0, v14;
	v14 =	vshll.u32 v21, $0x5  }
0x19f: {  	v26 =	vadd.f32 v18, v6;
	v18 =	vor.u32 v3, v60;
	v60 =	vor.u32 v1, v45  }
0x1a0: {  	v21 =	vand.u32 $0x7F, v21;
	v53 =	vld.idx.msk [tilespmem:v23+s12+$0x0], $0xffff;
	v23 =	vor.u32 v4, v51;
	v45 =	vadd.f32 v54, v7  }
0x1a1: {  	v27 =	vand.u32 $0xFE0, v27;
	v15 =	vor.u32 v3, v20;
	v52 =	vor.u32 v0, v20  }
0x1a2: {  	v14 =	vand.u32 $0xFE0, v14;
	[tilespmem:v38+s23+$0x0] =	vst.idx.msk $0xffff, v61;
	v34 =	vor.u32 v1, v21;
	v38 =	vor.u32 v0, v19  }
0x1a3: {  	v58 =	vld.idx.msk [tilespmem:v46+s12+$0x0], $0xffff;
	v13 =	vadd.f32 v13, v6;
	v57 =	vor.u32 v0, v14;
	v17 =	vor.u32 v3, v14  }
0x1a4: {  	v14 =	vor.u32 v1, v39;
	[tilespmem:v30+s23+$0x0] =	vst.idx.msk $0xffff, v26;
	v30 =	vor.u32 v0, v27  }
0x1a5: {  	v26 =	vor.u32 v5, v39;
	[tilespmem:v59+s23+$0x0] =	vst.idx.msk $0xffff, v13;
	v59 =	vld.idx.msk [tilespmem:v48+s12+$0x0], $0xffff;
	v44 =	vadd.f32 v29, v6  }
0x1a6: {  	v13 =	vor.u32 v3, v27;
	v29 =	vand.u32 $0x7F, v55;
	v55 =	vand.u32 $0x7F, v25;
	v62 =	vld.idx.msk [tilespmem:v32+s12+$0x0], $0xffff  }
0x1a7: {  	v42 =	vld.idx.msk [tilespmem:v47+s12+$0x0], $0xffff;
	v27 =	vor.u32 v2, v51;
	v35 =	vadd.f32 v22, v7;
	v32 =	vor.u32 v1, v29  }
0x1a8: {  	v22 =	vor.u32 v3, v63;
	[tilespmem:v24+s23+$0x0] =	vst.idx.msk $0xffff, v44;
	v24 =	vadd.f32 v58, v6;
	v43 =	vld.idx.msk [tilespmem:v57+s12+$0x0], $0xffff  }
0x1a9: {  	v63 =	vand.u32 $0x7F, v49;
	v20 =	vor.u32 v1, v55;
	v25 =	vadd.f32 v53, v6;
	v33 =	vld.idx.msk [tilespmem:v31+s12+$0x0], $0xffff  }
0x1aa: {  	v41 =	vld.idx.msk [tilespmem:v52+s12+$0x0], $0xffff;
	v40 =	vor.u32 v5, v63;
	v31 =	vor.u32 v5, v55;
	[tilespmem:v60+s23+$0x0] =	vst.idx.msk $0xffff, v24  }
0x1ab: {  	s24 =	simm.s32 $0x10;
	v24 =	vor.u32 v1, v63;
	v37 =	vadd.f32 v59, v6;
	v39 =	vld.idx.msk [tilespmem:v50+s12+$0x0], $0xffff;
	v44 =	vadd.f32 v62, v7  }
.LBB2_7:
0x1ac: {  	v46 =	vadd.s32 s24, v0;
	s0 =	sadd.s32 $0x1, s24;
	s26 =	sadd.s32 $0x2, s24;
	s29 =	sadd.s32 $0x7, s24;
	v47 =	vor.u32 v5, v29;
	[tilespmem:v16+s23+$0x0] =	vst.idx.msk $0xffff, v35;
	v16 =	vadd.f32 v42, v7  }
0x1ad: {  	s31 =	sadd.s32 $0x6, s24;
	v42 =	vadd.f32 v43, v6;
	v29 =	vadd.s32 s0, v0;
	v35 =	vadd.s32 s26, v0;
	s0 =	sadd.s32 $0x3, s24;
	s26 =	sadd.s32 $0x4, s24;
	[tilespmem:v10+s23+$0x0] =	vst.idx.msk $0xffff, v44;
	v10 =	vmovc v40  }
0x1ae: {  	p1 =	slt.u32 s24, $0x78;
	v33 =	vadd.f32 v33, v7;
	v40 =	vshll.u32 v35, $0x5;
	v43 =	vadd.s32 s26, v0;
	s26 =	sadd.s32 $0x5, s24;
	s24 =	sadd.s32 $0x8, s24;
	[tilespmem:v32+s23+$0x0] =	vst.idx.msk $0xffff, v37  }
0x1af: {  	v32 =	vshll.u32 v29, $0x5;
	v37 =	vadd.s32 s0, v0;
	v41 =	vadd.f32 v41, v6;
	[tilespmem:v9+s23+$0x0] =	vst.idx.msk $0xffff, v45;
	v9 =	vmovc v26  }
0x1b0: {  	v26 =	vand.u32 $0xFE0, v32;
	v32 =	vand.u32 $0xFE0, v40;
	v39 =	vadd.f32 v39, v7;
	[tilespmem:v8+s23+$0x0] =	vst.idx.msk $0xffff, v36;
	v8 =	vmovc v23  }
0x1b1: {  	v45 =	vand.u32 $0x7F, v43;
	v23 =	vor.u32 v0, v26;
	v36 =	vshll.u32 v43, $0x5;
	v30 =	vld.idx.msk [tilespmem:v30+s12+$0x0], $0xffff;
	[tilespmem:v11+s23+$0x0] =	vst.idx.msk $0xffff, v16  }
0x1b2: {  	v29 =	vand.u32 $0x7F, v29;
	v16 =	vshll.u32 v37, $0x5;
	v36 =	vand.u32 $0xFE0, v36;
	v11 =	vmovc v31;
	[tilespmem:v34+s23+$0x0] =	vst.idx.msk $0xffff, v42;
	v34 =	vld.idx.msk [tilespmem:v38+s12+$0x0], $0xffff  }
0x1b3: {  	v31 =	vand.u32 $0xFE0, v16;
	v38 =	vor.u32 v0, v36;
	v42 =	vor.u32 v3, v19;
	v40 =	vld.idx.msk [tilespmem:v17+s12+$0x0], $0xffff  }
0x1b4: {  	v43 =	vor.u32 v0, v32;
	v16 =	vor.u32 v5, v21;
	v17 =	vor.u32 v0, v31;
	v22 =	vld.idx.msk [tilespmem:v22+s12+$0x0], $0xffff  }
0x1b5: {  	v44 =	vadd.s32 s31, v0;
	v48 =	vadd.s32 s29, v0;
	v19 =	vor.u32 v5, v29;
	[tilespmem:v27+s23+$0x0] =	vst.idx.msk $0xffff, v41  }
0x1b6: {  	v27 =	vshll.u32 v44, $0x5;
	v21 =	vld.idx.msk [tilespmem:v23+s12+$0x0], $0xffff;
	v23 =	vor.u32 v1, v29;
	v29 =	vshll.u32 v48, $0x5;
	[tilespmem:v28+s23+$0x0] =	vst.idx.msk $0xffff, v39  }
0x1b7: {  	v28 =	vshll.u32 v46, $0x5;
	v39 =	vadd.s32 s26, v0;
	v41 =	vand.u32 $0xFE0, v29;
	[tilespmem:v12+s23+$0x0] =	vst.idx.msk $0xffff, v33;
	v12 =	vmovc v19  }
0x1b8: {  	v28 =	vand.u32 $0xFE0, v28;
	v19 =	vshll.u32 v39, $0x5;
	v33 =	vld.idx.msk [tilespmem:v38+s12+$0x0], $0xffff;
	[tilespmem:v14+s23+$0x0] =	vst.idx.msk $0xffff, v25;
	v25 =	vadd.f32 v34, v6  }
0x1b9: {  	v29 =	vadd.f32 v30, v6;
	v38 =	vor.u32 v3, v28;
	v14 =	vand.u32 $0xFE0, v19;
	v34 =	vld.idx.msk [tilespmem:v17+s12+$0x0], $0xffff  }
0x1ba: {  	v26 =	vor.u32 v3, v26;
	v49 =	vor.u32 v3, v36;
	v36 =	vor.u32 v0, v14  }
0x1bb: {  	v50 =	vand.u32 $0x7F, v35;
	v19 =	vand.u32 $0xFE0, v27;
	v17 =	vor.u32 v3, v14;
	v15 =	vld.idx.msk [tilespmem:v15+s12+$0x0], $0xffff;
	[tilespmem:v24+s23+$0x0] =	vst.idx.msk $0xffff, v29  }
0x1bc: {  	v14 =	vor.u32 v1, v50;
	v21 =	vadd.f32 v21, v6;
	v24 =	vld.idx.msk [tilespmem:v13+s12+$0x0], $0xffff;
	v13 =	vor.u32 v3, v41  }
0x1bd: {  	v52 =	vor.u32 v3, v32;
	v53 =	vor.u32 v1, v45;
	v27 =	vadd.f32 v22, v7;
	v51 =	vld.idx.msk [tilespmem:v43+s12+$0x0], $0xffff  }
0x1be: {  	v46 =	vand.u32 $0x78, v46;
	v35 =	vadd.f32 v40, v7;
	v29 =	vand.u32 $0x7F, v37;
	v18 =	vld.idx.msk [tilespmem:v18+s12+$0x0], $0xffff;
	[tilespmem:v20+s23+$0x0] =	vst.idx.msk $0xffff, v25  }
0x1bf: {  	v32 =	vor.u32 v1, v29;
	v25 =	vor.u32 v0, v28;
	[tilespmem:v23+s23+$0x0] =	vst.idx.msk $0xffff, v21;
	v21 =	vand.u32 $0x7F, v39  }
0x1c0: {  	v30 =	vor.u32 v0, v41;
	v22 =	vor.u32 v3, v31;
	v28 =	vadd.f32 v33, v6;
	v42 =	vld.idx.msk [tilespmem:v42+s12+$0x0], $0xffff  }
0x1c1: {  	v40 =	vand.u32 $0x7F, v48;
	v31 =	vand.u32 $0x7F, v44;
	v23 =	vor.u32 v4, v46;
	v33 =	vld.idx.msk [tilespmem:v26+s12+$0x0], $0xffff;
	[tilespmem:v47+s23+$0x0] =	vst.idx.msk $0xffff, v27  }
.Ltmp2:
0x1c2: {  	v37 =	vadd.f32 v34, v6;
	v26 =	vor.u32 v5, v50;
	v43 =	vld.idx.msk [tilespmem:v36+s12+$0x0], $0xffff;
	v36 =	vadd.f32 v15, v7;
	(pc) =	sbr.rel @p1 .LBB2_7-.Ltmp2, $4  }
0x1c3: {  	v20 =	vor.u32 v1, v31;
	v34 =	vor.u32 v1, v21;
	v44 =	vadd.f32 v24, v7;
	v15 =	vmovc v38  }
0x1c4: {  	v27 =	vor.u32 v2, v46;
	v24 =	vor.u32 v1, v40;
	v41 =	vld.idx.msk [tilespmem:v25+s12+$0x0], $0xffff;
	[tilespmem:v53+s23+$0x0] =	vst.idx.msk $0xffff, v28  }
0x1c5: {  	v40 =	vor.u32 v5, v40;
	v38 =	vor.u32 v0, v19;
	v25 =	vadd.f32 v51, v6;
	v39 =	vld.idx.msk [tilespmem:v49+s12+$0x0], $0xffff  }
0x1c6: {  	v31 =	vor.u32 v5, v31;
	v28 =	vor.u32 v5, v45;
	v45 =	vadd.f32 v18, v7;
	v18 =	vmovc v52  }
0x1c7: {  	_ =	sdelay $0x3  }
0x1c8: {  	[tilespmem:v16+s23+$0x0] =	vst.idx.msk $0xffff, v35  }
0x1c9: {  	v16 =	vld.idx.msk [tilespmem:v30+s12+$0x0], $0xffff;
	[tilespmem:v10+s23+$0x0] =	vst.idx.msk $0xffff, v44  }
0x1ca: {  	[tilespmem:v32+s23+$0x0] =	vst.idx.msk $0xffff, v37  }
0x1cb: {  	[tilespmem:v8+s23+$0x0] =	vst.idx.msk $0xffff, v36  }
0x1cc: {  	v10 =	vadd.f32 v42, v7;
	[tilespmem:v9+s23+$0x0] =	vst.idx.msk $0xffff, v45;
	v9 =	vld.idx.msk [tilespmem:v38+s12+$0x0], $0xffff  }
0x1cd: {  	v30 =	vadd.f32 v43, v6;
	[tilespmem:v14+s23+$0x0] =	vst.idx.msk $0xffff, v25  }
0x1ce: {  	[tilespmem:v11+s23+$0x0] =	vst.idx.msk $0xffff, v10;
	v8 =	vadd.f32 v16, v6  }
0x1cf: {  	[tilespmem:v34+s23+$0x0] =	vst.idx.msk $0xffff, v30;
	v10 =	vor.u32 v3, v19;
	v11 =	vld.idx.msk [tilespmem:v22+s12+$0x0], $0xffff;
	v16 =	vadd.f32 v41, v6  }
0x1d0: {  	v17 =	vld.idx.msk [tilespmem:v17+s12+$0x0], $0xffff;
	[tilespmem:v24+s23+$0x0] =	vst.idx.msk $0xffff, v8  }
0x1d1: {  	v6 =	vadd.f32 v9, v6;
	v8 =	vor.u32 v5, v29;
	[tilespmem:v27+s23+$0x0] =	vst.idx.msk $0xffff, v16;
	v16 =	vld.idx.msk [tilespmem:v18+s12+$0x0], $0xffff  }
0x1d2: {  	v14 =	vor.u32 v5, v21;
	v18 =	vadd.f32 v33, v7;
	v9 =	vld.idx.msk [tilespmem:v13+s12+$0x0], $0xffff  }
0x1d3: {  	v13 =	vadd.f32 v39, v7;
	v15 =	vld.idx.msk [tilespmem:v15+s12+$0x0], $0xffff;
	[tilespmem:v20+s23+$0x0] =	vst.idx.msk $0xffff, v6  }
0x1d4: {  	v6 =	vadd.f32 v11, v7;
	v10 =	vld.idx.msk [tilespmem:v10+s12+$0x0], $0xffff;
	[tilespmem:v12+s23+$0x0] =	vst.idx.msk $0xffff, v18  }
0x1d5: {  	v11 =	vadd.f32 v17, v7;
	[tilespmem:v28+s23+$0x0] =	vst.idx.msk $0xffff, v13  }
0x1d6: {  	[tilespmem:v8+s23+$0x0] =	vst.idx.msk $0xffff, v6;
	v8 =	vadd.f32 v16, v7  }
0x1d7: {  	[tilespmem:v14+s23+$0x0] =	vst.idx.msk $0xffff, v11;
	v6 =	vadd.f32 v9, v7  }
0x1d8: {  	s0 =	sshll.u32 s22, $0x11;
	s31 =	simm.s32 $0x0;
	v9 =	vadd.f32 v15, v7;
	[tilespmem:v26+s23+$0x0] =	vst.idx.msk $0xffff, v8  }
0x1d9: {  	s29 =	simm.s32 $0x2;
	s0 =	sor.u32 s4, s0;
	v8 =	vadd.s32 s31, v0;
	s31 =	simm.s32 $0x4;
	[tilespmem:v40+s23+$0x0] =	vst.idx.msk $0xffff, v6;
	v6 =	vadd.f32 v10, v7  }
0x1da: {  	s24 =	simm.s32 $0x4;
	s0 =	sshrl.u32 s0, $0x3;
	[tilespmem:v23+s23+$0x0] =	vst.idx.msk $0xffff, v9;
	v7 =	vadd.s32 s29, v0;
	s29 =	simm.s32 $0x3;
	v11 =	vadd.s32 s31, v0;
	v24 =	vshll.u32 v8, $0x5  }
0x1db: {  	s22 =	sor.u32 $0x3, s20;
	s0 =	sadd.s32 s2, s0;
	s31 =	simm.s32 $0x6;
	v57 =	vand.u32 $0x78, v8;
	v9 =	vshll.u32 v7, $0x5;
	v12 =	vadd.s32 s29, v0;
	[tilespmem:v31+s23+$0x0] =	vst.idx.msk $0xffff, v6  }
0x1dc: {  	v14 =	vshll.u32 v11, $0x5;
	v11 =	vand.u32 $0x7F, v11;
	v21 =	vadd.s32 s31, v0;
	[hbm4b:s0+s6] =	stream.strided.scatter [tilespmem:s23], [sflag:$0xB], $0x1000, s19, s6, $0x38;
	[tilespmem:$0x13D00] =	vst v63  }
0x1dd: {  	p1 =	sgt.u32 s22, $0xC0;
	v24 =	vand.u32 $0xFE0, v24;
	v30 =	vand.u32 $0x7F, v7;
	v8 =	vor.u32 v4, v57;
	_ =	swait.ge [sflag:s24], $0x1000  }
0x1de: {  	s26 =	simm.s32 @!p1 $0x8400;
	v35 =	vor.u32 v2, v57;
	s31 =	simm.s32 $0x8;
	v9 =	vand.u32 $0xFE0, v9;
	v15 =	vshll.u32 v12, $0x5;
	[sflag:s24] =	ssyncset.done $0x0  }
0x1df: {  	v14 =	vand.u32 $0xFE0, v14;
	v23 =	vshll.u32 v21, $0x5;
	v28 =	vor.u32 v3, v24;
	s0 =	sadd.s32 @!p1 $0x500, s9;
	[sflag:s24] =	ssyncadd.s32 $0xFFFFF000;
	s24 =	simm.s32 @!p1 $0x80  }
0x1e0: {  	v31 =	vor.u32 v1, v30;
	v56 =	vor.u32 v1, v11;
	v12 =	vand.u32 $0x7F, v12;
	[tilespmem:s26], [sflag:$0x3] =	stream.indirect.gather @!p1 [hbm4b:s5+s24], $0x20, s0, s24, $0xb8;
	[tilespmem:$0x13D00] =	vst v63  }
0x1e1: {  	v24 =	vor.u32 v0, v24;
	v37 =	vadd.s32 s31, v0;
	v15 =	vand.u32 $0xFE0, v15;
	s26 =	simm.s32 $0x1  }
0x1e2: {  	v17 =	vor.u32 v0, v14;
	v18 =	vor.u32 v0, v9;
	v6 =	vadd.s32 s26, v0;
	s26 =	simm.s32 @!p0 $0xC  }
0x1e3: {  	v14 =	vor.u32 v3, v14;
	v23 =	vand.u32 $0xFE0, v23;
	v19 =	vor.u32 v0, v15;
	_ =	swait.ge @!p0 [sflag:s26], $0x1000  }
0x1e4: {  	s29 =	sshll.u32 s22, $0x5;
	s31 =	simm.s32 $0xB;
	v33 =	vor.u32 v3, v9;
	v58 =	vor.u32 v1, v12;
	v9 =	vor.u32 v5, v30;
	[sflag:s26] =	ssyncset.done @!p0 $0x0  }
0x1e5: {  	v38 =	vor.u32 v5, v12;
	v55 =	vadd.s32 s31, v0;
	s0 =	sand.u32 $0x3FFFFFE0, s29;
	v10 =	vshll.u32 v6, $0x5;
	[sflag:s26] =	ssyncadd.s32 @!p0 $0xFFFFF000  }
0x1e6: {  	v51 =	vand.u32 $0x78, v37;
	s24 =	simm.s32 $0x7;
	v16 =	vand.u32 $0x7F, v6;
	v10 =	vand.u32 $0xFE0, v10;
	v6 =	vld [tilespmem:s0+$0x12400]  }
0x1e7: {  	v15 =	vor.u32 v3, v15;
	s29 =	simm.s32 $0x5;
	v22 =	vadd.s32 s24, v0;
	v13 =	vor.u32 v0, v10;
	v17 =	vld.idx.msk [tilespmem:v17+s13+$0x0], $0xffff  }
0x1e8: {  	v47 =	vor.u32 v3, v23;
	v25 =	vadd.s32 s29, v0;
	s24 =	simm.s32 $0x9;
	v26 =	vshll.u32 v22, $0x5;
	v19 =	vld.idx.msk [tilespmem:v19+s13+$0x0], $0xffff  }
0x1e9: {  	s29 =	simm.s32 $0xC;
	v27 =	vshll.u32 v25, $0x5;
	v25 =	vand.u32 $0x7F, v25;
	v12 =	vadd.s32 s24, v0;
	v18 =	vld.idx.msk [tilespmem:v18+s13+$0x0], $0xffff  }
0x1ea: {  	v53 =	vadd.s32 s29, v0;
	v20 =	vor.u32 v5, v16;
	v16 =	vor.u32 v1, v16;
	v24 =	vld.idx.msk [tilespmem:v24+s13+$0x0], $0xffff  }
0x1eb: {  	v26 =	vand.u32 $0xFE0, v26;
	v27 =	vand.u32 $0xFE0, v27;
	v54 =	vshll.u32 v12, $0x5  }
0x1ec: {  	v45 =	vand.u32 $0x7F, v53;
	v10 =	vor.u32 v3, v10;
	v29 =	vor.u32 v0, v27;
	v13 =	vld.idx.msk [tilespmem:v13+s13+$0x0], $0xffff  }
0x1ed: {  	v27 =	vor.u32 v3, v27;
	v41 =	vand.u32 $0xFE0, v54;
	v17 =	vadd.f32 v17, v6  }
0x1ee: {  	v32 =	vor.u32 v3, v26;
	s26 =	simm.s32 $0xA;
	v61 =	vor.u32 v0, v41;
	v19 =	vadd.f32 v19, v6  }
0x1ef: {  	v7 =	vld [tilespmem:s0+$0x12410];
	v52 =	vadd.s32 s26, v0;
	v24 =	vadd.f32 v24, v6;
	[tilespmem:v56+s25+$0x0] =	vst.idx.msk $0xffff, v17;
	v17 =	vadd.f32 v18, v6  }
0x1f0: {  	s26 =	simm.s32 $0xF;
	v18 =	vor.u32 v0, v23;
	[tilespmem:v58+s25+$0x0] =	vst.idx.msk $0xffff, v19;
	v19 =	vand.u32 $0x7F, v12;
	v12 =	vshll.u32 v55, $0x5  }
0x1f1: {  	v49 =	vadd.s32 s26, v0;
	[tilespmem:v35+s25+$0x0] =	vst.idx.msk $0xffff, v24;
	v14 =	vld.idx.msk [tilespmem:v14+s13+$0x0], $0xffff;
	v63 =	vand.u32 $0xFE0, v12;
	v13 =	vadd.f32 v13, v6  }
0x1f2: {  	v12 =	vor.u32 v5, v19;
	v24 =	vor.u32 v1, v19;
	v28 =	vld.idx.msk [tilespmem:v28+s13+$0x0], $0xffff;
	v48 =	vor.u32 v0, v63  }
0x1f3: {  	[tilespmem:v16+s25+$0x0] =	vst.idx.msk $0xffff, v13;
	v13 =	vor.u32 v0, v26;
	v16 =	vand.u32 $0x7F, v21;
	v21 =	vand.u32 $0x7F, v22  }
0x1f4: {  	v26 =	vld.idx.msk [tilespmem:v10+s13+$0x0], $0xffff;
	v30 =	vor.u32 v1, v16;
	v59 =	vor.u32 v1, v21;
	v10 =	vor.u32 v5, v21  }
0x1f5: {  	v22 =	vld.idx.msk [tilespmem:v29+s13+$0x0], $0xffff;
	v21 =	vor.u32 v5, v11;
	v11 =	vor.u32 v5, v16;
	v16 =	vshll.u32 v52, $0x5  }
0x1f6: {  	[tilespmem:v31+s25+$0x0] =	vst.idx.msk $0xffff, v17;
	v31 =	vor.u32 v3, v41;
	v29 =	vor.u32 v1, v25;
	v60 =	vand.u32 $0xFE0, v16  }
0x1f7: {  	v56 =	vld.idx.msk [tilespmem:v15+s13+$0x0], $0xffff;
	v14 =	vadd.f32 v14, v7;
	v16 =	vshll.u32 v53, $0x5;
	v36 =	vadd.f32 v28, v7  }
0x1f8: {  	s29 =	simm.s32 $0xE;
	v28 =	vor.u32 v5, v45;
	v62 =	vand.u32 $0xFE0, v16;
	v23 =	vor.u32 v0, v60  }
0x1f9: {  	v18 =	vld.idx.msk [tilespmem:v18+s13+$0x0], $0xffff;
	v16 =	vor.u32 v5, v25;
	v25 =	vadd.s32 s29, v0;
	v46 =	vor.u32 v0, v62  }
0x1fa: {  	v54 =	vld.idx.msk [tilespmem:v33+s13+$0x0], $0xffff;
	v19 =	vshll.u32 v25, $0x5;
	v50 =	vor.u32 v3, v62;
	v22 =	vadd.f32 v22, v6  }
0x1fb: {  	s31 =	simm.s32 $0xD;
	v39 =	vand.u32 $0x7F, v52;
	v13 =	vld.idx.msk [tilespmem:v13+s13+$0x0], $0xffff;
	v19 =	vand.u32 $0xFE0, v19;
	v26 =	vadd.f32 v26, v7;
	[tilespmem:v21+s25+$0x0] =	vst.idx.msk $0xffff, v14  }
0x1fc: {  	v14 =	vshll.u32 v37, $0x5;
	v21 =	vadd.s32 s31, v0;
	[tilespmem:v29+s25+$0x0] =	vst.idx.msk $0xffff, v22;
	v29 =	vld.idx.msk [tilespmem:v61+s13+$0x0], $0xffff;
	v61 =	vadd.f32 v56, v7  }
0x1fd: {  	v22 =	vld.idx.msk [tilespmem:v27+s13+$0x0], $0xffff;
	v27 =	vshll.u32 v49, $0x5;
	[tilespmem:v20+s25+$0x0] =	vst.idx.msk $0xffff, v26;
	v20 =	vand.u32 $0xFE0, v14;
	v14 =	vshll.u32 v21, $0x5  }
0x1fe: {  	v26 =	vadd.f32 v18, v6;
	v18 =	vor.u32 v3, v60;
	v60 =	vor.u32 v1, v45  }
0x1ff: {  	v21 =	vand.u32 $0x7F, v21;
	v53 =	vld.idx.msk [tilespmem:v23+s13+$0x0], $0xffff;
	v23 =	vor.u32 v4, v51;
	v45 =	vadd.f32 v54, v7  }
0x200: {  	v27 =	vand.u32 $0xFE0, v27;
	v15 =	vor.u32 v3, v20;
	v52 =	vor.u32 v0, v20  }
0x201: {  	v14 =	vand.u32 $0xFE0, v14;
	[tilespmem:v38+s25+$0x0] =	vst.idx.msk $0xffff, v61;
	v34 =	vor.u32 v1, v21;
	v38 =	vor.u32 v0, v19  }
0x202: {  	v58 =	vld.idx.msk [tilespmem:v46+s13+$0x0], $0xffff;
	v13 =	vadd.f32 v13, v6;
	v57 =	vor.u32 v0, v14;
	v17 =	vor.u32 v3, v14  }
0x203: {  	v14 =	vor.u32 v1, v39;
	[tilespmem:v30+s25+$0x0] =	vst.idx.msk $0xffff, v26;
	v30 =	vor.u32 v0, v27  }
0x204: {  	v26 =	vor.u32 v5, v39;
	[tilespmem:v59+s25+$0x0] =	vst.idx.msk $0xffff, v13;
	v59 =	vld.idx.msk [tilespmem:v48+s13+$0x0], $0xffff;
	v44 =	vadd.f32 v29, v6  }
0x205: {  	v13 =	vor.u32 v3, v27;
	v29 =	vand.u32 $0x7F, v55;
	v55 =	vand.u32 $0x7F, v25;
	v62 =	vld.idx.msk [tilespmem:v32+s13+$0x0], $0xffff  }
0x206: {  	v42 =	vld.idx.msk [tilespmem:v47+s13+$0x0], $0xffff;
	v27 =	vor.u32 v2, v51;
	v35 =	vadd.f32 v22, v7;
	v32 =	vor.u32 v1, v29  }
0x207: {  	v22 =	vor.u32 v3, v63;
	[tilespmem:v24+s25+$0x0] =	vst.idx.msk $0xffff, v44;
	v24 =	vadd.f32 v58, v6;
	v43 =	vld.idx.msk [tilespmem:v57+s13+$0x0], $0xffff  }
0x208: {  	v63 =	vand.u32 $0x7F, v49;
	v20 =	vor.u32 v1, v55;
	v25 =	vadd.f32 v53, v6;
	v33 =	vld.idx.msk [tilespmem:v31+s13+$0x0], $0xffff  }
0x209: {  	v41 =	vld.idx.msk [tilespmem:v52+s13+$0x0], $0xffff;
	v40 =	vor.u32 v5, v63;
	v31 =	vor.u32 v5, v55;
	[tilespmem:v60+s25+$0x0] =	vst.idx.msk $0xffff, v24  }
0x20a: {  	s24 =	simm.s32 $0x10;
	v24 =	vor.u32 v1, v63;
	v37 =	vadd.f32 v59, v6;
	v39 =	vld.idx.msk [tilespmem:v50+s13+$0x0], $0xffff;
	v44 =	vadd.f32 v62, v7  }
.LBB2_9:
0x20b: {  	v46 =	vadd.s32 s24, v0;
	s0 =	sadd.s32 $0x1, s24;
	s26 =	sadd.s32 $0x2, s24;
	s29 =	sadd.s32 $0x7, s24;
	v47 =	vor.u32 v5, v29;
	[tilespmem:v16+s25+$0x0] =	vst.idx.msk $0xffff, v35;
	v16 =	vadd.f32 v42, v7  }
0x20c: {  	s31 =	sadd.s32 $0x6, s24;
	v42 =	vadd.f32 v43, v6;
	v29 =	vadd.s32 s0, v0;
	v35 =	vadd.s32 s26, v0;
	s0 =	sadd.s32 $0x3, s24;
	s26 =	sadd.s32 $0x4, s24;
	[tilespmem:v10+s25+$0x0] =	vst.idx.msk $0xffff, v44;
	v10 =	vmovc v40  }
0x20d: {  	p0 =	slt.u32 s24, $0x78;
	v33 =	vadd.f32 v33, v7;
	v40 =	vshll.u32 v35, $0x5;
	v43 =	vadd.s32 s26, v0;
	s26 =	sadd.s32 $0x5, s24;
	s24 =	sadd.s32 $0x8, s24;
	[tilespmem:v32+s25+$0x0] =	vst.idx.msk $0xffff, v37  }
0x20e: {  	v32 =	vshll.u32 v29, $0x5;
	v37 =	vadd.s32 s0, v0;
	v41 =	vadd.f32 v41, v6;
	[tilespmem:v9+s25+$0x0] =	vst.idx.msk $0xffff, v45;
	v9 =	vmovc v26  }
0x20f: {  	v26 =	vand.u32 $0xFE0, v32;
	v32 =	vand.u32 $0xFE0, v40;
	v39 =	vadd.f32 v39, v7;
	[tilespmem:v8+s25+$0x0] =	vst.idx.msk $0xffff, v36;
	v8 =	vmovc v23  }
0x210: {  	v45 =	vand.u32 $0x7F, v43;
	v23 =	vor.u32 v0, v26;
	v36 =	vshll.u32 v43, $0x5;
	v30 =	vld.idx.msk [tilespmem:v30+s13+$0x0], $0xffff;
	[tilespmem:v11+s25+$0x0] =	vst.idx.msk $0xffff, v16  }
0x211: {  	v29 =	vand.u32 $0x7F, v29;
	v16 =	vshll.u32 v37, $0x5;
	v36 =	vand.u32 $0xFE0, v36;
	v11 =	vmovc v31;
	[tilespmem:v34+s25+$0x0] =	vst.idx.msk $0xffff, v42;
	v34 =	vld.idx.msk [tilespmem:v38+s13+$0x0], $0xffff  }
0x212: {  	v31 =	vand.u32 $0xFE0, v16;
	v38 =	vor.u32 v0, v36;
	v42 =	vor.u32 v3, v19;
	v40 =	vld.idx.msk [tilespmem:v17+s13+$0x0], $0xffff  }
0x213: {  	v43 =	vor.u32 v0, v32;
	v16 =	vor.u32 v5, v21;
	v17 =	vor.u32 v0, v31;
	v22 =	vld.idx.msk [tilespmem:v22+s13+$0x0], $0xffff  }
0x214: {  	v44 =	vadd.s32 s31, v0;
	v48 =	vadd.s32 s29, v0;
	v19 =	vor.u32 v5, v29;
	[tilespmem:v27+s25+$0x0] =	vst.idx.msk $0xffff, v41  }
0x215: {  	v27 =	vshll.u32 v44, $0x5;
	v21 =	vld.idx.msk [tilespmem:v23+s13+$0x0], $0xffff;
	v23 =	vor.u32 v1, v29;
	v29 =	vshll.u32 v48, $0x5;
	[tilespmem:v28+s25+$0x0] =	vst.idx.msk $0xffff, v39  }
0x216: {  	v28 =	vshll.u32 v46, $0x5;
	v39 =	vadd.s32 s26, v0;
	v41 =	vand.u32 $0xFE0, v29;
	[tilespmem:v12+s25+$0x0] =	vst.idx.msk $0xffff, v33;
	v12 =	vmovc v19  }
0x217: {  	v28 =	vand.u32 $0xFE0, v28;
	v19 =	vshll.u32 v39, $0x5;
	v33 =	vld.idx.msk [tilespmem:v38+s13+$0x0], $0xffff;
	[tilespmem:v14+s25+$0x0] =	vst.idx.msk $0xffff, v25;
	v25 =	vadd.f32 v34, v6  }
0x218: {  	v29 =	vadd.f32 v30, v6;
	v38 =	vor.u32 v3, v28;
	v14 =	vand.u32 $0xFE0, v19;
	v34 =	vld.idx.msk [tilespmem:v17+s13+$0x0], $0xffff  }
0x219: {  	v26 =	vor.u32 v3, v26;
	v49 =	vor.u32 v3, v36;
	v36 =	vor.u32 v0, v14  }
0x21a: {  	v50 =	vand.u32 $0x7F, v35;
	v19 =	vand.u32 $0xFE0, v27;
	v17 =	vor.u32 v3, v14;
	v15 =	vld.idx.msk [tilespmem:v15+s13+$0x0], $0xffff;
	[tilespmem:v24+s25+$0x0] =	vst.idx.msk $0xffff, v29  }
0x21b: {  	v14 =	vor.u32 v1, v50;
	v21 =	vadd.f32 v21, v6;
	v24 =	vld.idx.msk [tilespmem:v13+s13+$0x0], $0xffff;
	v13 =	vor.u32 v3, v41  }
0x21c: {  	v52 =	vor.u32 v3, v32;
	v53 =	vor.u32 v1, v45;
	v27 =	vadd.f32 v22, v7;
	v51 =	vld.idx.msk [tilespmem:v43+s13+$0x0], $0xffff  }
0x21d: {  	v46 =	vand.u32 $0x78, v46;
	v35 =	vadd.f32 v40, v7;
	v29 =	vand.u32 $0x7F, v37;
	v18 =	vld.idx.msk [tilespmem:v18+s13+$0x0], $0xffff;
	[tilespmem:v20+s25+$0x0] =	vst.idx.msk $0xffff, v25  }
0x21e: {  	v32 =	vor.u32 v1, v29;
	v25 =	vor.u32 v0, v28;
	[tilespmem:v23+s25+$0x0] =	vst.idx.msk $0xffff, v21;
	v21 =	vand.u32 $0x7F, v39  }
0x21f: {  	v30 =	vor.u32 v0, v41;
	v22 =	vor.u32 v3, v31;
	v28 =	vadd.f32 v33, v6;
	v42 =	vld.idx.msk [tilespmem:v42+s13+$0x0], $0xffff  }
0x220: {  	v40 =	vand.u32 $0x7F, v48;
	v31 =	vand.u32 $0x7F, v44;
	v23 =	vor.u32 v4, v46;
	v33 =	vld.idx.msk [tilespmem:v26+s13+$0x0], $0xffff;
	[tilespmem:v47+s25+$0x0] =	vst.idx.msk $0xffff, v27  }
.Ltmp3:
0x221: {  	v37 =	vadd.f32 v34, v6;
	v26 =	vor.u32 v5, v50;
	v43 =	vld.idx.msk [tilespmem:v36+s13+$0x0], $0xffff;
	v36 =	vadd.f32 v15, v7;
	(pc) =	sbr.rel @p0 .LBB2_9-.Ltmp3, $4  }
0x222: {  	v20 =	vor.u32 v1, v31;
	v34 =	vor.u32 v1, v21;
	v44 =	vadd.f32 v24, v7;
	v15 =	vmovc v38  }
0x223: {  	v27 =	vor.u32 v2, v46;
	v24 =	vor.u32 v1, v40;
	v41 =	vld.idx.msk [tilespmem:v25+s13+$0x0], $0xffff;
	[tilespmem:v53+s25+$0x0] =	vst.idx.msk $0xffff, v28  }
0x224: {  	v40 =	vor.u32 v5, v40;
	v38 =	vor.u32 v0, v19;
	v25 =	vadd.f32 v51, v6;
	v39 =	vld.idx.msk [tilespmem:v49+s13+$0x0], $0xffff  }
0x225: {  	v31 =	vor.u32 v5, v31;
	v28 =	vor.u32 v5, v45;
	v45 =	vadd.f32 v18, v7;
	v18 =	vmovc v52  }
0x226: {  	_ =	sdelay $0x3  }
0x227: {  	[tilespmem:v16+s25+$0x0] =	vst.idx.msk $0xffff, v35  }
0x228: {  	v16 =	vld.idx.msk [tilespmem:v30+s13+$0x0], $0xffff;
	[tilespmem:v10+s25+$0x0] =	vst.idx.msk $0xffff, v44  }
0x229: {  	[tilespmem:v32+s25+$0x0] =	vst.idx.msk $0xffff, v37  }
0x22a: {  	[tilespmem:v8+s25+$0x0] =	vst.idx.msk $0xffff, v36  }
0x22b: {  	v10 =	vadd.f32 v42, v7;
	[tilespmem:v9+s25+$0x0] =	vst.idx.msk $0xffff, v45;
	v9 =	vld.idx.msk [tilespmem:v38+s13+$0x0], $0xffff  }
0x22c: {  	v30 =	vadd.f32 v43, v6;
	[tilespmem:v14+s25+$0x0] =	vst.idx.msk $0xffff, v25  }
0x22d: {  	[tilespmem:v11+s25+$0x0] =	vst.idx.msk $0xffff, v10;
	v8 =	vadd.f32 v16, v6  }
0x22e: {  	[tilespmem:v34+s25+$0x0] =	vst.idx.msk $0xffff, v30;
	v10 =	vor.u32 v3, v19;
	v11 =	vld.idx.msk [tilespmem:v22+s13+$0x0], $0xffff;
	v16 =	vadd.f32 v41, v6  }
0x22f: {  	v17 =	vld.idx.msk [tilespmem:v17+s13+$0x0], $0xffff;
	[tilespmem:v24+s25+$0x0] =	vst.idx.msk $0xffff, v8  }
0x230: {  	v6 =	vadd.f32 v9, v6;
	v8 =	vor.u32 v5, v29;
	[tilespmem:v27+s25+$0x0] =	vst.idx.msk $0xffff, v16;
	v16 =	vld.idx.msk [tilespmem:v18+s13+$0x0], $0xffff  }
0x231: {  	v9 =	vld.idx.msk [tilespmem:v13+s13+$0x0], $0xffff  }
0x232: {  	v15 =	vld.idx.msk [tilespmem:v15+s13+$0x0], $0xffff;
	[tilespmem:v20+s25+$0x0] =	vst.idx.msk $0xffff, v6  }
0x233: {  	v6 =	vadd.f32 v11, v7;
	v10 =	vld.idx.msk [tilespmem:v10+s13+$0x0], $0xffff  }
0x234: {  	v14 =	vor.u32 v5, v21;
	v18 =	vadd.f32 v33, v7  }
0x235: {  	[tilespmem:v8+s25+$0x0] =	vst.idx.msk $0xffff, v6;
	v8 =	vadd.f32 v16, v7  }
0x236: {  	[tilespmem:v12+s25+$0x0] =	vst.idx.msk $0xffff, v18;
	v6 =	vadd.f32 v9, v7  }
0x237: {  	s31 =	simm.s32 $0x0;
	v13 =	vadd.f32 v39, v7;
	v11 =	vadd.f32 v17, v7;
	[tilespmem:v26+s25+$0x0] =	vst.idx.msk $0xffff, v8  }
0x238: {  	s24 =	simm.s32 $0x2;
	v9 =	vadd.f32 v15, v7;
	v8 =	vadd.s32 s31, v0;
	s31 =	simm.s32 $0x4;
	[tilespmem:v40+s25+$0x0] =	vst.idx.msk $0xffff, v6;
	v6 =	vadd.f32 v10, v7  }
0x239: {  	s0 =	sshll.u32 s22, $0x11;
	[tilespmem:v14+s25+$0x0] =	vst.idx.msk $0xffff, v11;
	v7 =	vadd.s32 s24, v0;
	s24 =	simm.s32 $0x3;
	v11 =	vadd.s32 s31, v0;
	v24 =	vshll.u32 v8, $0x5  }
0x23a: {  	s0 =	sor.u32 s4, s0;
	[tilespmem:v23+s25+$0x0] =	vst.idx.msk $0xffff, v9;
	s31 =	simm.s32 $0x5;
	v57 =	vand.u32 $0x78, v8;
	v9 =	vshll.u32 v7, $0x5;
	v12 =	vadd.s32 s24, v0  }
0x23b: {  	s26 =	simm.s32 $0x5;
	s22 =	sor.u32 $0x4, s20;
	s0 =	sshrl.u32 s0, $0x3;
	[tilespmem:v28+s25+$0x0] =	vst.idx.msk $0xffff, v13;
	v14 =	vshll.u32 v11, $0x5;
	v11 =	vand.u32 $0x7F, v11;
	v25 =	vadd.s32 s31, v0  }
0x23c: {  	p0 =	sgt.u32 s22, $0xC0;
	s0 =	sadd.s32 s2, s0;
	s24 =	simm.s32 $0x7;
	v24 =	vand.u32 $0xFE0, v24;
	v30 =	vand.u32 $0x7F, v7;
	v8 =	vor.u32 v4, v57;
	[tilespmem:v31+s25+$0x0] =	vst.idx.msk $0xffff, v6  }
0x23d: {  	v35 =	vor.u32 v2, v57;
	v9 =	vand.u32 $0xFE0, v9;
	v15 =	vshll.u32 v12, $0x5;
	[hbm4b:s0+s6] =	stream.strided.scatter [tilespmem:s25], [sflag:$0xC], $0x1000, s19, s6, $0x38;
	[tilespmem:$0x13D00] =	vst v63  }
0x23e: {  	s29 =	simm.s32 @!p0 $0x80;
	v14 =	vand.u32 $0xFE0, v14;
	v22 =	vadd.s32 s24, v0;
	v27 =	vshll.u32 v25, $0x5;
	_ =	swait.ge [sflag:s26], $0x1000  }
0x23f: {  	s31 =	simm.s32 $0x8;
	v28 =	vor.u32 v3, v24;
	v31 =	vor.u32 v1, v30;
	v56 =	vor.u32 v1, v11;
	s0 =	simm.s32 $0x1;
	[sflag:s26] =	ssyncset.done $0x0  }
0x240: {  	v12 =	vand.u32 $0x7F, v12;
	v24 =	vor.u32 v0, v24;
	v6 =	vadd.s32 s0, v0;
	s0 =	simm.s32 @!p0 $0x9400;
	[sflag:s26] =	ssyncadd.s32 $0xFFFFF000;
	s26 =	sadd.s32 @!p0 $0x580, s9  }
0x241: {  	v25 =	vand.u32 $0x7F, v25;
	v15 =	vand.u32 $0xFE0, v15;
	v17 =	vor.u32 v0, v14;
	[tilespmem:s0], [sflag:$0x4] =	stream.indirect.gather @!p0 [hbm4b:s5+s29], $0x20, s26, s29, $0xb8;
	[tilespmem:$0x13D00] =	vst v63  }
0x242: {  	v37 =	vadd.s32 s31, v0;
	v18 =	vor.u32 v0, v9;
	v19 =	vor.u32 v0, v15;
	_ =	swait.ge [sflag:s28], $0x1000  }
0x243: {  	v26 =	vshll.u32 v22, $0x5;
	v27 =	vand.u32 $0xFE0, v27;
	v10 =	vshll.u32 v6, $0x5;
	s29 =	sshll.u32 s22, $0x5;
	[sflag:s28] =	ssyncset.done $0x0  }
0x244: {  	v14 =	vor.u32 v3, v14;
	v33 =	vor.u32 v3, v9;
	v10 =	vand.u32 $0xFE0, v10;
	s0 =	sand.u32 $0x3FFFFFE0, s29;
	[sflag:s28] =	ssyncadd.s32 $0xFFFFF000  }
0x245: {  	s24 =	simm.s32 $0x9;
	v58 =	vor.u32 v1, v12;
	v16 =	vand.u32 $0x7F, v6;
	v13 =	vor.u32 v0, v10;
	v6 =	vld [tilespmem:s0+$0x12400]  }
0x246: {  	s31 =	simm.s32 $0xB;
	v9 =	vor.u32 v5, v30;
	v38 =	vor.u32 v5, v12;
	v12 =	vadd.s32 s24, v0;
	v17 =	vld.idx.msk [tilespmem:v17+s14+$0x0], $0xffff  }
0x247: {  	v55 =	vadd.s32 s31, v0;
	v51 =	vand.u32 $0x78, v37;
	v26 =	vand.u32 $0xFE0, v26;
	v19 =	vld.idx.msk [tilespmem:v19+s14+$0x0], $0xffff  }
0x248: {  	v29 =	vor.u32 v0, v27;
	v27 =	vor.u32 v3, v27;
	v54 =	vshll.u32 v12, $0x5;
	v18 =	vld.idx.msk [tilespmem:v18+s14+$0x0], $0xffff  }
0x249: {  	v15 =	vor.u32 v3, v15;
	v32 =	vor.u32 v3, v26;
	v41 =	vand.u32 $0xFE0, v54;
	s26 =	simm.s32 $0x6;
	v24 =	vld.idx.msk [tilespmem:v24+s14+$0x0], $0xffff  }
0x24a: {  	v20 =	vor.u32 v5, v16;
	v16 =	vor.u32 v1, v16;
	v21 =	vadd.s32 s26, v0;
	v13 =	vld.idx.msk [tilespmem:v13+s14+$0x0], $0xffff  }
0x24b: {  	v61 =	vor.u32 v0, v41;
	v10 =	vor.u32 v3, v10;
	s26 =	simm.s32 $0xA;
	s29 =	simm.s32 $0xC;
	v23 =	vshll.u32 v21, $0x5  }
0x24c: {  	v52 =	vadd.s32 s26, v0;
	v53 =	vadd.s32 s29, v0;
	v17 =	vadd.f32 v17, v6  }
0x24d: {  	s26 =	simm.s32 $0xF;
	v23 =	vand.u32 $0xFE0, v23;
	v45 =	vand.u32 $0x7F, v53;
	v19 =	vadd.f32 v19, v6  }
0x24e: {  	v49 =	vadd.s32 s26, v0;
	v7 =	vld [tilespmem:s0+$0x12410];
	v47 =	vor.u32 v3, v23;
	v24 =	vadd.f32 v24, v6;
	[tilespmem:v56+s18+$0x0] =	vst.idx.msk $0xffff, v17  }
0x24f: {  	v39 =	vand.u32 $0x7F, v52;
	v13 =	vadd.f32 v13, v6;
	v17 =	vadd.f32 v18, v6;
	[tilespmem:v58+s18+$0x0] =	vst.idx.msk $0xffff, v19  }
0x250: {  	v18 =	vor.u32 v0, v23;
	v19 =	vand.u32 $0x7F, v12;
	v12 =	vshll.u32 v55, $0x5;
	[tilespmem:v35+s18+$0x0] =	vst.idx.msk $0xffff, v24  }
0x251: {  	[tilespmem:v16+s18+$0x0] =	vst.idx.msk $0xffff, v13;
	v13 =	vor.u32 v0, v26;
	v16 =	vand.u32 $0x7F, v21;
	v21 =	vand.u32 $0x7F, v22;
	v22 =	vld.idx.msk [tilespmem:v29+s14+$0x0], $0xffff  }
0x252: {  	v29 =	vor.u32 v1, v25;
	v14 =	vld.idx.msk [tilespmem:v14+s14+$0x0], $0xffff;
	v63 =	vand.u32 $0xFE0, v12;
	v12 =	vor.u32 v5, v19  }
0x253: {  	v26 =	vld.idx.msk [tilespmem:v10+s14+$0x0], $0xffff;
	v30 =	vor.u32 v1, v16;
	v59 =	vor.u32 v1, v21;
	v10 =	vor.u32 v5, v21  }
0x254: {  	v28 =	vld.idx.msk [tilespmem:v28+s14+$0x0], $0xffff;
	v21 =	vor.u32 v5, v11;
	v11 =	vor.u32 v5, v16;
	v16 =	vshll.u32 v52, $0x5  }
0x255: {  	v24 =	vor.u32 v1, v19;
	v56 =	vld.idx.msk [tilespmem:v15+s14+$0x0], $0xffff;
	v60 =	vand.u32 $0xFE0, v16;
	v16 =	vshll.u32 v53, $0x5  }
0x256: {  	s29 =	simm.s32 $0xE;
	v48 =	vor.u32 v0, v63;
	[tilespmem:v31+s18+$0x0] =	vst.idx.msk $0xffff, v17;
	v31 =	vor.u32 v3, v41;
	v62 =	vand.u32 $0xFE0, v16  }
0x257: {  	v54 =	vld.idx.msk [tilespmem:v33+s14+$0x0], $0xffff;
	v23 =	vor.u32 v0, v60;
	v16 =	vor.u32 v5, v25;
	v25 =	vadd.s32 s29, v0  }
0x258: {  	v18 =	vld.idx.msk [tilespmem:v18+s14+$0x0], $0xffff;
	v46 =	vor.u32 v0, v62;
	v19 =	vshll.u32 v25, $0x5;
	v22 =	vadd.f32 v22, v6  }
0x259: {  	v50 =	vor.u32 v3, v62;
	v14 =	vadd.f32 v14, v7;
	v13 =	vld.idx.msk [tilespmem:v13+s14+$0x0], $0xffff;
	v36 =	vadd.f32 v28, v7  }
0x25a: {  	s31 =	simm.s32 $0xD;
	v19 =	vand.u32 $0xFE0, v19;
	v28 =	vor.u32 v5, v45;
	v26 =	vadd.f32 v26, v7;
	[tilespmem:v29+s18+$0x0] =	vst.idx.msk $0xffff, v22  }
0x25b: {  	v29 =	vld.idx.msk [tilespmem:v61+s14+$0x0], $0xffff;
	[tilespmem:v21+s18+$0x0] =	vst.idx.msk $0xffff, v14;
	v14 =	vshll.u32 v37, $0x5;
	v21 =	vadd.s32 s31, v0;
	v61 =	vadd.f32 v56, v7  }
0x25c: {  	v22 =	vld.idx.msk [tilespmem:v27+s14+$0x0], $0xffff;
	v27 =	vshll.u32 v49, $0x5;
	[tilespmem:v20+s18+$0x0] =	vst.idx.msk $0xffff, v26;
	v20 =	vand.u32 $0xFE0, v14;
	v14 =	vshll.u32 v21, $0x5  }
0x25d: {  	v21 =	vand.u32 $0x7F, v21;
	v53 =	vld.idx.msk [tilespmem:v23+s14+$0x0], $0xffff;
	v23 =	vor.u32 v4, v51;
	v27 =	vand.u32 $0xFE0, v27  }
0x25e: {  	v26 =	vadd.f32 v18, v6;
	v15 =	vor.u32 v3, v20;
	v18 =	vor.u32 v3, v60  }
0x25f: {  	v14 =	vand.u32 $0xFE0, v14;
	v60 =	vor.u32 v1, v45;
	v52 =	vor.u32 v0, v20;
	[tilespmem:v38+s18+$0x0] =	vst.idx.msk $0xffff, v61  }
0x260: {  	v34 =	vor.u32 v1, v21;
	v38 =	vor.u32 v0, v19;
	v45 =	vadd.f32 v54, v7  }
0x261: {  	v58 =	vld.idx.msk [tilespmem:v46+s14+$0x0], $0xffff;
	v13 =	vadd.f32 v13, v6;
	v57 =	vor.u32 v0, v14;
	v17 =	vor.u32 v3, v14  }
0x262: {  	v14 =	vor.u32 v1, v39;
	[tilespmem:v30+s18+$0x0] =	vst.idx.msk $0xffff, v26;
	v30 =	vor.u32 v0, v27  }
0x263: {  	v26 =	vor.u32 v5, v39;
	[tilespmem:v59+s18+$0x0] =	vst.idx.msk $0xffff, v13;
	v59 =	vld.idx.msk [tilespmem:v48+s14+$0x0], $0xffff;
	v44 =	vadd.f32 v29, v6  }
0x264: {  	v13 =	vor.u32 v3, v27;
	v29 =	vand.u32 $0x7F, v55;
	v55 =	vand.u32 $0x7F, v25;
	v62 =	vld.idx.msk [tilespmem:v32+s14+$0x0], $0xffff  }
0x265: {  	v42 =	vld.idx.msk [tilespmem:v47+s14+$0x0], $0xffff;
	v27 =	vor.u32 v2, v51;
	v35 =	vadd.f32 v22, v7;
	v32 =	vor.u32 v1, v29  }
0x266: {  	v22 =	vor.u32 v3, v63;
	[tilespmem:v24+s18+$0x0] =	vst.idx.msk $0xffff, v44;
	v24 =	vadd.f32 v58, v6;
	v43 =	vld.idx.msk [tilespmem:v57+s14+$0x0], $0xffff  }
0x267: {  	v63 =	vand.u32 $0x7F, v49;
	v20 =	vor.u32 v1, v55;
	v25 =	vadd.f32 v53, v6;
	v33 =	vld.idx.msk [tilespmem:v31+s14+$0x0], $0xffff  }
0x268: {  	v41 =	vld.idx.msk [tilespmem:v52+s14+$0x0], $0xffff;
	v40 =	vor.u32 v5, v63;
	v31 =	vor.u32 v5, v55;
	[tilespmem:v60+s18+$0x0] =	vst.idx.msk $0xffff, v24  }
0x269: {  	s24 =	simm.s32 $0x10;
	v24 =	vor.u32 v1, v63;
	v37 =	vadd.f32 v59, v6;
	v39 =	vld.idx.msk [tilespmem:v50+s14+$0x0], $0xffff;
	v44 =	vadd.f32 v62, v7  }
.LBB2_11:
0x26a: {  	v46 =	vadd.s32 s24, v0;
	s0 =	sadd.s32 $0x1, s24;
	s26 =	sadd.s32 $0x2, s24;
	s29 =	sadd.s32 $0x7, s24;
	v47 =	vor.u32 v5, v29;
	[tilespmem:v16+s18+$0x0] =	vst.idx.msk $0xffff, v35;
	v16 =	vadd.f32 v42, v7  }
0x26b: {  	s31 =	sadd.s32 $0x6, s24;
	v42 =	vadd.f32 v43, v6;
	v29 =	vadd.s32 s0, v0;
	v35 =	vadd.s32 s26, v0;
	s0 =	sadd.s32 $0x3, s24;
	s26 =	sadd.s32 $0x4, s24;
	[tilespmem:v10+s18+$0x0] =	vst.idx.msk $0xffff, v44;
	v10 =	vmovc v40  }
0x26c: {  	p0 =	slt.u32 s24, $0x78;
	v33 =	vadd.f32 v33, v7;
	v40 =	vshll.u32 v35, $0x5;
	v43 =	vadd.s32 s26, v0;
	s26 =	sadd.s32 $0x5, s24;
	s24 =	sadd.s32 $0x8, s24;
	[tilespmem:v32+s18+$0x0] =	vst.idx.msk $0xffff, v37  }
0x26d: {  	v32 =	vshll.u32 v29, $0x5;
	v37 =	vadd.s32 s0, v0;
	v41 =	vadd.f32 v41, v6;
	[tilespmem:v9+s18+$0x0] =	vst.idx.msk $0xffff, v45;
	v9 =	vmovc v26  }
0x26e: {  	v26 =	vand.u32 $0xFE0, v32;
	v32 =	vand.u32 $0xFE0, v40;
	v39 =	vadd.f32 v39, v7;
	[tilespmem:v8+s18+$0x0] =	vst.idx.msk $0xffff, v36;
	v8 =	vmovc v23  }
0x26f: {  	v45 =	vand.u32 $0x7F, v43;
	v23 =	vor.u32 v0, v26;
	v36 =	vshll.u32 v43, $0x5;
	v30 =	vld.idx.msk [tilespmem:v30+s14+$0x0], $0xffff;
	[tilespmem:v11+s18+$0x0] =	vst.idx.msk $0xffff, v16  }
0x270: {  	v29 =	vand.u32 $0x7F, v29;
	v16 =	vshll.u32 v37, $0x5;
	v36 =	vand.u32 $0xFE0, v36;
	v11 =	vmovc v31;
	[tilespmem:v34+s18+$0x0] =	vst.idx.msk $0xffff, v42;
	v34 =	vld.idx.msk [tilespmem:v38+s14+$0x0], $0xffff  }
0x271: {  	v31 =	vand.u32 $0xFE0, v16;
	v38 =	vor.u32 v0, v36;
	v42 =	vor.u32 v3, v19;
	v40 =	vld.idx.msk [tilespmem:v17+s14+$0x0], $0xffff  }
0x272: {  	v43 =	vor.u32 v0, v32;
	v16 =	vor.u32 v5, v21;
	v17 =	vor.u32 v0, v31;
	v22 =	vld.idx.msk [tilespmem:v22+s14+$0x0], $0xffff  }
0x273: {  	v44 =	vadd.s32 s31, v0;
	v48 =	vadd.s32 s29, v0;
	v19 =	vor.u32 v5, v29;
	[tilespmem:v27+s18+$0x0] =	vst.idx.msk $0xffff, v41  }
0x274: {  	v27 =	vshll.u32 v44, $0x5;
	v21 =	vld.idx.msk [tilespmem:v23+s14+$0x0], $0xffff;
	v23 =	vor.u32 v1, v29;
	v29 =	vshll.u32 v48, $0x5;
	[tilespmem:v28+s18+$0x0] =	vst.idx.msk $0xffff, v39  }
0x275: {  	v28 =	vshll.u32 v46, $0x5;
	v39 =	vadd.s32 s26, v0;
	v41 =	vand.u32 $0xFE0, v29;
	[tilespmem:v12+s18+$0x0] =	vst.idx.msk $0xffff, v33;
	v12 =	vmovc v19  }
0x276: {  	v28 =	vand.u32 $0xFE0, v28;
	v19 =	vshll.u32 v39, $0x5;
	v33 =	vld.idx.msk [tilespmem:v38+s14+$0x0], $0xffff;
	[tilespmem:v14+s18+$0x0] =	vst.idx.msk $0xffff, v25;
	v25 =	vadd.f32 v34, v6  }
0x277: {  	v29 =	vadd.f32 v30, v6;
	v38 =	vor.u32 v3, v28;
	v14 =	vand.u32 $0xFE0, v19;
	v34 =	vld.idx.msk [tilespmem:v17+s14+$0x0], $0xffff  }
0x278: {  	v26 =	vor.u32 v3, v26;
	v49 =	vor.u32 v3, v36;
	v36 =	vor.u32 v0, v14  }
0x279: {  	v50 =	vand.u32 $0x7F, v35;
	v19 =	vand.u32 $0xFE0, v27;
	v17 =	vor.u32 v3, v14;
	v15 =	vld.idx.msk [tilespmem:v15+s14+$0x0], $0xffff;
	[tilespmem:v24+s18+$0x0] =	vst.idx.msk $0xffff, v29  }
0x27a: {  	v14 =	vor.u32 v1, v50;
	v21 =	vadd.f32 v21, v6;
	v24 =	vld.idx.msk [tilespmem:v13+s14+$0x0], $0xffff;
	v13 =	vor.u32 v3, v41  }
0x27b: {  	v52 =	vor.u32 v3, v32;
	v53 =	vor.u32 v1, v45;
	v27 =	vadd.f32 v22, v7;
	v51 =	vld.idx.msk [tilespmem:v43+s14+$0x0], $0xffff  }
0x27c: {  	v46 =	vand.u32 $0x78, v46;
	v35 =	vadd.f32 v40, v7;
	v29 =	vand.u32 $0x7F, v37;
	v18 =	vld.idx.msk [tilespmem:v18+s14+$0x0], $0xffff;
	[tilespmem:v20+s18+$0x0] =	vst.idx.msk $0xffff, v25  }
0x27d: {  	v32 =	vor.u32 v1, v29;
	v25 =	vor.u32 v0, v28;
	[tilespmem:v23+s18+$0x0] =	vst.idx.msk $0xffff, v21;
	v21 =	vand.u32 $0x7F, v39  }
0x27e: {  	v30 =	vor.u32 v0, v41;
	v22 =	vor.u32 v3, v31;
	v28 =	vadd.f32 v33, v6;
	v42 =	vld.idx.msk [tilespmem:v42+s14+$0x0], $0xffff  }
0x27f: {  	v40 =	vand.u32 $0x7F, v48;
	v31 =	vand.u32 $0x7F, v44;
	v23 =	vor.u32 v4, v46;
	v33 =	vld.idx.msk [tilespmem:v26+s14+$0x0], $0xffff;
	[tilespmem:v47+s18+$0x0] =	vst.idx.msk $0xffff, v27  }
.Ltmp4:
0x280: {  	v37 =	vadd.f32 v34, v6;
	v26 =	vor.u32 v5, v50;
	v43 =	vld.idx.msk [tilespmem:v36+s14+$0x0], $0xffff;
	v36 =	vadd.f32 v15, v7;
	(pc) =	sbr.rel @p0 .LBB2_11-.Ltmp4, $4  }
0x281: {  	v20 =	vor.u32 v1, v31;
	v34 =	vor.u32 v1, v21;
	v44 =	vadd.f32 v24, v7;
	v15 =	vmovc v38  }
0x282: {  	v27 =	vor.u32 v2, v46;
	v24 =	vor.u32 v1, v40;
	v41 =	vld.idx.msk [tilespmem:v25+s14+$0x0], $0xffff;
	[tilespmem:v53+s18+$0x0] =	vst.idx.msk $0xffff, v28  }
0x283: {  	v40 =	vor.u32 v5, v40;
	v38 =	vor.u32 v0, v19;
	v25 =	vadd.f32 v51, v6;
	v39 =	vld.idx.msk [tilespmem:v49+s14+$0x0], $0xffff  }
0x284: {  	v31 =	vor.u32 v5, v31;
	v28 =	vor.u32 v5, v45;
	v45 =	vadd.f32 v18, v7;
	v18 =	vmovc v52  }
0x285: {  	_ =	sdelay $0x3  }
0x286: {  	[tilespmem:v16+s18+$0x0] =	vst.idx.msk $0xffff, v35  }
0x287: {  	v16 =	vld.idx.msk [tilespmem:v30+s14+$0x0], $0xffff;
	[tilespmem:v10+s18+$0x0] =	vst.idx.msk $0xffff, v44  }
0x288: {  	[tilespmem:v32+s18+$0x0] =	vst.idx.msk $0xffff, v37  }
0x289: {  	[tilespmem:v8+s18+$0x0] =	vst.idx.msk $0xffff, v36  }
0x28a: {  	v10 =	vadd.f32 v42, v7;
	[tilespmem:v9+s18+$0x0] =	vst.idx.msk $0xffff, v45;
	v9 =	vld.idx.msk [tilespmem:v38+s14+$0x0], $0xffff  }
0x28b: {  	v30 =	vadd.f32 v43, v6;
	[tilespmem:v14+s18+$0x0] =	vst.idx.msk $0xffff, v25  }
0x28c: {  	[tilespmem:v11+s18+$0x0] =	vst.idx.msk $0xffff, v10;
	v8 =	vadd.f32 v16, v6  }
0x28d: {  	[tilespmem:v34+s18+$0x0] =	vst.idx.msk $0xffff, v30;
	v10 =	vor.u32 v3, v19;
	v11 =	vld.idx.msk [tilespmem:v22+s14+$0x0], $0xffff;
	v16 =	vadd.f32 v41, v6  }
0x28e: {  	v17 =	vld.idx.msk [tilespmem:v17+s14+$0x0], $0xffff;
	[tilespmem:v24+s18+$0x0] =	vst.idx.msk $0xffff, v8  }
0x28f: {  	v6 =	vadd.f32 v9, v6;
	v8 =	vor.u32 v5, v29;
	[tilespmem:v27+s18+$0x0] =	vst.idx.msk $0xffff, v16;
	v16 =	vld.idx.msk [tilespmem:v18+s14+$0x0], $0xffff  }
0x290: {  	v9 =	vld.idx.msk [tilespmem:v13+s14+$0x0], $0xffff  }
0x291: {  	v15 =	vld.idx.msk [tilespmem:v15+s14+$0x0], $0xffff;
	[tilespmem:v20+s18+$0x0] =	vst.idx.msk $0xffff, v6  }
0x292: {  	v6 =	vadd.f32 v11, v7;
	v10 =	vld.idx.msk [tilespmem:v10+s14+$0x0], $0xffff  }
0x293: {  	v14 =	vor.u32 v5, v21;
	v18 =	vadd.f32 v33, v7  }
0x294: {  	[tilespmem:v8+s18+$0x0] =	vst.idx.msk $0xffff, v6;
	v8 =	vadd.f32 v16, v7  }
0x295: {  	[tilespmem:v12+s18+$0x0] =	vst.idx.msk $0xffff, v18;
	v6 =	vadd.f32 v9, v7  }
0x296: {  	s31 =	simm.s32 $0x0;
	v13 =	vadd.f32 v39, v7;
	v11 =	vadd.f32 v17, v7;
	[tilespmem:v26+s18+$0x0] =	vst.idx.msk $0xffff, v8  }
0x297: {  	s24 =	simm.s32 $0x2;
	v9 =	vadd.f32 v15, v7;
	v8 =	vadd.s32 s31, v0;
	s31 =	simm.s32 $0x4;
	[tilespmem:v40+s18+$0x0] =	vst.idx.msk $0xffff, v6;
	v6 =	vadd.f32 v10, v7  }
0x298: {  	s0 =	sshll.u32 s22, $0x11;
	[tilespmem:v14+s18+$0x0] =	vst.idx.msk $0xffff, v11;
	v7 =	vadd.s32 s24, v0;
	s24 =	simm.s32 $0x3;
	v11 =	vadd.s32 s31, v0;
	v24 =	vshll.u32 v8, $0x5  }
0x299: {  	s0 =	sor.u32 s4, s0;
	[tilespmem:v23+s18+$0x0] =	vst.idx.msk $0xffff, v9;
	s31 =	simm.s32 $0x5;
	v57 =	vand.u32 $0x78, v8;
	v9 =	vshll.u32 v7, $0x5;
	v12 =	vadd.s32 s24, v0  }
0x29a: {  	s26 =	simm.s32 $0x6;
	s22 =	sor.u32 $0x5, s20;
	s0 =	sshrl.u32 s0, $0x3;
	[tilespmem:v28+s18+$0x0] =	vst.idx.msk $0xffff, v13;
	v14 =	vshll.u32 v11, $0x5;
	v11 =	vand.u32 $0x7F, v11;
	v25 =	vadd.s32 s31, v0  }
0x29b: {  	p0 =	sgt.u32 s22, $0xC0;
	s0 =	sadd.s32 s2, s0;
	s24 =	simm.s32 $0x7;
	v24 =	vand.u32 $0xFE0, v24;
	v30 =	vand.u32 $0x7F, v7;
	v8 =	vor.u32 v4, v57;
	[tilespmem:v31+s18+$0x0] =	vst.idx.msk $0xffff, v6  }
0x29c: {  	v35 =	vor.u32 v2, v57;
	v9 =	vand.u32 $0xFE0, v9;
	v15 =	vshll.u32 v12, $0x5;
	[hbm4b:s0+s6] =	stream.strided.scatter [tilespmem:s18], [sflag:$0x9], $0x1000, s19, s6, $0x38;
	[tilespmem:$0x13D00] =	vst v63  }
0x29d: {  	s29 =	simm.s32 @!p0 $0x80;
	v14 =	vand.u32 $0xFE0, v14;
	v22 =	vadd.s32 s24, v0;
	v27 =	vshll.u32 v25, $0x5;
	_ =	swait.ge [sflag:s26], $0x1000  }
0x29e: {  	s31 =	simm.s32 $0x8;
	v28 =	vor.u32 v3, v24;
	v31 =	vor.u32 v1, v30;
	v56 =	vor.u32 v1, v11;
	s0 =	simm.s32 $0x1;
	[sflag:s26] =	ssyncset.done $0x0  }
0x29f: {  	v12 =	vand.u32 $0x7F, v12;
	v24 =	vor.u32 v0, v24;
	v6 =	vadd.s32 s0, v0;
	s0 =	simm.s32 @!p0 $0xA400;
	[sflag:s26] =	ssyncadd.s32 $0xFFFFF000;
	s26 =	sadd.s32 @!p0 $0x600, s9  }
0x2a0: {  	v25 =	vand.u32 $0x7F, v25;
	v15 =	vand.u32 $0xFE0, v15;
	v17 =	vor.u32 v0, v14;
	[tilespmem:s0], [sflag:$0x5] =	stream.indirect.gather @!p0 [hbm4b:s5+s29], $0x20, s26, s29, $0xb8;
	[tilespmem:$0x13D00] =	vst v63  }
0x2a1: {  	v37 =	vadd.s32 s31, v0;
	v18 =	vor.u32 v0, v9;
	v19 =	vor.u32 v0, v15;
	_ =	swait.ge [sflag:s30], $0x1000  }
0x2a2: {  	v26 =	vshll.u32 v22, $0x5;
	v27 =	vand.u32 $0xFE0, v27;
	v10 =	vshll.u32 v6, $0x5;
	s29 =	sshll.u32 s22, $0x5;
	[sflag:s30] =	ssyncset.done $0x0  }
0x2a3: {  	v14 =	vor.u32 v3, v14;
	v33 =	vor.u32 v3, v9;
	v10 =	vand.u32 $0xFE0, v10;
	s0 =	sand.u32 $0x3FFFFFE0, s29;
	[sflag:s30] =	ssyncadd.s32 $0xFFFFF000  }
0x2a4: {  	s24 =	simm.s32 $0x9;
	v58 =	vor.u32 v1, v12;
	v16 =	vand.u32 $0x7F, v6;
	v13 =	vor.u32 v0, v10;
	v6 =	vld [tilespmem:s0+$0x12400]  }
0x2a5: {  	s31 =	simm.s32 $0xB;
	v9 =	vor.u32 v5, v30;
	v38 =	vor.u32 v5, v12;
	v12 =	vadd.s32 s24, v0;
	v17 =	vld.idx.msk [tilespmem:v17+s15+$0x0], $0xffff  }
0x2a6: {  	v55 =	vadd.s32 s31, v0;
	v51 =	vand.u32 $0x78, v37;
	v26 =	vand.u32 $0xFE0, v26;
	v19 =	vld.idx.msk [tilespmem:v19+s15+$0x0], $0xffff  }
0x2a7: {  	v29 =	vor.u32 v0, v27;
	v27 =	vor.u32 v3, v27;
	v54 =	vshll.u32 v12, $0x5;
	v18 =	vld.idx.msk [tilespmem:v18+s15+$0x0], $0xffff  }
0x2a8: {  	v15 =	vor.u32 v3, v15;
	v32 =	vor.u32 v3, v26;
	v41 =	vand.u32 $0xFE0, v54;
	s26 =	simm.s32 $0x6;
	v24 =	vld.idx.msk [tilespmem:v24+s15+$0x0], $0xffff  }
0x2a9: {  	v20 =	vor.u32 v5, v16;
	v16 =	vor.u32 v1, v16;
	v21 =	vadd.s32 s26, v0;
	v13 =	vld.idx.msk [tilespmem:v13+s15+$0x0], $0xffff  }
0x2aa: {  	v61 =	vor.u32 v0, v41;
	v10 =	vor.u32 v3, v10;
	s26 =	simm.s32 $0xA;
	s29 =	simm.s32 $0xC;
	v23 =	vshll.u32 v21, $0x5  }
0x2ab: {  	v52 =	vadd.s32 s26, v0;
	v53 =	vadd.s32 s29, v0;
	v17 =	vadd.f32 v17, v6  }
0x2ac: {  	s26 =	simm.s32 $0xF;
	v23 =	vand.u32 $0xFE0, v23;
	v45 =	vand.u32 $0x7F, v53;
	v19 =	vadd.f32 v19, v6  }
0x2ad: {  	v49 =	vadd.s32 s26, v0;
	v7 =	vld [tilespmem:s0+$0x12410];
	v47 =	vor.u32 v3, v23;
	v24 =	vadd.f32 v24, v6;
	[tilespmem:v56+s21+$0x0] =	vst.idx.msk $0xffff, v17  }
0x2ae: {  	v39 =	vand.u32 $0x7F, v52;
	v13 =	vadd.f32 v13, v6;
	v17 =	vadd.f32 v18, v6;
	[tilespmem:v58+s21+$0x0] =	vst.idx.msk $0xffff, v19  }
0x2af: {  	v18 =	vor.u32 v0, v23;
	v19 =	vand.u32 $0x7F, v12;
	v12 =	vshll.u32 v55, $0x5;
	[tilespmem:v35+s21+$0x0] =	vst.idx.msk $0xffff, v24  }
0x2b0: {  	[tilespmem:v16+s21+$0x0] =	vst.idx.msk $0xffff, v13;
	v13 =	vor.u32 v0, v26;
	v16 =	vand.u32 $0x7F, v21;
	v21 =	vand.u32 $0x7F, v22;
	v22 =	vld.idx.msk [tilespmem:v29+s15+$0x0], $0xffff  }
0x2b1: {  	v29 =	vor.u32 v1, v25;
	v14 =	vld.idx.msk [tilespmem:v14+s15+$0x0], $0xffff;
	v63 =	vand.u32 $0xFE0, v12;
	v12 =	vor.u32 v5, v19  }
0x2b2: {  	v26 =	vld.idx.msk [tilespmem:v10+s15+$0x0], $0xffff;
	v30 =	vor.u32 v1, v16;
	v59 =	vor.u32 v1, v21;
	v10 =	vor.u32 v5, v21  }
0x2b3: {  	v28 =	vld.idx.msk [tilespmem:v28+s15+$0x0], $0xffff;
	v21 =	vor.u32 v5, v11;
	v11 =	vor.u32 v5, v16;
	v16 =	vshll.u32 v52, $0x5  }
0x2b4: {  	v24 =	vor.u32 v1, v19;
	v56 =	vld.idx.msk [tilespmem:v15+s15+$0x0], $0xffff;
	v60 =	vand.u32 $0xFE0, v16;
	v16 =	vshll.u32 v53, $0x5  }
0x2b5: {  	s29 =	simm.s32 $0xE;
	v48 =	vor.u32 v0, v63;
	[tilespmem:v31+s21+$0x0] =	vst.idx.msk $0xffff, v17;
	v31 =	vor.u32 v3, v41;
	v62 =	vand.u32 $0xFE0, v16  }
0x2b6: {  	v54 =	vld.idx.msk [tilespmem:v33+s15+$0x0], $0xffff;
	v23 =	vor.u32 v0, v60;
	v16 =	vor.u32 v5, v25;
	v25 =	vadd.s32 s29, v0  }
0x2b7: {  	v18 =	vld.idx.msk [tilespmem:v18+s15+$0x0], $0xffff;
	v46 =	vor.u32 v0, v62;
	v19 =	vshll.u32 v25, $0x5;
	v22 =	vadd.f32 v22, v6  }
0x2b8: {  	v50 =	vor.u32 v3, v62;
	v14 =	vadd.f32 v14, v7;
	v13 =	vld.idx.msk [tilespmem:v13+s15+$0x0], $0xffff;
	v36 =	vadd.f32 v28, v7  }
0x2b9: {  	s31 =	simm.s32 $0xD;
	v19 =	vand.u32 $0xFE0, v19;
	v28 =	vor.u32 v5, v45;
	v26 =	vadd.f32 v26, v7;
	[tilespmem:v29+s21+$0x0] =	vst.idx.msk $0xffff, v22  }
0x2ba: {  	v29 =	vld.idx.msk [tilespmem:v61+s15+$0x0], $0xffff;
	[tilespmem:v21+s21+$0x0] =	vst.idx.msk $0xffff, v14;
	v14 =	vshll.u32 v37, $0x5;
	v21 =	vadd.s32 s31, v0;
	v61 =	vadd.f32 v56, v7  }
0x2bb: {  	v22 =	vld.idx.msk [tilespmem:v27+s15+$0x0], $0xffff;
	v27 =	vshll.u32 v49, $0x5;
	[tilespmem:v20+s21+$0x0] =	vst.idx.msk $0xffff, v26;
	v20 =	vand.u32 $0xFE0, v14;
	v14 =	vshll.u32 v21, $0x5  }
0x2bc: {  	v21 =	vand.u32 $0x7F, v21;
	v53 =	vld.idx.msk [tilespmem:v23+s15+$0x0], $0xffff;
	v23 =	vor.u32 v4, v51;
	v27 =	vand.u32 $0xFE0, v27  }
0x2bd: {  	v26 =	vadd.f32 v18, v6;
	v15 =	vor.u32 v3, v20;
	v18 =	vor.u32 v3, v60  }
0x2be: {  	v14 =	vand.u32 $0xFE0, v14;
	v60 =	vor.u32 v1, v45;
	v52 =	vor.u32 v0, v20;
	[tilespmem:v38+s21+$0x0] =	vst.idx.msk $0xffff, v61  }
0x2bf: {  	v34 =	vor.u32 v1, v21;
	v38 =	vor.u32 v0, v19;
	v45 =	vadd.f32 v54, v7  }
0x2c0: {  	v58 =	vld.idx.msk [tilespmem:v46+s15+$0x0], $0xffff;
	v13 =	vadd.f32 v13, v6;
	v57 =	vor.u32 v0, v14;
	v17 =	vor.u32 v3, v14  }
0x2c1: {  	v14 =	vor.u32 v1, v39;
	[tilespmem:v30+s21+$0x0] =	vst.idx.msk $0xffff, v26;
	v30 =	vor.u32 v0, v27  }
0x2c2: {  	v26 =	vor.u32 v5, v39;
	[tilespmem:v59+s21+$0x0] =	vst.idx.msk $0xffff, v13;
	v59 =	vld.idx.msk [tilespmem:v48+s15+$0x0], $0xffff;
	v44 =	vadd.f32 v29, v6  }
0x2c3: {  	v13 =	vor.u32 v3, v27;
	v29 =	vand.u32 $0x7F, v55;
	v55 =	vand.u32 $0x7F, v25;
	v62 =	vld.idx.msk [tilespmem:v32+s15+$0x0], $0xffff  }
0x2c4: {  	v42 =	vld.idx.msk [tilespmem:v47+s15+$0x0], $0xffff;
	v27 =	vor.u32 v2, v51;
	v35 =	vadd.f32 v22, v7;
	v32 =	vor.u32 v1, v29  }
0x2c5: {  	v22 =	vor.u32 v3, v63;
	[tilespmem:v24+s21+$0x0] =	vst.idx.msk $0xffff, v44;
	v24 =	vadd.f32 v58, v6;
	v43 =	vld.idx.msk [tilespmem:v57+s15+$0x0], $0xffff  }
0x2c6: {  	v63 =	vand.u32 $0x7F, v49;
	v20 =	vor.u32 v1, v55;
	v25 =	vadd.f32 v53, v6;
	v33 =	vld.idx.msk [tilespmem:v31+s15+$0x0], $0xffff  }
0x2c7: {  	v41 =	vld.idx.msk [tilespmem:v52+s15+$0x0], $0xffff;
	v40 =	vor.u32 v5, v63;
	v31 =	vor.u32 v5, v55;
	[tilespmem:v60+s21+$0x0] =	vst.idx.msk $0xffff, v24  }
0x2c8: {  	s24 =	simm.s32 $0x10;
	v24 =	vor.u32 v1, v63;
	v37 =	vadd.f32 v59, v6;
	v39 =	vld.idx.msk [tilespmem:v50+s15+$0x0], $0xffff;
	v44 =	vadd.f32 v62, v7  }
.LBB2_13:
0x2c9: {  	v46 =	vadd.s32 s24, v0;
	s0 =	sadd.s32 $0x1, s24;
	s26 =	sadd.s32 $0x2, s24;
	s29 =	sadd.s32 $0x7, s24;
	v47 =	vor.u32 v5, v29;
	[tilespmem:v16+s21+$0x0] =	vst.idx.msk $0xffff, v35;
	v16 =	vadd.f32 v42, v7  }
0x2ca: {  	s31 =	sadd.s32 $0x6, s24;
	v42 =	vadd.f32 v43, v6;
	v29 =	vadd.s32 s0, v0;
	v35 =	vadd.s32 s26, v0;
	s0 =	sadd.s32 $0x3, s24;
	s26 =	sadd.s32 $0x4, s24;
	[tilespmem:v10+s21+$0x0] =	vst.idx.msk $0xffff, v44;
	v10 =	vmovc v40  }
0x2cb: {  	p0 =	slt.u32 s24, $0x78;
	v33 =	vadd.f32 v33, v7;
	v40 =	vshll.u32 v35, $0x5;
	v43 =	vadd.s32 s26, v0;
	s26 =	sadd.s32 $0x5, s24;
	s24 =	sadd.s32 $0x8, s24;
	[tilespmem:v32+s21+$0x0] =	vst.idx.msk $0xffff, v37  }
0x2cc: {  	v32 =	vshll.u32 v29, $0x5;
	v37 =	vadd.s32 s0, v0;
	v41 =	vadd.f32 v41, v6;
	[tilespmem:v9+s21+$0x0] =	vst.idx.msk $0xffff, v45;
	v9 =	vmovc v26  }
0x2cd: {  	v26 =	vand.u32 $0xFE0, v32;
	v32 =	vand.u32 $0xFE0, v40;
	v39 =	vadd.f32 v39, v7;
	[tilespmem:v8+s21+$0x0] =	vst.idx.msk $0xffff, v36;
	v8 =	vmovc v23  }
0x2ce: {  	v45 =	vand.u32 $0x7F, v43;
	v23 =	vor.u32 v0, v26;
	v36 =	vshll.u32 v43, $0x5;
	v30 =	vld.idx.msk [tilespmem:v30+s15+$0x0], $0xffff;
	[tilespmem:v11+s21+$0x0] =	vst.idx.msk $0xffff, v16  }
0x2cf: {  	v29 =	vand.u32 $0x7F, v29;
	v16 =	vshll.u32 v37, $0x5;
	v36 =	vand.u32 $0xFE0, v36;
	v11 =	vmovc v31;
	[tilespmem:v34+s21+$0x0] =	vst.idx.msk $0xffff, v42;
	v34 =	vld.idx.msk [tilespmem:v38+s15+$0x0], $0xffff  }
0x2d0: {  	v31 =	vand.u32 $0xFE0, v16;
	v38 =	vor.u32 v0, v36;
	v42 =	vor.u32 v3, v19;
	v40 =	vld.idx.msk [tilespmem:v17+s15+$0x0], $0xffff  }
0x2d1: {  	v43 =	vor.u32 v0, v32;
	v16 =	vor.u32 v5, v21;
	v17 =	vor.u32 v0, v31;
	v22 =	vld.idx.msk [tilespmem:v22+s15+$0x0], $0xffff  }
0x2d2: {  	v44 =	vadd.s32 s31, v0;
	v48 =	vadd.s32 s29, v0;
	v19 =	vor.u32 v5, v29;
	[tilespmem:v27+s21+$0x0] =	vst.idx.msk $0xffff, v41  }
0x2d3: {  	v27 =	vshll.u32 v44, $0x5;
	v21 =	vld.idx.msk [tilespmem:v23+s15+$0x0], $0xffff;
	v23 =	vor.u32 v1, v29;
	v29 =	vshll.u32 v48, $0x5;
	[tilespmem:v28+s21+$0x0] =	vst.idx.msk $0xffff, v39  }
0x2d4: {  	v28 =	vshll.u32 v46, $0x5;
	v39 =	vadd.s32 s26, v0;
	v41 =	vand.u32 $0xFE0, v29;
	[tilespmem:v12+s21+$0x0] =	vst.idx.msk $0xffff, v33;
	v12 =	vmovc v19  }
0x2d5: {  	v28 =	vand.u32 $0xFE0, v28;
	v19 =	vshll.u32 v39, $0x5;
	v33 =	vld.idx.msk [tilespmem:v38+s15+$0x0], $0xffff;
	[tilespmem:v14+s21+$0x0] =	vst.idx.msk $0xffff, v25;
	v25 =	vadd.f32 v34, v6  }
0x2d6: {  	v29 =	vadd.f32 v30, v6;
	v38 =	vor.u32 v3, v28;
	v14 =	vand.u32 $0xFE0, v19;
	v34 =	vld.idx.msk [tilespmem:v17+s15+$0x0], $0xffff  }
0x2d7: {  	v26 =	vor.u32 v3, v26;
	v49 =	vor.u32 v3, v36;
	v36 =	vor.u32 v0, v14  }
0x2d8: {  	v50 =	vand.u32 $0x7F, v35;
	v19 =	vand.u32 $0xFE0, v27;
	v17 =	vor.u32 v3, v14;
	v15 =	vld.idx.msk [tilespmem:v15+s15+$0x0], $0xffff;
	[tilespmem:v24+s21+$0x0] =	vst.idx.msk $0xffff, v29  }
0x2d9: {  	v14 =	vor.u32 v1, v50;
	v21 =	vadd.f32 v21, v6;
	v24 =	vld.idx.msk [tilespmem:v13+s15+$0x0], $0xffff;
	v13 =	vor.u32 v3, v41  }
0x2da: {  	v52 =	vor.u32 v3, v32;
	v53 =	vor.u32 v1, v45;
	v27 =	vadd.f32 v22, v7;
	v51 =	vld.idx.msk [tilespmem:v43+s15+$0x0], $0xffff  }
0x2db: {  	v46 =	vand.u32 $0x78, v46;
	v35 =	vadd.f32 v40, v7;
	v29 =	vand.u32 $0x7F, v37;
	v18 =	vld.idx.msk [tilespmem:v18+s15+$0x0], $0xffff;
	[tilespmem:v20+s21+$0x0] =	vst.idx.msk $0xffff, v25  }
0x2dc: {  	v32 =	vor.u32 v1, v29;
	v25 =	vor.u32 v0, v28;
	[tilespmem:v23+s21+$0x0] =	vst.idx.msk $0xffff, v21;
	v21 =	vand.u32 $0x7F, v39  }
0x2dd: {  	v30 =	vor.u32 v0, v41;
	v22 =	vor.u32 v3, v31;
	v28 =	vadd.f32 v33, v6;
	v42 =	vld.idx.msk [tilespmem:v42+s15+$0x0], $0xffff  }
0x2de: {  	v40 =	vand.u32 $0x7F, v48;
	v31 =	vand.u32 $0x7F, v44;
	v23 =	vor.u32 v4, v46;
	v33 =	vld.idx.msk [tilespmem:v26+s15+$0x0], $0xffff;
	[tilespmem:v47+s21+$0x0] =	vst.idx.msk $0xffff, v27  }
.Ltmp5:
0x2df: {  	v37 =	vadd.f32 v34, v6;
	v26 =	vor.u32 v5, v50;
	v43 =	vld.idx.msk [tilespmem:v36+s15+$0x0], $0xffff;
	v36 =	vadd.f32 v15, v7;
	(pc) =	sbr.rel @p0 .LBB2_13-.Ltmp5, $4  }
0x2e0: {  	v20 =	vor.u32 v1, v31;
	v34 =	vor.u32 v1, v21;
	v44 =	vadd.f32 v24, v7;
	v15 =	vmovc v38  }
0x2e1: {  	v27 =	vor.u32 v2, v46;
	v24 =	vor.u32 v1, v40;
	v41 =	vld.idx.msk [tilespmem:v25+s15+$0x0], $0xffff;
	[tilespmem:v53+s21+$0x0] =	vst.idx.msk $0xffff, v28  }
0x2e2: {  	v40 =	vor.u32 v5, v40;
	v38 =	vor.u32 v0, v19;
	v25 =	vadd.f32 v51, v6;
	v39 =	vld.idx.msk [tilespmem:v49+s15+$0x0], $0xffff  }
0x2e3: {  	v31 =	vor.u32 v5, v31;
	v28 =	vor.u32 v5, v45;
	v45 =	vadd.f32 v18, v7;
	v18 =	vmovc v52  }
0x2e4: {  	_ =	sdelay $0x3  }
0x2e5: {  	[tilespmem:v16+s21+$0x0] =	vst.idx.msk $0xffff, v35  }
0x2e6: {  	v16 =	vld.idx.msk [tilespmem:v30+s15+$0x0], $0xffff;
	[tilespmem:v10+s21+$0x0] =	vst.idx.msk $0xffff, v44  }
0x2e7: {  	[tilespmem:v32+s21+$0x0] =	vst.idx.msk $0xffff, v37  }
0x2e8: {  	[tilespmem:v8+s21+$0x0] =	vst.idx.msk $0xffff, v36  }
0x2e9: {  	v10 =	vadd.f32 v42, v7;
	[tilespmem:v9+s21+$0x0] =	vst.idx.msk $0xffff, v45;
	v9 =	vld.idx.msk [tilespmem:v38+s15+$0x0], $0xffff  }
0x2ea: {  	v30 =	vadd.f32 v43, v6;
	[tilespmem:v14+s21+$0x0] =	vst.idx.msk $0xffff, v25  }
0x2eb: {  	[tilespmem:v11+s21+$0x0] =	vst.idx.msk $0xffff, v10;
	v8 =	vadd.f32 v16, v6  }
0x2ec: {  	[tilespmem:v34+s21+$0x0] =	vst.idx.msk $0xffff, v30;
	v10 =	vor.u32 v3, v19;
	v11 =	vld.idx.msk [tilespmem:v22+s15+$0x0], $0xffff;
	v16 =	vadd.f32 v41, v6  }
0x2ed: {  	v17 =	vld.idx.msk [tilespmem:v17+s15+$0x0], $0xffff;
	[tilespmem:v24+s21+$0x0] =	vst.idx.msk $0xffff, v8  }
0x2ee: {  	v6 =	vadd.f32 v9, v6;
	v8 =	vor.u32 v5, v29;
	[tilespmem:v27+s21+$0x0] =	vst.idx.msk $0xffff, v16;
	v16 =	vld.idx.msk [tilespmem:v18+s15+$0x0], $0xffff  }
0x2ef: {  	v9 =	vld.idx.msk [tilespmem:v13+s15+$0x0], $0xffff  }
0x2f0: {  	v15 =	vld.idx.msk [tilespmem:v15+s15+$0x0], $0xffff;
	[tilespmem:v20+s21+$0x0] =	vst.idx.msk $0xffff, v6  }
0x2f1: {  	v6 =	vadd.f32 v11, v7;
	v10 =	vld.idx.msk [tilespmem:v10+s15+$0x0], $0xffff  }
0x2f2: {  	v14 =	vor.u32 v5, v21;
	v18 =	vadd.f32 v33, v7  }
0x2f3: {  	[tilespmem:v8+s21+$0x0] =	vst.idx.msk $0xffff, v6;
	v8 =	vadd.f32 v16, v7  }
0x2f4: {  	[tilespmem:v12+s21+$0x0] =	vst.idx.msk $0xffff, v18;
	v6 =	vadd.f32 v9, v7  }
0x2f5: {  	s31 =	simm.s32 $0x0;
	v13 =	vadd.f32 v39, v7;
	v11 =	vadd.f32 v17, v7;
	[tilespmem:v26+s21+$0x0] =	vst.idx.msk $0xffff, v8  }
0x2f6: {  	s24 =	simm.s32 $0x2;
	v9 =	vadd.f32 v15, v7;
	v8 =	vadd.s32 s31, v0;
	s31 =	simm.s32 $0x4;
	[tilespmem:v40+s21+$0x0] =	vst.idx.msk $0xffff, v6;
	v6 =	vadd.f32 v10, v7  }
0x2f7: {  	s0 =	sshll.u32 s22, $0x11;
	[tilespmem:v14+s21+$0x0] =	vst.idx.msk $0xffff, v11;
	v7 =	vadd.s32 s24, v0;
	s24 =	simm.s32 $0x3;
	v11 =	vadd.s32 s31, v0;
	v24 =	vshll.u32 v8, $0x5  }
0x2f8: {  	s0 =	sor.u32 s4, s0;
	[tilespmem:v23+s21+$0x0] =	vst.idx.msk $0xffff, v9;
	s31 =	simm.s32 $0x5;
	v57 =	vand.u32 $0x78, v8;
	v9 =	vshll.u32 v7, $0x5;
	v12 =	vadd.s32 s24, v0  }
0x2f9: {  	s26 =	simm.s32 $0x7;
	s22 =	sor.u32 $0x6, s20;
	s0 =	sshrl.u32 s0, $0x3;
	[tilespmem:v28+s21+$0x0] =	vst.idx.msk $0xffff, v13;
	v14 =	vshll.u32 v11, $0x5;
	v11 =	vand.u32 $0x7F, v11;
	v25 =	vadd.s32 s31, v0  }
0x2fa: {  	p0 =	sgt.u32 s22, $0xC0;
	s0 =	sadd.s32 s2, s0;
	s24 =	simm.s32 $0x7;
	v24 =	vand.u32 $0xFE0, v24;
	v30 =	vand.u32 $0x7F, v7;
	v8 =	vor.u32 v4, v57;
	[tilespmem:v31+s21+$0x0] =	vst.idx.msk $0xffff, v6  }
0x2fb: {  	v35 =	vor.u32 v2, v57;
	v9 =	vand.u32 $0xFE0, v9;
	v15 =	vshll.u32 v12, $0x5;
	[hbm4b:s0+s6] =	stream.strided.scatter [tilespmem:s21], [sflag:$0xA], $0x1000, s19, s6, $0x38;
	[tilespmem:$0x13D00] =	vst v63  }
0x2fc: {  	s29 =	simm.s32 @!p0 $0x80;
	v14 =	vand.u32 $0xFE0, v14;
	v22 =	vadd.s32 s24, v0;
	v27 =	vshll.u32 v25, $0x5;
	_ =	swait.ge [sflag:s26], $0x1000  }
0x2fd: {  	s31 =	simm.s32 $0x8;
	v28 =	vor.u32 v3, v24;
	v31 =	vor.u32 v1, v30;
	v56 =	vor.u32 v1, v11;
	s0 =	simm.s32 $0x1;
	[sflag:s26] =	ssyncset.done $0x0  }
0x2fe: {  	v12 =	vand.u32 $0x7F, v12;
	v24 =	vor.u32 v0, v24;
	v6 =	vadd.s32 s0, v0;
	s0 =	simm.s32 @!p0 $0xB400;
	[sflag:s26] =	ssyncadd.s32 $0xFFFFF000;
	s26 =	sadd.s32 @!p0 $0x680, s9  }
0x2ff: {  	v25 =	vand.u32 $0x7F, v25;
	v15 =	vand.u32 $0xFE0, v15;
	v17 =	vor.u32 v0, v14;
	[tilespmem:s0], [sflag:$0x6] =	stream.indirect.gather @!p0 [hbm4b:s5+s29], $0x20, s26, s29, $0xb8;
	[tilespmem:$0x13D00] =	vst v63  }
0x300: {  	v37 =	vadd.s32 s31, v0;
	v18 =	vor.u32 v0, v9;
	v19 =	vor.u32 v0, v15;
	_ =	swait.ge [sflag:s1], $0x1000  }
0x301: {  	v26 =	vshll.u32 v22, $0x5;
	v27 =	vand.u32 $0xFE0, v27;
	v10 =	vshll.u32 v6, $0x5;
	s29 =	sshll.u32 s22, $0x5;
	[sflag:s1] =	ssyncset.done $0x0  }
0x302: {  	v14 =	vor.u32 v3, v14;
	v33 =	vor.u32 v3, v9;
	v10 =	vand.u32 $0xFE0, v10;
	s0 =	sand.u32 $0x3FFFFFE0, s29;
	[sflag:s1] =	ssyncadd.s32 $0xFFFFF000  }
0x303: {  	s24 =	simm.s32 $0x9;
	v58 =	vor.u32 v1, v12;
	v16 =	vand.u32 $0x7F, v6;
	v13 =	vor.u32 v0, v10;
	v6 =	vld [tilespmem:s0+$0x12400]  }
0x304: {  	s31 =	simm.s32 $0xB;
	v9 =	vor.u32 v5, v30;
	v38 =	vor.u32 v5, v12;
	v12 =	vadd.s32 s24, v0;
	v17 =	vld.idx.msk [tilespmem:v17+s16+$0x0], $0xffff  }
0x305: {  	v55 =	vadd.s32 s31, v0;
	v51 =	vand.u32 $0x78, v37;
	v26 =	vand.u32 $0xFE0, v26;
	v19 =	vld.idx.msk [tilespmem:v19+s16+$0x0], $0xffff  }
0x306: {  	v29 =	vor.u32 v0, v27;
	v27 =	vor.u32 v3, v27;
	v54 =	vshll.u32 v12, $0x5;
	v18 =	vld.idx.msk [tilespmem:v18+s16+$0x0], $0xffff  }
0x307: {  	v15 =	vor.u32 v3, v15;
	v32 =	vor.u32 v3, v26;
	v41 =	vand.u32 $0xFE0, v54;
	s26 =	simm.s32 $0x6;
	v24 =	vld.idx.msk [tilespmem:v24+s16+$0x0], $0xffff  }
0x308: {  	v20 =	vor.u32 v5, v16;
	v16 =	vor.u32 v1, v16;
	v21 =	vadd.s32 s26, v0;
	v13 =	vld.idx.msk [tilespmem:v13+s16+$0x0], $0xffff  }
0x309: {  	v61 =	vor.u32 v0, v41;
	v10 =	vor.u32 v3, v10;
	s26 =	simm.s32 $0xA;
	s29 =	simm.s32 $0xC;
	v23 =	vshll.u32 v21, $0x5  }
0x30a: {  	v52 =	vadd.s32 s26, v0;
	v53 =	vadd.s32 s29, v0;
	v17 =	vadd.f32 v17, v6  }
0x30b: {  	s26 =	simm.s32 $0xF;
	v23 =	vand.u32 $0xFE0, v23;
	v45 =	vand.u32 $0x7F, v53;
	v19 =	vadd.f32 v19, v6  }
0x30c: {  	v49 =	vadd.s32 s26, v0;
	v7 =	vld [tilespmem:s0+$0x12410];
	v47 =	vor.u32 v3, v23;
	v24 =	vadd.f32 v24, v6;
	[tilespmem:v56+s23+$0x0] =	vst.idx.msk $0xffff, v17  }
0x30d: {  	v39 =	vand.u32 $0x7F, v52;
	v13 =	vadd.f32 v13, v6;
	v17 =	vadd.f32 v18, v6;
	[tilespmem:v58+s23+$0x0] =	vst.idx.msk $0xffff, v19  }
0x30e: {  	v18 =	vor.u32 v0, v23;
	v19 =	vand.u32 $0x7F, v12;
	v12 =	vshll.u32 v55, $0x5;
	[tilespmem:v35+s23+$0x0] =	vst.idx.msk $0xffff, v24  }
0x30f: {  	[tilespmem:v16+s23+$0x0] =	vst.idx.msk $0xffff, v13;
	v13 =	vor.u32 v0, v26;
	v16 =	vand.u32 $0x7F, v21;
	v21 =	vand.u32 $0x7F, v22;
	v22 =	vld.idx.msk [tilespmem:v29+s16+$0x0], $0xffff  }
0x310: {  	v29 =	vor.u32 v1, v25;
	v14 =	vld.idx.msk [tilespmem:v14+s16+$0x0], $0xffff;
	v63 =	vand.u32 $0xFE0, v12;
	v12 =	vor.u32 v5, v19  }
0x311: {  	v26 =	vld.idx.msk [tilespmem:v10+s16+$0x0], $0xffff;
	v30 =	vor.u32 v1, v16;
	v59 =	vor.u32 v1, v21;
	v10 =	vor.u32 v5, v21  }
0x312: {  	v28 =	vld.idx.msk [tilespmem:v28+s16+$0x0], $0xffff;
	v21 =	vor.u32 v5, v11;
	v11 =	vor.u32 v5, v16;
	v16 =	vshll.u32 v52, $0x5  }
0x313: {  	v24 =	vor.u32 v1, v19;
	v56 =	vld.idx.msk [tilespmem:v15+s16+$0x0], $0xffff;
	v60 =	vand.u32 $0xFE0, v16;
	v16 =	vshll.u32 v53, $0x5  }
0x314: {  	s29 =	simm.s32 $0xE;
	v48 =	vor.u32 v0, v63;
	[tilespmem:v31+s23+$0x0] =	vst.idx.msk $0xffff, v17;
	v31 =	vor.u32 v3, v41;
	v62 =	vand.u32 $0xFE0, v16  }
0x315: {  	v54 =	vld.idx.msk [tilespmem:v33+s16+$0x0], $0xffff;
	v23 =	vor.u32 v0, v60;
	v16 =	vor.u32 v5, v25;
	v25 =	vadd.s32 s29, v0  }
0x316: {  	v18 =	vld.idx.msk [tilespmem:v18+s16+$0x0], $0xffff;
	v46 =	vor.u32 v0, v62;
	v19 =	vshll.u32 v25, $0x5;
	v22 =	vadd.f32 v22, v6  }
0x317: {  	v50 =	vor.u32 v3, v62;
	v14 =	vadd.f32 v14, v7;
	v13 =	vld.idx.msk [tilespmem:v13+s16+$0x0], $0xffff;
	v36 =	vadd.f32 v28, v7  }
0x318: {  	s31 =	simm.s32 $0xD;
	v19 =	vand.u32 $0xFE0, v19;
	v28 =	vor.u32 v5, v45;
	v26 =	vadd.f32 v26, v7;
	[tilespmem:v29+s23+$0x0] =	vst.idx.msk $0xffff, v22  }
0x319: {  	v29 =	vld.idx.msk [tilespmem:v61+s16+$0x0], $0xffff;
	[tilespmem:v21+s23+$0x0] =	vst.idx.msk $0xffff, v14;
	v14 =	vshll.u32 v37, $0x5;
	v21 =	vadd.s32 s31, v0;
	v61 =	vadd.f32 v56, v7  }
0x31a: {  	v22 =	vld.idx.msk [tilespmem:v27+s16+$0x0], $0xffff;
	v27 =	vshll.u32 v49, $0x5;
	[tilespmem:v20+s23+$0x0] =	vst.idx.msk $0xffff, v26;
	v20 =	vand.u32 $0xFE0, v14;
	v14 =	vshll.u32 v21, $0x5  }
0x31b: {  	v21 =	vand.u32 $0x7F, v21;
	v53 =	vld.idx.msk [tilespmem:v23+s16+$0x0], $0xffff;
	v23 =	vor.u32 v4, v51;
	v27 =	vand.u32 $0xFE0, v27  }
0x31c: {  	v26 =	vadd.f32 v18, v6;
	v15 =	vor.u32 v3, v20;
	v18 =	vor.u32 v3, v60  }
0x31d: {  	v14 =	vand.u32 $0xFE0, v14;
	v60 =	vor.u32 v1, v45;
	v52 =	vor.u32 v0, v20;
	[tilespmem:v38+s23+$0x0] =	vst.idx.msk $0xffff, v61  }
0x31e: {  	v34 =	vor.u32 v1, v21;
	v38 =	vor.u32 v0, v19;
	v45 =	vadd.f32 v54, v7  }
0x31f: {  	v58 =	vld.idx.msk [tilespmem:v46+s16+$0x0], $0xffff;
	v13 =	vadd.f32 v13, v6;
	v57 =	vor.u32 v0, v14;
	v17 =	vor.u32 v3, v14  }
0x320: {  	v14 =	vor.u32 v1, v39;
	[tilespmem:v30+s23+$0x0] =	vst.idx.msk $0xffff, v26;
	v30 =	vor.u32 v0, v27  }
0x321: {  	v26 =	vor.u32 v5, v39;
	[tilespmem:v59+s23+$0x0] =	vst.idx.msk $0xffff, v13;
	v59 =	vld.idx.msk [tilespmem:v48+s16+$0x0], $0xffff;
	v44 =	vadd.f32 v29, v6  }
0x322: {  	v13 =	vor.u32 v3, v27;
	v29 =	vand.u32 $0x7F, v55;
	v55 =	vand.u32 $0x7F, v25;
	v62 =	vld.idx.msk [tilespmem:v32+s16+$0x0], $0xffff  }
0x323: {  	v42 =	vld.idx.msk [tilespmem:v47+s16+$0x0], $0xffff;
	v27 =	vor.u32 v2, v51;
	v35 =	vadd.f32 v22, v7;
	v32 =	vor.u32 v1, v29  }
0x324: {  	v22 =	vor.u32 v3, v63;
	[tilespmem:v24+s23+$0x0] =	vst.idx.msk $0xffff, v44;
	v24 =	vadd.f32 v58, v6;
	v43 =	vld.idx.msk [tilespmem:v57+s16+$0x0], $0xffff  }
0x325: {  	v63 =	vand.u32 $0x7F, v49;
	v20 =	vor.u32 v1, v55;
	v25 =	vadd.f32 v53, v6;
	v33 =	vld.idx.msk [tilespmem:v31+s16+$0x0], $0xffff  }
0x326: {  	v41 =	vld.idx.msk [tilespmem:v52+s16+$0x0], $0xffff;
	v40 =	vor.u32 v5, v63;
	v31 =	vor.u32 v5, v55;
	[tilespmem:v60+s23+$0x0] =	vst.idx.msk $0xffff, v24  }
0x327: {  	s24 =	simm.s32 $0x10;
	v24 =	vor.u32 v1, v63;
	v37 =	vadd.f32 v59, v6;
	v39 =	vld.idx.msk [tilespmem:v50+s16+$0x0], $0xffff;
	v44 =	vadd.f32 v62, v7  }
.LBB2_15:
0x328: {  	v46 =	vadd.s32 s24, v0;
	s0 =	sadd.s32 $0x1, s24;
	s26 =	sadd.s32 $0x2, s24;
	s29 =	sadd.s32 $0x7, s24;
	v47 =	vor.u32 v5, v29;
	[tilespmem:v16+s23+$0x0] =	vst.idx.msk $0xffff, v35;
	v16 =	vadd.f32 v42, v7  }
0x329: {  	s31 =	sadd.s32 $0x6, s24;
	v42 =	vadd.f32 v43, v6;
	v29 =	vadd.s32 s0, v0;
	v35 =	vadd.s32 s26, v0;
	s0 =	sadd.s32 $0x3, s24;
	s26 =	sadd.s32 $0x4, s24;
	[tilespmem:v10+s23+$0x0] =	vst.idx.msk $0xffff, v44;
	v10 =	vmovc v40  }
0x32a: {  	p0 =	slt.u32 s24, $0x78;
	v33 =	vadd.f32 v33, v7;
	v40 =	vshll.u32 v35, $0x5;
	v43 =	vadd.s32 s26, v0;
	s26 =	sadd.s32 $0x5, s24;
	s24 =	sadd.s32 $0x8, s24;
	[tilespmem:v32+s23+$0x0] =	vst.idx.msk $0xffff, v37  }
0x32b: {  	v32 =	vshll.u32 v29, $0x5;
	v37 =	vadd.s32 s0, v0;
	v41 =	vadd.f32 v41, v6;
	[tilespmem:v9+s23+$0x0] =	vst.idx.msk $0xffff, v45;
	v9 =	vmovc v26  }
0x32c: {  	v26 =	vand.u32 $0xFE0, v32;
	v32 =	vand.u32 $0xFE0, v40;
	v39 =	vadd.f32 v39, v7;
	[tilespmem:v8+s23+$0x0] =	vst.idx.msk $0xffff, v36;
	v8 =	vmovc v23  }
0x32d: {  	v45 =	vand.u32 $0x7F, v43;
	v23 =	vor.u32 v0, v26;
	v36 =	vshll.u32 v43, $0x5;
	v30 =	vld.idx.msk [tilespmem:v30+s16+$0x0], $0xffff;
	[tilespmem:v11+s23+$0x0] =	vst.idx.msk $0xffff, v16  }
0x32e: {  	v29 =	vand.u32 $0x7F, v29;
	v16 =	vshll.u32 v37, $0x5;
	v36 =	vand.u32 $0xFE0, v36;
	v11 =	vmovc v31;
	[tilespmem:v34+s23+$0x0] =	vst.idx.msk $0xffff, v42;
	v34 =	vld.idx.msk [tilespmem:v38+s16+$0x0], $0xffff  }
0x32f: {  	v31 =	vand.u32 $0xFE0, v16;
	v38 =	vor.u32 v0, v36;
	v42 =	vor.u32 v3, v19;
	v40 =	vld.idx.msk [tilespmem:v17+s16+$0x0], $0xffff  }
0x330: {  	v43 =	vor.u32 v0, v32;
	v16 =	vor.u32 v5, v21;
	v17 =	vor.u32 v0, v31;
	v22 =	vld.idx.msk [tilespmem:v22+s16+$0x0], $0xffff  }
0x331: {  	v44 =	vadd.s32 s31, v0;
	v48 =	vadd.s32 s29, v0;
	v19 =	vor.u32 v5, v29;
	[tilespmem:v27+s23+$0x0] =	vst.idx.msk $0xffff, v41  }
0x332: {  	v27 =	vshll.u32 v44, $0x5;
	v21 =	vld.idx.msk [tilespmem:v23+s16+$0x0], $0xffff;
	v23 =	vor.u32 v1, v29;
	v29 =	vshll.u32 v48, $0x5;
	[tilespmem:v28+s23+$0x0] =	vst.idx.msk $0xffff, v39  }
0x333: {  	v28 =	vshll.u32 v46, $0x5;
	v39 =	vadd.s32 s26, v0;
	v41 =	vand.u32 $0xFE0, v29;
	[tilespmem:v12+s23+$0x0] =	vst.idx.msk $0xffff, v33;
	v12 =	vmovc v19  }
0x334: {  	v28 =	vand.u32 $0xFE0, v28;
	v19 =	vshll.u32 v39, $0x5;
	v33 =	vld.idx.msk [tilespmem:v38+s16+$0x0], $0xffff;
	[tilespmem:v14+s23+$0x0] =	vst.idx.msk $0xffff, v25;
	v25 =	vadd.f32 v34, v6  }
0x335: {  	v29 =	vadd.f32 v30, v6;
	v38 =	vor.u32 v3, v28;
	v14 =	vand.u32 $0xFE0, v19;
	v34 =	vld.idx.msk [tilespmem:v17+s16+$0x0], $0xffff  }
0x336: {  	v26 =	vor.u32 v3, v26;
	v49 =	vor.u32 v3, v36;
	v36 =	vor.u32 v0, v14  }
0x337: {  	v50 =	vand.u32 $0x7F, v35;
	v19 =	vand.u32 $0xFE0, v27;
	v17 =	vor.u32 v3, v14;
	v15 =	vld.idx.msk [tilespmem:v15+s16+$0x0], $0xffff;
	[tilespmem:v24+s23+$0x0] =	vst.idx.msk $0xffff, v29  }
0x338: {  	v14 =	vor.u32 v1, v50;
	v21 =	vadd.f32 v21, v6;
	v24 =	vld.idx.msk [tilespmem:v13+s16+$0x0], $0xffff;
	v13 =	vor.u32 v3, v41  }
0x339: {  	v52 =	vor.u32 v3, v32;
	v53 =	vor.u32 v1, v45;
	v27 =	vadd.f32 v22, v7;
	v51 =	vld.idx.msk [tilespmem:v43+s16+$0x0], $0xffff  }
0x33a: {  	v46 =	vand.u32 $0x78, v46;
	v35 =	vadd.f32 v40, v7;
	v29 =	vand.u32 $0x7F, v37;
	v18 =	vld.idx.msk [tilespmem:v18+s16+$0x0], $0xffff;
	[tilespmem:v20+s23+$0x0] =	vst.idx.msk $0xffff, v25  }
0x33b: {  	v32 =	vor.u32 v1, v29;
	v25 =	vor.u32 v0, v28;
	[tilespmem:v23+s23+$0x0] =	vst.idx.msk $0xffff, v21;
	v21 =	vand.u32 $0x7F, v39  }
0x33c: {  	v30 =	vor.u32 v0, v41;
	v22 =	vor.u32 v3, v31;
	v28 =	vadd.f32 v33, v6;
	v42 =	vld.idx.msk [tilespmem:v42+s16+$0x0], $0xffff  }
0x33d: {  	v40 =	vand.u32 $0x7F, v48;
	v31 =	vand.u32 $0x7F, v44;
	v23 =	vor.u32 v4, v46;
	v33 =	vld.idx.msk [tilespmem:v26+s16+$0x0], $0xffff;
	[tilespmem:v47+s23+$0x0] =	vst.idx.msk $0xffff, v27  }
.Ltmp6:
0x33e: {  	v37 =	vadd.f32 v34, v6;
	v26 =	vor.u32 v5, v50;
	v43 =	vld.idx.msk [tilespmem:v36+s16+$0x0], $0xffff;
	v36 =	vadd.f32 v15, v7;
	(pc) =	sbr.rel @p0 .LBB2_15-.Ltmp6, $4  }
0x33f: {  	v20 =	vor.u32 v1, v31;
	v34 =	vor.u32 v1, v21;
	v44 =	vadd.f32 v24, v7;
	v15 =	vmovc v38  }
0x340: {  	v27 =	vor.u32 v2, v46;
	v24 =	vor.u32 v1, v40;
	v41 =	vld.idx.msk [tilespmem:v25+s16+$0x0], $0xffff;
	[tilespmem:v53+s23+$0x0] =	vst.idx.msk $0xffff, v28  }
0x341: {  	v40 =	vor.u32 v5, v40;
	v38 =	vor.u32 v0, v19;
	v25 =	vadd.f32 v51, v6;
	v39 =	vld.idx.msk [tilespmem:v49+s16+$0x0], $0xffff  }
0x342: {  	v31 =	vor.u32 v5, v31;
	v28 =	vor.u32 v5, v45;
	v45 =	vadd.f32 v18, v7;
	v18 =	vmovc v52  }
0x343: {  	_ =	sdelay $0x3  }
0x344: {  	[tilespmem:v16+s23+$0x0] =	vst.idx.msk $0xffff, v35  }
0x345: {  	v16 =	vld.idx.msk [tilespmem:v30+s16+$0x0], $0xffff;
	[tilespmem:v10+s23+$0x0] =	vst.idx.msk $0xffff, v44  }
0x346: {  	[tilespmem:v32+s23+$0x0] =	vst.idx.msk $0xffff, v37  }
0x347: {  	[tilespmem:v8+s23+$0x0] =	vst.idx.msk $0xffff, v36  }
0x348: {  	v10 =	vadd.f32 v42, v7;
	[tilespmem:v9+s23+$0x0] =	vst.idx.msk $0xffff, v45;
	v9 =	vld.idx.msk [tilespmem:v38+s16+$0x0], $0xffff  }
0x349: {  	v30 =	vadd.f32 v43, v6;
	[tilespmem:v14+s23+$0x0] =	vst.idx.msk $0xffff, v25  }
0x34a: {  	[tilespmem:v11+s23+$0x0] =	vst.idx.msk $0xffff, v10;
	v8 =	vadd.f32 v16, v6  }
0x34b: {  	[tilespmem:v34+s23+$0x0] =	vst.idx.msk $0xffff, v30;
	v10 =	vor.u32 v3, v19;
	v11 =	vld.idx.msk [tilespmem:v22+s16+$0x0], $0xffff;
	v16 =	vadd.f32 v41, v6  }
0x34c: {  	v17 =	vld.idx.msk [tilespmem:v17+s16+$0x0], $0xffff;
	[tilespmem:v24+s23+$0x0] =	vst.idx.msk $0xffff, v8  }
0x34d: {  	v6 =	vadd.f32 v9, v6;
	[tilespmem:v27+s23+$0x0] =	vst.idx.msk $0xffff, v16;
	v16 =	vld.idx.msk [tilespmem:v18+s16+$0x0], $0xffff  }
0x34e: {  	v8 =	vor.u32 v5, v29;
	v9 =	vld.idx.msk [tilespmem:v13+s16+$0x0], $0xffff  }
0x34f: {  	v14 =	vor.u32 v5, v21;
	v15 =	vld.idx.msk [tilespmem:v15+s16+$0x0], $0xffff;
	[tilespmem:v20+s23+$0x0] =	vst.idx.msk $0xffff, v6  }
0x350: {  	v10 =	vld.idx.msk [tilespmem:v10+s16+$0x0], $0xffff  }
0x351: {  	v6 =	vadd.f32 v11, v7  }
0x352: {  	v11 =	vadd.f32 v17, v7  }
0x353: {  	s0 =	sshll.u32 s22, $0x11;
	s22 =	simm.s32 $0xC;
	v18 =	vadd.f32 v33, v7;
	[tilespmem:v8+s23+$0x0] =	vst.idx.msk $0xffff, v6;
	v6 =	vadd.f32 v9, v7  }
0x354: {  	s31 =	simm.s32 $0x2;
	v53 =	vadd.s32 s22, v0;
	v13 =	vadd.f32 v39, v7;
	[tilespmem:v14+s23+$0x0] =	vst.idx.msk $0xffff, v11;
	v9 =	vadd.f32 v15, v7  }
0x355: {  	v8 =	vadd.f32 v16, v7;
	[tilespmem:v40+s23+$0x0] =	vst.idx.msk $0xffff, v6;
	v6 =	vadd.f32 v10, v7;
	v7 =	vadd.s32 s31, v0;
	s31 =	simm.s32 $0x4  }
0x356: {  	s29 =	simm.s32 $0x1;
	v45 =	vand.u32 $0x7F, v53;
	[tilespmem:v23+s23+$0x0] =	vst.idx.msk $0xffff, v9;
	v9 =	vshll.u32 v7, $0x5;
	v11 =	vadd.s32 s31, v0  }
0x357: {  	s31 =	simm.s32 $0x5;
	v30 =	vand.u32 $0x7F, v7;
	[tilespmem:v31+s23+$0x0] =	vst.idx.msk $0xffff, v6;
	v6 =	vadd.s32 s29, v0;
	v9 =	vand.u32 $0xFE0, v9  }
0x358: {  	s0 =	sor.u32 s4, s0;
	[tilespmem:v12+s23+$0x0] =	vst.idx.msk $0xffff, v18;
	s29 =	simm.s32 $0x3;
	v14 =	vshll.u32 v11, $0x5;
	v11 =	vand.u32 $0x7F, v11;
	v25 =	vadd.s32 s31, v0  }
0x359: {  	s26 =	simm.s32 $0x8;
	s0 =	sshrl.u32 s0, $0x3;
	[tilespmem:v28+s23+$0x0] =	vst.idx.msk $0xffff, v13;
	v31 =	vor.u32 v1, v30;
	v10 =	vshll.u32 v6, $0x5;
	v12 =	vadd.s32 s29, v0  }
0x35a: {  	s20 =	sor.u32 $0x7, s20;
	s0 =	sadd.s32 s2, s0;
	[tilespmem:v26+s23+$0x0] =	vst.idx.msk $0xffff, v8;
	s31 =	simm.s32 $0xA;
	v14 =	vand.u32 $0xFE0, v14;
	v16 =	vand.u32 $0x7F, v6;
	v18 =	vor.u32 v0, v9  }
0x35b: {  	[hbm4b:s0+s6] =	stream.strided.scatter [tilespmem:s23], [sflag:$0xB], $0x1000, s19, s6, $0x38;
	v27 =	vshll.u32 v25, $0x5;
	v33 =	vor.u32 v3, v9;
	v56 =	vor.u32 v1, v11;
	[tilespmem:$0x13D00] =	vst v63  }
0x35c: {  	p0 =	sgt.u32 s20, $0xC0;
	v25 =	vand.u32 $0x7F, v25;
	v9 =	vor.u32 v5, v30;
	v52 =	vadd.s32 s31, v0;
	_ =	swait.ge [sflag:s26], $0x1000  }
0x35d: {  	s9 =	sadd.s32 @!p0 $0x700, s9;
	s29 =	simm.s32 $0x6;
	v10 =	vand.u32 $0xFE0, v10;
	v15 =	vshll.u32 v12, $0x5;
	v17 =	vor.u32 v0, v14;
	[sflag:s26] =	ssyncset.done $0x0  }
0x35e: {  	s24 =	simm.s32 @!p0 $0x80;
	s0 =	simm.s32 @!p0 $0xC400;
	v20 =	vor.u32 v5, v16;
	v21 =	vadd.s32 s29, v0;
	v16 =	vor.u32 v1, v16;
	[sflag:s26] =	ssyncadd.s32 $0xFFFFF000  }
0x35f: {  	v27 =	vand.u32 $0xFE0, v27;
	v14 =	vor.u32 v3, v14;
	v13 =	vor.u32 v0, v10;
	[tilespmem:s0], [sflag:$0x7] =	stream.indirect.gather @!p0 [hbm4b:s5+s24], $0x20, s9, s24, $0xb8;
	[tilespmem:$0x13D00] =	vst v63  }
0x360: {  	v12 =	vand.u32 $0x7F, v12;
	v39 =	vand.u32 $0x7F, v52;
	v15 =	vand.u32 $0xFE0, v15;
	_ =	swait.ge [sflag:s7], $0x1000  }
0x361: {  	s29 =	simm.s32 $0x9;
	v23 =	vshll.u32 v21, $0x5;
	v10 =	vor.u32 v3, v10;
	v19 =	vor.u32 v0, v15;
	s24 =	sshll.u32 s20, $0x5;
	[sflag:s7] =	ssyncset.done $0x0  }
0x362: {  	v29 =	vor.u32 v0, v27;
	v27 =	vor.u32 v3, v27;
	v58 =	vor.u32 v1, v12;
	s26 =	simm.s32 $0x0;
	s0 =	sand.u32 $0x3FFFFFE0, s24;
	[sflag:s7] =	ssyncadd.s32 $0xFFFFF000  }
0x363: {  	v38 =	vor.u32 v5, v12;
	v12 =	vadd.s32 s29, v0;
	v8 =	vadd.s32 s26, v0;
	v6 =	vld [tilespmem:s0+$0x12400]  }
0x364: {  	v23 =	vand.u32 $0xFE0, v23;
	v54 =	vshll.u32 v12, $0x5;
	v24 =	vshll.u32 v8, $0x5;
	v13 =	vld.idx.msk [tilespmem:v13+s17+$0x0], $0xffff  }
0x365: {  	v15 =	vor.u32 v3, v15;
	v41 =	vand.u32 $0xFE0, v54;
	v24 =	vand.u32 $0xFE0, v24;
	v17 =	vld.idx.msk [tilespmem:v17+s17+$0x0], $0xffff  }
0x366: {  	s26 =	simm.s32 $0x7;
	v47 =	vor.u32 v3, v23;
	v28 =	vor.u32 v3, v24;
	v24 =	vor.u32 v0, v24;
	v19 =	vld.idx.msk [tilespmem:v19+s17+$0x0], $0xffff  }
0x367: {  	v22 =	vadd.s32 s26, v0;
	v57 =	vand.u32 $0x78, v8;
	v61 =	vor.u32 v0, v41  }
0x368: {  	s26 =	simm.s32 $0x8;
	v26 =	vshll.u32 v22, $0x5;
	v8 =	vor.u32 v4, v57;
	v35 =	vor.u32 v2, v57;
	v18 =	vld.idx.msk [tilespmem:v18+s17+$0x0], $0xffff  }
0x369: {  	s24 =	simm.s32 $0xB;
	v37 =	vadd.s32 s26, v0;
	v26 =	vand.u32 $0xFE0, v26;
	v13 =	vadd.f32 v13, v6  }
0x36a: {  	v55 =	vadd.s32 s24, v0;
	v32 =	vor.u32 v3, v26;
	v7 =	vld [tilespmem:s0+$0x12410];
	v17 =	vadd.f32 v17, v6  }
0x36b: {  	v24 =	vld.idx.msk [tilespmem:v24+s17+$0x0], $0xffff;
	v19 =	vadd.f32 v19, v6;
	[tilespmem:v16+s25+$0x0] =	vst.idx.msk $0xffff, v13;
	v13 =	vor.u32 v0, v26  }
0x36c: {  	s26 =	simm.s32 $0xF;
	v16 =	vand.u32 $0x7F, v21;
	v21 =	vand.u32 $0x7F, v22;
	v22 =	vld.idx.msk [tilespmem:v29+s17+$0x0], $0xffff;
	v29 =	vor.u32 v1, v25  }
0x36d: {  	v49 =	vadd.s32 s26, v0;
	[tilespmem:v56+s25+$0x0] =	vst.idx.msk $0xffff, v17;
	v17 =	vadd.f32 v18, v6;
	v18 =	vor.u32 v0, v23  }
0x36e: {  	[tilespmem:v58+s25+$0x0] =	vst.idx.msk $0xffff, v19;
	v19 =	vand.u32 $0x7F, v12;
	v12 =	vshll.u32 v55, $0x5;
	v30 =	vor.u32 v1, v16  }
0x36f: {  	v26 =	vld.idx.msk [tilespmem:v10+s17+$0x0], $0xffff;
	v59 =	vor.u32 v1, v21;
	v10 =	vor.u32 v5, v21;
	v21 =	vor.u32 v5, v11  }
0x370: {  	v14 =	vld.idx.msk [tilespmem:v14+s17+$0x0], $0xffff;
	v11 =	vor.u32 v5, v16;
	v16 =	vshll.u32 v52, $0x5;
	v63 =	vand.u32 $0xFE0, v12  }
0x371: {  	v12 =	vor.u32 v5, v19;
	v56 =	vld.idx.msk [tilespmem:v15+s17+$0x0], $0xffff;
	v24 =	vadd.f32 v24, v6;
	v60 =	vand.u32 $0xFE0, v16  }
0x372: {  	v16 =	vshll.u32 v53, $0x5;
	v48 =	vor.u32 v0, v63;
	[tilespmem:v31+s25+$0x0] =	vst.idx.msk $0xffff, v17;
	v31 =	vor.u32 v3, v41  }
0x373: {  	s29 =	simm.s32 $0xE;
	v62 =	vand.u32 $0xFE0, v16;
	v23 =	vor.u32 v0, v60;
	v16 =	vor.u32 v5, v25;
	v54 =	vld.idx.msk [tilespmem:v33+s17+$0x0], $0xffff  }
0x374: {  	v51 =	vand.u32 $0x78, v37;
	v25 =	vadd.s32 s29, v0;
	v46 =	vor.u32 v0, v62;
	[tilespmem:v35+s25+$0x0] =	vst.idx.msk $0xffff, v24;
	v18 =	vld.idx.msk [tilespmem:v18+s17+$0x0], $0xffff  }
0x375: {  	v24 =	vor.u32 v1, v19;
	v19 =	vshll.u32 v25, $0x5;
	v22 =	vadd.f32 v22, v6;
	v13 =	vld.idx.msk [tilespmem:v13+s17+$0x0], $0xffff  }
0x376: {  	v50 =	vor.u32 v3, v62;
	v19 =	vand.u32 $0xFE0, v19;
	v28 =	vld.idx.msk [tilespmem:v28+s17+$0x0], $0xffff;
	v14 =	vadd.f32 v14, v7  }
0x377: {  	s31 =	simm.s32 $0xD;
	v26 =	vadd.f32 v26, v7;
	[tilespmem:v29+s25+$0x0] =	vst.idx.msk $0xffff, v22;
	v29 =	vld.idx.msk [tilespmem:v61+s17+$0x0], $0xffff;
	v61 =	vadd.f32 v56, v7  }
0x378: {  	v22 =	vld.idx.msk [tilespmem:v27+s17+$0x0], $0xffff;
	v27 =	vshll.u32 v49, $0x5;
	[tilespmem:v21+s25+$0x0] =	vst.idx.msk $0xffff, v14;
	v14 =	vshll.u32 v37, $0x5;
	v21 =	vadd.s32 s31, v0  }
0x379: {  	[tilespmem:v20+s25+$0x0] =	vst.idx.msk $0xffff, v26;
	v53 =	vld.idx.msk [tilespmem:v23+s17+$0x0], $0xffff;
	v23 =	vor.u32 v4, v51;
	v27 =	vand.u32 $0xFE0, v27;
	v20 =	vand.u32 $0xFE0, v14  }
0x37a: {  	v14 =	vshll.u32 v21, $0x5;
	v21 =	vand.u32 $0x7F, v21;
	[tilespmem:v38+s25+$0x0] =	vst.idx.msk $0xffff, v61;
	v38 =	vor.u32 v0, v19  }
0x37b: {  	v26 =	vadd.f32 v18, v6;
	v15 =	vor.u32 v3, v20;
	v14 =	vand.u32 $0xFE0, v14  }
0x37c: {  	v13 =	vadd.f32 v13, v6;
	v18 =	vor.u32 v3, v60;
	v60 =	vor.u32 v1, v45  }
0x37d: {  	v52 =	vor.u32 v0, v20;
	v36 =	vadd.f32 v28, v7;
	v34 =	vor.u32 v1, v21  }
0x37e: {  	v58 =	vld.idx.msk [tilespmem:v46+s17+$0x0], $0xffff;
	v28 =	vor.u32 v5, v45;
	v45 =	vadd.f32 v54, v7;
	v57 =	vor.u32 v0, v14  }
0x37f: {  	v17 =	vor.u32 v3, v14;
	v14 =	vor.u32 v1, v39;
	[tilespmem:v59+s25+$0x0] =	vst.idx.msk $0xffff, v13;
	v59 =	vld.idx.msk [tilespmem:v48+s17+$0x0], $0xffff  }
0x380: {  	v44 =	vadd.f32 v29, v6;
	v13 =	vor.u32 v3, v27;
	v29 =	vand.u32 $0x7F, v55;
	[tilespmem:v30+s25+$0x0] =	vst.idx.msk $0xffff, v26  }
0x381: {  	v30 =	vor.u32 v0, v27;
	v55 =	vand.u32 $0x7F, v25;
	v26 =	vor.u32 v5, v39;
	v62 =	vld.idx.msk [tilespmem:v32+s17+$0x0], $0xffff  }
0x382: {  	v27 =	vor.u32 v2, v51;
	v35 =	vadd.f32 v22, v7;
	v32 =	vor.u32 v1, v29;
	v42 =	vld.idx.msk [tilespmem:v47+s17+$0x0], $0xffff  }
0x383: {  	v22 =	vor.u32 v3, v63;
	[tilespmem:v24+s25+$0x0] =	vst.idx.msk $0xffff, v44;
	v24 =	vadd.f32 v58, v6;
	v43 =	vld.idx.msk [tilespmem:v57+s17+$0x0], $0xffff  }
0x384: {  	v63 =	vand.u32 $0x7F, v49;
	v20 =	vor.u32 v1, v55;
	v25 =	vadd.f32 v53, v6;
	v33 =	vld.idx.msk [tilespmem:v31+s17+$0x0], $0xffff  }
0x385: {  	v40 =	vor.u32 v5, v63;
	v41 =	vld.idx.msk [tilespmem:v52+s17+$0x0], $0xffff;
	v31 =	vor.u32 v5, v55;
	[tilespmem:v60+s25+$0x0] =	vst.idx.msk $0xffff, v24  }
0x386: {  	s9 =	simm.s32 $0x10;
	v24 =	vor.u32 v1, v63;
	v37 =	vadd.f32 v59, v6;
	v39 =	vld.idx.msk [tilespmem:v50+s17+$0x0], $0xffff;
	v44 =	vadd.f32 v62, v7  }
.LBB2_17:
0x387: {  	v46 =	vadd.s32 s9, v0;
	s0 =	sadd.s32 $0x1, s9;
	s22 =	sadd.s32 $0x2, s9;
	s24 =	sadd.s32 $0x7, s9;
	v47 =	vor.u32 v5, v29;
	[tilespmem:v16+s25+$0x0] =	vst.idx.msk $0xffff, v35;
	v16 =	vadd.f32 v42, v7  }
0x388: {  	s26 =	sadd.s32 $0x6, s9;
	v42 =	vadd.f32 v43, v6;
	v29 =	vadd.s32 s0, v0;
	v35 =	vadd.s32 s22, v0;
	s0 =	sadd.s32 $0x3, s9;
	s22 =	sadd.s32 $0x4, s9;
	[tilespmem:v10+s25+$0x0] =	vst.idx.msk $0xffff, v44;
	v10 =	vmovc v40  }
0x389: {  	p0 =	slt.u32 s9, $0x78;
	v33 =	vadd.f32 v33, v7;
	v40 =	vshll.u32 v35, $0x5;
	v43 =	vadd.s32 s22, v0;
	s22 =	sadd.s32 $0x5, s9;
	s9 =	sadd.s32 $0x8, s9;
	[tilespmem:v32+s25+$0x0] =	vst.idx.msk $0xffff, v37  }
0x38a: {  	v32 =	vshll.u32 v29, $0x5;
	v37 =	vadd.s32 s0, v0;
	v41 =	vadd.f32 v41, v6;
	[tilespmem:v9+s25+$0x0] =	vst.idx.msk $0xffff, v45;
	v9 =	vmovc v26  }
0x38b: {  	v26 =	vand.u32 $0xFE0, v32;
	v32 =	vand.u32 $0xFE0, v40;
	v39 =	vadd.f32 v39, v7;
	[tilespmem:v8+s25+$0x0] =	vst.idx.msk $0xffff, v36;
	v8 =	vmovc v23  }
0x38c: {  	v45 =	vand.u32 $0x7F, v43;
	v23 =	vor.u32 v0, v26;
	v36 =	vshll.u32 v43, $0x5;
	v30 =	vld.idx.msk [tilespmem:v30+s17+$0x0], $0xffff;
	[tilespmem:v11+s25+$0x0] =	vst.idx.msk $0xffff, v16  }
0x38d: {  	v29 =	vand.u32 $0x7F, v29;
	v16 =	vshll.u32 v37, $0x5;
	v36 =	vand.u32 $0xFE0, v36;
	v11 =	vmovc v31;
	[tilespmem:v34+s25+$0x0] =	vst.idx.msk $0xffff, v42;
	v34 =	vld.idx.msk [tilespmem:v38+s17+$0x0], $0xffff  }
0x38e: {  	v31 =	vand.u32 $0xFE0, v16;
	v38 =	vor.u32 v0, v36;
	v42 =	vor.u32 v3, v19;
	v40 =	vld.idx.msk [tilespmem:v17+s17+$0x0], $0xffff  }
0x38f: {  	v43 =	vor.u32 v0, v32;
	v16 =	vor.u32 v5, v21;
	v17 =	vor.u32 v0, v31;
	v22 =	vld.idx.msk [tilespmem:v22+s17+$0x0], $0xffff  }
0x390: {  	v44 =	vadd.s32 s26, v0;
	v48 =	vadd.s32 s24, v0;
	v19 =	vor.u32 v5, v29;
	[tilespmem:v27+s25+$0x0] =	vst.idx.msk $0xffff, v41  }
0x391: {  	v27 =	vshll.u32 v44, $0x5;
	v21 =	vld.idx.msk [tilespmem:v23+s17+$0x0], $0xffff;
	v23 =	vor.u32 v1, v29;
	v29 =	vshll.u32 v48, $0x5;
	[tilespmem:v28+s25+$0x0] =	vst.idx.msk $0xffff, v39  }
0x392: {  	v28 =	vshll.u32 v46, $0x5;
	v39 =	vadd.s32 s22, v0;
	v41 =	vand.u32 $0xFE0, v29;
	[tilespmem:v12+s25+$0x0] =	vst.idx.msk $0xffff, v33;
	v12 =	vmovc v19  }
0x393: {  	v28 =	vand.u32 $0xFE0, v28;
	v19 =	vshll.u32 v39, $0x5;
	v33 =	vld.idx.msk [tilespmem:v38+s17+$0x0], $0xffff;
	[tilespmem:v14+s25+$0x0] =	vst.idx.msk $0xffff, v25;
	v25 =	vadd.f32 v34, v6  }
0x394: {  	v29 =	vadd.f32 v30, v6;
	v38 =	vor.u32 v3, v28;
	v14 =	vand.u32 $0xFE0, v19;
	v34 =	vld.idx.msk [tilespmem:v17+s17+$0x0], $0xffff  }
0x395: {  	v26 =	vor.u32 v3, v26;
	v49 =	vor.u32 v3, v36;
	v36 =	vor.u32 v0, v14  }
0x396: {  	v50 =	vand.u32 $0x7F, v35;
	v19 =	vand.u32 $0xFE0, v27;
	v17 =	vor.u32 v3, v14;
	v15 =	vld.idx.msk [tilespmem:v15+s17+$0x0], $0xffff;
	[tilespmem:v24+s25+$0x0] =	vst.idx.msk $0xffff, v29  }
0x397: {  	v14 =	vor.u32 v1, v50;
	v21 =	vadd.f32 v21, v6;
	v24 =	vld.idx.msk [tilespmem:v13+s17+$0x0], $0xffff;
	v13 =	vor.u32 v3, v41  }
0x398: {  	v52 =	vor.u32 v3, v32;
	v53 =	vor.u32 v1, v45;
	v27 =	vadd.f32 v22, v7;
	v51 =	vld.idx.msk [tilespmem:v43+s17+$0x0], $0xffff  }
0x399: {  	v46 =	vand.u32 $0x78, v46;
	v35 =	vadd.f32 v40, v7;
	v29 =	vand.u32 $0x7F, v37;
	v18 =	vld.idx.msk [tilespmem:v18+s17+$0x0], $0xffff;
	[tilespmem:v20+s25+$0x0] =	vst.idx.msk $0xffff, v25  }
0x39a: {  	v32 =	vor.u32 v1, v29;
	v25 =	vor.u32 v0, v28;
	[tilespmem:v23+s25+$0x0] =	vst.idx.msk $0xffff, v21;
	v21 =	vand.u32 $0x7F, v39  }
0x39b: {  	v30 =	vor.u32 v0, v41;
	v22 =	vor.u32 v3, v31;
	v28 =	vadd.f32 v33, v6;
	v42 =	vld.idx.msk [tilespmem:v42+s17+$0x0], $0xffff  }
0x39c: {  	v40 =	vand.u32 $0x7F, v48;
	v31 =	vand.u32 $0x7F, v44;
	v23 =	vor.u32 v4, v46;
	v33 =	vld.idx.msk [tilespmem:v26+s17+$0x0], $0xffff;
	[tilespmem:v47+s25+$0x0] =	vst.idx.msk $0xffff, v27  }
.Ltmp7:
0x39d: {  	v37 =	vadd.f32 v34, v6;
	v26 =	vor.u32 v5, v50;
	v43 =	vld.idx.msk [tilespmem:v36+s17+$0x0], $0xffff;
	v36 =	vadd.f32 v15, v7;
	(pc) =	sbr.rel @p0 .LBB2_17-.Ltmp7, $4  }
0x39e: {  	v20 =	vor.u32 v1, v31;
	v34 =	vor.u32 v1, v21;
	v44 =	vadd.f32 v24, v7;
	v15 =	vmovc v38  }
0x39f: {  	v27 =	vor.u32 v2, v46;
	v24 =	vor.u32 v1, v40;
	v41 =	vld.idx.msk [tilespmem:v25+s17+$0x0], $0xffff;
	[tilespmem:v53+s25+$0x0] =	vst.idx.msk $0xffff, v28  }
0x3a0: {  	v40 =	vor.u32 v5, v40;
	v38 =	vor.u32 v0, v19;
	v25 =	vadd.f32 v51, v6;
	v39 =	vld.idx.msk [tilespmem:v49+s17+$0x0], $0xffff  }
0x3a1: {  	v31 =	vor.u32 v5, v31;
	v28 =	vor.u32 v5, v45;
	v45 =	vadd.f32 v18, v7;
	v18 =	vmovc v52  }
0x3a2: {  	_ =	sdelay $0x3  }
0x3a3: {  	[tilespmem:v16+s25+$0x0] =	vst.idx.msk $0xffff, v35  }
0x3a4: {  	v47 =	vld.idx.msk [tilespmem:v30+s17+$0x0], $0xffff;
	[tilespmem:v10+s25+$0x0] =	vst.idx.msk $0xffff, v44  }
0x3a5: {  	[tilespmem:v32+s25+$0x0] =	vst.idx.msk $0xffff, v37  }
0x3a6: {  	v49 =	vld.idx.msk [tilespmem:v38+s17+$0x0], $0xffff;
	[tilespmem:v8+s25+$0x0] =	vst.idx.msk $0xffff, v36  }
0x3a7: {  	v48 =	vadd.f32 v42, v7;
	[tilespmem:v14+s25+$0x0] =	vst.idx.msk $0xffff, v25  }
0x3a8: {  	v50 =	vadd.f32 v43, v6;
	[tilespmem:v9+s25+$0x0] =	vst.idx.msk $0xffff, v45  }
0x3a9: {  	v52 =	vor.u32 v3, v19;
	v59 =	vld.idx.msk [tilespmem:v18+s17+$0x0], $0xffff;
	[tilespmem:v11+s25+$0x0] =	vst.idx.msk $0xffff, v48;
	v51 =	vadd.f32 v47, v6  }
0x3aa: {  	v53 =	vld.idx.msk [tilespmem:v22+s17+$0x0], $0xffff;
	[tilespmem:v34+s25+$0x0] =	vst.idx.msk $0xffff, v50;
	v54 =	vadd.f32 v41, v6  }
0x3ab: {  	v17 =	vld.idx.msk [tilespmem:v17+s17+$0x0], $0xffff;
	v6 =	vadd.f32 v49, v6;
	[tilespmem:v24+s25+$0x0] =	vst.idx.msk $0xffff, v51  }
0x3ac: {  	v55 =	vor.u32 v5, v29;
	v60 =	vadd.f32 v33, v7;
	[tilespmem:v27+s25+$0x0] =	vst.idx.msk $0xffff, v54;
	v56 =	vld.idx.msk [tilespmem:v13+s17+$0x0], $0xffff  }
0x3ad: {  	v58 =	vor.u32 v5, v21;
	v57 =	vadd.f32 v39, v7;
	v15 =	vld.idx.msk [tilespmem:v15+s17+$0x0], $0xffff;
	[tilespmem:v20+s25+$0x0] =	vst.idx.msk $0xffff, v6  }
0x3ae: {  	[tilespmem:v12+s25+$0x0] =	vst.idx.msk $0xffff, v60;
	v62 =	vadd.f32 v59, v7;
	v10 =	vld.idx.msk [tilespmem:v52+s17+$0x0], $0xffff  }
0x3af: {  	[tilespmem:v28+s25+$0x0] =	vst.idx.msk $0xffff, v57;
	v6 =	vadd.f32 v53, v7  }
0x3b0: {  	s3 =	sadd.s32 $0x1, s3;
	v61 =	vadd.f32 v17, v7;
	[tilespmem:v26+s25+$0x0] =	vst.idx.msk $0xffff, v62  }
0x3b1: {  	p0 =	sne.s32 s3, $0x19;
	[tilespmem:v55+s25+$0x0] =	vst.idx.msk $0xffff, v6;
	v6 =	vadd.f32 v56, v7  }
.Ltmp8:
0x3b2: {  	s0 =	sshll.u32 s20, $0x11;
	[tilespmem:v58+s25+$0x0] =	vst.idx.msk $0xffff, v61;
	v63 =	vadd.f32 v15, v7;
	(pc) =	sbr.rel @p0 .LBB2_2-.Ltmp8, $4  }
0x3b3: {  	s0 =	sor.u32 s4, s0;
	[tilespmem:v40+s25+$0x0] =	vst.idx.msk $0xffff, v6;
	v6 =	vadd.f32 v10, v7  }
0x3b4: {  	s0 =	sshrl.u32 s0, $0x3;
	[tilespmem:v23+s25+$0x0] =	vst.idx.msk $0xffff, v63  }
0x3b5: {  	s0 =	sadd.s32 s2, s0;
	[tilespmem:v31+s25+$0x0] =	vst.idx.msk $0xffff, v6  }
0x3b6: {  	[hbm4b:s0+s6] =	stream.strided.scatter [tilespmem:s25], [sflag:$0xC], $0x1000, s19, s6, $0x38;
	[tilespmem:$0x13D00] =	vst v63  }
0x3b7: {  	_ =	swait.ge [sflag:s28], $0x1000  }
0x3b8: {  	[sflag:s28] =	ssyncset.done $0x0  }
0x3b9: {  	[sflag:s28] =	ssyncadd.s32 $0xFFFFF000  }
0x3ba: {  	_ =	swait.ge [sflag:s30], $0x1000  }
0x3bb: {  	[sflag:s30] =	ssyncset.done $0x0  }
0x3bc: {  	[sflag:s30] =	ssyncadd.s32 $0xFFFFF000  }
0x3bd: {  	_ =	swait.ge [sflag:s1], $0x1000  }
0x3be: {  	[sflag:s1] =	ssyncset.done $0x0  }
0x3bf: {  	[sflag:s1] =	ssyncadd.s32 $0xFFFFF000  }
0x3c0: {  	_ =	swait.ge [sflag:s7], $0x1000  }
0x3c1: {  	s3 =	rddreg [dreg:$0x1e]  }
0x3c2: {  	s0 =	rddreg [dreg:$0x1d];
	s3 =	sadd.s32 $0x1, s3  }
0x3c3: {  	p0 =	sne.s32 s3, s0  }
.Ltmp9:
0x3c4: {  	_ = 	snop;
	(pc) =	sbr.rel @p0 .LBB2_1-.Ltmp9, $3  }
0x3c5: {  	_ =	sdelay $0x1  }
0x3c6: {  	[sflag:s7] =	ssyncset.done $0x0  }
0x3c7: {  	[sflag:s7] =	ssyncadd.s32 $0xFFFFF000  }
0x3c8: {  	_ =	sfence.sel $0x180000  }
0x3c9: {  	[bflag:$0x0] =	sbarrier.arrive $0xFFFF  }
0x3ca: {  	_ =	strace $0x90000047  }
0x3cb: {  	s0 =	stileid.u32;
	[bflag:$0x2] =	sbarrier.arrive $0xFFFF  }
0x3cc: {  	p0 =	sne.s32 s0, $0x0;
	s0 =	rddreg [dreg:$0x2]  }
0x3cd: {  	s0 =	sadd.s32 @!p0 $0x100000, s0  }
0x3ce: {  	[sflag:s0] =	ssyncadd.tile.s32 @!p0 $0x1;
	_ =	shalt  }
.Lfunc_end2:
_tile_overlayer_lowered:
.L_overlay_start_2:
0x3cf: {  	(tag) =	ssettag $0x2  }
0x3d0: {  	s0 =	rddreg [dreg:$0x0];
	s2 =	stileid.u32  }
0x3d1: {  	s1 =	rddreg [dreg:$0x1];
	p0 =	sne.s32 s2, $0x0  }
0x3d2: {  	s3 =	rddreg [dreg:$0x2];
	[bflag:$0x3] =	sbarrier.arrive $0xFFFF;
	s2 =	simm.s32 @!p0 $0x1C0D  }
0x3d3: {  	[timem:s3], [sflag:s2] =	dma.local @!p0 [hbm:s0], s1  }
0x3d4: {  	s0 =	simm.s32 @!p0 $0xD  }
0x3d5: {  	_ =	swait.ge @!p0 [sflag:s0], s1  }
0x3d6: {  	s1 =	ssub.s32 @!p0 $0x0, s1;
	[sflag:s0] =	ssyncset.done @!p0 $0x0  }
0x3d7: {  	[sflag:s0] =	ssyncadd.s32 @!p0 s1  }
0x3d8: {  	[bflag:$0x3] =	sbarrier.arrive $0xFFFF  }
0x3d9: {  	_ =	shalt  }

</sc_bundles>
